<compile_context>
chip_gen: v7x
topology: tpu7x:2x2x1
jax: 0.10.2.dev20260603
libtpu: 0.0.44.dev20260713+nightly
codegen_flags: <defaults>
</compile_context>

<pallas_src>
import functools

import jax
import jax.numpy as jnp
import numpy as np
from jax import lax
from jax.experimental import pallas as pl
from jax.experimental.pallas import tpu as pltpu
from jax.experimental.pallas import tpu_sc as plsc

_VOCAB = 100000
_D = 64
_BATCH = 4096
_HIST = 50
_KEEP = 0.9

_NW = 32
_CH = 128
_NCH = _HIST
_HALF = _NCH // 2
_LANES = 16
_TRS = _D // 8
_PAD = 2 * _LANES * 4 + 1


def _threefry2x32_np(k0, k1, x0, x1):
    rotations = ((13, 15, 26, 6), (17, 29, 16, 24))

    def rotl(v, r):
        return (v << np.uint32(r)) | (v >> np.uint32(32 - r))

    ks = (np.uint32(k0), np.uint32(k1),
          np.uint32(k0) ^ np.uint32(k1) ^ np.uint32(0x1BD11BDA))
    x0 = x0 + ks[0]
    x1 = x1 + ks[1]
    for i in range(5):
        for r in rotations[i % 2]:
            x0 = x0 + x1
            x1 = rotl(x1, r)
            x1 = x1 ^ x0
        x0 = x0 + ks[(i + 1) % 3]
        x1 = x1 + ks[(i + 2) % 3] + np.uint32(i + 1)
    return x0, x1


def _make_mask_bits():
    size = _BATCH * _HIST * _D
    counts2 = np.arange(size, dtype=np.uint32)
    counts1 = np.zeros(size, dtype=np.uint32)
    with np.errstate(over="ignore"):
        o0, o1 = _threefry2x32_np(np.uint32(0), np.uint32(42),
                                  counts1, counts2)
    bits = o0 ^ o1
    floats = ((bits >> np.uint32(9)) | np.uint32(0x3F800000)).view(np.float32)
    mask = (floats - np.float32(1.0)) < np.float32(_KEEP)
    mask = mask.reshape(_NW, _CH, _HIST, _D).transpose(0, 2, 1, 3)
    m = np.ascontiguousarray(mask).reshape(-1, 32).astype(np.uint32)
    words = (m << np.arange(32, dtype=np.uint32)).sum(
        axis=1, dtype=np.uint32)
    return words.reshape(-1, 8, 128)


_MASKBITS = _make_mask_bits()

_mesh = plsc.VectorSubcoreMesh(core_axis_name="c", subcore_axis_name="s")


@functools.partial(
    pl.kernel,
    out_type=jax.ShapeDtypeStruct((_HIST, _TRS, _NW, 8, _CH), jnp.float32),
    mesh=_mesh,
    scratch_types=[
        pltpu.VMEM((_NCH, _CH), jnp.int32),
        pltpu.VMEM((2, _CH, _D), jnp.float32),
        pltpu.VMEM((2, 2, _CH), jnp.uint32),
        pltpu.VMEM((2, _TRS, 8, _PAD), jnp.float32),
        pltpu.SemaphoreType.DMA,
        pltpu.SemaphoreType.DMA,
        pltpu.SemaphoreType.DMA,
        pltpu.SemaphoreType.DMA,
        pltpu.SemaphoreType.DMA,
        pltpu.SemaphoreType.DMA,
    ],
    compiler_params=pltpu.CompilerParams(use_tc_tiling_on_sc=False,
                                         needs_layout_passes=False),
)
def _embed_sc(idx_hbm, table_hbm, mask_hbm, out_hbm,
              idx_v, rows_v, mask_v, out_t, gs0, gs1, ms0, ms1, ws0, ws1):
    wid = lax.axis_index("s") * 2 + lax.axis_index("c")
    gsem = (gs0, gs1)
    msem = (ms0, ms1)
    wsem = (ws0, ws1)
    pltpu.sync_copy(idx_hbm.at[wid], idx_v)

    didx = [lax.iota(jnp.int32, _LANES) + _LANES * j
            for j in range(_D // _LANES)]
    didx8 = [(d // 8, d % 8) for d in didx]
    sh_lo = jnp.uint32(31) - lax.iota(jnp.uint32, _LANES)
    sh_hi = sh_lo - jnp.uint32(_LANES)
    shs = (sh_lo, sh_hi, sh_lo, sh_hi)
    recip_bits = jnp.broadcast_to(
        jnp.int32(np.float32(1.0 / _KEEP).view(np.int32)), (_LANES,))

    def gather_cp(c, b):
        return pltpu.make_async_copy(
            table_hbm.at[idx_v.at[c]], rows_v.at[b], gsem[b])

    def mask_cp(c, b):
        cc = wid * _HIST + c
        return pltpu.make_async_copy(
            mask_hbm.at[cc // 4, pl.ds((cc % 4) * 2, 2)],
            mask_v.at[b], msem[b])

    def write_cp(c, b):
        return pltpu.make_async_copy(
            out_t.at[b, pl.ds(0, _TRS), pl.ds(0, 8), pl.ds(0, _CH)],
            out_hbm.at[c, pl.ds(0, _TRS), wid], wsem[b])

    for b in (0, 1):
        gather_cp(b, b).start()
        mask_cp(b, b).start()

    def pair_body(i, carry):
        for b in (0, 1):
            c = 2 * i + b
            gather_cp(c, b).wait()
            mask_cp(c, b).wait()

            @pl.when(i >= 1)
            def _():
                write_cp(c, b).wait()

            def mul_body(g, carry2):
                mv = mask_v[b, g // 8, pl.ds((g % 8) * _LANES, _LANES)]
                for r8 in range(8):
                    r = g * 8 + r8
                    col = jnp.full((_LANES,), r, jnp.int32)
                    w0 = lax.broadcast(mv[2 * r8], (_LANES,))
                    w1 = lax.broadcast(mv[2 * r8 + 1], (_LANES,))
                    words = (w0, w0, w1, w1)
                    for j in range(_D // _LANES):
                        js = pl.ds(j * _LANES, _LANES)
                        sign = lax.bitcast_convert_type(
                            lax.shift_left(words[j], shs[j]), jnp.int32)
                        scale = lax.bitcast_convert_type(
                            lax.shift_right_arithmetic(sign, 31) & recip_bits,
                            jnp.float32)
                        v = rows_v[b, r, js] * scale
                        plsc.store_scatter(
                            out_t.at[b], [didx8[j][0], didx8[j][1], col], v)
                return carry2

            lax.fori_loop(0, _CH // 8, mul_body, 0, unroll=2)
            write_cp(c, b).start()

            @pl.when(i < _HALF - 1)
            def _():
                gather_cp(c + 2, b).start()
                mask_cp(c + 2, b).start()
        return carry

    lax.fori_loop(0, _HALF, pair_body, 0)
    for b in (0, 1):
        write_cp(b, b).wait()


def kernel(inputs, embedding_encoder):
    idx = inputs.reshape(_NW, _CH, _HIST).transpose(0, 2, 1)
    out5 = _embed_sc(idx, embedding_encoder, _MASKBITS)
    return out5.transpose(2, 4, 0, 1, 3).reshape(_BATCH, _HIST, _D)

# --- scband reference (transcript-rebuilt; emitter-appended) ---
"""Pipeline reference for scband-embedding-50766513438971 (READ-ONLY COPY).

The authoritative reference and input builder live on the scoring server;
editing this copy changes nothing except your own understanding.
"""

import jax, jax.numpy as jnp
import numpy as np

VOCAB = 100000
EMBED_DIM = 64
BATCH = 4096
HIST_LEN = 50
DROPOUT = 0.1


def setup_inputs(seed: int = 0) -> dict:
    key = jax.random.key(seed)
    k1, k2 = jax.random.split(key)
    indices = jax.random.randint(k1, (BATCH, HIST_LEN), 0, VOCAB, dtype=jnp.int32)
    # embedding_encoder initialized per tf.initializers.GlorotUniform over shape [VOCAB, EMBED_DIM]
    limit = np.sqrt(6.0 / (VOCAB + EMBED_DIM))
    table = jax.random.uniform(k2, (VOCAB, EMBED_DIM), dtype=jnp.float32, minval=-limit, maxval=limit)
    return {"inputs": indices, "embedding_encoder": table}


def reference(inputs, embedding_encoder):
    # word_tensor = tf.nn.embedding_lookup(self.embedding_encoder, inputs)
    word_tensor = jnp.take(embedding_encoder, inputs, axis=0)
    # word_tensor = tf.nn.dropout(word_tensor, rate=self.dropout)
    keep = 1.0 - DROPOUT
    mask = jax.random.bernoulli(jax.random.key(42), p=keep, shape=word_tensor.shape)
    word_tensor = jnp.where(mask, word_tensor / keep, 0.0)
    return word_tensor

if __name__ == "__main__":
    import jax
    _d = setup_inputs()
    print(jax.jit(kernel)(*tuple(_d.values())))

</pallas_src>

<mosaic_0001>
#map = affine_map<(d0, d1) -> (0, 0, 0)>
#map1 = affine_map<(d0, d1) -> (0, 0)>
#map2 = affine_map<(d0, d1) -> (0, 0, 0, 0, 0)>
module attributes {stable_mosaic.version = 14 : i64} {
  func.func @_embed_sc(%arg0: i32, %arg1: i32, %arg2: memref<32x50x128xi32, #tpu.memory_space<hbm>>, %arg3: memref<100000x64xf32, #tpu.memory_space<hbm>>, %arg4: memref<400x8x128xi32, #tpu.memory_space<hbm>>, %arg5: memref<50x8x32x8x128xf32, #tpu.memory_space<hbm>>, %arg6: memref<50x128xi32, #tpu.memory_space<vmem>>, %arg7: memref<2x128x64xf32, #tpu.memory_space<vmem>>, %arg8: memref<2x2x128xi32, #tpu.memory_space<vmem>>, %arg9: memref<2x8x8x129xf32, #tpu.memory_space<vmem>>, %arg10: memref<!tpu.dma_semaphore, #tpu.memory_space<semaphore_mem>>, %arg11: memref<!tpu.dma_semaphore, #tpu.memory_space<semaphore_mem>>, %arg12: memref<!tpu.dma_semaphore, #tpu.memory_space<semaphore_mem>>, %arg13: memref<!tpu.dma_semaphore, #tpu.memory_space<semaphore_mem>>, %arg14: memref<!tpu.dma_semaphore, #tpu.memory_space<semaphore_mem>>, %arg15: memref<!tpu.dma_semaphore, #tpu.memory_space<semaphore_mem>>) attributes {dimension_semantics = [#tpu.dimension_semantics<core_parallel>, #tpu.dimension_semantics<subcore_parallel>], iteration_bounds = array<i64: 2, 16>, scalar_prefetch = 0 : i64, scratch_operands = 10 : i64, tpu.core_type = #tpu.core_type<sc_vector_subcore>, window_params = [{transform_indices = #map}, {transform_indices = #map1}, {transform_indices = #map}, {transform_indices = #map2}]} {
    %mul3A = arith.constant 2 : i32
    %mul3A_0 = arith.muli %arg1, %mul3A : i32
    %add3A = arith.addi %mul3A_0, %arg0 : i32
    "tpu.region"() ({
      %run_scoped3A = tpu.sem_alloc : memref<!tpu.dma_semaphore, #tpu.memory_space<semaphore_mem>>
      %dma_start3A_419 = arith.constant 0 : i32
      %dma_start3A_420 = arith.constant 0 : i32
      %dma_start3A_421 = tpu.memref_slice %arg2[%add3A, %dma_start3A_419, %dma_start3A_420] : memref<32x50x128xi32, #tpu.memory_space<hbm>> -> memref<1x50x128xi32, #tpu.memory_space<hbm>>
      %dma_start3A_422 = tpu.memref_squeeze %dma_start3A_421 : memref<1x50x128xi32, #tpu.memory_space<hbm>> -> memref<50x128xi32, #tpu.memory_space<hbm>>
      %dma_start3A_423 = arith.constant 0 : i32
      %dma_start3A_424 = arith.constant 0 : i32
      %dma_start3A_425 = tpu.memref_slice %arg2[%add3A, %dma_start3A_423, %dma_start3A_424] : memref<32x50x128xi32, #tpu.memory_space<hbm>> -> memref<1x50x128xi32, #tpu.memory_space<hbm>>
      %dma_start3A_426 = tpu.memref_squeeze %dma_start3A_425 : memref<1x50x128xi32, #tpu.memory_space<hbm>> -> memref<50x128xi32, #tpu.memory_space<hbm>>
      tpu.enqueue_dma source(%dma_start3A_426 : memref<50x128xi32, #tpu.memory_space<hbm>>) target(%arg6 : memref<50x128xi32, #tpu.memory_space<vmem>>) target_semaphore(%run_scoped3A : memref<!tpu.dma_semaphore, #tpu.memory_space<semaphore_mem>>)
      %dma_wait3A_427 = arith.constant 0 : i32
      %dma_wait3A_428 = arith.constant 0 : i32
      %dma_wait3A_429 = tpu.memref_slice %arg2[%add3A, %dma_wait3A_427, %dma_wait3A_428] : memref<32x50x128xi32, #tpu.memory_space<hbm>> -> memref<1x50x128xi32, #tpu.memory_space<hbm>>
      %dma_wait3A_430 = tpu.memref_squeeze %dma_wait3A_429 : memref<1x50x128xi32, #tpu.memory_space<hbm>> -> memref<50x128xi32, #tpu.memory_space<hbm>>
      %dma_wait3A_431 = arith.constant 0 : i32
      %dma_wait3A_432 = arith.constant 0 : i32
      %dma_wait3A_433 = tpu.memref_slice %arg2[%add3A, %dma_wait3A_431, %dma_wait3A_432] : memref<32x50x128xi32, #tpu.memory_space<hbm>> -> memref<1x50x128xi32, #tpu.memory_space<hbm>>
      %dma_wait3A_434 = tpu.memref_squeeze %dma_wait3A_433 : memref<1x50x128xi32, #tpu.memory_space<hbm>> -> memref<50x128xi32, #tpu.memory_space<hbm>>
      tpu.wait_dma2 semaphore(%run_scoped3A : memref<!tpu.dma_semaphore, #tpu.memory_space<semaphore_mem>>) src(%dma_wait3A_434 : memref<50x128xi32, #tpu.memory_space<hbm>>) dst(%arg6 : memref<50x128xi32, #tpu.memory_space<vmem>>)
      tpu.yield
    }) : () -> ()
    %iota3A = tpu.iota {dimensions = array<i32: 0>} : vector<16xi32>
    %add3A_1 = arith.constant 0 : i32
    %add3A_2 = vector.broadcast %add3A_1 : i32 to vector<16xi32>
    %add3A_3 = arith.addi %iota3A, %add3A_2 : vector<16xi32>
    %iota3A_4 = tpu.iota {dimensions = array<i32: 0>} : vector<16xi32>
    %add3A_5 = arith.constant 16 : i32
    %add3A_6 = vector.broadcast %add3A_5 : i32 to vector<16xi32>
    %add3A_7 = arith.addi %iota3A_4, %add3A_6 : vector<16xi32>
    %iota3A_8 = tpu.iota {dimensions = array<i32: 0>} : vector<16xi32>
    %add3A_9 = arith.constant 32 : i32
    %add3A_10 = vector.broadcast %add3A_9 : i32 to vector<16xi32>
    %add3A_11 = arith.addi %iota3A_8, %add3A_10 : vector<16xi32>
    %iota3A_12 = tpu.iota {dimensions = array<i32: 0>} : vector<16xi32>
    %add3A_13 = arith.constant 48 : i32
    %add3A_14 = vector.broadcast %add3A_13 : i32 to vector<16xi32>
    %add3A_15 = arith.addi %iota3A_12, %add3A_14 : vector<16xi32>
    %jit3A = arith.constant 8 : i32
    %div3A = vector.broadcast %jit3A : i32 to vector<16xi32>
    %div3A_16 = arith.divsi %add3A_3, %div3A : vector<16xi32>
    %sign3A = arith.constant 0 : i32
    %sign3A_17 = vector.broadcast %sign3A : i32 to vector<16xi32>
    %sign3A_18 = arith.cmpi sgt, %add3A_3, %sign3A_17 : vector<16xi32>
    %sign3A_19 = arith.extui %sign3A_18 : vector<16xi1> to vector<16xi32>
    %sign3A_20 = arith.constant 0 : i32
    %sign3A_21 = vector.broadcast %sign3A_20 : i32 to vector<16xi32>
    %sign3A_22 = arith.cmpi slt, %add3A_3, %sign3A_21 : vector<16xi32>
    %sign3A_23 = arith.extui %sign3A_22 : vector<16xi1> to vector<16xi32>
    %sign3A_24 = arith.subi %sign3A_19, %sign3A_23 : vector<16xi32>
    %sign3A_25 = arith.constant 0 : i32
    %sign3A_26 = arith.cmpi sgt, %jit3A, %sign3A_25 : i32
    %sign3A_27 = arith.extui %sign3A_26 : i1 to i32
    %sign3A_28 = arith.constant 0 : i32
    %sign3A_29 = arith.cmpi slt, %jit3A, %sign3A_28 : i32
    %sign3A_30 = arith.extui %sign3A_29 : i1 to i32
    %sign3A_31 = arith.subi %sign3A_27, %sign3A_30 : i32
    %ne3A = vector.broadcast %sign3A_31 : i32 to vector<16xi32>
    %ne3A_32 = arith.cmpi ne, %sign3A_24, %ne3A : vector<16xi32>
    %rem3A = vector.broadcast %jit3A : i32 to vector<16xi32>
    %rem3A_33 = arith.remsi %add3A_3, %rem3A : vector<16xi32>
    %ne3A_34 = arith.constant 0 : i32
    %ne3A_35 = vector.broadcast %ne3A_34 : i32 to vector<16xi32>
    %ne3A_36 = arith.cmpi ne, %rem3A_33, %ne3A_35 : vector<16xi32>
    %and3A = arith.andi %ne3A_32, %ne3A_36 : vector<16xi1>
    %sub3A = arith.constant 1 : i32
    %sub3A_37 = vector.broadcast %sub3A : i32 to vector<16xi32>
    %sub3A_38 = arith.subi %div3A_16, %sub3A_37 : vector<16xi32>
    %select_n3A = arith.select %and3A, %sub3A_38, %div3A_16 : vector<16xi1>, vector<16xi32>
    %jit3A_39 = arith.constant 8 : i32
    %eq3A = arith.constant 0 : i32
    %eq3A_40 = arith.cmpi eq, %jit3A_39, %eq3A : i32
    %jit3A_41 = arith.constant 1 : i32
    %select_n3A_42 = arith.select %eq3A_40, %jit3A_41, %jit3A_39 : i32
    %rem3A_43 = vector.broadcast %select_n3A_42 : i32 to vector<16xi32>
    %rem3A_44 = arith.remsi %add3A_3, %rem3A_43 : vector<16xi32>
    %ne3A_45 = arith.constant 0 : i32
    %ne3A_46 = vector.broadcast %ne3A_45 : i32 to vector<16xi32>
    %ne3A_47 = arith.cmpi ne, %rem3A_44, %ne3A_46 : vector<16xi32>
    %lt3A = arith.constant 0 : i32
    %lt3A_48 = vector.broadcast %lt3A : i32 to vector<16xi32>
    %lt3A_49 = arith.cmpi slt, %rem3A_44, %lt3A_48 : vector<16xi32>
    %lt3A_50 = arith.constant 0 : i32
    %lt3A_51 = arith.cmpi slt, %select_n3A_42, %lt3A_50 : i32
    %ne3A_52 = vector.broadcast %lt3A_51 : i1 to vector<16xi1>
    %ne3A_53 = vector.broadcast %ne3A_52 : vector<16xi1> to vector<16xi1>
    %ne3A_54 = arith.xori %lt3A_49, %ne3A_53 : vector<16xi1>
    %and3A_55 = arith.andi %ne3A_54, %ne3A_47 : vector<16xi1>
    %add3A_56 = vector.broadcast %select_n3A_42 : i32 to vector<16xi32>
    %add3A_57 = arith.addi %rem3A_44, %add3A_56 : vector<16xi32>
    %select_n3A_58 = arith.select %and3A_55, %add3A_57, %rem3A_44 : vector<16xi1>, vector<16xi32>
    %jit3A_59 = arith.constant 8 : i32
    %div3A_60 = vector.broadcast %jit3A_59 : i32 to vector<16xi32>
    %div3A_61 = arith.divsi %add3A_7, %div3A_60 : vector<16xi32>
    %sign3A_62 = arith.constant 0 : i32
    %sign3A_63 = vector.broadcast %sign3A_62 : i32 to vector<16xi32>
    %sign3A_64 = arith.cmpi sgt, %add3A_7, %sign3A_63 : vector<16xi32>
    %sign3A_65 = arith.extui %sign3A_64 : vector<16xi1> to vector<16xi32>
    %sign3A_66 = arith.constant 0 : i32
    %sign3A_67 = vector.broadcast %sign3A_66 : i32 to vector<16xi32>
    %sign3A_68 = arith.cmpi slt, %add3A_7, %sign3A_67 : vector<16xi32>
    %sign3A_69 = arith.extui %sign3A_68 : vector<16xi1> to vector<16xi32>
    %sign3A_70 = arith.subi %sign3A_65, %sign3A_69 : vector<16xi32>
    %sign3A_71 = arith.constant 0 : i32
    %sign3A_72 = arith.cmpi sgt, %jit3A_59, %sign3A_71 : i32
    %sign3A_73 = arith.extui %sign3A_72 : i1 to i32
    %sign3A_74 = arith.constant 0 : i32
    %sign3A_75 = arith.cmpi slt, %jit3A_59, %sign3A_74 : i32
    %sign3A_76 = arith.extui %sign3A_75 : i1 to i32
    %sign3A_77 = arith.subi %sign3A_73, %sign3A_76 : i32
    %ne3A_78 = vector.broadcast %sign3A_77 : i32 to vector<16xi32>
    %ne3A_79 = arith.cmpi ne, %sign3A_70, %ne3A_78 : vector<16xi32>
    %rem3A_80 = vector.broadcast %jit3A_59 : i32 to vector<16xi32>
    %rem3A_81 = arith.remsi %add3A_7, %rem3A_80 : vector<16xi32>
    %ne3A_82 = arith.constant 0 : i32
    %ne3A_83 = vector.broadcast %ne3A_82 : i32 to vector<16xi32>
    %ne3A_84 = arith.cmpi ne, %rem3A_81, %ne3A_83 : vector<16xi32>
    %and3A_85 = arith.andi %ne3A_79, %ne3A_84 : vector<16xi1>
    %sub3A_86 = arith.constant 1 : i32
    %sub3A_87 = vector.broadcast %sub3A_86 : i32 to vector<16xi32>
    %sub3A_88 = arith.subi %div3A_61, %sub3A_87 : vector<16xi32>
    %select_n3A_89 = arith.select %and3A_85, %sub3A_88, %div3A_61 : vector<16xi1>, vector<16xi32>
    %jit3A_90 = arith.constant 8 : i32
    %eq3A_91 = arith.constant 0 : i32
    %eq3A_92 = arith.cmpi eq, %jit3A_90, %eq3A_91 : i32
    %jit3A_93 = arith.constant 1 : i32
    %select_n3A_94 = arith.select %eq3A_92, %jit3A_93, %jit3A_90 : i32
    %rem3A_95 = vector.broadcast %select_n3A_94 : i32 to vector<16xi32>
    %rem3A_96 = arith.remsi %add3A_7, %rem3A_95 : vector<16xi32>
    %ne3A_97 = arith.constant 0 : i32
    %ne3A_98 = vector.broadcast %ne3A_97 : i32 to vector<16xi32>
    %ne3A_99 = arith.cmpi ne, %rem3A_96, %ne3A_98 : vector<16xi32>
    %lt3A_100 = arith.constant 0 : i32
    %lt3A_101 = vector.broadcast %lt3A_100 : i32 to vector<16xi32>
    %lt3A_102 = arith.cmpi slt, %rem3A_96, %lt3A_101 : vector<16xi32>
    %lt3A_103 = arith.constant 0 : i32
    %lt3A_104 = arith.cmpi slt, %select_n3A_94, %lt3A_103 : i32
    %ne3A_105 = vector.broadcast %lt3A_104 : i1 to vector<16xi1>
    %ne3A_106 = vector.broadcast %ne3A_105 : vector<16xi1> to vector<16xi1>
    %ne3A_107 = arith.xori %lt3A_102, %ne3A_106 : vector<16xi1>
    %and3A_108 = arith.andi %ne3A_107, %ne3A_99 : vector<16xi1>
    %add3A_109 = vector.broadcast %select_n3A_94 : i32 to vector<16xi32>
    %add3A_110 = arith.addi %rem3A_96, %add3A_109 : vector<16xi32>
    %select_n3A_111 = arith.select %and3A_108, %add3A_110, %rem3A_96 : vector<16xi1>, vector<16xi32>
    %jit3A_112 = arith.constant 8 : i32
    %div3A_113 = vector.broadcast %jit3A_112 : i32 to vector<16xi32>
    %div3A_114 = arith.divsi %add3A_11, %div3A_113 : vector<16xi32>
    %sign3A_115 = arith.constant 0 : i32
    %sign3A_116 = vector.broadcast %sign3A_115 : i32 to vector<16xi32>
    %sign3A_117 = arith.cmpi sgt, %add3A_11, %sign3A_116 : vector<16xi32>
    %sign3A_118 = arith.extui %sign3A_117 : vector<16xi1> to vector<16xi32>
    %sign3A_119 = arith.constant 0 : i32
    %sign3A_120 = vector.broadcast %sign3A_119 : i32 to vector<16xi32>
    %sign3A_121 = arith.cmpi slt, %add3A_11, %sign3A_120 : vector<16xi32>
    %sign3A_122 = arith.extui %sign3A_121 : vector<16xi1> to vector<16xi32>
    %sign3A_123 = arith.subi %sign3A_118, %sign3A_122 : vector<16xi32>
    %sign3A_124 = arith.constant 0 : i32
    %sign3A_125 = arith.cmpi sgt, %jit3A_112, %sign3A_124 : i32
    %sign3A_126 = arith.extui %sign3A_125 : i1 to i32
    %sign3A_127 = arith.constant 0 : i32
    %sign3A_128 = arith.cmpi slt, %jit3A_112, %sign3A_127 : i32
    %sign3A_129 = arith.extui %sign3A_128 : i1 to i32
    %sign3A_130 = arith.subi %sign3A_126, %sign3A_129 : i32
    %ne3A_131 = vector.broadcast %sign3A_130 : i32 to vector<16xi32>
    %ne3A_132 = arith.cmpi ne, %sign3A_123, %ne3A_131 : vector<16xi32>
    %rem3A_133 = vector.broadcast %jit3A_112 : i32 to vector<16xi32>
    %rem3A_134 = arith.remsi %add3A_11, %rem3A_133 : vector<16xi32>
    %ne3A_135 = arith.constant 0 : i32
    %ne3A_136 = vector.broadcast %ne3A_135 : i32 to vector<16xi32>
    %ne3A_137 = arith.cmpi ne, %rem3A_134, %ne3A_136 : vector<16xi32>
    %and3A_138 = arith.andi %ne3A_132, %ne3A_137 : vector<16xi1>
    %sub3A_139 = arith.constant 1 : i32
    %sub3A_140 = vector.broadcast %sub3A_139 : i32 to vector<16xi32>
    %sub3A_141 = arith.subi %div3A_114, %sub3A_140 : vector<16xi32>
    %select_n3A_142 = arith.select %and3A_138, %sub3A_141, %div3A_114 : vector<16xi1>, vector<16xi32>
    %jit3A_143 = arith.constant 8 : i32
    %eq3A_144 = arith.constant 0 : i32
    %eq3A_145 = arith.cmpi eq, %jit3A_143, %eq3A_144 : i32
    %jit3A_146 = arith.constant 1 : i32
    %select_n3A_147 = arith.select %eq3A_145, %jit3A_146, %jit3A_143 : i32
    %rem3A_148 = vector.broadcast %select_n3A_147 : i32 to vector<16xi32>
    %rem3A_149 = arith.remsi %add3A_11, %rem3A_148 : vector<16xi32>
    %ne3A_150 = arith.constant 0 : i32
    %ne3A_151 = vector.broadcast %ne3A_150 : i32 to vector<16xi32>
    %ne3A_152 = arith.cmpi ne, %rem3A_149, %ne3A_151 : vector<16xi32>
    %lt3A_153 = arith.constant 0 : i32
    %lt3A_154 = vector.broadcast %lt3A_153 : i32 to vector<16xi32>
    %lt3A_155 = arith.cmpi slt, %rem3A_149, %lt3A_154 : vector<16xi32>
    %lt3A_156 = arith.constant 0 : i32
    %lt3A_157 = arith.cmpi slt, %select_n3A_147, %lt3A_156 : i32
    %ne3A_158 = vector.broadcast %lt3A_157 : i1 to vector<16xi1>
    %ne3A_159 = vector.broadcast %ne3A_158 : vector<16xi1> to vector<16xi1>
    %ne3A_160 = arith.xori %lt3A_155, %ne3A_159 : vector<16xi1>
    %and3A_161 = arith.andi %ne3A_160, %ne3A_152 : vector<16xi1>
    %add3A_162 = vector.broadcast %select_n3A_147 : i32 to vector<16xi32>
    %add3A_163 = arith.addi %rem3A_149, %add3A_162 : vector<16xi32>
    %select_n3A_164 = arith.select %and3A_161, %add3A_163, %rem3A_149 : vector<16xi1>, vector<16xi32>
    %jit3A_165 = arith.constant 8 : i32
    %div3A_166 = vector.broadcast %jit3A_165 : i32 to vector<16xi32>
    %div3A_167 = arith.divsi %add3A_15, %div3A_166 : vector<16xi32>
    %sign3A_168 = arith.constant 0 : i32
    %sign3A_169 = vector.broadcast %sign3A_168 : i32 to vector<16xi32>
    %sign3A_170 = arith.cmpi sgt, %add3A_15, %sign3A_169 : vector<16xi32>
    %sign3A_171 = arith.extui %sign3A_170 : vector<16xi1> to vector<16xi32>
    %sign3A_172 = arith.constant 0 : i32
    %sign3A_173 = vector.broadcast %sign3A_172 : i32 to vector<16xi32>
    %sign3A_174 = arith.cmpi slt, %add3A_15, %sign3A_173 : vector<16xi32>
    %sign3A_175 = arith.extui %sign3A_174 : vector<16xi1> to vector<16xi32>
    %sign3A_176 = arith.subi %sign3A_171, %sign3A_175 : vector<16xi32>
    %sign3A_177 = arith.constant 0 : i32
    %sign3A_178 = arith.cmpi sgt, %jit3A_165, %sign3A_177 : i32
    %sign3A_179 = arith.extui %sign3A_178 : i1 to i32
    %sign3A_180 = arith.constant 0 : i32
    %sign3A_181 = arith.cmpi slt, %jit3A_165, %sign3A_180 : i32
    %sign3A_182 = arith.extui %sign3A_181 : i1 to i32
    %sign3A_183 = arith.subi %sign3A_179, %sign3A_182 : i32
    %ne3A_184 = vector.broadcast %sign3A_183 : i32 to vector<16xi32>
    %ne3A_185 = arith.cmpi ne, %sign3A_176, %ne3A_184 : vector<16xi32>
    %rem3A_186 = vector.broadcast %jit3A_165 : i32 to vector<16xi32>
    %rem3A_187 = arith.remsi %add3A_15, %rem3A_186 : vector<16xi32>
    %ne3A_188 = arith.constant 0 : i32
    %ne3A_189 = vector.broadcast %ne3A_188 : i32 to vector<16xi32>
    %ne3A_190 = arith.cmpi ne, %rem3A_187, %ne3A_189 : vector<16xi32>
    %and3A_191 = arith.andi %ne3A_185, %ne3A_190 : vector<16xi1>
    %sub3A_192 = arith.constant 1 : i32
    %sub3A_193 = vector.broadcast %sub3A_192 : i32 to vector<16xi32>
    %sub3A_194 = arith.subi %div3A_167, %sub3A_193 : vector<16xi32>
    %select_n3A_195 = arith.select %and3A_191, %sub3A_194, %div3A_167 : vector<16xi1>, vector<16xi32>
    %jit3A_196 = arith.constant 8 : i32
    %eq3A_197 = arith.constant 0 : i32
    %eq3A_198 = arith.cmpi eq, %jit3A_196, %eq3A_197 : i32
    %jit3A_199 = arith.constant 1 : i32
    %select_n3A_200 = arith.select %eq3A_198, %jit3A_199, %jit3A_196 : i32
    %rem3A_201 = vector.broadcast %select_n3A_200 : i32 to vector<16xi32>
    %rem3A_202 = arith.remsi %add3A_15, %rem3A_201 : vector<16xi32>
    %ne3A_203 = arith.constant 0 : i32
    %ne3A_204 = vector.broadcast %ne3A_203 : i32 to vector<16xi32>
    %ne3A_205 = arith.cmpi ne, %rem3A_202, %ne3A_204 : vector<16xi32>
    %lt3A_206 = arith.constant 0 : i32
    %lt3A_207 = vector.broadcast %lt3A_206 : i32 to vector<16xi32>
    %lt3A_208 = arith.cmpi slt, %rem3A_202, %lt3A_207 : vector<16xi32>
    %lt3A_209 = arith.constant 0 : i32
    %lt3A_210 = arith.cmpi slt, %select_n3A_200, %lt3A_209 : i32
    %ne3A_211 = vector.broadcast %lt3A_210 : i1 to vector<16xi1>
    %ne3A_212 = vector.broadcast %ne3A_211 : vector<16xi1> to vector<16xi1>
    %ne3A_213 = arith.xori %lt3A_208, %ne3A_212 : vector<16xi1>
    %and3A_214 = arith.andi %ne3A_213, %ne3A_205 : vector<16xi1>
    %add3A_215 = vector.broadcast %select_n3A_200 : i32 to vector<16xi32>
    %add3A_216 = arith.addi %rem3A_202, %add3A_215 : vector<16xi32>
    %select_n3A_217 = arith.select %and3A_214, %add3A_216, %rem3A_202 : vector<16xi1>, vector<16xi32>
    %iota3A_218 = tpu.iota {dimensions = array<i32: 0>} : vector<16xi32>
    %sub3A_219 = arith.constant 31 : i32
    %sub3A_220 = vector.broadcast %sub3A_219 : i32 to vector<16xi32>
    %sub3A_221 = arith.subi %sub3A_220, %iota3A_218 : vector<16xi32>
    %sub3A_222 = arith.constant 16 : i32
    %sub3A_223 = vector.broadcast %sub3A_222 : i32 to vector<16xi32>
    %sub3A_224 = arith.subi %sub3A_221, %sub3A_223 : vector<16xi32>
    %broadcast_in_dim3A = arith.constant 1066285284 : i32
    %broadcast_in_dim3A_225 = vector.broadcast %broadcast_in_dim3A : i32 to vector<16xi32>
    %dma_start3A = arith.constant 0 : i32
    %dma_start3A_226 = arith.constant 0 : i32
    %dma_start3A_227 = arith.constant 0 : i32
    %dma_start3A_228 = arith.constant 0 : i32
    %dma_start3A_229 = tpu.memref_slice %arg7[%dma_start3A_226, %dma_start3A_227, %dma_start3A_228] : memref<2x128x64xf32, #tpu.memory_space<vmem>> -> memref<1x128x64xf32, #tpu.memory_space<vmem>>
    %dma_start3A_230 = tpu.memref_squeeze %dma_start3A_229 : memref<1x128x64xf32, #tpu.memory_space<vmem>> -> memref<128x64xf32, #tpu.memory_space<vmem>>
    %dma_start3A_231 = arith.constant 0 : i32
    %dma_start3A_232 = tpu.memref_slice %arg6[%dma_start3A, %dma_start3A_231] : memref<50x128xi32, #tpu.memory_space<vmem>> -> memref<1x128xi32, #tpu.memory_space<vmem>>
    %dma_start3A_233 = tpu.memref_squeeze %dma_start3A_232 : memref<1x128xi32, #tpu.memory_space<vmem>> -> memref<128xi32, #tpu.memory_space<vmem>>
    %dma_start3A_234 = arith.constant 0 : i32
    %dma_start3A_235 = arith.constant 0 : i32
    %dma_start3A_236 = tpu.memref_slice %arg3[%dma_start3A_234, %dma_start3A_235] : memref<100000x64xf32, #tpu.memory_space<hbm>> -> memref<100000x64xf32, #tpu.memory_space<hbm>>
    tpu.enqueue_indirect_dma source(%dma_start3A_236 : memref<100000x64xf32, #tpu.memory_space<hbm>>) target(%dma_start3A_230 : memref<128x64xf32, #tpu.memory_space<vmem>>) offsets(%dma_start3A_233 : memref<128xi32, #tpu.memory_space<vmem>>) semaphore(%arg10 : memref<!tpu.dma_semaphore, #tpu.memory_space<semaphore_mem>>)
    %mul3A_237 = arith.constant 50 : i32
    %mul3A_238 = arith.muli %add3A, %mul3A_237 : i32
    %add3A_239 = arith.constant 0 : i32
    %add3A_240 = arith.addi %mul3A_238, %add3A_239 : i32
    %jit3A_241 = arith.constant 4 : i32
    %div3A_242 = arith.divsi %add3A_240, %jit3A_241 : i32
    %sign3A_243 = arith.constant 0 : i32
    %sign3A_244 = arith.cmpi sgt, %add3A_240, %sign3A_243 : i32
    %sign3A_245 = arith.extui %sign3A_244 : i1 to i32
    %sign3A_246 = arith.constant 0 : i32
    %sign3A_247 = arith.cmpi slt, %add3A_240, %sign3A_246 : i32
    %sign3A_248 = arith.extui %sign3A_247 : i1 to i32
    %sign3A_249 = arith.subi %sign3A_245, %sign3A_248 : i32
    %sign3A_250 = arith.constant 0 : i32
    %sign3A_251 = arith.cmpi sgt, %jit3A_241, %sign3A_250 : i32
    %sign3A_252 = arith.extui %sign3A_251 : i1 to i32
    %sign3A_253 = arith.constant 0 : i32
    %sign3A_254 = arith.cmpi slt, %jit3A_241, %sign3A_253 : i32
    %sign3A_255 = arith.extui %sign3A_254 : i1 to i32
    %sign3A_256 = arith.subi %sign3A_252, %sign3A_255 : i32
    %ne3A_257 = arith.cmpi ne, %sign3A_249, %sign3A_256 : i32
    %rem3A_258 = arith.remsi %add3A_240, %jit3A_241 : i32
    %ne3A_259 = arith.constant 0 : i32
    %ne3A_260 = arith.cmpi ne, %rem3A_258, %ne3A_259 : i32
    %and3A_261 = arith.andi %ne3A_257, %ne3A_260 : i1
    %sub3A_262 = arith.constant 1 : i32
    %sub3A_263 = arith.subi %div3A_242, %sub3A_262 : i32
    %select_n3A_264 = arith.select %and3A_261, %sub3A_263, %div3A_242 : i32
    %jit3A_265 = arith.constant 4 : i32
    %eq3A_266 = arith.constant 0 : i32
    %eq3A_267 = arith.cmpi eq, %jit3A_265, %eq3A_266 : i32
    %jit3A_268 = arith.constant 1 : i32
    %select_n3A_269 = arith.select %eq3A_267, %jit3A_268, %jit3A_265 : i32
    %rem3A_270 = arith.remsi %add3A_240, %select_n3A_269 : i32
    %ne3A_271 = arith.constant 0 : i32
    %ne3A_272 = arith.cmpi ne, %rem3A_270, %ne3A_271 : i32
    %lt3A_273 = arith.constant 0 : i32
    %lt3A_274 = arith.cmpi slt, %rem3A_270, %lt3A_273 : i32
    %lt3A_275 = arith.constant 0 : i32
    %lt3A_276 = arith.cmpi slt, %select_n3A_269, %lt3A_275 : i32
    %ne3A_277 = arith.xori %lt3A_274, %lt3A_276 : i1
    %and3A_278 = arith.andi %ne3A_277, %ne3A_272 : i1
    %add3A_279 = arith.addi %rem3A_270, %select_n3A_269 : i32
    %select_n3A_280 = arith.select %and3A_278, %add3A_279, %rem3A_270 : i32
    %mul3A_281 = arith.constant 2 : i32
    %mul3A_282 = arith.muli %select_n3A_280, %mul3A_281 : i32
    %dma_start3A_283 = arith.constant 0 : i32
    %dma_start3A_284 = arith.constant 0 : i32
    %dma_start3A_285 = arith.constant 0 : i32
    %dma_start3A_286 = tpu.memref_slice %arg8[%dma_start3A_283, %dma_start3A_284, %dma_start3A_285] : memref<2x2x128xi32, #tpu.memory_space<vmem>> -> memref<1x2x128xi32, #tpu.memory_space<vmem>>
    %dma_start3A_287 = tpu.memref_squeeze %dma_start3A_286 : memref<1x2x128xi32, #tpu.memory_space<vmem>> -> memref<2x128xi32, #tpu.memory_space<vmem>>
    %dma_start3A_288 = arith.constant 0 : i32
    %dma_start3A_289 = tpu.memref_slice %arg4[%select_n3A_264, %mul3A_282, %dma_start3A_288] : memref<400x8x128xi32, #tpu.memory_space<hbm>> -> memref<1x2x128xi32, #tpu.memory_space<hbm>>
    %dma_start3A_290 = tpu.memref_squeeze %dma_start3A_289 : memref<1x2x128xi32, #tpu.memory_space<hbm>> -> memref<2x128xi32, #tpu.memory_space<hbm>>
    %dma_start3A_291 = arith.constant 0 : i32
    %dma_start3A_292 = arith.constant 0 : i32
    %dma_start3A_293 = tpu.memref_slice %arg8[%dma_start3A_283, %dma_start3A_291, %dma_start3A_292] : memref<2x2x128xi32, #tpu.memory_space<vmem>> -> memref<1x2x128xi32, #tpu.memory_space<vmem>>
    %dma_start3A_294 = tpu.memref_squeeze %dma_start3A_293 : memref<1x2x128xi32, #tpu.memory_space<vmem>> -> memref<2x128xi32, #tpu.memory_space<vmem>>
    %dma_start3A_295 = arith.constant 0 : i32
    %dma_start3A_296 = tpu.memref_slice %arg4[%select_n3A_264, %mul3A_282, %dma_start3A_295] : memref<400x8x128xi32, #tpu.memory_space<hbm>> -> memref<1x2x128xi32, #tpu.memory_space<hbm>>
    %dma_start3A_297 = tpu.memref_squeeze %dma_start3A_296 : memref<1x2x128xi32, #tpu.memory_space<hbm>> -> memref<2x128xi32, #tpu.memory_space<hbm>>
    tpu.enqueue_dma source(%dma_start3A_297 : memref<2x128xi32, #tpu.memory_space<hbm>>) target(%dma_start3A_294 : memref<2x128xi32, #tpu.memory_space<vmem>>) target_semaphore(%arg12 : memref<!tpu.dma_semaphore, #tpu.memory_space<semaphore_mem>>)
    %dma_start3A_298 = arith.constant 1 : i32
    %dma_start3A_299 = arith.constant 1 : i32
    %dma_start3A_300 = arith.constant 0 : i32
    %dma_start3A_301 = arith.constant 0 : i32
    %dma_start3A_302 = tpu.memref_slice %arg7[%dma_start3A_299, %dma_start3A_300, %dma_start3A_301] : memref<2x128x64xf32, #tpu.memory_space<vmem>> -> memref<1x128x64xf32, #tpu.memory_space<vmem>>
    %dma_start3A_303 = tpu.memref_squeeze %dma_start3A_302 : memref<1x128x64xf32, #tpu.memory_space<vmem>> -> memref<128x64xf32, #tpu.memory_space<vmem>>
    %dma_start3A_304 = arith.constant 0 : i32
    %dma_start3A_305 = tpu.memref_slice %arg6[%dma_start3A_298, %dma_start3A_304] : memref<50x128xi32, #tpu.memory_space<vmem>> -> memref<1x128xi32, #tpu.memory_space<vmem>>
    %dma_start3A_306 = tpu.memref_squeeze %dma_start3A_305 : memref<1x128xi32, #tpu.memory_space<vmem>> -> memref<128xi32, #tpu.memory_space<vmem>>
    %dma_start3A_307 = arith.constant 0 : i32
    %dma_start3A_308 = arith.constant 0 : i32
    %dma_start3A_309 = tpu.memref_slice %arg3[%dma_start3A_307, %dma_start3A_308] : memref<100000x64xf32, #tpu.memory_space<hbm>> -> memref<100000x64xf32, #tpu.memory_space<hbm>>
    tpu.enqueue_indirect_dma source(%dma_start3A_309 : memref<100000x64xf32, #tpu.memory_space<hbm>>) target(%dma_start3A_303 : memref<128x64xf32, #tpu.memory_space<vmem>>) offsets(%dma_start3A_306 : memref<128xi32, #tpu.memory_space<vmem>>) semaphore(%arg11 : memref<!tpu.dma_semaphore, #tpu.memory_space<semaphore_mem>>)
    %mul3A_310 = arith.constant 50 : i32
    %mul3A_311 = arith.muli %add3A, %mul3A_310 : i32
    %add3A_312 = arith.constant 1 : i32
    %add3A_313 = arith.addi %mul3A_311, %add3A_312 : i32
    %jit3A_314 = arith.constant 4 : i32
    %div3A_315 = arith.divsi %add3A_313, %jit3A_314 : i32
    %sign3A_316 = arith.constant 0 : i32
    %sign3A_317 = arith.cmpi sgt, %add3A_313, %sign3A_316 : i32
    %sign3A_318 = arith.extui %sign3A_317 : i1 to i32
    %sign3A_319 = arith.constant 0 : i32
    %sign3A_320 = arith.cmpi slt, %add3A_313, %sign3A_319 : i32
    %sign3A_321 = arith.extui %sign3A_320 : i1 to i32
    %sign3A_322 = arith.subi %sign3A_318, %sign3A_321 : i32
    %sign3A_323 = arith.constant 0 : i32
    %sign3A_324 = arith.cmpi sgt, %jit3A_314, %sign3A_323 : i32
    %sign3A_325 = arith.extui %sign3A_324 : i1 to i32
    %sign3A_326 = arith.constant 0 : i32
    %sign3A_327 = arith.cmpi slt, %jit3A_314, %sign3A_326 : i32
    %sign3A_328 = arith.extui %sign3A_327 : i1 to i32
    %sign3A_329 = arith.subi %sign3A_325, %sign3A_328 : i32
    %ne3A_330 = arith.cmpi ne, %sign3A_322, %sign3A_329 : i32
    %rem3A_331 = arith.remsi %add3A_313, %jit3A_314 : i32
    %ne3A_332 = arith.constant 0 : i32
    %ne3A_333 = arith.cmpi ne, %rem3A_331, %ne3A_332 : i32
    %and3A_334 = arith.andi %ne3A_330, %ne3A_333 : i1
    %sub3A_335 = arith.constant 1 : i32
    %sub3A_336 = arith.subi %div3A_315, %sub3A_335 : i32
    %select_n3A_337 = arith.select %and3A_334, %sub3A_336, %div3A_315 : i32
    %jit3A_338 = arith.constant 4 : i32
    %eq3A_339 = arith.constant 0 : i32
    %eq3A_340 = arith.cmpi eq, %jit3A_338, %eq3A_339 : i32
    %jit3A_341 = arith.constant 1 : i32
    %select_n3A_342 = arith.select %eq3A_340, %jit3A_341, %jit3A_338 : i32
    %rem3A_343 = arith.remsi %add3A_313, %select_n3A_342 : i32
    %ne3A_344 = arith.constant 0 : i32
    %ne3A_345 = arith.cmpi ne, %rem3A_343, %ne3A_344 : i32
    %lt3A_346 = arith.constant 0 : i32
    %lt3A_347 = arith.cmpi slt, %rem3A_343, %lt3A_346 : i32
    %lt3A_348 = arith.constant 0 : i32
    %lt3A_349 = arith.cmpi slt, %select_n3A_342, %lt3A_348 : i32
    %ne3A_350 = arith.xori %lt3A_347, %lt3A_349 : i1
    %and3A_351 = arith.andi %ne3A_350, %ne3A_345 : i1
    %add3A_352 = arith.addi %rem3A_343, %select_n3A_342 : i32
    %select_n3A_353 = arith.select %and3A_351, %add3A_352, %rem3A_343 : i32
    %mul3A_354 = arith.constant 2 : i32
    %mul3A_355 = arith.muli %select_n3A_353, %mul3A_354 : i32
    %dma_start3A_356 = arith.constant 1 : i32
    %dma_start3A_357 = arith.constant 0 : i32
    %dma_start3A_358 = arith.constant 0 : i32
    %dma_start3A_359 = tpu.memref_slice %arg8[%dma_start3A_356, %dma_start3A_357, %dma_start3A_358] : memref<2x2x128xi32, #tpu.memory_space<vmem>> -> memref<1x2x128xi32, #tpu.memory_space<vmem>>
    %dma_start3A_360 = tpu.memref_squeeze %dma_start3A_359 : memref<1x2x128xi32, #tpu.memory_space<vmem>> -> memref<2x128xi32, #tpu.memory_space<vmem>>
    %dma_start3A_361 = arith.constant 0 : i32
    %dma_start3A_362 = tpu.memref_slice %arg4[%select_n3A_337, %mul3A_355, %dma_start3A_361] : memref<400x8x128xi32, #tpu.memory_space<hbm>> -> memref<1x2x128xi32, #tpu.memory_space<hbm>>
    %dma_start3A_363 = tpu.memref_squeeze %dma_start3A_362 : memref<1x2x128xi32, #tpu.memory_space<hbm>> -> memref<2x128xi32, #tpu.memory_space<hbm>>
    %dma_start3A_364 = arith.constant 0 : i32
    %dma_start3A_365 = arith.constant 0 : i32
    %dma_start3A_366 = tpu.memref_slice %arg8[%dma_start3A_356, %dma_start3A_364, %dma_start3A_365] : memref<2x2x128xi32, #tpu.memory_space<vmem>> -> memref<1x2x128xi32, #tpu.memory_space<vmem>>
    %dma_start3A_367 = tpu.memref_squeeze %dma_start3A_366 : memref<1x2x128xi32, #tpu.memory_space<vmem>> -> memref<2x128xi32, #tpu.memory_space<vmem>>
    %dma_start3A_368 = arith.constant 0 : i32
    %dma_start3A_369 = tpu.memref_slice %arg4[%select_n3A_337, %mul3A_355, %dma_start3A_368] : memref<400x8x128xi32, #tpu.memory_space<hbm>> -> memref<1x2x128xi32, #tpu.memory_space<hbm>>
    %dma_start3A_370 = tpu.memref_squeeze %dma_start3A_369 : memref<1x2x128xi32, #tpu.memory_space<hbm>> -> memref<2x128xi32, #tpu.memory_space<hbm>>
    tpu.enqueue_dma source(%dma_start3A_370 : memref<2x128xi32, #tpu.memory_space<hbm>>) target(%dma_start3A_367 : memref<2x128xi32, #tpu.memory_space<vmem>>) target_semaphore(%arg13 : memref<!tpu.dma_semaphore, #tpu.memory_space<semaphore_mem>>)
    %scan3A = arith.constant 0 : i32
    %scan3A_371 = arith.constant 0 : i32
    %scan3A_372 = arith.constant 25 : i32
    %scan3A_373 = arith.addi %scan3A_371, %scan3A_372 : i32
    %scan3A_374 = arith.constant 1 : i32
    scf.for %scan3A_419 = %scan3A_371 to %scan3A_373 step %scan3A_374  : i32 {
      %mul3A_420 = arith.constant 2 : i32
      %mul3A_421 = arith.muli %mul3A_420, %scan3A_419 : i32
      %add3A_422 = arith.constant 0 : i32
      %add3A_423 = arith.addi %mul3A_421, %add3A_422 : i32
      %dma_wait3A_424 = arith.constant 0 : i32
      %dma_wait3A_425 = arith.constant 0 : i32
      %dma_wait3A_426 = arith.constant 0 : i32
      %dma_wait3A_427 = tpu.memref_slice %arg7[%dma_wait3A_424, %dma_wait3A_425, %dma_wait3A_426] : memref<2x128x64xf32, #tpu.memory_space<vmem>> -> memref<1x128x64xf32, #tpu.memory_space<vmem>>
      %dma_wait3A_428 = tpu.memref_squeeze %dma_wait3A_427 : memref<1x128x64xf32, #tpu.memory_space<vmem>> -> memref<128x64xf32, #tpu.memory_space<vmem>>
      %dma_wait3A_429 = arith.constant 0 : i32
      %dma_wait3A_430 = tpu.memref_slice %arg6[%add3A_423, %dma_wait3A_429] : memref<50x128xi32, #tpu.memory_space<vmem>> -> memref<1x128xi32, #tpu.memory_space<vmem>>
      %dma_wait3A_431 = tpu.memref_squeeze %dma_wait3A_430 : memref<1x128xi32, #tpu.memory_space<vmem>> -> memref<128xi32, #tpu.memory_space<vmem>>
      %dma_wait3A_432 = arith.constant 0 : i32
      %dma_wait3A_433 = arith.constant 0 : i32
      %dma_wait3A_434 = tpu.memref_slice %arg3[%dma_wait3A_432, %dma_wait3A_433] : memref<100000x64xf32, #tpu.memory_space<hbm>> -> memref<100000x64xf32, #tpu.memory_space<hbm>>
      tpu.wait_indirect_dma semaphore(%arg10 : memref<!tpu.dma_semaphore, #tpu.memory_space<semaphore_mem>>) src(%dma_wait3A_434 : memref<100000x64xf32, #tpu.memory_space<hbm>>) dst(%dma_wait3A_428 : memref<128x64xf32, #tpu.memory_space<vmem>>)
      %mul3A_435 = arith.constant 50 : i32
      %mul3A_436 = arith.muli %add3A, %mul3A_435 : i32
      %add3A_437 = arith.addi %mul3A_436, %add3A_423 : i32
      %jit3A_438 = arith.constant 4 : i32
      %div3A_439 = arith.divsi %add3A_437, %jit3A_438 : i32
      %sign3A_440 = arith.constant 0 : i32
      %sign3A_441 = arith.cmpi sgt, %add3A_437, %sign3A_440 : i32
      %sign3A_442 = arith.extui %sign3A_441 : i1 to i32
      %sign3A_443 = arith.constant 0 : i32
      %sign3A_444 = arith.cmpi slt, %add3A_437, %sign3A_443 : i32
      %sign3A_445 = arith.extui %sign3A_444 : i1 to i32
      %sign3A_446 = arith.subi %sign3A_442, %sign3A_445 : i32
      %sign3A_447 = arith.constant 0 : i32
      %sign3A_448 = arith.cmpi sgt, %jit3A_438, %sign3A_447 : i32
      %sign3A_449 = arith.extui %sign3A_448 : i1 to i32
      %sign3A_450 = arith.constant 0 : i32
      %sign3A_451 = arith.cmpi slt, %jit3A_438, %sign3A_450 : i32
      %sign3A_452 = arith.extui %sign3A_451 : i1 to i32
      %sign3A_453 = arith.subi %sign3A_449, %sign3A_452 : i32
      %ne3A_454 = arith.cmpi ne, %sign3A_446, %sign3A_453 : i32
      %rem3A_455 = arith.remsi %add3A_437, %jit3A_438 : i32
      %ne3A_456 = arith.constant 0 : i32
      %ne3A_457 = arith.cmpi ne, %rem3A_455, %ne3A_456 : i32
      %and3A_458 = arith.andi %ne3A_454, %ne3A_457 : i1
      %sub3A_459 = arith.constant 1 : i32
      %sub3A_460 = arith.subi %div3A_439, %sub3A_459 : i32
      %select_n3A_461 = arith.select %and3A_458, %sub3A_460, %div3A_439 : i32
      %jit3A_462 = arith.constant 4 : i32
      %eq3A_463 = arith.constant 0 : i32
      %eq3A_464 = arith.cmpi eq, %jit3A_462, %eq3A_463 : i32
      %jit3A_465 = arith.constant 1 : i32
      %select_n3A_466 = arith.select %eq3A_464, %jit3A_465, %jit3A_462 : i32
      %rem3A_467 = arith.remsi %add3A_437, %select_n3A_466 : i32
      %ne3A_468 = arith.constant 0 : i32
      %ne3A_469 = arith.cmpi ne, %rem3A_467, %ne3A_468 : i32
      %lt3A_470 = arith.constant 0 : i32
      %lt3A_471 = arith.cmpi slt, %rem3A_467, %lt3A_470 : i32
      %lt3A_472 = arith.constant 0 : i32
      %lt3A_473 = arith.cmpi slt, %select_n3A_466, %lt3A_472 : i32
      %ne3A_474 = arith.xori %lt3A_471, %lt3A_473 : i1
      %and3A_475 = arith.andi %ne3A_474, %ne3A_469 : i1
      %add3A_476 = arith.addi %rem3A_467, %select_n3A_466 : i32
      %select_n3A_477 = arith.select %and3A_475, %add3A_476, %rem3A_467 : i32
      %mul3A_478 = arith.constant 2 : i32
      %mul3A_479 = arith.muli %select_n3A_477, %mul3A_478 : i32
      %dma_wait3A_480 = arith.constant 0 : i32
      %dma_wait3A_481 = arith.constant 0 : i32
      %dma_wait3A_482 = arith.constant 0 : i32
      %dma_wait3A_483 = tpu.memref_slice %arg8[%dma_wait3A_480, %dma_wait3A_481, %dma_wait3A_482] : memref<2x2x128xi32, #tpu.memory_space<vmem>> -> memref<1x2x128xi32, #tpu.memory_space<vmem>>
      %dma_wait3A_484 = tpu.memref_squeeze %dma_wait3A_483 : memref<1x2x128xi32, #tpu.memory_space<vmem>> -> memref<2x128xi32, #tpu.memory_space<vmem>>
      %dma_wait3A_485 = arith.constant 0 : i32
      %dma_wait3A_486 = tpu.memref_slice %arg4[%select_n3A_461, %mul3A_479, %dma_wait3A_485] : memref<400x8x128xi32, #tpu.memory_space<hbm>> -> memref<1x2x128xi32, #tpu.memory_space<hbm>>
      %dma_wait3A_487 = tpu.memref_squeeze %dma_wait3A_486 : memref<1x2x128xi32, #tpu.memory_space<hbm>> -> memref<2x128xi32, #tpu.memory_space<hbm>>
      %dma_wait3A_488 = arith.constant 0 : i32
      %dma_wait3A_489 = arith.constant 0 : i32
      %dma_wait3A_490 = tpu.memref_slice %arg8[%dma_wait3A_480, %dma_wait3A_488, %dma_wait3A_489] : memref<2x2x128xi32, #tpu.memory_space<vmem>> -> memref<1x2x128xi32, #tpu.memory_space<vmem>>
      %dma_wait3A_491 = tpu.memref_squeeze %dma_wait3A_490 : memref<1x2x128xi32, #tpu.memory_space<vmem>> -> memref<2x128xi32, #tpu.memory_space<vmem>>
      %dma_wait3A_492 = arith.constant 0 : i32
      %dma_wait3A_493 = tpu.memref_slice %arg4[%select_n3A_461, %mul3A_479, %dma_wait3A_492] : memref<400x8x128xi32, #tpu.memory_space<hbm>> -> memref<1x2x128xi32, #tpu.memory_space<hbm>>
      %dma_wait3A_494 = tpu.memref_squeeze %dma_wait3A_493 : memref<1x2x128xi32, #tpu.memory_space<hbm>> -> memref<2x128xi32, #tpu.memory_space<hbm>>
      tpu.wait_dma2 semaphore(%arg12 : memref<!tpu.dma_semaphore, #tpu.memory_space<semaphore_mem>>) src(%dma_wait3A_494 : memref<2x128xi32, #tpu.memory_space<hbm>>) dst(%dma_wait3A_491 : memref<2x128xi32, #tpu.memory_space<vmem>>)
      %ge3A = arith.constant 1 : i32
      %ge3A_495 = arith.cmpi sge, %scan3A_419, %ge3A : i32
      %convert_element_type3A = arith.extui %ge3A_495 : i1 to i32
      %cond3A = arith.constant 0 : i32
      %cond3A_496 = arith.cmpi ne, %convert_element_type3A, %cond3A : i32
      scf.if %cond3A_496 {
        %dma_wait3A_641 = arith.constant 0 : i32
        %dma_wait3A_642 = arith.constant 0 : i32
        %dma_wait3A_643 = arith.constant 0 : i32
        %dma_wait3A_644 = arith.constant 0 : i32
        %dma_wait3A_645 = tpu.memref_slice %arg9[%dma_wait3A_641, %dma_wait3A_642, %dma_wait3A_643, %dma_wait3A_644] : memref<2x8x8x129xf32, #tpu.memory_space<vmem>> -> memref<1x8x8x128xf32, #tpu.memory_space<vmem>>
        %dma_wait3A_646 = tpu.memref_squeeze %dma_wait3A_645 : memref<1x8x8x128xf32, #tpu.memory_space<vmem>> -> memref<8x8x128xf32, #tpu.memory_space<vmem>>
        %dma_wait3A_647 = arith.constant 0 : i32
        %dma_wait3A_648 = arith.constant 0 : i32
        %dma_wait3A_649 = arith.constant 0 : i32
        %dma_wait3A_650 = tpu.memref_slice %arg5[%add3A_423, %dma_wait3A_647, %add3A, %dma_wait3A_648, %dma_wait3A_649] : memref<50x8x32x8x128xf32, #tpu.memory_space<hbm>> -> memref<1x8x1x8x128xf32, #tpu.memory_space<hbm>>
        %dma_wait3A_651 = tpu.memref_squeeze %dma_wait3A_650 : memref<1x8x1x8x128xf32, #tpu.memory_space<hbm>> -> memref<8x8x128xf32, #tpu.memory_space<hbm>>
        %dma_wait3A_652 = arith.constant 0 : i32
        %dma_wait3A_653 = arith.constant 0 : i32
        %dma_wait3A_654 = arith.constant 0 : i32
        %dma_wait3A_655 = tpu.memref_slice %arg5[%add3A_423, %dma_wait3A_652, %add3A, %dma_wait3A_653, %dma_wait3A_654] : memref<50x8x32x8x128xf32, #tpu.memory_space<hbm>> -> memref<1x8x1x8x128xf32, #tpu.memory_space<hbm>>
        %dma_wait3A_656 = tpu.memref_squeeze %dma_wait3A_655 : memref<1x8x1x8x128xf32, #tpu.memory_space<hbm>> -> memref<8x8x128xf32, #tpu.memory_space<hbm>>
        %dma_wait3A_657 = arith.constant 0 : i32
        %dma_wait3A_658 = arith.constant 0 : i32
        %dma_wait3A_659 = arith.constant 0 : i32
        %dma_wait3A_660 = tpu.memref_slice %arg9[%dma_wait3A_641, %dma_wait3A_657, %dma_wait3A_658, %dma_wait3A_659] : memref<2x8x8x129xf32, #tpu.memory_space<vmem>> -> memref<1x8x8x128xf32, #tpu.memory_space<vmem>>
        %dma_wait3A_661 = tpu.memref_squeeze %dma_wait3A_660 : memref<1x8x8x128xf32, #tpu.memory_space<vmem>> -> memref<8x8x128xf32, #tpu.memory_space<vmem>>
        tpu.wait_dma2 semaphore(%arg14 : memref<!tpu.dma_semaphore, #tpu.memory_space<semaphore_mem>>) src(%dma_wait3A_661 : memref<8x8x128xf32, #tpu.memory_space<vmem>>) dst(%dma_wait3A_656 : memref<8x8x128xf32, #tpu.memory_space<hbm>>)
      } else {
      }
      %scan3A_497 = arith.constant 0 : i32
      %scan3A_498 = arith.constant 0 : i32
      %scan3A_499 = arith.constant 16 : i32
      %scan3A_500 = arith.addi %scan3A_498, %scan3A_499 : i32
      %scan3A_501 = arith.constant 2 : i32
      scf.for %scan3A_641 = %scan3A_498 to %scan3A_500 step %scan3A_501  : i32 {
        %jit3A_642 = arith.constant 8 : i32
        %div3A_643 = arith.divsi %scan3A_641, %jit3A_642 : i32
        %sign3A_644 = arith.constant 0 : i32
        %sign3A_645 = arith.cmpi sgt, %scan3A_641, %sign3A_644 : i32
        %sign3A_646 = arith.extui %sign3A_645 : i1 to i32
        %sign3A_647 = arith.constant 0 : i32
        %sign3A_648 = arith.cmpi slt, %scan3A_641, %sign3A_647 : i32
        %sign3A_649 = arith.extui %sign3A_648 : i1 to i32
        %sign3A_650 = arith.subi %sign3A_646, %sign3A_649 : i32
        %sign3A_651 = arith.constant 0 : i32
        %sign3A_652 = arith.cmpi sgt, %jit3A_642, %sign3A_651 : i32
        %sign3A_653 = arith.extui %sign3A_652 : i1 to i32
        %sign3A_654 = arith.constant 0 : i32
        %sign3A_655 = arith.cmpi slt, %jit3A_642, %sign3A_654 : i32
        %sign3A_656 = arith.extui %sign3A_655 : i1 to i32
        %sign3A_657 = arith.subi %sign3A_653, %sign3A_656 : i32
        %ne3A_658 = arith.cmpi ne, %sign3A_650, %sign3A_657 : i32
        %rem3A_659 = arith.remsi %scan3A_641, %jit3A_642 : i32
        %ne3A_660 = arith.constant 0 : i32
        %ne3A_661 = arith.cmpi ne, %rem3A_659, %ne3A_660 : i32
        %and3A_662 = arith.andi %ne3A_658, %ne3A_661 : i1
        %sub3A_663 = arith.constant 1 : i32
        %sub3A_664 = arith.subi %div3A_643, %sub3A_663 : i32
        %select_n3A_665 = arith.select %and3A_662, %sub3A_664, %div3A_643 : i32
        %jit3A_666 = arith.constant 8 : i32
        %eq3A_667 = arith.constant 0 : i32
        %eq3A_668 = arith.cmpi eq, %jit3A_666, %eq3A_667 : i32
        %jit3A_669 = arith.constant 1 : i32
        %select_n3A_670 = arith.select %eq3A_668, %jit3A_669, %jit3A_666 : i32
        %rem3A_671 = arith.remsi %scan3A_641, %select_n3A_670 : i32
        %ne3A_672 = arith.constant 0 : i32
        %ne3A_673 = arith.cmpi ne, %rem3A_671, %ne3A_672 : i32
        %lt3A_674 = arith.constant 0 : i32
        %lt3A_675 = arith.cmpi slt, %rem3A_671, %lt3A_674 : i32
        %lt3A_676 = arith.constant 0 : i32
        %lt3A_677 = arith.cmpi slt, %select_n3A_670, %lt3A_676 : i32
        %ne3A_678 = arith.xori %lt3A_675, %lt3A_677 : i1
        %and3A_679 = arith.andi %ne3A_678, %ne3A_673 : i1
        %add3A_680 = arith.addi %rem3A_671, %select_n3A_670 : i32
        %select_n3A_681 = arith.select %and3A_679, %add3A_680, %rem3A_671 : i32
        %mul3A_682 = arith.constant 16 : i32
        %mul3A_683 = arith.muli %select_n3A_681, %mul3A_682 : i32
        %get3A = arith.constant 0 : i32
        %get3A_684 = arith.index_cast %get3A : i32 to index
        %get3A_685 = arith.index_cast %select_n3A_665 : i32 to index
        %get3A_686 = arith.index_cast %mul3A_683 : i32 to index
        %get3A_687 = tpu.vector_load %arg8[%get3A_684, %get3A_685, %get3A_686] {strides = array<i32>} : memref<2x2x128xi32, #tpu.memory_space<vmem>>, vector<16xi32>,
        %mul3A_688 = arith.constant 8 : i32
        %mul3A_689 = arith.muli %scan3A_641, %mul3A_688 : i32
        %add3A_690 = arith.constant 0 : i32
        %add3A_691 = arith.addi %mul3A_689, %add3A_690 : i32
        %broadcast_in_dim3A_692 = vector.broadcast %add3A_691 : i32 to vector<16xi32>
        %slice3A = vector.extract_strided_slice %get3A_687 {offsets = [0], sizes = [1], strides = [1]} : vector<16xi32> to vector<1xi32>
        %squeeze3A = vector.extract %slice3A[0] : i32 from vector<1xi32>
        %broadcast_in_dim3A_693 = vector.broadcast %squeeze3A : i32 to vector<16xi32>
        %slice3A_694 = vector.extract_strided_slice %get3A_687 {offsets = [1], sizes = [1], strides = [1]} : vector<16xi32> to vector<1xi32>
        %squeeze3A_695 = vector.extract %slice3A_694[0] : i32 from vector<1xi32>
        %broadcast_in_dim3A_696 = vector.broadcast %squeeze3A_695 : i32 to vector<16xi32>
        %shift_left3A = arith.shli %broadcast_in_dim3A_693, %sub3A_221 : vector<16xi32>
        %bitcast_convert_type3A = tpu.bitcast %shift_left3A : vector<16xi32> -> vector<16xi32>
        %shift_right_arithmetic3A = arith.constant 31 : i32
        %shift_right_arithmetic3A_697 = vector.broadcast %shift_right_arithmetic3A : i32 to vector<16xi32>
        %shift_right_arithmetic3A_698 = arith.shrsi %bitcast_convert_type3A, %shift_right_arithmetic3A_697 : vector<16xi32>
        %and3A_699 = arith.andi %shift_right_arithmetic3A_698, %broadcast_in_dim3A_225 : vector<16xi32>
        %bitcast_convert_type3A_700 = tpu.bitcast %and3A_699 : vector<16xi32> -> vector<16xf32>
        %get3A_701 = arith.constant 0 : i32
        %get3A_702 = arith.index_cast %get3A_701 : i32 to index
        %get3A_703 = arith.index_cast %add3A_691 : i32 to index
        %get3A_704 = arith.constant 0 : index
        %get3A_705 = tpu.vector_load %arg7[%get3A_702, %get3A_703, %get3A_704] {strides = array<i32>} : memref<2x128x64xf32, #tpu.memory_space<vmem>>, vector<16xf32>,
        %mul3A_706 = arith.mulf %get3A_705, %bitcast_convert_type3A_700 : vector<16xf32>
        %scatter3A = arith.constant 0 : i32
        %scatter3A_707 = arith.constant 0 : i32
        %scatter3A_708 = arith.constant 0 : i32
        %scatter3A_709 = arith.constant 0 : i32
        %scatter3A_710 = tpu.memref_slice %arg9[%scatter3A, %scatter3A_707, %scatter3A_708, %scatter3A_709] : memref<2x8x8x129xf32, #tpu.memory_space<vmem>> -> memref<1x8x8x129xf32, #tpu.memory_space<vmem>>
        %scatter3A_711 = tpu.memref_squeeze %scatter3A_710 : memref<1x8x8x129xf32, #tpu.memory_space<vmem>> -> memref<8x8x129xf32, #tpu.memory_space<vmem>>
        tpu.vector_store_idx %scatter3A_711[%select_n3A, %select_n3A_58, %broadcast_in_dim3A_692], %mul3A_706 : memref<8x8x129xf32, #tpu.memory_space<vmem>>[vector<16xi32>, vector<16xi32>, vector<16xi32>], vector<16xf32>,
        %shift_left3A_712 = arith.shli %broadcast_in_dim3A_693, %sub3A_224 : vector<16xi32>
        %bitcast_convert_type3A_713 = tpu.bitcast %shift_left3A_712 : vector<16xi32> -> vector<16xi32>
        %shift_right_arithmetic3A_714 = arith.constant 31 : i32
        %shift_right_arithmetic3A_715 = vector.broadcast %shift_right_arithmetic3A_714 : i32 to vector<16xi32>
        %shift_right_arithmetic3A_716 = arith.shrsi %bitcast_convert_type3A_713, %shift_right_arithmetic3A_715 : vector<16xi32>
        %and3A_717 = arith.andi %shift_right_arithmetic3A_716, %broadcast_in_dim3A_225 : vector<16xi32>
        %bitcast_convert_type3A_718 = tpu.bitcast %and3A_717 : vector<16xi32> -> vector<16xf32>
        %get3A_719 = arith.constant 0 : i32
        %get3A_720 = arith.index_cast %get3A_719 : i32 to index
        %get3A_721 = arith.index_cast %add3A_691 : i32 to index
        %get3A_722 = arith.constant 16 : index
        %get3A_723 = tpu.vector_load %arg7[%get3A_720, %get3A_721, %get3A_722] {strides = array<i32>} : memref<2x128x64xf32, #tpu.memory_space<vmem>>, vector<16xf32>,
        %mul3A_724 = arith.mulf %get3A_723, %bitcast_convert_type3A_718 : vector<16xf32>
        %scatter3A_725 = arith.constant 0 : i32
        %scatter3A_726 = arith.constant 0 : i32
        %scatter3A_727 = arith.constant 0 : i32
        %scatter3A_728 = arith.constant 0 : i32
        %scatter3A_729 = tpu.memref_slice %arg9[%scatter3A_725, %scatter3A_726, %scatter3A_727, %scatter3A_728] : memref<2x8x8x129xf32, #tpu.memory_space<vmem>> -> memref<1x8x8x129xf32, #tpu.memory_space<vmem>>
        %scatter3A_730 = tpu.memref_squeeze %scatter3A_729 : memref<1x8x8x129xf32, #tpu.memory_space<vmem>> -> memref<8x8x129xf32, #tpu.memory_space<vmem>>
        tpu.vector_store_idx %scatter3A_730[%select_n3A_89, %select_n3A_111, %broadcast_in_dim3A_692], %mul3A_724 : memref<8x8x129xf32, #tpu.memory_space<vmem>>[vector<16xi32>, vector<16xi32>, vector<16xi32>], vector<16xf32>,
        %shift_left3A_731 = arith.shli %broadcast_in_dim3A_696, %sub3A_221 : vector<16xi32>
        %bitcast_convert_type3A_732 = tpu.bitcast %shift_left3A_731 : vector<16xi32> -> vector<16xi32>
        %shift_right_arithmetic3A_733 = arith.constant 31 : i32
        %shift_right_arithmetic3A_734 = vector.broadcast %shift_right_arithmetic3A_733 : i32 to vector<16xi32>
        %shift_right_arithmetic3A_735 = arith.shrsi %bitcast_convert_type3A_732, %shift_right_arithmetic3A_734 : vector<16xi32>
        %and3A_736 = arith.andi %shift_right_arithmetic3A_735, %broadcast_in_dim3A_225 : vector<16xi32>
        %bitcast_convert_type3A_737 = tpu.bitcast %and3A_736 : vector<16xi32> -> vector<16xf32>
        %get3A_738 = arith.constant 0 : i32
        %get3A_739 = arith.index_cast %get3A_738 : i32 to index
        %get3A_740 = arith.index_cast %add3A_691 : i32 to index
        %get3A_741 = arith.constant 32 : index
        %get3A_742 = tpu.vector_load %arg7[%get3A_739, %get3A_740, %get3A_741] {strides = array<i32>} : memref<2x128x64xf32, #tpu.memory_space<vmem>>, vector<16xf32>,
        %mul3A_743 = arith.mulf %get3A_742, %bitcast_convert_type3A_737 : vector<16xf32>
        %scatter3A_744 = arith.constant 0 : i32
        %scatter3A_745 = arith.constant 0 : i32
        %scatter3A_746 = arith.constant 0 : i32
        %scatter3A_747 = arith.constant 0 : i32
        %scatter3A_748 = tpu.memref_slice %arg9[%scatter3A_744, %scatter3A_745, %scatter3A_746, %scatter3A_747] : memref<2x8x8x129xf32, #tpu.memory_space<vmem>> -> memref<1x8x8x129xf32, #tpu.memory_space<vmem>>
        %scatter3A_749 = tpu.memref_squeeze %scatter3A_748 : memref<1x8x8x129xf32, #tpu.memory_space<vmem>> -> memref<8x8x129xf32, #tpu.memory_space<vmem>>
        tpu.vector_store_idx %scatter3A_749[%select_n3A_142, %select_n3A_164, %broadcast_in_dim3A_692], %mul3A_743 : memref<8x8x129xf32, #tpu.memory_space<vmem>>[vector<16xi32>, vector<16xi32>, vector<16xi32>], vector<16xf32>,
        %shift_left3A_750 = arith.shli %broadcast_in_dim3A_696, %sub3A_224 : vector<16xi32>
        %bitcast_convert_type3A_751 = tpu.bitcast %shift_left3A_750 : vector<16xi32> -> vector<16xi32>
        %shift_right_arithmetic3A_752 = arith.constant 31 : i32
        %shift_right_arithmetic3A_753 = vector.broadcast %shift_right_arithmetic3A_752 : i32 to vector<16xi32>
        %shift_right_arithmetic3A_754 = arith.shrsi %bitcast_convert_type3A_751, %shift_right_arithmetic3A_753 : vector<16xi32>
        %and3A_755 = arith.andi %shift_right_arithmetic3A_754, %broadcast_in_dim3A_225 : vector<16xi32>
        %bitcast_convert_type3A_756 = tpu.bitcast %and3A_755 : vector<16xi32> -> vector<16xf32>
        %get3A_757 = arith.constant 0 : i32
        %get3A_758 = arith.index_cast %get3A_757 : i32 to index
        %get3A_759 = arith.index_cast %add3A_691 : i32 to index
        %get3A_760 = arith.constant 48 : index
        %get3A_761 = tpu.vector_load %arg7[%get3A_758, %get3A_759, %get3A_760] {strides = array<i32>} : memref<2x128x64xf32, #tpu.memory_space<vmem>>, vector<16xf32>,
        %mul3A_762 = arith.mulf %get3A_761, %bitcast_convert_type3A_756 : vector<16xf32>
        %scatter3A_763 = arith.constant 0 : i32
        %scatter3A_764 = arith.constant 0 : i32
        %scatter3A_765 = arith.constant 0 : i32
        %scatter3A_766 = arith.constant 0 : i32
        %scatter3A_767 = tpu.memref_slice %arg9[%scatter3A_763, %scatter3A_764, %scatter3A_765, %scatter3A_766] : memref<2x8x8x129xf32, #tpu.memory_space<vmem>> -> memref<1x8x8x129xf32, #tpu.memory_space<vmem>>
        %scatter3A_768 = tpu.memref_squeeze %scatter3A_767 : memref<1x8x8x129xf32, #tpu.memory_space<vmem>> -> memref<8x8x129xf32, #tpu.memory_space<vmem>>
        tpu.vector_store_idx %scatter3A_768[%select_n3A_195, %select_n3A_217, %broadcast_in_dim3A_692], %mul3A_762 : memref<8x8x129xf32, #tpu.memory_space<vmem>>[vector<16xi32>, vector<16xi32>, vector<16xi32>], vector<16xf32>,
        %mul3A_769 = arith.constant 8 : i32
        %mul3A_770 = arith.muli %scan3A_641, %mul3A_769 : i32
        %add3A_771 = arith.constant 1 : i32
        %add3A_772 = arith.addi %mul3A_770, %add3A_771 : i32
        %broadcast_in_dim3A_773 = vector.broadcast %add3A_772 : i32 to vector<16xi32>
        %slice3A_774 = vector.extract_strided_slice %get3A_687 {offsets = [2], sizes = [1], strides = [1]} : vector<16xi32> to vector<1xi32>
        %squeeze3A_775 = vector.extract %slice3A_774[0] : i32 from vector<1xi32>
        %broadcast_in_dim3A_776 = vector.broadcast %squeeze3A_775 : i32 to vector<16xi32>
        %slice3A_777 = vector.extract_strided_slice %get3A_687 {offsets = [3], sizes = [1], strides = [1]} : vector<16xi32> to vector<1xi32>
        %squeeze3A_778 = vector.extract %slice3A_777[0] : i32 from vector<1xi32>
        %broadcast_in_dim3A_779 = vector.broadcast %squeeze3A_778 : i32 to vector<16xi32>
        %shift_left3A_780 = arith.shli %broadcast_in_dim3A_776, %sub3A_221 : vector<16xi32>
        %bitcast_convert_type3A_781 = tpu.bitcast %shift_left3A_780 : vector<16xi32> -> vector<16xi32>
        %shift_right_arithmetic3A_782 = arith.constant 31 : i32
        %shift_right_arithmetic3A_783 = vector.broadcast %shift_right_arithmetic3A_782 : i32 to vector<16xi32>
        %shift_right_arithmetic3A_784 = arith.shrsi %bitcast_convert_type3A_781, %shift_right_arithmetic3A_783 : vector<16xi32>
        %and3A_785 = arith.andi %shift_right_arithmetic3A_784, %broadcast_in_dim3A_225 : vector<16xi32>
        %bitcast_convert_type3A_786 = tpu.bitcast %and3A_785 : vector<16xi32> -> vector<16xf32>
        %get3A_787 = arith.constant 0 : i32
        %get3A_788 = arith.index_cast %get3A_787 : i32 to index
        %get3A_789 = arith.index_cast %add3A_772 : i32 to index
        %get3A_790 = arith.constant 0 : index
        %get3A_791 = tpu.vector_load %arg7[%get3A_788, %get3A_789, %get3A_790] {strides = array<i32>} : memref<2x128x64xf32, #tpu.memory_space<vmem>>, vector<16xf32>,
        %mul3A_792 = arith.mulf %get3A_791, %bitcast_convert_type3A_786 : vector<16xf32>
        %scatter3A_793 = arith.constant 0 : i32
        %scatter3A_794 = arith.constant 0 : i32
        %scatter3A_795 = arith.constant 0 : i32
        %scatter3A_796 = arith.constant 0 : i32
        %scatter3A_797 = tpu.memref_slice %arg9[%scatter3A_793, %scatter3A_794, %scatter3A_795, %scatter3A_796] : memref<2x8x8x129xf32, #tpu.memory_space<vmem>> -> memref<1x8x8x129xf32, #tpu.memory_space<vmem>>
        %scatter3A_798 = tpu.memref_squeeze %scatter3A_797 : memref<1x8x8x129xf32, #tpu.memory_space<vmem>> -> memref<8x8x129xf32, #tpu.memory_space<vmem>>
        tpu.vector_store_idx %scatter3A_798[%select_n3A, %select_n3A_58, %broadcast_in_dim3A_773], %mul3A_792 : memref<8x8x129xf32, #tpu.memory_space<vmem>>[vector<16xi32>, vector<16xi32>, vector<16xi32>], vector<16xf32>,
        %shift_left3A_799 = arith.shli %broadcast_in_dim3A_776, %sub3A_224 : vector<16xi32>
        %bitcast_convert_type3A_800 = tpu.bitcast %shift_left3A_799 : vector<16xi32> -> vector<16xi32>
        %shift_right_arithmetic3A_801 = arith.constant 31 : i32
        %shift_right_arithmetic3A_802 = vector.broadcast %shift_right_arithmetic3A_801 : i32 to vector<16xi32>
        %shift_right_arithmetic3A_803 = arith.shrsi %bitcast_convert_type3A_800, %shift_right_arithmetic3A_802 : vector<16xi32>
        %and3A_804 = arith.andi %shift_right_arithmetic3A_803, %broadcast_in_dim3A_225 : vector<16xi32>
        %bitcast_convert_type3A_805 = tpu.bitcast %and3A_804 : vector<16xi32> -> vector<16xf32>
        %get3A_806 = arith.constant 0 : i32
        %get3A_807 = arith.index_cast %get3A_806 : i32 to index
        %get3A_808 = arith.index_cast %add3A_772 : i32 to index
        %get3A_809 = arith.constant 16 : index
        %get3A_810 = tpu.vector_load %arg7[%get3A_807, %get3A_808, %get3A_809] {strides = array<i32>} : memref<2x128x64xf32, #tpu.memory_space<vmem>>, vector<16xf32>,
        %mul3A_811 = arith.mulf %get3A_810, %bitcast_convert_type3A_805 : vector<16xf32>
        %scatter3A_812 = arith.constant 0 : i32
        %scatter3A_813 = arith.constant 0 : i32
        %scatter3A_814 = arith.constant 0 : i32
        %scatter3A_815 = arith.constant 0 : i32
        %scatter3A_816 = tpu.memref_slice %arg9[%scatter3A_812, %scatter3A_813, %scatter3A_814, %scatter3A_815] : memref<2x8x8x129xf32, #tpu.memory_space<vmem>> -> memref<1x8x8x129xf32, #tpu.memory_space<vmem>>
        %scatter3A_817 = tpu.memref_squeeze %scatter3A_816 : memref<1x8x8x129xf32, #tpu.memory_space<vmem>> -> memref<8x8x129xf32, #tpu.memory_space<vmem>>
        tpu.vector_store_idx %scatter3A_817[%select_n3A_89, %select_n3A_111, %broadcast_in_dim3A_773], %mul3A_811 : memref<8x8x129xf32, #tpu.memory_space<vmem>>[vector<16xi32>, vector<16xi32>, vector<16xi32>], vector<16xf32>,
        %shift_left3A_818 = arith.shli %broadcast_in_dim3A_779, %sub3A_221 : vector<16xi32>
        %bitcast_convert_type3A_819 = tpu.bitcast %shift_left3A_818 : vector<16xi32> -> vector<16xi32>
        %shift_right_arithmetic3A_820 = arith.constant 31 : i32
        %shift_right_arithmetic3A_821 = vector.broadcast %shift_right_arithmetic3A_820 : i32 to vector<16xi32>
        %shift_right_arithmetic3A_822 = arith.shrsi %bitcast_convert_type3A_819, %shift_right_arithmetic3A_821 : vector<16xi32>
        %and3A_823 = arith.andi %shift_right_arithmetic3A_822, %broadcast_in_dim3A_225 : vector<16xi32>
        %bitcast_convert_type3A_824 = tpu.bitcast %and3A_823 : vector<16xi32> -> vector<16xf32>
        %get3A_825 = arith.constant 0 : i32
        %get3A_826 = arith.index_cast %get3A_825 : i32 to index
        %get3A_827 = arith.index_cast %add3A_772 : i32 to index
        %get3A_828 = arith.constant 32 : index
        %get3A_829 = tpu.vector_load %arg7[%get3A_826, %get3A_827, %get3A_828] {strides = array<i32>} : memref<2x128x64xf32, #tpu.memory_space<vmem>>, vector<16xf32>,
        %mul3A_830 = arith.mulf %get3A_829, %bitcast_convert_type3A_824 : vector<16xf32>
        %scatter3A_831 = arith.constant 0 : i32
        %scatter3A_832 = arith.constant 0 : i32
        %scatter3A_833 = arith.constant 0 : i32
        %scatter3A_834 = arith.constant 0 : i32
        %scatter3A_835 = tpu.memref_slice %arg9[%scatter3A_831, %scatter3A_832, %scatter3A_833, %scatter3A_834] : memref<2x8x8x129xf32, #tpu.memory_space<vmem>> -> memref<1x8x8x129xf32, #tpu.memory_space<vmem>>
        %scatter3A_836 = tpu.memref_squeeze %scatter3A_835 : memref<1x8x8x129xf32, #tpu.memory_space<vmem>> -> memref<8x8x129xf32, #tpu.memory_space<vmem>>
        tpu.vector_store_idx %scatter3A_836[%select_n3A_142, %select_n3A_164, %broadcast_in_dim3A_773], %mul3A_830 : memref<8x8x129xf32, #tpu.memory_space<vmem>>[vector<16xi32>, vector<16xi32>, vector<16xi32>], vector<16xf32>,
        %shift_left3A_837 = arith.shli %broadcast_in_dim3A_779, %sub3A_224 : vector<16xi32>
        %bitcast_convert_type3A_838 = tpu.bitcast %shift_left3A_837 : vector<16xi32> -> vector<16xi32>
        %shift_right_arithmetic3A_839 = arith.constant 31 : i32
        %shift_right_arithmetic3A_840 = vector.broadcast %shift_right_arithmetic3A_839 : i32 to vector<16xi32>
        %shift_right_arithmetic3A_841 = arith.shrsi %bitcast_convert_type3A_838, %shift_right_arithmetic3A_840 : vector<16xi32>
        %and3A_842 = arith.andi %shift_right_arithmetic3A_841, %broadcast_in_dim3A_225 : vector<16xi32>
        %bitcast_convert_type3A_843 = tpu.bitcast %and3A_842 : vector<16xi32> -> vector<16xf32>
        %get3A_844 = arith.constant 0 : i32
        %get3A_845 = arith.index_cast %get3A_844 : i32 to index
        %get3A_846 = arith.index_cast %add3A_772 : i32 to index
        %get3A_847 = arith.constant 48 : index
        %get3A_848 = tpu.vector_load %arg7[%get3A_845, %get3A_846, %get3A_847] {strides = array<i32>} : memref<2x128x64xf32, #tpu.memory_space<vmem>>, vector<16xf32>,
        %mul3A_849 = arith.mulf %get3A_848, %bitcast_convert_type3A_843 : vector<16xf32>
        %scatter3A_850 = arith.constant 0 : i32
        %scatter3A_851 = arith.constant 0 : i32
        %scatter3A_852 = arith.constant 0 : i32
        %scatter3A_853 = arith.constant 0 : i32
        %scatter3A_854 = tpu.memref_slice %arg9[%scatter3A_850, %scatter3A_851, %scatter3A_852, %scatter3A_853] : memref<2x8x8x129xf32, #tpu.memory_space<vmem>> -> memref<1x8x8x129xf32, #tpu.memory_space<vmem>>
        %scatter3A_855 = tpu.memref_squeeze %scatter3A_854 : memref<1x8x8x129xf32, #tpu.memory_space<vmem>> -> memref<8x8x129xf32, #tpu.memory_space<vmem>>
        tpu.vector_store_idx %scatter3A_855[%select_n3A_195, %select_n3A_217, %broadcast_in_dim3A_773], %mul3A_849 : memref<8x8x129xf32, #tpu.memory_space<vmem>>[vector<16xi32>, vector<16xi32>, vector<16xi32>], vector<16xf32>,
        %mul3A_856 = arith.constant 8 : i32
        %mul3A_857 = arith.muli %scan3A_641, %mul3A_856 : i32
        %add3A_858 = arith.constant 2 : i32
        %add3A_859 = arith.addi %mul3A_857, %add3A_858 : i32
        %broadcast_in_dim3A_860 = vector.broadcast %add3A_859 : i32 to vector<16xi32>
        %slice3A_861 = vector.extract_strided_slice %get3A_687 {offsets = [4], sizes = [1], strides = [1]} : vector<16xi32> to vector<1xi32>
        %squeeze3A_862 = vector.extract %slice3A_861[0] : i32 from vector<1xi32>
        %broadcast_in_dim3A_863 = vector.broadcast %squeeze3A_862 : i32 to vector<16xi32>
        %slice3A_864 = vector.extract_strided_slice %get3A_687 {offsets = [5], sizes = [1], strides = [1]} : vector<16xi32> to vector<1xi32>
        %squeeze3A_865 = vector.extract %slice3A_864[0] : i32 from vector<1xi32>
        %broadcast_in_dim3A_866 = vector.broadcast %squeeze3A_865 : i32 to vector<16xi32>
        %shift_left3A_867 = arith.shli %broadcast_in_dim3A_863, %sub3A_221 : vector<16xi32>
        %bitcast_convert_type3A_868 = tpu.bitcast %shift_left3A_867 : vector<16xi32> -> vector<16xi32>
        %shift_right_arithmetic3A_869 = arith.constant 31 : i32
        %shift_right_arithmetic3A_870 = vector.broadcast %shift_right_arithmetic3A_869 : i32 to vector<16xi32>
        %shift_right_arithmetic3A_871 = arith.shrsi %bitcast_convert_type3A_868, %shift_right_arithmetic3A_870 : vector<16xi32>
        %and3A_872 = arith.andi %shift_right_arithmetic3A_871, %broadcast_in_dim3A_225 : vector<16xi32>
        %bitcast_convert_type3A_873 = tpu.bitcast %and3A_872 : vector<16xi32> -> vector<16xf32>
        %get3A_874 = arith.constant 0 : i32
        %get3A_875 = arith.index_cast %get3A_874 : i32 to index
        %get3A_876 = arith.index_cast %add3A_859 : i32 to index
        %get3A_877 = arith.constant 0 : index
        %get3A_878 = tpu.vector_load %arg7[%get3A_875, %get3A_876, %get3A_877] {strides = array<i32>} : memref<2x128x64xf32, #tpu.memory_space<vmem>>, vector<16xf32>,
        %mul3A_879 = arith.mulf %get3A_878, %bitcast_convert_type3A_873 : vector<16xf32>
        %scatter3A_880 = arith.constant 0 : i32
        %scatter3A_881 = arith.constant 0 : i32
        %scatter3A_882 = arith.constant 0 : i32
        %scatter3A_883 = arith.constant 0 : i32
        %scatter3A_884 = tpu.memref_slice %arg9[%scatter3A_880, %scatter3A_881, %scatter3A_882, %scatter3A_883] : memref<2x8x8x129xf32, #tpu.memory_space<vmem>> -> memref<1x8x8x129xf32, #tpu.memory_space<vmem>>
        %scatter3A_885 = tpu.memref_squeeze %scatter3A_884 : memref<1x8x8x129xf32, #tpu.memory_space<vmem>> -> memref<8x8x129xf32, #tpu.memory_space<vmem>>
        tpu.vector_store_idx %scatter3A_885[%select_n3A, %select_n3A_58, %broadcast_in_dim3A_860], %mul3A_879 : memref<8x8x129xf32, #tpu.memory_space<vmem>>[vector<16xi32>, vector<16xi32>, vector<16xi32>], vector<16xf32>,
        %shift_left3A_886 = arith.shli %broadcast_in_dim3A_863, %sub3A_224 : vector<16xi32>
        %bitcast_convert_type3A_887 = tpu.bitcast %shift_left3A_886 : vector<16xi32> -> vector<16xi32>
        %shift_right_arithmetic3A_888 = arith.constant 31 : i32
        %shift_right_arithmetic3A_889 = vector.broadcast %shift_right_arithmetic3A_888 : i32 to vector<16xi32>
        %shift_right_arithmetic3A_890 = arith.shrsi %bitcast_convert_type3A_887, %shift_right_arithmetic3A_889 : vector<16xi32>
        %and3A_891 = arith.andi %shift_right_arithmetic3A_890, %broadcast_in_dim3A_225 : vector<16xi32>
        %bitcast_convert_type3A_892 = tpu.bitcast %and3A_891 : vector<16xi32> -> vector<16xf32>
        %get3A_893 = arith.constant 0 : i32
        %get3A_894 = arith.index_cast %get3A_893 : i32 to index
        %get3A_895 = arith.index_cast %add3A_859 : i32 to index
        %get3A_896 = arith.constant 16 : index
        %get3A_897 = tpu.vector_load %arg7[%get3A_894, %get3A_895, %get3A_896] {strides = array<i32>} : memref<2x128x64xf32, #tpu.memory_space<vmem>>, vector<16xf32>,
        %mul3A_898 = arith.mulf %get3A_897, %bitcast_convert_type3A_892 : vector<16xf32>
        %scatter3A_899 = arith.constant 0 : i32
        %scatter3A_900 = arith.constant 0 : i32
        %scatter3A_901 = arith.constant 0 : i32
        %scatter3A_902 = arith.constant 0 : i32
        %scatter3A_903 = tpu.memref_slice %arg9[%scatter3A_899, %scatter3A_900, %scatter3A_901, %scatter3A_902] : memref<2x8x8x129xf32, #tpu.memory_space<vmem>> -> memref<1x8x8x129xf32, #tpu.memory_space<vmem>>
        %scatter3A_904 = tpu.memref_squeeze %scatter3A_903 : memref<1x8x8x129xf32, #tpu.memory_space<vmem>> -> memref<8x8x129xf32, #tpu.memory_space<vmem>>
        tpu.vector_store_idx %scatter3A_904[%select_n3A_89, %select_n3A_111, %broadcast_in_dim3A_860], %mul3A_898 : memref<8x8x129xf32, #tpu.memory_space<vmem>>[vector<16xi32>, vector<16xi32>, vector<16xi32>], vector<16xf32>,
        %shift_left3A_905 = arith.shli %broadcast_in_dim3A_866, %sub3A_221 : vector<16xi32>
        %bitcast_convert_type3A_906 = tpu.bitcast %shift_left3A_905 : vector<16xi32> -> vector<16xi32>
        %shift_right_arithmetic3A_907 = arith.constant 31 : i32
        %shift_right_arithmetic3A_908 = vector.broadcast %shift_right_arithmetic3A_907 : i32 to vector<16xi32>
        %shift_right_arithmetic3A_909 = arith.shrsi %bitcast_convert_type3A_906, %shift_right_arithmetic3A_908 : vector<16xi32>
        %and3A_910 = arith.andi %shift_right_arithmetic3A_909, %broadcast_in_dim3A_225 : vector<16xi32>
        %bitcast_convert_type3A_911 = tpu.bitcast %and3A_910 : vector<16xi32> -> vector<16xf32>
        %get3A_912 = arith.constant 0 : i32
        %get3A_913 = arith.index_cast %get3A_912 : i32 to index
        %get3A_914 = arith.index_cast %add3A_859 : i32 to index
        %get3A_915 = arith.constant 32 : index
        %get3A_916 = tpu.vector_load %arg7[%get3A_913, %get3A_914, %get3A_915] {strides = array<i32>} : memref<2x128x64xf32, #tpu.memory_space<vmem>>, vector<16xf32>,
        %mul3A_917 = arith.mulf %get3A_916, %bitcast_convert_type3A_911 : vector<16xf32>
        %scatter3A_918 = arith.constant 0 : i32
        %scatter3A_919 = arith.constant 0 : i32
        %scatter3A_920 = arith.constant 0 : i32
        %scatter3A_921 = arith.constant 0 : i32
        %scatter3A_922 = tpu.memref_slice %arg9[%scatter3A_918, %scatter3A_919, %scatter3A_920, %scatter3A_921] : memref<2x8x8x129xf32, #tpu.memory_space<vmem>> -> memref<1x8x8x129xf32, #tpu.memory_space<vmem>>
        %scatter3A_923 = tpu.memref_squeeze %scatter3A_922 : memref<1x8x8x129xf32, #tpu.memory_space<vmem>> -> memref<8x8x129xf32, #tpu.memory_space<vmem>>
        tpu.vector_store_idx %scatter3A_923[%select_n3A_142, %select_n3A_164, %broadcast_in_dim3A_860], %mul3A_917 : memref<8x8x129xf32, #tpu.memory_space<vmem>>[vector<16xi32>, vector<16xi32>, vector<16xi32>], vector<16xf32>,
        %shift_left3A_924 = arith.shli %broadcast_in_dim3A_866, %sub3A_224 : vector<16xi32>
        %bitcast_convert_type3A_925 = tpu.bitcast %shift_left3A_924 : vector<16xi32> -> vector<16xi32>
        %shift_right_arithmetic3A_926 = arith.constant 31 : i32
        %shift_right_arithmetic3A_927 = vector.broadcast %shift_right_arithmetic3A_926 : i32 to vector<16xi32>
        %shift_right_arithmetic3A_928 = arith.shrsi %bitcast_convert_type3A_925, %shift_right_arithmetic3A_927 : vector<16xi32>
        %and3A_929 = arith.andi %shift_right_arithmetic3A_928, %broadcast_in_dim3A_225 : vector<16xi32>
        %bitcast_convert_type3A_930 = tpu.bitcast %and3A_929 : vector<16xi32> -> vector<16xf32>
        %get3A_931 = arith.constant 0 : i32
        %get3A_932 = arith.index_cast %get3A_931 : i32 to index
        %get3A_933 = arith.index_cast %add3A_859 : i32 to index
        %get3A_934 = arith.constant 48 : index
        %get3A_935 = tpu.vector_load %arg7[%get3A_932, %get3A_933, %get3A_934] {strides = array<i32>} : memref<2x128x64xf32, #tpu.memory_space<vmem>>, vector<16xf32>,
        %mul3A_936 = arith.mulf %get3A_935, %bitcast_convert_type3A_930 : vector<16xf32>
        %scatter3A_937 = arith.constant 0 : i32
        %scatter3A_938 = arith.constant 0 : i32
        %scatter3A_939 = arith.constant 0 : i32
        %scatter3A_940 = arith.constant 0 : i32
        %scatter3A_941 = tpu.memref_slice %arg9[%scatter3A_937, %scatter3A_938, %scatter3A_939, %scatter3A_940] : memref<2x8x8x129xf32, #tpu.memory_space<vmem>> -> memref<1x8x8x129xf32, #tpu.memory_space<vmem>>
        %scatter3A_942 = tpu.memref_squeeze %scatter3A_941 : memref<1x8x8x129xf32, #tpu.memory_space<vmem>> -> memref<8x8x129xf32, #tpu.memory_space<vmem>>
        tpu.vector_store_idx %scatter3A_942[%select_n3A_195, %select_n3A_217, %broadcast_in_dim3A_860], %mul3A_936 : memref<8x8x129xf32, #tpu.memory_space<vmem>>[vector<16xi32>, vector<16xi32>, vector<16xi32>], vector<16xf32>,
        %mul3A_943 = arith.constant 8 : i32
        %mul3A_944 = arith.muli %scan3A_641, %mul3A_943 : i32
        %add3A_945 = arith.constant 3 : i32
        %add3A_946 = arith.addi %mul3A_944, %add3A_945 : i32
        %broadcast_in_dim3A_947 = vector.broadcast %add3A_946 : i32 to vector<16xi32>
        %slice3A_948 = vector.extract_strided_slice %get3A_687 {offsets = [6], sizes = [1], strides = [1]} : vector<16xi32> to vector<1xi32>
        %squeeze3A_949 = vector.extract %slice3A_948[0] : i32 from vector<1xi32>
        %broadcast_in_dim3A_950 = vector.broadcast %squeeze3A_949 : i32 to vector<16xi32>
        %slice3A_951 = vector.extract_strided_slice %get3A_687 {offsets = [7], sizes = [1], strides = [1]} : vector<16xi32> to vector<1xi32>
        %squeeze3A_952 = vector.extract %slice3A_951[0] : i32 from vector<1xi32>
        %broadcast_in_dim3A_953 = vector.broadcast %squeeze3A_952 : i32 to vector<16xi32>
        %shift_left3A_954 = arith.shli %broadcast_in_dim3A_950, %sub3A_221 : vector<16xi32>
        %bitcast_convert_type3A_955 = tpu.bitcast %shift_left3A_954 : vector<16xi32> -> vector<16xi32>
        %shift_right_arithmetic3A_956 = arith.constant 31 : i32
        %shift_right_arithmetic3A_957 = vector.broadcast %shift_right_arithmetic3A_956 : i32 to vector<16xi32>
        %shift_right_arithmetic3A_958 = arith.shrsi %bitcast_convert_type3A_955, %shift_right_arithmetic3A_957 : vector<16xi32>
        %and3A_959 = arith.andi %shift_right_arithmetic3A_958, %broadcast_in_dim3A_225 : vector<16xi32>
        %bitcast_convert_type3A_960 = tpu.bitcast %and3A_959 : vector<16xi32> -> vector<16xf32>
        %get3A_961 = arith.constant 0 : i32
        %get3A_962 = arith.index_cast %get3A_961 : i32 to index
        %get3A_963 = arith.index_cast %add3A_946 : i32 to index
        %get3A_964 = arith.constant 0 : index
        %get3A_965 = tpu.vector_load %arg7[%get3A_962, %get3A_963, %get3A_964] {strides = array<i32>} : memref<2x128x64xf32, #tpu.memory_space<vmem>>, vector<16xf32>,
        %mul3A_966 = arith.mulf %get3A_965, %bitcast_convert_type3A_960 : vector<16xf32>
        %scatter3A_967 = arith.constant 0 : i32
        %scatter3A_968 = arith.constant 0 : i32
        %scatter3A_969 = arith.constant 0 : i32
        %scatter3A_970 = arith.constant 0 : i32
        %scatter3A_971 = tpu.memref_slice %arg9[%scatter3A_967, %scatter3A_968, %scatter3A_969, %scatter3A_970] : memref<2x8x8x129xf32, #tpu.memory_space<vmem>> -> memref<1x8x8x129xf32, #tpu.memory_space<vmem>>
        %scatter3A_972 = tpu.memref_squeeze %scatter3A_971 : memref<1x8x8x129xf32, #tpu.memory_space<vmem>> -> memref<8x8x129xf32, #tpu.memory_space<vmem>>
        tpu.vector_store_idx %scatter3A_972[%select_n3A, %select_n3A_58, %broadcast_in_dim3A_947], %mul3A_966 : memref<8x8x129xf32, #tpu.memory_space<vmem>>[vector<16xi32>, vector<16xi32>, vector<16xi32>], vector<16xf32>,
        %shift_left3A_973 = arith.shli %broadcast_in_dim3A_950, %sub3A_224 : vector<16xi32>
        %bitcast_convert_type3A_974 = tpu.bitcast %shift_left3A_973 : vector<16xi32> -> vector<16xi32>
        %shift_right_arithmetic3A_975 = arith.constant 31 : i32
        %shift_right_arithmetic3A_976 = vector.broadcast %shift_right_arithmetic3A_975 : i32 to vector<16xi32>
        %shift_right_arithmetic3A_977 = arith.shrsi %bitcast_convert_type3A_974, %shift_right_arithmetic3A_976 : vector<16xi32>
        %and3A_978 = arith.andi %shift_right_arithmetic3A_977, %broadcast_in_dim3A_225 : vector<16xi32>
        %bitcast_convert_type3A_979 = tpu.bitcast %and3A_978 : vector<16xi32> -> vector<16xf32>
        %get3A_980 = arith.constant 0 : i32
        %get3A_981 = arith.index_cast %get3A_980 : i32 to index
        %get3A_982 = arith.index_cast %add3A_946 : i32 to index
        %get3A_983 = arith.constant 16 : index
        %get3A_984 = tpu.vector_load %arg7[%get3A_981, %get3A_982, %get3A_983] {strides = array<i32>} : memref<2x128x64xf32, #tpu.memory_space<vmem>>, vector<16xf32>,
        %mul3A_985 = arith.mulf %get3A_984, %bitcast_convert_type3A_979 : vector<16xf32>
        %scatter3A_986 = arith.constant 0 : i32
        %scatter3A_987 = arith.constant 0 : i32
        %scatter3A_988 = arith.constant 0 : i32
        %scatter3A_989 = arith.constant 0 : i32
        %scatter3A_990 = tpu.memref_slice %arg9[%scatter3A_986, %scatter3A_987, %scatter3A_988, %scatter3A_989] : memref<2x8x8x129xf32, #tpu.memory_space<vmem>> -> memref<1x8x8x129xf32, #tpu.memory_space<vmem>>
        %scatter3A_991 = tpu.memref_squeeze %scatter3A_990 : memref<1x8x8x129xf32, #tpu.memory_space<vmem>> -> memref<8x8x129xf32, #tpu.memory_space<vmem>>
        tpu.vector_store_idx %scatter3A_991[%select_n3A_89, %select_n3A_111, %broadcast_in_dim3A_947], %mul3A_985 : memref<8x8x129xf32, #tpu.memory_space<vmem>>[vector<16xi32>, vector<16xi32>, vector<16xi32>], vector<16xf32>,
        %shift_left3A_992 = arith.shli %broadcast_in_dim3A_953, %sub3A_221 : vector<16xi32>
        %bitcast_convert_type3A_993 = tpu.bitcast %shift_left3A_992 : vector<16xi32> -> vector<16xi32>
        %shift_right_arithmetic3A_994 = arith.constant 31 : i32
        %shift_right_arithmetic3A_995 = vector.broadcast %shift_right_arithmetic3A_994 : i32 to vector<16xi32>
        %shift_right_arithmetic3A_996 = arith.shrsi %bitcast_convert_type3A_993, %shift_right_arithmetic3A_995 : vector<16xi32>
        %and3A_997 = arith.andi %shift_right_arithmetic3A_996, %broadcast_in_dim3A_225 : vector<16xi32>
        %bitcast_convert_type3A_998 = tpu.bitcast %and3A_997 : vector<16xi32> -> vector<16xf32>
        %get3A_999 = arith.constant 0 : i32
        %get3A_1000 = arith.index_cast %get3A_999 : i32 to index
        %get3A_1001 = arith.index_cast %add3A_946 : i32 to index
        %get3A_1002 = arith.constant 32 : index
        %get3A_1003 = tpu.vector_load %arg7[%get3A_1000, %get3A_1001, %get3A_1002] {strides = array<i32>} : memref<2x128x64xf32, #tpu.memory_space<vmem>>, vector<16xf32>,
        %mul3A_1004 = arith.mulf %get3A_1003, %bitcast_convert_type3A_998 : vector<16xf32>
        %scatter3A_1005 = arith.constant 0 : i32
        %scatter3A_1006 = arith.constant 0 : i32
        %scatter3A_1007 = arith.constant 0 : i32
        %scatter3A_1008 = arith.constant 0 : i32
        %scatter3A_1009 = tpu.memref_slice %arg9[%scatter3A_1005, %scatter3A_1006, %scatter3A_1007, %scatter3A_1008] : memref<2x8x8x129xf32, #tpu.memory_space<vmem>> -> memref<1x8x8x129xf32, #tpu.memory_space<vmem>>
        %scatter3A_1010 = tpu.memref_squeeze %scatter3A_1009 : memref<1x8x8x129xf32, #tpu.memory_space<vmem>> -> memref<8x8x129xf32, #tpu.memory_space<vmem>>
        tpu.vector_store_idx %scatter3A_1010[%select_n3A_142, %select_n3A_164, %broadcast_in_dim3A_947], %mul3A_1004 : memref<8x8x129xf32, #tpu.memory_space<vmem>>[vector<16xi32>, vector<16xi32>, vector<16xi32>], vector<16xf32>,
        %shift_left3A_1011 = arith.shli %broadcast_in_dim3A_953, %sub3A_224 : vector<16xi32>
        %bitcast_convert_type3A_1012 = tpu.bitcast %shift_left3A_1011 : vector<16xi32> -> vector<16xi32>
        %shift_right_arithmetic3A_1013 = arith.constant 31 : i32
        %shift_right_arithmetic3A_1014 = vector.broadcast %shift_right_arithmetic3A_1013 : i32 to vector<16xi32>
        %shift_right_arithmetic3A_1015 = arith.shrsi %bitcast_convert_type3A_1012, %shift_right_arithmetic3A_1014 : vector<16xi32>
        %and3A_1016 = arith.andi %shift_right_arithmetic3A_1015, %broadcast_in_dim3A_225 : vector<16xi32>
        %bitcast_convert_type3A_1017 = tpu.bitcast %and3A_1016 : vector<16xi32> -> vector<16xf32>
        %get3A_1018 = arith.constant 0 : i32
        %get3A_1019 = arith.index_cast %get3A_1018 : i32 to index
        %get3A_1020 = arith.index_cast %add3A_946 : i32 to index
        %get3A_1021 = arith.constant 48 : index
        %get3A_1022 = tpu.vector_load %arg7[%get3A_1019, %get3A_1020, %get3A_1021] {strides = array<i32>} : memref<2x128x64xf32, #tpu.memory_space<vmem>>, vector<16xf32>,
        %mul3A_1023 = arith.mulf %get3A_1022, %bitcast_convert_type3A_1017 : vector<16xf32>
        %scatter3A_1024 = arith.constant 0 : i32
        %scatter3A_1025 = arith.constant 0 : i32
        %scatter3A_1026 = arith.constant 0 : i32
        %scatter3A_1027 = arith.constant 0 : i32
        %scatter3A_1028 = tpu.memref_slice %arg9[%scatter3A_1024, %scatter3A_1025, %scatter3A_1026, %scatter3A_1027] : memref<2x8x8x129xf32, #tpu.memory_space<vmem>> -> memref<1x8x8x129xf32, #tpu.memory_space<vmem>>
        %scatter3A_1029 = tpu.memref_squeeze %scatter3A_1028 : memref<1x8x8x129xf32, #tpu.memory_space<vmem>> -> memref<8x8x129xf32, #tpu.memory_space<vmem>>
        tpu.vector_store_idx %scatter3A_1029[%select_n3A_195, %select_n3A_217, %broadcast_in_dim3A_947], %mul3A_1023 : memref<8x8x129xf32, #tpu.memory_space<vmem>>[vector<16xi32>, vector<16xi32>, vector<16xi32>], vector<16xf32>,
        %mul3A_1030 = arith.constant 8 : i32
        %mul3A_1031 = arith.muli %scan3A_641, %mul3A_1030 : i32
        %add3A_1032 = arith.constant 4 : i32
        %add3A_1033 = arith.addi %mul3A_1031, %add3A_1032 : i32
        %broadcast_in_dim3A_1034 = vector.broadcast %add3A_1033 : i32 to vector<16xi32>
        %slice3A_1035 = vector.extract_strided_slice %get3A_687 {offsets = [8], sizes = [1], strides = [1]} : vector<16xi32> to vector<1xi32>
        %squeeze3A_1036 = vector.extract %slice3A_1035[0] : i32 from vector<1xi32>
        %broadcast_in_dim3A_1037 = vector.broadcast %squeeze3A_1036 : i32 to vector<16xi32>
        %slice3A_1038 = vector.extract_strided_slice %get3A_687 {offsets = [9], sizes = [1], strides = [1]} : vector<16xi32> to vector<1xi32>
        %squeeze3A_1039 = vector.extract %slice3A_1038[0] : i32 from vector<1xi32>
        %broadcast_in_dim3A_1040 = vector.broadcast %squeeze3A_1039 : i32 to vector<16xi32>
        %shift_left3A_1041 = arith.shli %broadcast_in_dim3A_1037, %sub3A_221 : vector<16xi32>
        %bitcast_convert_type3A_1042 = tpu.bitcast %shift_left3A_1041 : vector<16xi32> -> vector<16xi32>
        %shift_right_arithmetic3A_1043 = arith.constant 31 : i32
        %shift_right_arithmetic3A_1044 = vector.broadcast %shift_right_arithmetic3A_1043 : i32 to vector<16xi32>
        %shift_right_arithmetic3A_1045 = arith.shrsi %bitcast_convert_type3A_1042, %shift_right_arithmetic3A_1044 : vector<16xi32>
        %and3A_1046 = arith.andi %shift_right_arithmetic3A_1045, %broadcast_in_dim3A_225 : vector<16xi32>
        %bitcast_convert_type3A_1047 = tpu.bitcast %and3A_1046 : vector<16xi32> -> vector<16xf32>
        %get3A_1048 = arith.constant 0 : i32
        %get3A_1049 = arith.index_cast %get3A_1048 : i32 to index
        %get3A_1050 = arith.index_cast %add3A_1033 : i32 to index
        %get3A_1051 = arith.constant 0 : index
        %get3A_1052 = tpu.vector_load %arg7[%get3A_1049, %get3A_1050, %get3A_1051] {strides = array<i32>} : memref<2x128x64xf32, #tpu.memory_space<vmem>>, vector<16xf32>,
        %mul3A_1053 = arith.mulf %get3A_1052, %bitcast_convert_type3A_1047 : vector<16xf32>
        %scatter3A_1054 = arith.constant 0 : i32
        %scatter3A_1055 = arith.constant 0 : i32
        %scatter3A_1056 = arith.constant 0 : i32
        %scatter3A_1057 = arith.constant 0 : i32
        %scatter3A_1058 = tpu.memref_slice %arg9[%scatter3A_1054, %scatter3A_1055, %scatter3A_1056, %scatter3A_1057] : memref<2x8x8x129xf32, #tpu.memory_space<vmem>> -> memref<1x8x8x129xf32, #tpu.memory_space<vmem>>
        %scatter3A_1059 = tpu.memref_squeeze %scatter3A_1058 : memref<1x8x8x129xf32, #tpu.memory_space<vmem>> -> memref<8x8x129xf32, #tpu.memory_space<vmem>>
        tpu.vector_store_idx %scatter3A_1059[%select_n3A, %select_n3A_58, %broadcast_in_dim3A_1034], %mul3A_1053 : memref<8x8x129xf32, #tpu.memory_space<vmem>>[vector<16xi32>, vector<16xi32>, vector<16xi32>], vector<16xf32>,
        %shift_left3A_1060 = arith.shli %broadcast_in_dim3A_1037, %sub3A_224 : vector<16xi32>
        %bitcast_convert_type3A_1061 = tpu.bitcast %shift_left3A_1060 : vector<16xi32> -> vector<16xi32>
        %shift_right_arithmetic3A_1062 = arith.constant 31 : i32
        %shift_right_arithmetic3A_1063 = vector.broadcast %shift_right_arithmetic3A_1062 : i32 to vector<16xi32>
        %shift_right_arithmetic3A_1064 = arith.shrsi %bitcast_convert_type3A_1061, %shift_right_arithmetic3A_1063 : vector<16xi32>
        %and3A_1065 = arith.andi %shift_right_arithmetic3A_1064, %broadcast_in_dim3A_225 : vector<16xi32>
        %bitcast_convert_type3A_1066 = tpu.bitcast %and3A_1065 : vector<16xi32> -> vector<16xf32>
        %get3A_1067 = arith.constant 0 : i32
        %get3A_1068 = arith.index_cast %get3A_1067 : i32 to index
        %get3A_1069 = arith.index_cast %add3A_1033 : i32 to index
        %get3A_1070 = arith.constant 16 : index
        %get3A_1071 = tpu.vector_load %arg7[%get3A_1068, %get3A_1069, %get3A_1070] {strides = array<i32>} : memref<2x128x64xf32, #tpu.memory_space<vmem>>, vector<16xf32>,
        %mul3A_1072 = arith.mulf %get3A_1071, %bitcast_convert_type3A_1066 : vector<16xf32>
        %scatter3A_1073 = arith.constant 0 : i32
        %scatter3A_1074 = arith.constant 0 : i32
        %scatter3A_1075 = arith.constant 0 : i32
        %scatter3A_1076 = arith.constant 0 : i32
        %scatter3A_1077 = tpu.memref_slice %arg9[%scatter3A_1073, %scatter3A_1074, %scatter3A_1075, %scatter3A_1076] : memref<2x8x8x129xf32, #tpu.memory_space<vmem>> -> memref<1x8x8x129xf32, #tpu.memory_space<vmem>>
        %scatter3A_1078 = tpu.memref_squeeze %scatter3A_1077 : memref<1x8x8x129xf32, #tpu.memory_space<vmem>> -> memref<8x8x129xf32, #tpu.memory_space<vmem>>
        tpu.vector_store_idx %scatter3A_1078[%select_n3A_89, %select_n3A_111, %broadcast_in_dim3A_1034], %mul3A_1072 : memref<8x8x129xf32, #tpu.memory_space<vmem>>[vector<16xi32>, vector<16xi32>, vector<16xi32>], vector<16xf32>,
        %shift_left3A_1079 = arith.shli %broadcast_in_dim3A_1040, %sub3A_221 : vector<16xi32>
        %bitcast_convert_type3A_1080 = tpu.bitcast %shift_left3A_1079 : vector<16xi32> -> vector<16xi32>
        %shift_right_arithmetic3A_1081 = arith.constant 31 : i32
        %shift_right_arithmetic3A_1082 = vector.broadcast %shift_right_arithmetic3A_1081 : i32 to vector<16xi32>
        %shift_right_arithmetic3A_1083 = arith.shrsi %bitcast_convert_type3A_1080, %shift_right_arithmetic3A_1082 : vector<16xi32>
        %and3A_1084 = arith.andi %shift_right_arithmetic3A_1083, %broadcast_in_dim3A_225 : vector<16xi32>
        %bitcast_convert_type3A_1085 = tpu.bitcast %and3A_1084 : vector<16xi32> -> vector<16xf32>
        %get3A_1086 = arith.constant 0 : i32
        %get3A_1087 = arith.index_cast %get3A_1086 : i32 to index
        %get3A_1088 = arith.index_cast %add3A_1033 : i32 to index
        %get3A_1089 = arith.constant 32 : index
        %get3A_1090 = tpu.vector_load %arg7[%get3A_1087, %get3A_1088, %get3A_1089] {strides = array<i32>} : memref<2x128x64xf32, #tpu.memory_space<vmem>>, vector<16xf32>,
        %mul3A_1091 = arith.mulf %get3A_1090, %bitcast_convert_type3A_1085 : vector<16xf32>
        %scatter3A_1092 = arith.constant 0 : i32
        %scatter3A_1093 = arith.constant 0 : i32
        %scatter3A_1094 = arith.constant 0 : i32
        %scatter3A_1095 = arith.constant 0 : i32
        %scatter3A_1096 = tpu.memref_slice %arg9[%scatter3A_1092, %scatter3A_1093, %scatter3A_1094, %scatter3A_1095] : memref<2x8x8x129xf32, #tpu.memory_space<vmem>> -> memref<1x8x8x129xf32, #tpu.memory_space<vmem>>
        %scatter3A_1097 = tpu.memref_squeeze %scatter3A_1096 : memref<1x8x8x129xf32, #tpu.memory_space<vmem>> -> memref<8x8x129xf32, #tpu.memory_space<vmem>>
        tpu.vector_store_idx %scatter3A_1097[%select_n3A_142, %select_n3A_164, %broadcast_in_dim3A_1034], %mul3A_1091 : memref<8x8x129xf32, #tpu.memory_space<vmem>>[vector<16xi32>, vector<16xi32>, vector<16xi32>], vector<16xf32>,
        %shift_left3A_1098 = arith.shli %broadcast_in_dim3A_1040, %sub3A_224 : vector<16xi32>
        %bitcast_convert_type3A_1099 = tpu.bitcast %shift_left3A_1098 : vector<16xi32> -> vector<16xi32>
        %shift_right_arithmetic3A_1100 = arith.constant 31 : i32
        %shift_right_arithmetic3A_1101 = vector.broadcast %shift_right_arithmetic3A_1100 : i32 to vector<16xi32>
        %shift_right_arithmetic3A_1102 = arith.shrsi %bitcast_convert_type3A_1099, %shift_right_arithmetic3A_1101 : vector<16xi32>
        %and3A_1103 = arith.andi %shift_right_arithmetic3A_1102, %broadcast_in_dim3A_225 : vector<16xi32>
        %bitcast_convert_type3A_1104 = tpu.bitcast %and3A_1103 : vector<16xi32> -> vector<16xf32>
        %get3A_1105 = arith.constant 0 : i32
        %get3A_1106 = arith.index_cast %get3A_1105 : i32 to index
        %get3A_1107 = arith.index_cast %add3A_1033 : i32 to index
        %get3A_1108 = arith.constant 48 : index
        %get3A_1109 = tpu.vector_load %arg7[%get3A_1106, %get3A_1107, %get3A_1108] {strides = array<i32>} : memref<2x128x64xf32, #tpu.memory_space<vmem>>, vector<16xf32>,
        %mul3A_1110 = arith.mulf %get3A_1109, %bitcast_convert_type3A_1104 : vector<16xf32>
        %scatter3A_1111 = arith.constant 0 : i32
        %scatter3A_1112 = arith.constant 0 : i32
        %scatter3A_1113 = arith.constant 0 : i32
        %scatter3A_1114 = arith.constant 0 : i32
        %scatter3A_1115 = tpu.memref_slice %arg9[%scatter3A_1111, %scatter3A_1112, %scatter3A_1113, %scatter3A_1114] : memref<2x8x8x129xf32, #tpu.memory_space<vmem>> -> memref<1x8x8x129xf32, #tpu.memory_space<vmem>>
        %scatter3A_1116 = tpu.memref_squeeze %scatter3A_1115 : memref<1x8x8x129xf32, #tpu.memory_space<vmem>> -> memref<8x8x129xf32, #tpu.memory_space<vmem>>
        tpu.vector_store_idx %scatter3A_1116[%select_n3A_195, %select_n3A_217, %broadcast_in_dim3A_1034], %mul3A_1110 : memref<8x8x129xf32, #tpu.memory_space<vmem>>[vector<16xi32>, vector<16xi32>, vector<16xi32>], vector<16xf32>,
        %mul3A_1117 = arith.constant 8 : i32
        %mul3A_1118 = arith.muli %scan3A_641, %mul3A_1117 : i32
        %add3A_1119 = arith.constant 5 : i32
        %add3A_1120 = arith.addi %mul3A_1118, %add3A_1119 : i32
        %broadcast_in_dim3A_1121 = vector.broadcast %add3A_1120 : i32 to vector<16xi32>
        %slice3A_1122 = vector.extract_strided_slice %get3A_687 {offsets = [10], sizes = [1], strides = [1]} : vector<16xi32> to vector<1xi32>
        %squeeze3A_1123 = vector.extract %slice3A_1122[0] : i32 from vector<1xi32>
        %broadcast_in_dim3A_1124 = vector.broadcast %squeeze3A_1123 : i32 to vector<16xi32>
        %slice3A_1125 = vector.extract_strided_slice %get3A_687 {offsets = [11], sizes = [1], strides = [1]} : vector<16xi32> to vector<1xi32>
        %squeeze3A_1126 = vector.extract %slice3A_1125[0] : i32 from vector<1xi32>
        %broadcast_in_dim3A_1127 = vector.broadcast %squeeze3A_1126 : i32 to vector<16xi32>
        %shift_left3A_1128 = arith.shli %broadcast_in_dim3A_1124, %sub3A_221 : vector<16xi32>
        %bitcast_convert_type3A_1129 = tpu.bitcast %shift_left3A_1128 : vector<16xi32> -> vector<16xi32>
        %shift_right_arithmetic3A_1130 = arith.constant 31 : i32
        %shift_right_arithmetic3A_1131 = vector.broadcast %shift_right_arithmetic3A_1130 : i32 to vector<16xi32>
        %shift_right_arithmetic3A_1132 = arith.shrsi %bitcast_convert_type3A_1129, %shift_right_arithmetic3A_1131 : vector<16xi32>
        %and3A_1133 = arith.andi %shift_right_arithmetic3A_1132, %broadcast_in_dim3A_225 : vector<16xi32>
        %bitcast_convert_type3A_1134 = tpu.bitcast %and3A_1133 : vector<16xi32> -> vector<16xf32>
        %get3A_1135 = arith.constant 0 : i32
        %get3A_1136 = arith.index_cast %get3A_1135 : i32 to index
        %get3A_1137 = arith.index_cast %add3A_1120 : i32 to index
        %get3A_1138 = arith.constant 0 : index
        %get3A_1139 = tpu.vector_load %arg7[%get3A_1136, %get3A_1137, %get3A_1138] {strides = array<i32>} : memref<2x128x64xf32, #tpu.memory_space<vmem>>, vector<16xf32>,
        %mul3A_1140 = arith.mulf %get3A_1139, %bitcast_convert_type3A_1134 : vector<16xf32>
        %scatter3A_1141 = arith.constant 0 : i32
        %scatter3A_1142 = arith.constant 0 : i32
        %scatter3A_1143 = arith.constant 0 : i32
        %scatter3A_1144 = arith.constant 0 : i32
        %scatter3A_1145 = tpu.memref_slice %arg9[%scatter3A_1141, %scatter3A_1142, %scatter3A_1143, %scatter3A_1144] : memref<2x8x8x129xf32, #tpu.memory_space<vmem>> -> memref<1x8x8x129xf32, #tpu.memory_space<vmem>>
        %scatter3A_1146 = tpu.memref_squeeze %scatter3A_1145 : memref<1x8x8x129xf32, #tpu.memory_space<vmem>> -> memref<8x8x129xf32, #tpu.memory_space<vmem>>
        tpu.vector_store_idx %scatter3A_1146[%select_n3A, %select_n3A_58, %broadcast_in_dim3A_1121], %mul3A_1140 : memref<8x8x129xf32, #tpu.memory_space<vmem>>[vector<16xi32>, vector<16xi32>, vector<16xi32>], vector<16xf32>,
        %shift_left3A_1147 = arith.shli %broadcast_in_dim3A_1124, %sub3A_224 : vector<16xi32>
        %bitcast_convert_type3A_1148 = tpu.bitcast %shift_left3A_1147 : vector<16xi32> -> vector<16xi32>
        %shift_right_arithmetic3A_1149 = arith.constant 31 : i32
        %shift_right_arithmetic3A_1150 = vector.broadcast %shift_right_arithmetic3A_1149 : i32 to vector<16xi32>
        %shift_right_arithmetic3A_1151 = arith.shrsi %bitcast_convert_type3A_1148, %shift_right_arithmetic3A_1150 : vector<16xi32>
        %and3A_1152 = arith.andi %shift_right_arithmetic3A_1151, %broadcast_in_dim3A_225 : vector<16xi32>
        %bitcast_convert_type3A_1153 = tpu.bitcast %and3A_1152 : vector<16xi32> -> vector<16xf32>
        %get3A_1154 = arith.constant 0 : i32
        %get3A_1155 = arith.index_cast %get3A_1154 : i32 to index
        %get3A_1156 = arith.index_cast %add3A_1120 : i32 to index
        %get3A_1157 = arith.constant 16 : index
        %get3A_1158 = tpu.vector_load %arg7[%get3A_1155, %get3A_1156, %get3A_1157] {strides = array<i32>} : memref<2x128x64xf32, #tpu.memory_space<vmem>>, vector<16xf32>,
        %mul3A_1159 = arith.mulf %get3A_1158, %bitcast_convert_type3A_1153 : vector<16xf32>
        %scatter3A_1160 = arith.constant 0 : i32
        %scatter3A_1161 = arith.constant 0 : i32
        %scatter3A_1162 = arith.constant 0 : i32
        %scatter3A_1163 = arith.constant 0 : i32
        %scatter3A_1164 = tpu.memref_slice %arg9[%scatter3A_1160, %scatter3A_1161, %scatter3A_1162, %scatter3A_1163] : memref<2x8x8x129xf32, #tpu.memory_space<vmem>> -> memref<1x8x8x129xf32, #tpu.memory_space<vmem>>
        %scatter3A_1165 = tpu.memref_squeeze %scatter3A_1164 : memref<1x8x8x129xf32, #tpu.memory_space<vmem>> -> memref<8x8x129xf32, #tpu.memory_space<vmem>>
        tpu.vector_store_idx %scatter3A_1165[%select_n3A_89, %select_n3A_111, %broadcast_in_dim3A_1121], %mul3A_1159 : memref<8x8x129xf32, #tpu.memory_space<vmem>>[vector<16xi32>, vector<16xi32>, vector<16xi32>], vector<16xf32>,
        %shift_left3A_1166 = arith.shli %broadcast_in_dim3A_1127, %sub3A_221 : vector<16xi32>
        %bitcast_convert_type3A_1167 = tpu.bitcast %shift_left3A_1166 : vector<16xi32> -> vector<16xi32>
        %shift_right_arithmetic3A_1168 = arith.constant 31 : i32
        %shift_right_arithmetic3A_1169 = vector.broadcast %shift_right_arithmetic3A_1168 : i32 to vector<16xi32>
        %shift_right_arithmetic3A_1170 = arith.shrsi %bitcast_convert_type3A_1167, %shift_right_arithmetic3A_1169 : vector<16xi32>
        %and3A_1171 = arith.andi %shift_right_arithmetic3A_1170, %broadcast_in_dim3A_225 : vector<16xi32>
        %bitcast_convert_type3A_1172 = tpu.bitcast %and3A_1171 : vector<16xi32> -> vector<16xf32>
        %get3A_1173 = arith.constant 0 : i32
        %get3A_1174 = arith.index_cast %get3A_1173 : i32 to index
        %get3A_1175 = arith.index_cast %add3A_1120 : i32 to index
        %get3A_1176 = arith.constant 32 : index
        %get3A_1177 = tpu.vector_load %arg7[%get3A_1174, %get3A_1175, %get3A_1176] {strides = array<i32>} : memref<2x128x64xf32, #tpu.memory_space<vmem>>, vector<16xf32>,
        %mul3A_1178 = arith.mulf %get3A_1177, %bitcast_convert_type3A_1172 : vector<16xf32>
        %scatter3A_1179 = arith.constant 0 : i32
        %scatter3A_1180 = arith.constant 0 : i32
        %scatter3A_1181 = arith.constant 0 : i32
        %scatter3A_1182 = arith.constant 0 : i32
        %scatter3A_1183 = tpu.memref_slice %arg9[%scatter3A_1179, %scatter3A_1180, %scatter3A_1181, %scatter3A_1182] : memref<2x8x8x129xf32, #tpu.memory_space<vmem>> -> memref<1x8x8x129xf32, #tpu.memory_space<vmem>>
        %scatter3A_1184 = tpu.memref_squeeze %scatter3A_1183 : memref<1x8x8x129xf32, #tpu.memory_space<vmem>> -> memref<8x8x129xf32, #tpu.memory_space<vmem>>
        tpu.vector_store_idx %scatter3A_1184[%select_n3A_142, %select_n3A_164, %broadcast_in_dim3A_1121], %mul3A_1178 : memref<8x8x129xf32, #tpu.memory_space<vmem>>[vector<16xi32>, vector<16xi32>, vector<16xi32>], vector<16xf32>,
        %shift_left3A_1185 = arith.shli %broadcast_in_dim3A_1127, %sub3A_224 : vector<16xi32>
        %bitcast_convert_type3A_1186 = tpu.bitcast %shift_left3A_1185 : vector<16xi32> -> vector<16xi32>
        %shift_right_arithmetic3A_1187 = arith.constant 31 : i32
        %shift_right_arithmetic3A_1188 = vector.broadcast %shift_right_arithmetic3A_1187 : i32 to vector<16xi32>
        %shift_right_arithmetic3A_1189 = arith.shrsi %bitcast_convert_type3A_1186, %shift_right_arithmetic3A_1188 : vector<16xi32>
        %and3A_1190 = arith.andi %shift_right_arithmetic3A_1189, %broadcast_in_dim3A_225 : vector<16xi32>
        %bitcast_convert_type3A_1191 = tpu.bitcast %and3A_1190 : vector<16xi32> -> vector<16xf32>
        %get3A_1192 = arith.constant 0 : i32
        %get3A_1193 = arith.index_cast %get3A_1192 : i32 to index
        %get3A_1194 = arith.index_cast %add3A_1120 : i32 to index
        %get3A_1195 = arith.constant 48 : index
        %get3A_1196 = tpu.vector_load %arg7[%get3A_1193, %get3A_1194, %get3A_1195] {strides = array<i32>} : memref<2x128x64xf32, #tpu.memory_space<vmem>>, vector<16xf32>,
        %mul3A_1197 = arith.mulf %get3A_1196, %bitcast_convert_type3A_1191 : vector<16xf32>
        %scatter3A_1198 = arith.constant 0 : i32
        %scatter3A_1199 = arith.constant 0 : i32
        %scatter3A_1200 = arith.constant 0 : i32
        %scatter3A_1201 = arith.constant 0 : i32
        %scatter3A_1202 = tpu.memref_slice %arg9[%scatter3A_1198, %scatter3A_1199, %scatter3A_1200, %scatter3A_1201] : memref<2x8x8x129xf32, #tpu.memory_space<vmem>> -> memref<1x8x8x129xf32, #tpu.memory_space<vmem>>
        %scatter3A_1203 = tpu.memref_squeeze %scatter3A_1202 : memref<1x8x8x129xf32, #tpu.memory_space<vmem>> -> memref<8x8x129xf32, #tpu.memory_space<vmem>>
        tpu.vector_store_idx %scatter3A_1203[%select_n3A_195, %select_n3A_217, %broadcast_in_dim3A_1121], %mul3A_1197 : memref<8x8x129xf32, #tpu.memory_space<vmem>>[vector<16xi32>, vector<16xi32>, vector<16xi32>], vector<16xf32>,
        %mul3A_1204 = arith.constant 8 : i32
        %mul3A_1205 = arith.muli %scan3A_641, %mul3A_1204 : i32
        %add3A_1206 = arith.constant 6 : i32
        %add3A_1207 = arith.addi %mul3A_1205, %add3A_1206 : i32
        %broadcast_in_dim3A_1208 = vector.broadcast %add3A_1207 : i32 to vector<16xi32>
        %slice3A_1209 = vector.extract_strided_slice %get3A_687 {offsets = [12], sizes = [1], strides = [1]} : vector<16xi32> to vector<1xi32>
        %squeeze3A_1210 = vector.extract %slice3A_1209[0] : i32 from vector<1xi32>
        %broadcast_in_dim3A_1211 = vector.broadcast %squeeze3A_1210 : i32 to vector<16xi32>
        %slice3A_1212 = vector.extract_strided_slice %get3A_687 {offsets = [13], sizes = [1], strides = [1]} : vector<16xi32> to vector<1xi32>
        %squeeze3A_1213 = vector.extract %slice3A_1212[0] : i32 from vector<1xi32>
        %broadcast_in_dim3A_1214 = vector.broadcast %squeeze3A_1213 : i32 to vector<16xi32>
        %shift_left3A_1215 = arith.shli %broadcast_in_dim3A_1211, %sub3A_221 : vector<16xi32>
        %bitcast_convert_type3A_1216 = tpu.bitcast %shift_left3A_1215 : vector<16xi32> -> vector<16xi32>
        %shift_right_arithmetic3A_1217 = arith.constant 31 : i32
        %shift_right_arithmetic3A_1218 = vector.broadcast %shift_right_arithmetic3A_1217 : i32 to vector<16xi32>
        %shift_right_arithmetic3A_1219 = arith.shrsi %bitcast_convert_type3A_1216, %shift_right_arithmetic3A_1218 : vector<16xi32>
        %and3A_1220 = arith.andi %shift_right_arithmetic3A_1219, %broadcast_in_dim3A_225 : vector<16xi32>
        %bitcast_convert_type3A_1221 = tpu.bitcast %and3A_1220 : vector<16xi32> -> vector<16xf32>
        %get3A_1222 = arith.constant 0 : i32
        %get3A_1223 = arith.index_cast %get3A_1222 : i32 to index
        %get3A_1224 = arith.index_cast %add3A_1207 : i32 to index
        %get3A_1225 = arith.constant 0 : index
        %get3A_1226 = tpu.vector_load %arg7[%get3A_1223, %get3A_1224, %get3A_1225] {strides = array<i32>} : memref<2x128x64xf32, #tpu.memory_space<vmem>>, vector<16xf32>,
        %mul3A_1227 = arith.mulf %get3A_1226, %bitcast_convert_type3A_1221 : vector<16xf32>
        %scatter3A_1228 = arith.constant 0 : i32
        %scatter3A_1229 = arith.constant 0 : i32
        %scatter3A_1230 = arith.constant 0 : i32
        %scatter3A_1231 = arith.constant 0 : i32
        %scatter3A_1232 = tpu.memref_slice %arg9[%scatter3A_1228, %scatter3A_1229, %scatter3A_1230, %scatter3A_1231] : memref<2x8x8x129xf32, #tpu.memory_space<vmem>> -> memref<1x8x8x129xf32, #tpu.memory_space<vmem>>
        %scatter3A_1233 = tpu.memref_squeeze %scatter3A_1232 : memref<1x8x8x129xf32, #tpu.memory_space<vmem>> -> memref<8x8x129xf32, #tpu.memory_space<vmem>>
        tpu.vector_store_idx %scatter3A_1233[%select_n3A, %select_n3A_58, %broadcast_in_dim3A_1208], %mul3A_1227 : memref<8x8x129xf32, #tpu.memory_space<vmem>>[vector<16xi32>, vector<16xi32>, vector<16xi32>], vector<16xf32>,
        %shift_left3A_1234 = arith.shli %broadcast_in_dim3A_1211, %sub3A_224 : vector<16xi32>
        %bitcast_convert_type3A_1235 = tpu.bitcast %shift_left3A_1234 : vector<16xi32> -> vector<16xi32>
        %shift_right_arithmetic3A_1236 = arith.constant 31 : i32
        %shift_right_arithmetic3A_1237 = vector.broadcast %shift_right_arithmetic3A_1236 : i32 to vector<16xi32>
        %shift_right_arithmetic3A_1238 = arith.shrsi %bitcast_convert_type3A_1235, %shift_right_arithmetic3A_1237 : vector<16xi32>
        %and3A_1239 = arith.andi %shift_right_arithmetic3A_1238, %broadcast_in_dim3A_225 : vector<16xi32>
        %bitcast_convert_type3A_1240 = tpu.bitcast %and3A_1239 : vector<16xi32> -> vector<16xf32>
        %get3A_1241 = arith.constant 0 : i32
        %get3A_1242 = arith.index_cast %get3A_1241 : i32 to index
        %get3A_1243 = arith.index_cast %add3A_1207 : i32 to index
        %get3A_1244 = arith.constant 16 : index
        %get3A_1245 = tpu.vector_load %arg7[%get3A_1242, %get3A_1243, %get3A_1244] {strides = array<i32>} : memref<2x128x64xf32, #tpu.memory_space<vmem>>, vector<16xf32>,
        %mul3A_1246 = arith.mulf %get3A_1245, %bitcast_convert_type3A_1240 : vector<16xf32>
        %scatter3A_1247 = arith.constant 0 : i32
        %scatter3A_1248 = arith.constant 0 : i32
        %scatter3A_1249 = arith.constant 0 : i32
        %scatter3A_1250 = arith.constant 0 : i32
        %scatter3A_1251 = tpu.memref_slice %arg9[%scatter3A_1247, %scatter3A_1248, %scatter3A_1249, %scatter3A_1250] : memref<2x8x8x129xf32, #tpu.memory_space<vmem>> -> memref<1x8x8x129xf32, #tpu.memory_space<vmem>>
        %scatter3A_1252 = tpu.memref_squeeze %scatter3A_1251 : memref<1x8x8x129xf32, #tpu.memory_space<vmem>> -> memref<8x8x129xf32, #tpu.memory_space<vmem>>
        tpu.vector_store_idx %scatter3A_1252[%select_n3A_89, %select_n3A_111, %broadcast_in_dim3A_1208], %mul3A_1246 : memref<8x8x129xf32, #tpu.memory_space<vmem>>[vector<16xi32>, vector<16xi32>, vector<16xi32>], vector<16xf32>,
        %shift_left3A_1253 = arith.shli %broadcast_in_dim3A_1214, %sub3A_221 : vector<16xi32>
        %bitcast_convert_type3A_1254 = tpu.bitcast %shift_left3A_1253 : vector<16xi32> -> vector<16xi32>
        %shift_right_arithmetic3A_1255 = arith.constant 31 : i32
        %shift_right_arithmetic3A_1256 = vector.broadcast %shift_right_arithmetic3A_1255 : i32 to vector<16xi32>
        %shift_right_arithmetic3A_1257 = arith.shrsi %bitcast_convert_type3A_1254, %shift_right_arithmetic3A_1256 : vector<16xi32>
        %and3A_1258 = arith.andi %shift_right_arithmetic3A_1257, %broadcast_in_dim3A_225 : vector<16xi32>
        %bitcast_convert_type3A_1259 = tpu.bitcast %and3A_1258 : vector<16xi32> -> vector<16xf32>
        %get3A_1260 = arith.constant 0 : i32
        %get3A_1261 = arith.index_cast %get3A_1260 : i32 to index
        %get3A_1262 = arith.index_cast %add3A_1207 : i32 to index
        %get3A_1263 = arith.constant 32 : index
        %get3A_1264 = tpu.vector_load %arg7[%get3A_1261, %get3A_1262, %get3A_1263] {strides = array<i32>} : memref<2x128x64xf32, #tpu.memory_space<vmem>>, vector<16xf32>,
        %mul3A_1265 = arith.mulf %get3A_1264, %bitcast_convert_type3A_1259 : vector<16xf32>
        %scatter3A_1266 = arith.constant 0 : i32
        %scatter3A_1267 = arith.constant 0 : i32
        %scatter3A_1268 = arith.constant 0 : i32
        %scatter3A_1269 = arith.constant 0 : i32
        %scatter3A_1270 = tpu.memref_slice %arg9[%scatter3A_1266, %scatter3A_1267, %scatter3A_1268, %scatter3A_1269] : memref<2x8x8x129xf32, #tpu.memory_space<vmem>> -> memref<1x8x8x129xf32, #tpu.memory_space<vmem>>
        %scatter3A_1271 = tpu.memref_squeeze %scatter3A_1270 : memref<1x8x8x129xf32, #tpu.memory_space<vmem>> -> memref<8x8x129xf32, #tpu.memory_space<vmem>>
        tpu.vector_store_idx %scatter3A_1271[%select_n3A_142, %select_n3A_164, %broadcast_in_dim3A_1208], %mul3A_1265 : memref<8x8x129xf32, #tpu.memory_space<vmem>>[vector<16xi32>, vector<16xi32>, vector<16xi32>], vector<16xf32>,
        %shift_left3A_1272 = arith.shli %broadcast_in_dim3A_1214, %sub3A_224 : vector<16xi32>
        %bitcast_convert_type3A_1273 = tpu.bitcast %shift_left3A_1272 : vector<16xi32> -> vector<16xi32>
        %shift_right_arithmetic3A_1274 = arith.constant 31 : i32
        %shift_right_arithmetic3A_1275 = vector.broadcast %shift_right_arithmetic3A_1274 : i32 to vector<16xi32>
        %shift_right_arithmetic3A_1276 = arith.shrsi %bitcast_convert_type3A_1273, %shift_right_arithmetic3A_1275 : vector<16xi32>
        %and3A_1277 = arith.andi %shift_right_arithmetic3A_1276, %broadcast_in_dim3A_225 : vector<16xi32>
        %bitcast_convert_type3A_1278 = tpu.bitcast %and3A_1277 : vector<16xi32> -> vector<16xf32>
        %get3A_1279 = arith.constant 0 : i32
        %get3A_1280 = arith.index_cast %get3A_1279 : i32 to index
        %get3A_1281 = arith.index_cast %add3A_1207 : i32 to index
        %get3A_1282 = arith.constant 48 : index
        %get3A_1283 = tpu.vector_load %arg7[%get3A_1280, %get3A_1281, %get3A_1282] {strides = array<i32>} : memref<2x128x64xf32, #tpu.memory_space<vmem>>, vector<16xf32>,
        %mul3A_1284 = arith.mulf %get3A_1283, %bitcast_convert_type3A_1278 : vector<16xf32>
        %scatter3A_1285 = arith.constant 0 : i32
        %scatter3A_1286 = arith.constant 0 : i32
        %scatter3A_1287 = arith.constant 0 : i32
        %scatter3A_1288 = arith.constant 0 : i32
        %scatter3A_1289 = tpu.memref_slice %arg9[%scatter3A_1285, %scatter3A_1286, %scatter3A_1287, %scatter3A_1288] : memref<2x8x8x129xf32, #tpu.memory_space<vmem>> -> memref<1x8x8x129xf32, #tpu.memory_space<vmem>>
        %scatter3A_1290 = tpu.memref_squeeze %scatter3A_1289 : memref<1x8x8x129xf32, #tpu.memory_space<vmem>> -> memref<8x8x129xf32, #tpu.memory_space<vmem>>
        tpu.vector_store_idx %scatter3A_1290[%select_n3A_195, %select_n3A_217, %broadcast_in_dim3A_1208], %mul3A_1284 : memref<8x8x129xf32, #tpu.memory_space<vmem>>[vector<16xi32>, vector<16xi32>, vector<16xi32>], vector<16xf32>,
        %mul3A_1291 = arith.constant 8 : i32
        %mul3A_1292 = arith.muli %scan3A_641, %mul3A_1291 : i32
        %add3A_1293 = arith.constant 7 : i32
        %add3A_1294 = arith.addi %mul3A_1292, %add3A_1293 : i32
        %broadcast_in_dim3A_1295 = vector.broadcast %add3A_1294 : i32 to vector<16xi32>
        %slice3A_1296 = vector.extract_strided_slice %get3A_687 {offsets = [14], sizes = [1], strides = [1]} : vector<16xi32> to vector<1xi32>
        %squeeze3A_1297 = vector.extract %slice3A_1296[0] : i32 from vector<1xi32>
        %broadcast_in_dim3A_1298 = vector.broadcast %squeeze3A_1297 : i32 to vector<16xi32>
        %slice3A_1299 = vector.extract_strided_slice %get3A_687 {offsets = [15], sizes = [1], strides = [1]} : vector<16xi32> to vector<1xi32>
        %squeeze3A_1300 = vector.extract %slice3A_1299[0] : i32 from vector<1xi32>
        %broadcast_in_dim3A_1301 = vector.broadcast %squeeze3A_1300 : i32 to vector<16xi32>
        %shift_left3A_1302 = arith.shli %broadcast_in_dim3A_1298, %sub3A_221 : vector<16xi32>
        %bitcast_convert_type3A_1303 = tpu.bitcast %shift_left3A_1302 : vector<16xi32> -> vector<16xi32>
        %shift_right_arithmetic3A_1304 = arith.constant 31 : i32
        %shift_right_arithmetic3A_1305 = vector.broadcast %shift_right_arithmetic3A_1304 : i32 to vector<16xi32>
        %shift_right_arithmetic3A_1306 = arith.shrsi %bitcast_convert_type3A_1303, %shift_right_arithmetic3A_1305 : vector<16xi32>
        %and3A_1307 = arith.andi %shift_right_arithmetic3A_1306, %broadcast_in_dim3A_225 : vector<16xi32>
        %bitcast_convert_type3A_1308 = tpu.bitcast %and3A_1307 : vector<16xi32> -> vector<16xf32>
        %get3A_1309 = arith.constant 0 : i32
        %get3A_1310 = arith.index_cast %get3A_1309 : i32 to index
        %get3A_1311 = arith.index_cast %add3A_1294 : i32 to index
        %get3A_1312 = arith.constant 0 : index
        %get3A_1313 = tpu.vector_load %arg7[%get3A_1310, %get3A_1311, %get3A_1312] {strides = array<i32>} : memref<2x128x64xf32, #tpu.memory_space<vmem>>, vector<16xf32>,
        %mul3A_1314 = arith.mulf %get3A_1313, %bitcast_convert_type3A_1308 : vector<16xf32>
        %scatter3A_1315 = arith.constant 0 : i32
        %scatter3A_1316 = arith.constant 0 : i32
        %scatter3A_1317 = arith.constant 0 : i32
        %scatter3A_1318 = arith.constant 0 : i32
        %scatter3A_1319 = tpu.memref_slice %arg9[%scatter3A_1315, %scatter3A_1316, %scatter3A_1317, %scatter3A_1318] : memref<2x8x8x129xf32, #tpu.memory_space<vmem>> -> memref<1x8x8x129xf32, #tpu.memory_space<vmem>>
        %scatter3A_1320 = tpu.memref_squeeze %scatter3A_1319 : memref<1x8x8x129xf32, #tpu.memory_space<vmem>> -> memref<8x8x129xf32, #tpu.memory_space<vmem>>
        tpu.vector_store_idx %scatter3A_1320[%select_n3A, %select_n3A_58, %broadcast_in_dim3A_1295], %mul3A_1314 : memref<8x8x129xf32, #tpu.memory_space<vmem>>[vector<16xi32>, vector<16xi32>, vector<16xi32>], vector<16xf32>,
        %shift_left3A_1321 = arith.shli %broadcast_in_dim3A_1298, %sub3A_224 : vector<16xi32>
        %bitcast_convert_type3A_1322 = tpu.bitcast %shift_left3A_1321 : vector<16xi32> -> vector<16xi32>
        %shift_right_arithmetic3A_1323 = arith.constant 31 : i32
        %shift_right_arithmetic3A_1324 = vector.broadcast %shift_right_arithmetic3A_1323 : i32 to vector<16xi32>
        %shift_right_arithmetic3A_1325 = arith.shrsi %bitcast_convert_type3A_1322, %shift_right_arithmetic3A_1324 : vector<16xi32>
        %and3A_1326 = arith.andi %shift_right_arithmetic3A_1325, %broadcast_in_dim3A_225 : vector<16xi32>
        %bitcast_convert_type3A_1327 = tpu.bitcast %and3A_1326 : vector<16xi32> -> vector<16xf32>
        %get3A_1328 = arith.constant 0 : i32
        %get3A_1329 = arith.index_cast %get3A_1328 : i32 to index
        %get3A_1330 = arith.index_cast %add3A_1294 : i32 to index
        %get3A_1331 = arith.constant 16 : index
        %get3A_1332 = tpu.vector_load %arg7[%get3A_1329, %get3A_1330, %get3A_1331] {strides = array<i32>} : memref<2x128x64xf32, #tpu.memory_space<vmem>>, vector<16xf32>,
        %mul3A_1333 = arith.mulf %get3A_1332, %bitcast_convert_type3A_1327 : vector<16xf32>
        %scatter3A_1334 = arith.constant 0 : i32
        %scatter3A_1335 = arith.constant 0 : i32
        %scatter3A_1336 = arith.constant 0 : i32
        %scatter3A_1337 = arith.constant 0 : i32
        %scatter3A_1338 = tpu.memref_slice %arg9[%scatter3A_1334, %scatter3A_1335, %scatter3A_1336, %scatter3A_1337] : memref<2x8x8x129xf32, #tpu.memory_space<vmem>> -> memref<1x8x8x129xf32, #tpu.memory_space<vmem>>
        %scatter3A_1339 = tpu.memref_squeeze %scatter3A_1338 : memref<1x8x8x129xf32, #tpu.memory_space<vmem>> -> memref<8x8x129xf32, #tpu.memory_space<vmem>>
        tpu.vector_store_idx %scatter3A_1339[%select_n3A_89, %select_n3A_111, %broadcast_in_dim3A_1295], %mul3A_1333 : memref<8x8x129xf32, #tpu.memory_space<vmem>>[vector<16xi32>, vector<16xi32>, vector<16xi32>], vector<16xf32>,
        %shift_left3A_1340 = arith.shli %broadcast_in_dim3A_1301, %sub3A_221 : vector<16xi32>
        %bitcast_convert_type3A_1341 = tpu.bitcast %shift_left3A_1340 : vector<16xi32> -> vector<16xi32>
        %shift_right_arithmetic3A_1342 = arith.constant 31 : i32
        %shift_right_arithmetic3A_1343 = vector.broadcast %shift_right_arithmetic3A_1342 : i32 to vector<16xi32>
        %shift_right_arithmetic3A_1344 = arith.shrsi %bitcast_convert_type3A_1341, %shift_right_arithmetic3A_1343 : vector<16xi32>
        %and3A_1345 = arith.andi %shift_right_arithmetic3A_1344, %broadcast_in_dim3A_225 : vector<16xi32>
        %bitcast_convert_type3A_1346 = tpu.bitcast %and3A_1345 : vector<16xi32> -> vector<16xf32>
        %get3A_1347 = arith.constant 0 : i32
        %get3A_1348 = arith.index_cast %get3A_1347 : i32 to index
        %get3A_1349 = arith.index_cast %add3A_1294 : i32 to index
        %get3A_1350 = arith.constant 32 : index
        %get3A_1351 = tpu.vector_load %arg7[%get3A_1348, %get3A_1349, %get3A_1350] {strides = array<i32>} : memref<2x128x64xf32, #tpu.memory_space<vmem>>, vector<16xf32>,
        %mul3A_1352 = arith.mulf %get3A_1351, %bitcast_convert_type3A_1346 : vector<16xf32>
        %scatter3A_1353 = arith.constant 0 : i32
        %scatter3A_1354 = arith.constant 0 : i32
        %scatter3A_1355 = arith.constant 0 : i32
        %scatter3A_1356 = arith.constant 0 : i32
        %scatter3A_1357 = tpu.memref_slice %arg9[%scatter3A_1353, %scatter3A_1354, %scatter3A_1355, %scatter3A_1356] : memref<2x8x8x129xf32, #tpu.memory_space<vmem>> -> memref<1x8x8x129xf32, #tpu.memory_space<vmem>>
        %scatter3A_1358 = tpu.memref_squeeze %scatter3A_1357 : memref<1x8x8x129xf32, #tpu.memory_space<vmem>> -> memref<8x8x129xf32, #tpu.memory_space<vmem>>
        tpu.vector_store_idx %scatter3A_1358[%select_n3A_142, %select_n3A_164, %broadcast_in_dim3A_1295], %mul3A_1352 : memref<8x8x129xf32, #tpu.memory_space<vmem>>[vector<16xi32>, vector<16xi32>, vector<16xi32>], vector<16xf32>,
        %shift_left3A_1359 = arith.shli %broadcast_in_dim3A_1301, %sub3A_224 : vector<16xi32>
        %bitcast_convert_type3A_1360 = tpu.bitcast %shift_left3A_1359 : vector<16xi32> -> vector<16xi32>
        %shift_right_arithmetic3A_1361 = arith.constant 31 : i32
        %shift_right_arithmetic3A_1362 = vector.broadcast %shift_right_arithmetic3A_1361 : i32 to vector<16xi32>
        %shift_right_arithmetic3A_1363 = arith.shrsi %bitcast_convert_type3A_1360, %shift_right_arithmetic3A_1362 : vector<16xi32>
        %and3A_1364 = arith.andi %shift_right_arithmetic3A_1363, %broadcast_in_dim3A_225 : vector<16xi32>
        %bitcast_convert_type3A_1365 = tpu.bitcast %and3A_1364 : vector<16xi32> -> vector<16xf32>
        %get3A_1366 = arith.constant 0 : i32
        %get3A_1367 = arith.index_cast %get3A_1366 : i32 to index
        %get3A_1368 = arith.index_cast %add3A_1294 : i32 to index
        %get3A_1369 = arith.constant 48 : index
        %get3A_1370 = tpu.vector_load %arg7[%get3A_1367, %get3A_1368, %get3A_1369] {strides = array<i32>} : memref<2x128x64xf32, #tpu.memory_space<vmem>>, vector<16xf32>,
        %mul3A_1371 = arith.mulf %get3A_1370, %bitcast_convert_type3A_1365 : vector<16xf32>
        %scatter3A_1372 = arith.constant 0 : i32
        %scatter3A_1373 = arith.constant 0 : i32
        %scatter3A_1374 = arith.constant 0 : i32
        %scatter3A_1375 = arith.constant 0 : i32
        %scatter3A_1376 = tpu.memref_slice %arg9[%scatter3A_1372, %scatter3A_1373, %scatter3A_1374, %scatter3A_1375] : memref<2x8x8x129xf32, #tpu.memory_space<vmem>> -> memref<1x8x8x129xf32, #tpu.memory_space<vmem>>
        %scatter3A_1377 = tpu.memref_squeeze %scatter3A_1376 : memref<1x8x8x129xf32, #tpu.memory_space<vmem>> -> memref<8x8x129xf32, #tpu.memory_space<vmem>>
        tpu.vector_store_idx %scatter3A_1377[%select_n3A_195, %select_n3A_217, %broadcast_in_dim3A_1295], %mul3A_1371 : memref<8x8x129xf32, #tpu.memory_space<vmem>>[vector<16xi32>, vector<16xi32>, vector<16xi32>], vector<16xf32>,
        %scan3A_1378 = arith.constant 1 : i32
        %scan3A_1379 = arith.addi %scan3A_641, %scan3A_1378 : i32
        %jit3A_1380 = arith.constant 8 : i32
        %div3A_1381 = arith.divsi %scan3A_1379, %jit3A_1380 : i32
        %sign3A_1382 = arith.constant 0 : i32
        %sign3A_1383 = arith.cmpi sgt, %scan3A_1379, %sign3A_1382 : i32
        %sign3A_1384 = arith.extui %sign3A_1383 : i1 to i32
        %sign3A_1385 = arith.constant 0 : i32
        %sign3A_1386 = arith.cmpi slt, %scan3A_1379, %sign3A_1385 : i32
        %sign3A_1387 = arith.extui %sign3A_1386 : i1 to i32
        %sign3A_1388 = arith.subi %sign3A_1384, %sign3A_1387 : i32
        %sign3A_1389 = arith.constant 0 : i32
        %sign3A_1390 = arith.cmpi sgt, %jit3A_1380, %sign3A_1389 : i32
        %sign3A_1391 = arith.extui %sign3A_1390 : i1 to i32
        %sign3A_1392 = arith.constant 0 : i32
        %sign3A_1393 = arith.cmpi slt, %jit3A_1380, %sign3A_1392 : i32
        %sign3A_1394 = arith.extui %sign3A_1393 : i1 to i32
        %sign3A_1395 = arith.subi %sign3A_1391, %sign3A_1394 : i32
        %ne3A_1396 = arith.cmpi ne, %sign3A_1388, %sign3A_1395 : i32
        %rem3A_1397 = arith.remsi %scan3A_1379, %jit3A_1380 : i32
        %ne3A_1398 = arith.constant 0 : i32
        %ne3A_1399 = arith.cmpi ne, %rem3A_1397, %ne3A_1398 : i32
        %and3A_1400 = arith.andi %ne3A_1396, %ne3A_1399 : i1
        %sub3A_1401 = arith.constant 1 : i32
        %sub3A_1402 = arith.subi %div3A_1381, %sub3A_1401 : i32
        %select_n3A_1403 = arith.select %and3A_1400, %sub3A_1402, %div3A_1381 : i32
        %jit3A_1404 = arith.constant 8 : i32
        %eq3A_1405 = arith.constant 0 : i32
        %eq3A_1406 = arith.cmpi eq, %jit3A_1404, %eq3A_1405 : i32
        %jit3A_1407 = arith.constant 1 : i32
        %select_n3A_1408 = arith.select %eq3A_1406, %jit3A_1407, %jit3A_1404 : i32
        %rem3A_1409 = arith.remsi %scan3A_1379, %select_n3A_1408 : i32
        %ne3A_1410 = arith.constant 0 : i32
        %ne3A_1411 = arith.cmpi ne, %rem3A_1409, %ne3A_1410 : i32
        %lt3A_1412 = arith.constant 0 : i32
        %lt3A_1413 = arith.cmpi slt, %rem3A_1409, %lt3A_1412 : i32
        %lt3A_1414 = arith.constant 0 : i32
        %lt3A_1415 = arith.cmpi slt, %select_n3A_1408, %lt3A_1414 : i32
        %ne3A_1416 = arith.xori %lt3A_1413, %lt3A_1415 : i1
        %and3A_1417 = arith.andi %ne3A_1416, %ne3A_1411 : i1
        %add3A_1418 = arith.addi %rem3A_1409, %select_n3A_1408 : i32
        %select_n3A_1419 = arith.select %and3A_1417, %add3A_1418, %rem3A_1409 : i32
        %mul3A_1420 = arith.constant 16 : i32
        %mul3A_1421 = arith.muli %select_n3A_1419, %mul3A_1420 : i32
        %get3A_1422 = arith.constant 0 : i32
        %get3A_1423 = arith.index_cast %get3A_1422 : i32 to index
        %get3A_1424 = arith.index_cast %select_n3A_1403 : i32 to index
        %get3A_1425 = arith.index_cast %mul3A_1421 : i32 to index
        %get3A_1426 = tpu.vector_load %arg8[%get3A_1423, %get3A_1424, %get3A_1425] {strides = array<i32>} : memref<2x2x128xi32, #tpu.memory_space<vmem>>, vector<16xi32>,
        %mul3A_1427 = arith.constant 8 : i32
        %mul3A_1428 = arith.muli %scan3A_1379, %mul3A_1427 : i32
        %add3A_1429 = arith.constant 0 : i32
        %add3A_1430 = arith.addi %mul3A_1428, %add3A_1429 : i32
        %broadcast_in_dim3A_1431 = vector.broadcast %add3A_1430 : i32 to vector<16xi32>
        %slice3A_1432 = vector.extract_strided_slice %get3A_1426 {offsets = [0], sizes = [1], strides = [1]} : vector<16xi32> to vector<1xi32>
        %squeeze3A_1433 = vector.extract %slice3A_1432[0] : i32 from vector<1xi32>
        %broadcast_in_dim3A_1434 = vector.broadcast %squeeze3A_1433 : i32 to vector<16xi32>
        %slice3A_1435 = vector.extract_strided_slice %get3A_1426 {offsets = [1], sizes = [1], strides = [1]} : vector<16xi32> to vector<1xi32>
        %squeeze3A_1436 = vector.extract %slice3A_1435[0] : i32 from vector<1xi32>
        %broadcast_in_dim3A_1437 = vector.broadcast %squeeze3A_1436 : i32 to vector<16xi32>
        %shift_left3A_1438 = arith.shli %broadcast_in_dim3A_1434, %sub3A_221 : vector<16xi32>
        %bitcast_convert_type3A_1439 = tpu.bitcast %shift_left3A_1438 : vector<16xi32> -> vector<16xi32>
        %shift_right_arithmetic3A_1440 = arith.constant 31 : i32
        %shift_right_arithmetic3A_1441 = vector.broadcast %shift_right_arithmetic3A_1440 : i32 to vector<16xi32>
        %shift_right_arithmetic3A_1442 = arith.shrsi %bitcast_convert_type3A_1439, %shift_right_arithmetic3A_1441 : vector<16xi32>
        %and3A_1443 = arith.andi %shift_right_arithmetic3A_1442, %broadcast_in_dim3A_225 : vector<16xi32>
        %bitcast_convert_type3A_1444 = tpu.bitcast %and3A_1443 : vector<16xi32> -> vector<16xf32>
        %get3A_1445 = arith.constant 0 : i32
        %get3A_1446 = arith.index_cast %get3A_1445 : i32 to index
        %get3A_1447 = arith.index_cast %add3A_1430 : i32 to index
        %get3A_1448 = arith.constant 0 : index
        %get3A_1449 = tpu.vector_load %arg7[%get3A_1446, %get3A_1447, %get3A_1448] {strides = array<i32>} : memref<2x128x64xf32, #tpu.memory_space<vmem>>, vector<16xf32>,
        %mul3A_1450 = arith.mulf %get3A_1449, %bitcast_convert_type3A_1444 : vector<16xf32>
        %scatter3A_1451 = arith.constant 0 : i32
        %scatter3A_1452 = arith.constant 0 : i32
        %scatter3A_1453 = arith.constant 0 : i32
        %scatter3A_1454 = arith.constant 0 : i32
        %scatter3A_1455 = tpu.memref_slice %arg9[%scatter3A_1451, %scatter3A_1452, %scatter3A_1453, %scatter3A_1454] : memref<2x8x8x129xf32, #tpu.memory_space<vmem>> -> memref<1x8x8x129xf32, #tpu.memory_space<vmem>>
        %scatter3A_1456 = tpu.memref_squeeze %scatter3A_1455 : memref<1x8x8x129xf32, #tpu.memory_space<vmem>> -> memref<8x8x129xf32, #tpu.memory_space<vmem>>
        tpu.vector_store_idx %scatter3A_1456[%select_n3A, %select_n3A_58, %broadcast_in_dim3A_1431], %mul3A_1450 : memref<8x8x129xf32, #tpu.memory_space<vmem>>[vector<16xi32>, vector<16xi32>, vector<16xi32>], vector<16xf32>,
        %shift_left3A_1457 = arith.shli %broadcast_in_dim3A_1434, %sub3A_224 : vector<16xi32>
        %bitcast_convert_type3A_1458 = tpu.bitcast %shift_left3A_1457 : vector<16xi32> -> vector<16xi32>
        %shift_right_arithmetic3A_1459 = arith.constant 31 : i32
        %shift_right_arithmetic3A_1460 = vector.broadcast %shift_right_arithmetic3A_1459 : i32 to vector<16xi32>
        %shift_right_arithmetic3A_1461 = arith.shrsi %bitcast_convert_type3A_1458, %shift_right_arithmetic3A_1460 : vector<16xi32>
        %and3A_1462 = arith.andi %shift_right_arithmetic3A_1461, %broadcast_in_dim3A_225 : vector<16xi32>
        %bitcast_convert_type3A_1463 = tpu.bitcast %and3A_1462 : vector<16xi32> -> vector<16xf32>
        %get3A_1464 = arith.constant 0 : i32
        %get3A_1465 = arith.index_cast %get3A_1464 : i32 to index
        %get3A_1466 = arith.index_cast %add3A_1430 : i32 to index
        %get3A_1467 = arith.constant 16 : index
        %get3A_1468 = tpu.vector_load %arg7[%get3A_1465, %get3A_1466, %get3A_1467] {strides = array<i32>} : memref<2x128x64xf32, #tpu.memory_space<vmem>>, vector<16xf32>,
        %mul3A_1469 = arith.mulf %get3A_1468, %bitcast_convert_type3A_1463 : vector<16xf32>
        %scatter3A_1470 = arith.constant 0 : i32
        %scatter3A_1471 = arith.constant 0 : i32
        %scatter3A_1472 = arith.constant 0 : i32
        %scatter3A_1473 = arith.constant 0 : i32
        %scatter3A_1474 = tpu.memref_slice %arg9[%scatter3A_1470, %scatter3A_1471, %scatter3A_1472, %scatter3A_1473] : memref<2x8x8x129xf32, #tpu.memory_space<vmem>> -> memref<1x8x8x129xf32, #tpu.memory_space<vmem>>
        %scatter3A_1475 = tpu.memref_squeeze %scatter3A_1474 : memref<1x8x8x129xf32, #tpu.memory_space<vmem>> -> memref<8x8x129xf32, #tpu.memory_space<vmem>>
        tpu.vector_store_idx %scatter3A_1475[%select_n3A_89, %select_n3A_111, %broadcast_in_dim3A_1431], %mul3A_1469 : memref<8x8x129xf32, #tpu.memory_space<vmem>>[vector<16xi32>, vector<16xi32>, vector<16xi32>], vector<16xf32>,
        %shift_left3A_1476 = arith.shli %broadcast_in_dim3A_1437, %sub3A_221 : vector<16xi32>
        %bitcast_convert_type3A_1477 = tpu.bitcast %shift_left3A_1476 : vector<16xi32> -> vector<16xi32>
        %shift_right_arithmetic3A_1478 = arith.constant 31 : i32
        %shift_right_arithmetic3A_1479 = vector.broadcast %shift_right_arithmetic3A_1478 : i32 to vector<16xi32>
        %shift_right_arithmetic3A_1480 = arith.shrsi %bitcast_convert_type3A_1477, %shift_right_arithmetic3A_1479 : vector<16xi32>
        %and3A_1481 = arith.andi %shift_right_arithmetic3A_1480, %broadcast_in_dim3A_225 : vector<16xi32>
        %bitcast_convert_type3A_1482 = tpu.bitcast %and3A_1481 : vector<16xi32> -> vector<16xf32>
        %get3A_1483 = arith.constant 0 : i32
        %get3A_1484 = arith.index_cast %get3A_1483 : i32 to index
        %get3A_1485 = arith.index_cast %add3A_1430 : i32 to index
        %get3A_1486 = arith.constant 32 : index
        %get3A_1487 = tpu.vector_load %arg7[%get3A_1484, %get3A_1485, %get3A_1486] {strides = array<i32>} : memref<2x128x64xf32, #tpu.memory_space<vmem>>, vector<16xf32>,
        %mul3A_1488 = arith.mulf %get3A_1487, %bitcast_convert_type3A_1482 : vector<16xf32>
        %scatter3A_1489 = arith.constant 0 : i32
        %scatter3A_1490 = arith.constant 0 : i32
        %scatter3A_1491 = arith.constant 0 : i32
        %scatter3A_1492 = arith.constant 0 : i32
        %scatter3A_1493 = tpu.memref_slice %arg9[%scatter3A_1489, %scatter3A_1490, %scatter3A_1491, %scatter3A_1492] : memref<2x8x8x129xf32, #tpu.memory_space<vmem>> -> memref<1x8x8x129xf32, #tpu.memory_space<vmem>>
        %scatter3A_1494 = tpu.memref_squeeze %scatter3A_1493 : memref<1x8x8x129xf32, #tpu.memory_space<vmem>> -> memref<8x8x129xf32, #tpu.memory_space<vmem>>
        tpu.vector_store_idx %scatter3A_1494[%select_n3A_142, %select_n3A_164, %broadcast_in_dim3A_1431], %mul3A_1488 : memref<8x8x129xf32, #tpu.memory_space<vmem>>[vector<16xi32>, vector<16xi32>, vector<16xi32>], vector<16xf32>,
        %shift_left3A_1495 = arith.shli %broadcast_in_dim3A_1437, %sub3A_224 : vector<16xi32>
        %bitcast_convert_type3A_1496 = tpu.bitcast %shift_left3A_1495 : vector<16xi32> -> vector<16xi32>
        %shift_right_arithmetic3A_1497 = arith.constant 31 : i32
        %shift_right_arithmetic3A_1498 = vector.broadcast %shift_right_arithmetic3A_1497 : i32 to vector<16xi32>
        %shift_right_arithmetic3A_1499 = arith.shrsi %bitcast_convert_type3A_1496, %shift_right_arithmetic3A_1498 : vector<16xi32>
        %and3A_1500 = arith.andi %shift_right_arithmetic3A_1499, %broadcast_in_dim3A_225 : vector<16xi32>
        %bitcast_convert_type3A_1501 = tpu.bitcast %and3A_1500 : vector<16xi32> -> vector<16xf32>
        %get3A_1502 = arith.constant 0 : i32
        %get3A_1503 = arith.index_cast %get3A_1502 : i32 to index
        %get3A_1504 = arith.index_cast %add3A_1430 : i32 to index
        %get3A_1505 = arith.constant 48 : index
        %get3A_1506 = tpu.vector_load %arg7[%get3A_1503, %get3A_1504, %get3A_1505] {strides = array<i32>} : memref<2x128x64xf32, #tpu.memory_space<vmem>>, vector<16xf32>,
        %mul3A_1507 = arith.mulf %get3A_1506, %bitcast_convert_type3A_1501 : vector<16xf32>
        %scatter3A_1508 = arith.constant 0 : i32
        %scatter3A_1509 = arith.constant 0 : i32
        %scatter3A_1510 = arith.constant 0 : i32
        %scatter3A_1511 = arith.constant 0 : i32
        %scatter3A_1512 = tpu.memref_slice %arg9[%scatter3A_1508, %scatter3A_1509, %scatter3A_1510, %scatter3A_1511] : memref<2x8x8x129xf32, #tpu.memory_space<vmem>> -> memref<1x8x8x129xf32, #tpu.memory_space<vmem>>
        %scatter3A_1513 = tpu.memref_squeeze %scatter3A_1512 : memref<1x8x8x129xf32, #tpu.memory_space<vmem>> -> memref<8x8x129xf32, #tpu.memory_space<vmem>>
        tpu.vector_store_idx %scatter3A_1513[%select_n3A_195, %select_n3A_217, %broadcast_in_dim3A_1431], %mul3A_1507 : memref<8x8x129xf32, #tpu.memory_space<vmem>>[vector<16xi32>, vector<16xi32>, vector<16xi32>], vector<16xf32>,
        %mul3A_1514 = arith.constant 8 : i32
        %mul3A_1515 = arith.muli %scan3A_1379, %mul3A_1514 : i32
        %add3A_1516 = arith.constant 1 : i32
        %add3A_1517 = arith.addi %mul3A_1515, %add3A_1516 : i32
        %broadcast_in_dim3A_1518 = vector.broadcast %add3A_1517 : i32 to vector<16xi32>
        %slice3A_1519 = vector.extract_strided_slice %get3A_1426 {offsets = [2], sizes = [1], strides = [1]} : vector<16xi32> to vector<1xi32>
        %squeeze3A_1520 = vector.extract %slice3A_1519[0] : i32 from vector<1xi32>
        %broadcast_in_dim3A_1521 = vector.broadcast %squeeze3A_1520 : i32 to vector<16xi32>
        %slice3A_1522 = vector.extract_strided_slice %get3A_1426 {offsets = [3], sizes = [1], strides = [1]} : vector<16xi32> to vector<1xi32>
        %squeeze3A_1523 = vector.extract %slice3A_1522[0] : i32 from vector<1xi32>
        %broadcast_in_dim3A_1524 = vector.broadcast %squeeze3A_1523 : i32 to vector<16xi32>
        %shift_left3A_1525 = arith.shli %broadcast_in_dim3A_1521, %sub3A_221 : vector<16xi32>
        %bitcast_convert_type3A_1526 = tpu.bitcast %shift_left3A_1525 : vector<16xi32> -> vector<16xi32>
        %shift_right_arithmetic3A_1527 = arith.constant 31 : i32
        %shift_right_arithmetic3A_1528 = vector.broadcast %shift_right_arithmetic3A_1527 : i32 to vector<16xi32>
        %shift_right_arithmetic3A_1529 = arith.shrsi %bitcast_convert_type3A_1526, %shift_right_arithmetic3A_1528 : vector<16xi32>
        %and3A_1530 = arith.andi %shift_right_arithmetic3A_1529, %broadcast_in_dim3A_225 : vector<16xi32>
        %bitcast_convert_type3A_1531 = tpu.bitcast %and3A_1530 : vector<16xi32> -> vector<16xf32>
        %get3A_1532 = arith.constant 0 : i32
        %get3A_1533 = arith.index_cast %get3A_1532 : i32 to index
        %get3A_1534 = arith.index_cast %add3A_1517 : i32 to index
        %get3A_1535 = arith.constant 0 : index
        %get3A_1536 = tpu.vector_load %arg7[%get3A_1533, %get3A_1534, %get3A_1535] {strides = array<i32>} : memref<2x128x64xf32, #tpu.memory_space<vmem>>, vector<16xf32>,
        %mul3A_1537 = arith.mulf %get3A_1536, %bitcast_convert_type3A_1531 : vector<16xf32>
        %scatter3A_1538 = arith.constant 0 : i32
        %scatter3A_1539 = arith.constant 0 : i32
        %scatter3A_1540 = arith.constant 0 : i32
        %scatter3A_1541 = arith.constant 0 : i32
        %scatter3A_1542 = tpu.memref_slice %arg9[%scatter3A_1538, %scatter3A_1539, %scatter3A_1540, %scatter3A_1541] : memref<2x8x8x129xf32, #tpu.memory_space<vmem>> -> memref<1x8x8x129xf32, #tpu.memory_space<vmem>>
        %scatter3A_1543 = tpu.memref_squeeze %scatter3A_1542 : memref<1x8x8x129xf32, #tpu.memory_space<vmem>> -> memref<8x8x129xf32, #tpu.memory_space<vmem>>
        tpu.vector_store_idx %scatter3A_1543[%select_n3A, %select_n3A_58, %broadcast_in_dim3A_1518], %mul3A_1537 : memref<8x8x129xf32, #tpu.memory_space<vmem>>[vector<16xi32>, vector<16xi32>, vector<16xi32>], vector<16xf32>,
        %shift_left3A_1544 = arith.shli %broadcast_in_dim3A_1521, %sub3A_224 : vector<16xi32>
        %bitcast_convert_type3A_1545 = tpu.bitcast %shift_left3A_1544 : vector<16xi32> -> vector<16xi32>
        %shift_right_arithmetic3A_1546 = arith.constant 31 : i32
        %shift_right_arithmetic3A_1547 = vector.broadcast %shift_right_arithmetic3A_1546 : i32 to vector<16xi32>
        %shift_right_arithmetic3A_1548 = arith.shrsi %bitcast_convert_type3A_1545, %shift_right_arithmetic3A_1547 : vector<16xi32>
        %and3A_1549 = arith.andi %shift_right_arithmetic3A_1548, %broadcast_in_dim3A_225 : vector<16xi32>
        %bitcast_convert_type3A_1550 = tpu.bitcast %and3A_1549 : vector<16xi32> -> vector<16xf32>
        %get3A_1551 = arith.constant 0 : i32
        %get3A_1552 = arith.index_cast %get3A_1551 : i32 to index
        %get3A_1553 = arith.index_cast %add3A_1517 : i32 to index
        %get3A_1554 = arith.constant 16 : index
        %get3A_1555 = tpu.vector_load %arg7[%get3A_1552, %get3A_1553, %get3A_1554] {strides = array<i32>} : memref<2x128x64xf32, #tpu.memory_space<vmem>>, vector<16xf32>,
        %mul3A_1556 = arith.mulf %get3A_1555, %bitcast_convert_type3A_1550 : vector<16xf32>
        %scatter3A_1557 = arith.constant 0 : i32
        %scatter3A_1558 = arith.constant 0 : i32
        %scatter3A_1559 = arith.constant 0 : i32
        %scatter3A_1560 = arith.constant 0 : i32
        %scatter3A_1561 = tpu.memref_slice %arg9[%scatter3A_1557, %scatter3A_1558, %scatter3A_1559, %scatter3A_1560] : memref<2x8x8x129xf32, #tpu.memory_space<vmem>> -> memref<1x8x8x129xf32, #tpu.memory_space<vmem>>
        %scatter3A_1562 = tpu.memref_squeeze %scatter3A_1561 : memref<1x8x8x129xf32, #tpu.memory_space<vmem>> -> memref<8x8x129xf32, #tpu.memory_space<vmem>>
        tpu.vector_store_idx %scatter3A_1562[%select_n3A_89, %select_n3A_111, %broadcast_in_dim3A_1518], %mul3A_1556 : memref<8x8x129xf32, #tpu.memory_space<vmem>>[vector<16xi32>, vector<16xi32>, vector<16xi32>], vector<16xf32>,
        %shift_left3A_1563 = arith.shli %broadcast_in_dim3A_1524, %sub3A_221 : vector<16xi32>
        %bitcast_convert_type3A_1564 = tpu.bitcast %shift_left3A_1563 : vector<16xi32> -> vector<16xi32>
        %shift_right_arithmetic3A_1565 = arith.constant 31 : i32
        %shift_right_arithmetic3A_1566 = vector.broadcast %shift_right_arithmetic3A_1565 : i32 to vector<16xi32>
        %shift_right_arithmetic3A_1567 = arith.shrsi %bitcast_convert_type3A_1564, %shift_right_arithmetic3A_1566 : vector<16xi32>
        %and3A_1568 = arith.andi %shift_right_arithmetic3A_1567, %broadcast_in_dim3A_225 : vector<16xi32>
        %bitcast_convert_type3A_1569 = tpu.bitcast %and3A_1568 : vector<16xi32> -> vector<16xf32>
        %get3A_1570 = arith.constant 0 : i32
        %get3A_1571 = arith.index_cast %get3A_1570 : i32 to index
        %get3A_1572 = arith.index_cast %add3A_1517 : i32 to index
        %get3A_1573 = arith.constant 32 : index
        %get3A_1574 = tpu.vector_load %arg7[%get3A_1571, %get3A_1572, %get3A_1573] {strides = array<i32>} : memref<2x128x64xf32, #tpu.memory_space<vmem>>, vector<16xf32>,
        %mul3A_1575 = arith.mulf %get3A_1574, %bitcast_convert_type3A_1569 : vector<16xf32>
        %scatter3A_1576 = arith.constant 0 : i32
        %scatter3A_1577 = arith.constant 0 : i32
        %scatter3A_1578 = arith.constant 0 : i32
        %scatter3A_1579 = arith.constant 0 : i32
        %scatter3A_1580 = tpu.memref_slice %arg9[%scatter3A_1576, %scatter3A_1577, %scatter3A_1578, %scatter3A_1579] : memref<2x8x8x129xf32, #tpu.memory_space<vmem>> -> memref<1x8x8x129xf32, #tpu.memory_space<vmem>>
        %scatter3A_1581 = tpu.memref_squeeze %scatter3A_1580 : memref<1x8x8x129xf32, #tpu.memory_space<vmem>> -> memref<8x8x129xf32, #tpu.memory_space<vmem>>
        tpu.vector_store_idx %scatter3A_1581[%select_n3A_142, %select_n3A_164, %broadcast_in_dim3A_1518], %mul3A_1575 : memref<8x8x129xf32, #tpu.memory_space<vmem>>[vector<16xi32>, vector<16xi32>, vector<16xi32>], vector<16xf32>,
        %shift_left3A_1582 = arith.shli %broadcast_in_dim3A_1524, %sub3A_224 : vector<16xi32>
        %bitcast_convert_type3A_1583 = tpu.bitcast %shift_left3A_1582 : vector<16xi32> -> vector<16xi32>
        %shift_right_arithmetic3A_1584 = arith.constant 31 : i32
        %shift_right_arithmetic3A_1585 = vector.broadcast %shift_right_arithmetic3A_1584 : i32 to vector<16xi32>
        %shift_right_arithmetic3A_1586 = arith.shrsi %bitcast_convert_type3A_1583, %shift_right_arithmetic3A_1585 : vector<16xi32>
        %and3A_1587 = arith.andi %shift_right_arithmetic3A_1586, %broadcast_in_dim3A_225 : vector<16xi32>
        %bitcast_convert_type3A_1588 = tpu.bitcast %and3A_1587 : vector<16xi32> -> vector<16xf32>
        %get3A_1589 = arith.constant 0 : i32
        %get3A_1590 = arith.index_cast %get3A_1589 : i32 to index
        %get3A_1591 = arith.index_cast %add3A_1517 : i32 to index
        %get3A_1592 = arith.constant 48 : index
        %get3A_1593 = tpu.vector_load %arg7[%get3A_1590, %get3A_1591, %get3A_1592] {strides = array<i32>} : memref<2x128x64xf32, #tpu.memory_space<vmem>>, vector<16xf32>,
        %mul3A_1594 = arith.mulf %get3A_1593, %bitcast_convert_type3A_1588 : vector<16xf32>
        %scatter3A_1595 = arith.constant 0 : i32
        %scatter3A_1596 = arith.constant 0 : i32
        %scatter3A_1597 = arith.constant 0 : i32
        %scatter3A_1598 = arith.constant 0 : i32
        %scatter3A_1599 = tpu.memref_slice %arg9[%scatter3A_1595, %scatter3A_1596, %scatter3A_1597, %scatter3A_1598] : memref<2x8x8x129xf32, #tpu.memory_space<vmem>> -> memref<1x8x8x129xf32, #tpu.memory_space<vmem>>
        %scatter3A_1600 = tpu.memref_squeeze %scatter3A_1599 : memref<1x8x8x129xf32, #tpu.memory_space<vmem>> -> memref<8x8x129xf32, #tpu.memory_space<vmem>>
        tpu.vector_store_idx %scatter3A_1600[%select_n3A_195, %select_n3A_217, %broadcast_in_dim3A_1518], %mul3A_1594 : memref<8x8x129xf32, #tpu.memory_space<vmem>>[vector<16xi32>, vector<16xi32>, vector<16xi32>], vector<16xf32>,
        %mul3A_1601 = arith.constant 8 : i32
        %mul3A_1602 = arith.muli %scan3A_1379, %mul3A_1601 : i32
        %add3A_1603 = arith.constant 2 : i32
        %add3A_1604 = arith.addi %mul3A_1602, %add3A_1603 : i32
        %broadcast_in_dim3A_1605 = vector.broadcast %add3A_1604 : i32 to vector<16xi32>
        %slice3A_1606 = vector.extract_strided_slice %get3A_1426 {offsets = [4], sizes = [1], strides = [1]} : vector<16xi32> to vector<1xi32>
        %squeeze3A_1607 = vector.extract %slice3A_1606[0] : i32 from vector<1xi32>
        %broadcast_in_dim3A_1608 = vector.broadcast %squeeze3A_1607 : i32 to vector<16xi32>
        %slice3A_1609 = vector.extract_strided_slice %get3A_1426 {offsets = [5], sizes = [1], strides = [1]} : vector<16xi32> to vector<1xi32>
        %squeeze3A_1610 = vector.extract %slice3A_1609[0] : i32 from vector<1xi32>
        %broadcast_in_dim3A_1611 = vector.broadcast %squeeze3A_1610 : i32 to vector<16xi32>
        %shift_left3A_1612 = arith.shli %broadcast_in_dim3A_1608, %sub3A_221 : vector<16xi32>
        %bitcast_convert_type3A_1613 = tpu.bitcast %shift_left3A_1612 : vector<16xi32> -> vector<16xi32>
        %shift_right_arithmetic3A_1614 = arith.constant 31 : i32
        %shift_right_arithmetic3A_1615 = vector.broadcast %shift_right_arithmetic3A_1614 : i32 to vector<16xi32>
        %shift_right_arithmetic3A_1616 = arith.shrsi %bitcast_convert_type3A_1613, %shift_right_arithmetic3A_1615 : vector<16xi32>
        %and3A_1617 = arith.andi %shift_right_arithmetic3A_1616, %broadcast_in_dim3A_225 : vector<16xi32>
        %bitcast_convert_type3A_1618 = tpu.bitcast %and3A_1617 : vector<16xi32> -> vector<16xf32>
        %get3A_1619 = arith.constant 0 : i32
        %get3A_1620 = arith.index_cast %get3A_1619 : i32 to index
        %get3A_1621 = arith.index_cast %add3A_1604 : i32 to index
        %get3A_1622 = arith.constant 0 : index
        %get3A_1623 = tpu.vector_load %arg7[%get3A_1620, %get3A_1621, %get3A_1622] {strides = array<i32>} : memref<2x128x64xf32, #tpu.memory_space<vmem>>, vector<16xf32>,
        %mul3A_1624 = arith.mulf %get3A_1623, %bitcast_convert_type3A_1618 : vector<16xf32>
        %scatter3A_1625 = arith.constant 0 : i32
        %scatter3A_1626 = arith.constant 0 : i32
        %scatter3A_1627 = arith.constant 0 : i32
        %scatter3A_1628 = arith.constant 0 : i32
        %scatter3A_1629 = tpu.memref_slice %arg9[%scatter3A_1625, %scatter3A_1626, %scatter3A_1627, %scatter3A_1628] : memref<2x8x8x129xf32, #tpu.memory_space<vmem>> -> memref<1x8x8x129xf32, #tpu.memory_space<vmem>>
        %scatter3A_1630 = tpu.memref_squeeze %scatter3A_1629 : memref<1x8x8x129xf32, #tpu.memory_space<vmem>> -> memref<8x8x129xf32, #tpu.memory_space<vmem>>
        tpu.vector_store_idx %scatter3A_1630[%select_n3A, %select_n3A_58, %broadcast_in_dim3A_1605], %mul3A_1624 : memref<8x8x129xf32, #tpu.memory_space<vmem>>[vector<16xi32>, vector<16xi32>, vector<16xi32>], vector<16xf32>,
        %shift_left3A_1631 = arith.shli %broadcast_in_dim3A_1608, %sub3A_224 : vector<16xi32>
        %bitcast_convert_type3A_1632 = tpu.bitcast %shift_left3A_1631 : vector<16xi32> -> vector<16xi32>
        %shift_right_arithmetic3A_1633 = arith.constant 31 : i32
        %shift_right_arithmetic3A_1634 = vector.broadcast %shift_right_arithmetic3A_1633 : i32 to vector<16xi32>
        %shift_right_arithmetic3A_1635 = arith.shrsi %bitcast_convert_type3A_1632, %shift_right_arithmetic3A_1634 : vector<16xi32>
        %and3A_1636 = arith.andi %shift_right_arithmetic3A_1635, %broadcast_in_dim3A_225 : vector<16xi32>
        %bitcast_convert_type3A_1637 = tpu.bitcast %and3A_1636 : vector<16xi32> -> vector<16xf32>
        %get3A_1638 = arith.constant 0 : i32
        %get3A_1639 = arith.index_cast %get3A_1638 : i32 to index
        %get3A_1640 = arith.index_cast %add3A_1604 : i32 to index
        %get3A_1641 = arith.constant 16 : index
        %get3A_1642 = tpu.vector_load %arg7[%get3A_1639, %get3A_1640, %get3A_1641] {strides = array<i32>} : memref<2x128x64xf32, #tpu.memory_space<vmem>>, vector<16xf32>,
        %mul3A_1643 = arith.mulf %get3A_1642, %bitcast_convert_type3A_1637 : vector<16xf32>
        %scatter3A_1644 = arith.constant 0 : i32
        %scatter3A_1645 = arith.constant 0 : i32
        %scatter3A_1646 = arith.constant 0 : i32
        %scatter3A_1647 = arith.constant 0 : i32
        %scatter3A_1648 = tpu.memref_slice %arg9[%scatter3A_1644, %scatter3A_1645, %scatter3A_1646, %scatter3A_1647] : memref<2x8x8x129xf32, #tpu.memory_space<vmem>> -> memref<1x8x8x129xf32, #tpu.memory_space<vmem>>
        %scatter3A_1649 = tpu.memref_squeeze %scatter3A_1648 : memref<1x8x8x129xf32, #tpu.memory_space<vmem>> -> memref<8x8x129xf32, #tpu.memory_space<vmem>>
        tpu.vector_store_idx %scatter3A_1649[%select_n3A_89, %select_n3A_111, %broadcast_in_dim3A_1605], %mul3A_1643 : memref<8x8x129xf32, #tpu.memory_space<vmem>>[vector<16xi32>, vector<16xi32>, vector<16xi32>], vector<16xf32>,
        %shift_left3A_1650 = arith.shli %broadcast_in_dim3A_1611, %sub3A_221 : vector<16xi32>
        %bitcast_convert_type3A_1651 = tpu.bitcast %shift_left3A_1650 : vector<16xi32> -> vector<16xi32>
        %shift_right_arithmetic3A_1652 = arith.constant 31 : i32
        %shift_right_arithmetic3A_1653 = vector.broadcast %shift_right_arithmetic3A_1652 : i32 to vector<16xi32>
        %shift_right_arithmetic3A_1654 = arith.shrsi %bitcast_convert_type3A_1651, %shift_right_arithmetic3A_1653 : vector<16xi32>
        %and3A_1655 = arith.andi %shift_right_arithmetic3A_1654, %broadcast_in_dim3A_225 : vector<16xi32>
        %bitcast_convert_type3A_1656 = tpu.bitcast %and3A_1655 : vector<16xi32> -> vector<16xf32>
        %get3A_1657 = arith.constant 0 : i32
        %get3A_1658 = arith.index_cast %get3A_1657 : i32 to index
        %get3A_1659 = arith.index_cast %add3A_1604 : i32 to index
        %get3A_1660 = arith.constant 32 : index
        %get3A_1661 = tpu.vector_load %arg7[%get3A_1658, %get3A_1659, %get3A_1660] {strides = array<i32>} : memref<2x128x64xf32, #tpu.memory_space<vmem>>, vector<16xf32>,
        %mul3A_1662 = arith.mulf %get3A_1661, %bitcast_convert_type3A_1656 : vector<16xf32>
        %scatter3A_1663 = arith.constant 0 : i32
        %scatter3A_1664 = arith.constant 0 : i32
        %scatter3A_1665 = arith.constant 0 : i32
        %scatter3A_1666 = arith.constant 0 : i32
        %scatter3A_1667 = tpu.memref_slice %arg9[%scatter3A_1663, %scatter3A_1664, %scatter3A_1665, %scatter3A_1666] : memref<2x8x8x129xf32, #tpu.memory_space<vmem>> -> memref<1x8x8x129xf32, #tpu.memory_space<vmem>>
        %scatter3A_1668 = tpu.memref_squeeze %scatter3A_1667 : memref<1x8x8x129xf32, #tpu.memory_space<vmem>> -> memref<8x8x129xf32, #tpu.memory_space<vmem>>
        tpu.vector_store_idx %scatter3A_1668[%select_n3A_142, %select_n3A_164, %broadcast_in_dim3A_1605], %mul3A_1662 : memref<8x8x129xf32, #tpu.memory_space<vmem>>[vector<16xi32>, vector<16xi32>, vector<16xi32>], vector<16xf32>,
        %shift_left3A_1669 = arith.shli %broadcast_in_dim3A_1611, %sub3A_224 : vector<16xi32>
        %bitcast_convert_type3A_1670 = tpu.bitcast %shift_left3A_1669 : vector<16xi32> -> vector<16xi32>
        %shift_right_arithmetic3A_1671 = arith.constant 31 : i32
        %shift_right_arithmetic3A_1672 = vector.broadcast %shift_right_arithmetic3A_1671 : i32 to vector<16xi32>
        %shift_right_arithmetic3A_1673 = arith.shrsi %bitcast_convert_type3A_1670, %shift_right_arithmetic3A_1672 : vector<16xi32>
        %and3A_1674 = arith.andi %shift_right_arithmetic3A_1673, %broadcast_in_dim3A_225 : vector<16xi32>
        %bitcast_convert_type3A_1675 = tpu.bitcast %and3A_1674 : vector<16xi32> -> vector<16xf32>
        %get3A_1676 = arith.constant 0 : i32
        %get3A_1677 = arith.index_cast %get3A_1676 : i32 to index
        %get3A_1678 = arith.index_cast %add3A_1604 : i32 to index
        %get3A_1679 = arith.constant 48 : index
        %get3A_1680 = tpu.vector_load %arg7[%get3A_1677, %get3A_1678, %get3A_1679] {strides = array<i32>} : memref<2x128x64xf32, #tpu.memory_space<vmem>>, vector<16xf32>,
        %mul3A_1681 = arith.mulf %get3A_1680, %bitcast_convert_type3A_1675 : vector<16xf32>
        %scatter3A_1682 = arith.constant 0 : i32
        %scatter3A_1683 = arith.constant 0 : i32
        %scatter3A_1684 = arith.constant 0 : i32
        %scatter3A_1685 = arith.constant 0 : i32
        %scatter3A_1686 = tpu.memref_slice %arg9[%scatter3A_1682, %scatter3A_1683, %scatter3A_1684, %scatter3A_1685] : memref<2x8x8x129xf32, #tpu.memory_space<vmem>> -> memref<1x8x8x129xf32, #tpu.memory_space<vmem>>
        %scatter3A_1687 = tpu.memref_squeeze %scatter3A_1686 : memref<1x8x8x129xf32, #tpu.memory_space<vmem>> -> memref<8x8x129xf32, #tpu.memory_space<vmem>>
        tpu.vector_store_idx %scatter3A_1687[%select_n3A_195, %select_n3A_217, %broadcast_in_dim3A_1605], %mul3A_1681 : memref<8x8x129xf32, #tpu.memory_space<vmem>>[vector<16xi32>, vector<16xi32>, vector<16xi32>], vector<16xf32>,
        %mul3A_1688 = arith.constant 8 : i32
        %mul3A_1689 = arith.muli %scan3A_1379, %mul3A_1688 : i32
        %add3A_1690 = arith.constant 3 : i32
        %add3A_1691 = arith.addi %mul3A_1689, %add3A_1690 : i32
        %broadcast_in_dim3A_1692 = vector.broadcast %add3A_1691 : i32 to vector<16xi32>
        %slice3A_1693 = vector.extract_strided_slice %get3A_1426 {offsets = [6], sizes = [1], strides = [1]} : vector<16xi32> to vector<1xi32>
        %squeeze3A_1694 = vector.extract %slice3A_1693[0] : i32 from vector<1xi32>
        %broadcast_in_dim3A_1695 = vector.broadcast %squeeze3A_1694 : i32 to vector<16xi32>
        %slice3A_1696 = vector.extract_strided_slice %get3A_1426 {offsets = [7], sizes = [1], strides = [1]} : vector<16xi32> to vector<1xi32>
        %squeeze3A_1697 = vector.extract %slice3A_1696[0] : i32 from vector<1xi32>
        %broadcast_in_dim3A_1698 = vector.broadcast %squeeze3A_1697 : i32 to vector<16xi32>
        %shift_left3A_1699 = arith.shli %broadcast_in_dim3A_1695, %sub3A_221 : vector<16xi32>
        %bitcast_convert_type3A_1700 = tpu.bitcast %shift_left3A_1699 : vector<16xi32> -> vector<16xi32>
        %shift_right_arithmetic3A_1701 = arith.constant 31 : i32
        %shift_right_arithmetic3A_1702 = vector.broadcast %shift_right_arithmetic3A_1701 : i32 to vector<16xi32>
        %shift_right_arithmetic3A_1703 = arith.shrsi %bitcast_convert_type3A_1700, %shift_right_arithmetic3A_1702 : vector<16xi32>
        %and3A_1704 = arith.andi %shift_right_arithmetic3A_1703, %broadcast_in_dim3A_225 : vector<16xi32>
        %bitcast_convert_type3A_1705 = tpu.bitcast %and3A_1704 : vector<16xi32> -> vector<16xf32>
        %get3A_1706 = arith.constant 0 : i32
        %get3A_1707 = arith.index_cast %get3A_1706 : i32 to index
        %get3A_1708 = arith.index_cast %add3A_1691 : i32 to index
        %get3A_1709 = arith.constant 0 : index
        %get3A_1710 = tpu.vector_load %arg7[%get3A_1707, %get3A_1708, %get3A_1709] {strides = array<i32>} : memref<2x128x64xf32, #tpu.memory_space<vmem>>, vector<16xf32>,
        %mul3A_1711 = arith.mulf %get3A_1710, %bitcast_convert_type3A_1705 : vector<16xf32>
        %scatter3A_1712 = arith.constant 0 : i32
        %scatter3A_1713 = arith.constant 0 : i32
        %scatter3A_1714 = arith.constant 0 : i32
        %scatter3A_1715 = arith.constant 0 : i32
        %scatter3A_1716 = tpu.memref_slice %arg9[%scatter3A_1712, %scatter3A_1713, %scatter3A_1714, %scatter3A_1715] : memref<2x8x8x129xf32, #tpu.memory_space<vmem>> -> memref<1x8x8x129xf32, #tpu.memory_space<vmem>>
        %scatter3A_1717 = tpu.memref_squeeze %scatter3A_1716 : memref<1x8x8x129xf32, #tpu.memory_space<vmem>> -> memref<8x8x129xf32, #tpu.memory_space<vmem>>
        tpu.vector_store_idx %scatter3A_1717[%select_n3A, %select_n3A_58, %broadcast_in_dim3A_1692], %mul3A_1711 : memref<8x8x129xf32, #tpu.memory_space<vmem>>[vector<16xi32>, vector<16xi32>, vector<16xi32>], vector<16xf32>,
        %shift_left3A_1718 = arith.shli %broadcast_in_dim3A_1695, %sub3A_224 : vector<16xi32>
        %bitcast_convert_type3A_1719 = tpu.bitcast %shift_left3A_1718 : vector<16xi32> -> vector<16xi32>
        %shift_right_arithmetic3A_1720 = arith.constant 31 : i32
        %shift_right_arithmetic3A_1721 = vector.broadcast %shift_right_arithmetic3A_1720 : i32 to vector<16xi32>
        %shift_right_arithmetic3A_1722 = arith.shrsi %bitcast_convert_type3A_1719, %shift_right_arithmetic3A_1721 : vector<16xi32>
        %and3A_1723 = arith.andi %shift_right_arithmetic3A_1722, %broadcast_in_dim3A_225 : vector<16xi32>
        %bitcast_convert_type3A_1724 = tpu.bitcast %and3A_1723 : vector<16xi32> -> vector<16xf32>
        %get3A_1725 = arith.constant 0 : i32
        %get3A_1726 = arith.index_cast %get3A_1725 : i32 to index
        %get3A_1727 = arith.index_cast %add3A_1691 : i32 to index
        %get3A_1728 = arith.constant 16 : index
        %get3A_1729 = tpu.vector_load %arg7[%get3A_1726, %get3A_1727, %get3A_1728] {strides = array<i32>} : memref<2x128x64xf32, #tpu.memory_space<vmem>>, vector<16xf32>,
        %mul3A_1730 = arith.mulf %get3A_1729, %bitcast_convert_type3A_1724 : vector<16xf32>
        %scatter3A_1731 = arith.constant 0 : i32
        %scatter3A_1732 = arith.constant 0 : i32
        %scatter3A_1733 = arith.constant 0 : i32
        %scatter3A_1734 = arith.constant 0 : i32
        %scatter3A_1735 = tpu.memref_slice %arg9[%scatter3A_1731, %scatter3A_1732, %scatter3A_1733, %scatter3A_1734] : memref<2x8x8x129xf32, #tpu.memory_space<vmem>> -> memref<1x8x8x129xf32, #tpu.memory_space<vmem>>
        %scatter3A_1736 = tpu.memref_squeeze %scatter3A_1735 : memref<1x8x8x129xf32, #tpu.memory_space<vmem>> -> memref<8x8x129xf32, #tpu.memory_space<vmem>>
        tpu.vector_store_idx %scatter3A_1736[%select_n3A_89, %select_n3A_111, %broadcast_in_dim3A_1692], %mul3A_1730 : memref<8x8x129xf32, #tpu.memory_space<vmem>>[vector<16xi32>, vector<16xi32>, vector<16xi32>], vector<16xf32>,
        %shift_left3A_1737 = arith.shli %broadcast_in_dim3A_1698, %sub3A_221 : vector<16xi32>
        %bitcast_convert_type3A_1738 = tpu.bitcast %shift_left3A_1737 : vector<16xi32> -> vector<16xi32>
        %shift_right_arithmetic3A_1739 = arith.constant 31 : i32
        %shift_right_arithmetic3A_1740 = vector.broadcast %shift_right_arithmetic3A_1739 : i32 to vector<16xi32>
        %shift_right_arithmetic3A_1741 = arith.shrsi %bitcast_convert_type3A_1738, %shift_right_arithmetic3A_1740 : vector<16xi32>
        %and3A_1742 = arith.andi %shift_right_arithmetic3A_1741, %broadcast_in_dim3A_225 : vector<16xi32>
        %bitcast_convert_type3A_1743 = tpu.bitcast %and3A_1742 : vector<16xi32> -> vector<16xf32>
        %get3A_1744 = arith.constant 0 : i32
        %get3A_1745 = arith.index_cast %get3A_1744 : i32 to index
        %get3A_1746 = arith.index_cast %add3A_1691 : i32 to index
        %get3A_1747 = arith.constant 32 : index
        %get3A_1748 = tpu.vector_load %arg7[%get3A_1745, %get3A_1746, %get3A_1747] {strides = array<i32>} : memref<2x128x64xf32, #tpu.memory_space<vmem>>, vector<16xf32>,
        %mul3A_1749 = arith.mulf %get3A_1748, %bitcast_convert_type3A_1743 : vector<16xf32>
        %scatter3A_1750 = arith.constant 0 : i32
        %scatter3A_1751 = arith.constant 0 : i32
        %scatter3A_1752 = arith.constant 0 : i32
        %scatter3A_1753 = arith.constant 0 : i32
        %scatter3A_1754 = tpu.memref_slice %arg9[%scatter3A_1750, %scatter3A_1751, %scatter3A_1752, %scatter3A_1753] : memref<2x8x8x129xf32, #tpu.memory_space<vmem>> -> memref<1x8x8x129xf32, #tpu.memory_space<vmem>>
        %scatter3A_1755 = tpu.memref_squeeze %scatter3A_1754 : memref<1x8x8x129xf32, #tpu.memory_space<vmem>> -> memref<8x8x129xf32, #tpu.memory_space<vmem>>
        tpu.vector_store_idx %scatter3A_1755[%select_n3A_142, %select_n3A_164, %broadcast_in_dim3A_1692], %mul3A_1749 : memref<8x8x129xf32, #tpu.memory_space<vmem>>[vector<16xi32>, vector<16xi32>, vector<16xi32>], vector<16xf32>,
        %shift_left3A_1756 = arith.shli %broadcast_in_dim3A_1698, %sub3A_224 : vector<16xi32>
        %bitcast_convert_type3A_1757 = tpu.bitcast %shift_left3A_1756 : vector<16xi32> -> vector<16xi32>
        %shift_right_arithmetic3A_1758 = arith.constant 31 : i32
        %shift_right_arithmetic3A_1759 = vector.broadcast %shift_right_arithmetic3A_1758 : i32 to vector<16xi32>
        %shift_right_arithmetic3A_1760 = arith.shrsi %bitcast_convert_type3A_1757, %shift_right_arithmetic3A_1759 : vector<16xi32>
        %and3A_1761 = arith.andi %shift_right_arithmetic3A_1760, %broadcast_in_dim3A_225 : vector<16xi32>
        %bitcast_convert_type3A_1762 = tpu.bitcast %and3A_1761 : vector<16xi32> -> vector<16xf32>
        %get3A_1763 = arith.constant 0 : i32
        %get3A_1764 = arith.index_cast %get3A_1763 : i32 to index
        %get3A_1765 = arith.index_cast %add3A_1691 : i32 to index
        %get3A_1766 = arith.constant 48 : index
        %get3A_1767 = tpu.vector_load %arg7[%get3A_1764, %get3A_1765, %get3A_1766] {strides = array<i32>} : memref<2x128x64xf32, #tpu.memory_space<vmem>>, vector<16xf32>,
        %mul3A_1768 = arith.mulf %get3A_1767, %bitcast_convert_type3A_1762 : vector<16xf32>
        %scatter3A_1769 = arith.constant 0 : i32
        %scatter3A_1770 = arith.constant 0 : i32
        %scatter3A_1771 = arith.constant 0 : i32
        %scatter3A_1772 = arith.constant 0 : i32
        %scatter3A_1773 = tpu.memref_slice %arg9[%scatter3A_1769, %scatter3A_1770, %scatter3A_1771, %scatter3A_1772] : memref<2x8x8x129xf32, #tpu.memory_space<vmem>> -> memref<1x8x8x129xf32, #tpu.memory_space<vmem>>
        %scatter3A_1774 = tpu.memref_squeeze %scatter3A_1773 : memref<1x8x8x129xf32, #tpu.memory_space<vmem>> -> memref<8x8x129xf32, #tpu.memory_space<vmem>>
        tpu.vector_store_idx %scatter3A_1774[%select_n3A_195, %select_n3A_217, %broadcast_in_dim3A_1692], %mul3A_1768 : memref<8x8x129xf32, #tpu.memory_space<vmem>>[vector<16xi32>, vector<16xi32>, vector<16xi32>], vector<16xf32>,
        %mul3A_1775 = arith.constant 8 : i32
        %mul3A_1776 = arith.muli %scan3A_1379, %mul3A_1775 : i32
        %add3A_1777 = arith.constant 4 : i32
        %add3A_1778 = arith.addi %mul3A_1776, %add3A_1777 : i32
        %broadcast_in_dim3A_1779 = vector.broadcast %add3A_1778 : i32 to vector<16xi32>
        %slice3A_1780 = vector.extract_strided_slice %get3A_1426 {offsets = [8], sizes = [1], strides = [1]} : vector<16xi32> to vector<1xi32>
        %squeeze3A_1781 = vector.extract %slice3A_1780[0] : i32 from vector<1xi32>
        %broadcast_in_dim3A_1782 = vector.broadcast %squeeze3A_1781 : i32 to vector<16xi32>
        %slice3A_1783 = vector.extract_strided_slice %get3A_1426 {offsets = [9], sizes = [1], strides = [1]} : vector<16xi32> to vector<1xi32>
        %squeeze3A_1784 = vector.extract %slice3A_1783[0] : i32 from vector<1xi32>
        %broadcast_in_dim3A_1785 = vector.broadcast %squeeze3A_1784 : i32 to vector<16xi32>
        %shift_left3A_1786 = arith.shli %broadcast_in_dim3A_1782, %sub3A_221 : vector<16xi32>
        %bitcast_convert_type3A_1787 = tpu.bitcast %shift_left3A_1786 : vector<16xi32> -> vector<16xi32>
        %shift_right_arithmetic3A_1788 = arith.constant 31 : i32
        %shift_right_arithmetic3A_1789 = vector.broadcast %shift_right_arithmetic3A_1788 : i32 to vector<16xi32>
        %shift_right_arithmetic3A_1790 = arith.shrsi %bitcast_convert_type3A_1787, %shift_right_arithmetic3A_1789 : vector<16xi32>
        %and3A_1791 = arith.andi %shift_right_arithmetic3A_1790, %broadcast_in_dim3A_225 : vector<16xi32>
        %bitcast_convert_type3A_1792 = tpu.bitcast %and3A_1791 : vector<16xi32> -> vector<16xf32>
        %get3A_1793 = arith.constant 0 : i32
        %get3A_1794 = arith.index_cast %get3A_1793 : i32 to index
        %get3A_1795 = arith.index_cast %add3A_1778 : i32 to index
        %get3A_1796 = arith.constant 0 : index
        %get3A_1797 = tpu.vector_load %arg7[%get3A_1794, %get3A_1795, %get3A_1796] {strides = array<i32>} : memref<2x128x64xf32, #tpu.memory_space<vmem>>, vector<16xf32>,
        %mul3A_1798 = arith.mulf %get3A_1797, %bitcast_convert_type3A_1792 : vector<16xf32>
        %scatter3A_1799 = arith.constant 0 : i32
        %scatter3A_1800 = arith.constant 0 : i32
        %scatter3A_1801 = arith.constant 0 : i32
        %scatter3A_1802 = arith.constant 0 : i32
        %scatter3A_1803 = tpu.memref_slice %arg9[%scatter3A_1799, %scatter3A_1800, %scatter3A_1801, %scatter3A_1802] : memref<2x8x8x129xf32, #tpu.memory_space<vmem>> -> memref<1x8x8x129xf32, #tpu.memory_space<vmem>>
        %scatter3A_1804 = tpu.memref_squeeze %scatter3A_1803 : memref<1x8x8x129xf32, #tpu.memory_space<vmem>> -> memref<8x8x129xf32, #tpu.memory_space<vmem>>
        tpu.vector_store_idx %scatter3A_1804[%select_n3A, %select_n3A_58, %broadcast_in_dim3A_1779], %mul3A_1798 : memref<8x8x129xf32, #tpu.memory_space<vmem>>[vector<16xi32>, vector<16xi32>, vector<16xi32>], vector<16xf32>,
        %shift_left3A_1805 = arith.shli %broadcast_in_dim3A_1782, %sub3A_224 : vector<16xi32>
        %bitcast_convert_type3A_1806 = tpu.bitcast %shift_left3A_1805 : vector<16xi32> -> vector<16xi32>
        %shift_right_arithmetic3A_1807 = arith.constant 31 : i32
        %shift_right_arithmetic3A_1808 = vector.broadcast %shift_right_arithmetic3A_1807 : i32 to vector<16xi32>
        %shift_right_arithmetic3A_1809 = arith.shrsi %bitcast_convert_type3A_1806, %shift_right_arithmetic3A_1808 : vector<16xi32>
        %and3A_1810 = arith.andi %shift_right_arithmetic3A_1809, %broadcast_in_dim3A_225 : vector<16xi32>
        %bitcast_convert_type3A_1811 = tpu.bitcast %and3A_1810 : vector<16xi32> -> vector<16xf32>
        %get3A_1812 = arith.constant 0 : i32
        %get3A_1813 = arith.index_cast %get3A_1812 : i32 to index
        %get3A_1814 = arith.index_cast %add3A_1778 : i32 to index
        %get3A_1815 = arith.constant 16 : index
        %get3A_1816 = tpu.vector_load %arg7[%get3A_1813, %get3A_1814, %get3A_1815] {strides = array<i32>} : memref<2x128x64xf32, #tpu.memory_space<vmem>>, vector<16xf32>,
        %mul3A_1817 = arith.mulf %get3A_1816, %bitcast_convert_type3A_1811 : vector<16xf32>
        %scatter3A_1818 = arith.constant 0 : i32
        %scatter3A_1819 = arith.constant 0 : i32
        %scatter3A_1820 = arith.constant 0 : i32
        %scatter3A_1821 = arith.constant 0 : i32
        %scatter3A_1822 = tpu.memref_slice %arg9[%scatter3A_1818, %scatter3A_1819, %scatter3A_1820, %scatter3A_1821] : memref<2x8x8x129xf32, #tpu.memory_space<vmem>> -> memref<1x8x8x129xf32, #tpu.memory_space<vmem>>
        %scatter3A_1823 = tpu.memref_squeeze %scatter3A_1822 : memref<1x8x8x129xf32, #tpu.memory_space<vmem>> -> memref<8x8x129xf32, #tpu.memory_space<vmem>>
        tpu.vector_store_idx %scatter3A_1823[%select_n3A_89, %select_n3A_111, %broadcast_in_dim3A_1779], %mul3A_1817 : memref<8x8x129xf32, #tpu.memory_space<vmem>>[vector<16xi32>, vector<16xi32>, vector<16xi32>], vector<16xf32>,
        %shift_left3A_1824 = arith.shli %broadcast_in_dim3A_1785, %sub3A_221 : vector<16xi32>
        %bitcast_convert_type3A_1825 = tpu.bitcast %shift_left3A_1824 : vector<16xi32> -> vector<16xi32>
        %shift_right_arithmetic3A_1826 = arith.constant 31 : i32
        %shift_right_arithmetic3A_1827 = vector.broadcast %shift_right_arithmetic3A_1826 : i32 to vector<16xi32>
        %shift_right_arithmetic3A_1828 = arith.shrsi %bitcast_convert_type3A_1825, %shift_right_arithmetic3A_1827 : vector<16xi32>
        %and3A_1829 = arith.andi %shift_right_arithmetic3A_1828, %broadcast_in_dim3A_225 : vector<16xi32>
        %bitcast_convert_type3A_1830 = tpu.bitcast %and3A_1829 : vector<16xi32> -> vector<16xf32>
        %get3A_1831 = arith.constant 0 : i32
        %get3A_1832 = arith.index_cast %get3A_1831 : i32 to index
        %get3A_1833 = arith.index_cast %add3A_1778 : i32 to index
        %get3A_1834 = arith.constant 32 : index
        %get3A_1835 = tpu.vector_load %arg7[%get3A_1832, %get3A_1833, %get3A_1834] {strides = array<i32>} : memref<2x128x64xf32, #tpu.memory_space<vmem>>, vector<16xf32>,
        %mul3A_1836 = arith.mulf %get3A_1835, %bitcast_convert_type3A_1830 : vector<16xf32>
        %scatter3A_1837 = arith.constant 0 : i32
        %scatter3A_1838 = arith.constant 0 : i32
        %scatter3A_1839 = arith.constant 0 : i32
        %scatter3A_1840 = arith.constant 0 : i32
        %scatter3A_1841 = tpu.memref_slice %arg9[%scatter3A_1837, %scatter3A_1838, %scatter3A_1839, %scatter3A_1840] : memref<2x8x8x129xf32, #tpu.memory_space<vmem>> -> memref<1x8x8x129xf32, #tpu.memory_space<vmem>>
        %scatter3A_1842 = tpu.memref_squeeze %scatter3A_1841 : memref<1x8x8x129xf32, #tpu.memory_space<vmem>> -> memref<8x8x129xf32, #tpu.memory_space<vmem>>
        tpu.vector_store_idx %scatter3A_1842[%select_n3A_142, %select_n3A_164, %broadcast_in_dim3A_1779], %mul3A_1836 : memref<8x8x129xf32, #tpu.memory_space<vmem>>[vector<16xi32>, vector<16xi32>, vector<16xi32>], vector<16xf32>,
        %shift_left3A_1843 = arith.shli %broadcast_in_dim3A_1785, %sub3A_224 : vector<16xi32>
        %bitcast_convert_type3A_1844 = tpu.bitcast %shift_left3A_1843 : vector<16xi32> -> vector<16xi32>
        %shift_right_arithmetic3A_1845 = arith.constant 31 : i32
        %shift_right_arithmetic3A_1846 = vector.broadcast %shift_right_arithmetic3A_1845 : i32 to vector<16xi32>
        %shift_right_arithmetic3A_1847 = arith.shrsi %bitcast_convert_type3A_1844, %shift_right_arithmetic3A_1846 : vector<16xi32>
        %and3A_1848 = arith.andi %shift_right_arithmetic3A_1847, %broadcast_in_dim3A_225 : vector<16xi32>
        %bitcast_convert_type3A_1849 = tpu.bitcast %and3A_1848 : vector<16xi32> -> vector<16xf32>
        %get3A_1850 = arith.constant 0 : i32
        %get3A_1851 = arith.index_cast %get3A_1850 : i32 to index
        %get3A_1852 = arith.index_cast %add3A_1778 : i32 to index
        %get3A_1853 = arith.constant 48 : index
        %get3A_1854 = tpu.vector_load %arg7[%get3A_1851, %get3A_1852, %get3A_1853] {strides = array<i32>} : memref<2x128x64xf32, #tpu.memory_space<vmem>>, vector<16xf32>,
        %mul3A_1855 = arith.mulf %get3A_1854, %bitcast_convert_type3A_1849 : vector<16xf32>
        %scatter3A_1856 = arith.constant 0 : i32
        %scatter3A_1857 = arith.constant 0 : i32
        %scatter3A_1858 = arith.constant 0 : i32
        %scatter3A_1859 = arith.constant 0 : i32
        %scatter3A_1860 = tpu.memref_slice %arg9[%scatter3A_1856, %scatter3A_1857, %scatter3A_1858, %scatter3A_1859] : memref<2x8x8x129xf32, #tpu.memory_space<vmem>> -> memref<1x8x8x129xf32, #tpu.memory_space<vmem>>
        %scatter3A_1861 = tpu.memref_squeeze %scatter3A_1860 : memref<1x8x8x129xf32, #tpu.memory_space<vmem>> -> memref<8x8x129xf32, #tpu.memory_space<vmem>>
        tpu.vector_store_idx %scatter3A_1861[%select_n3A_195, %select_n3A_217, %broadcast_in_dim3A_1779], %mul3A_1855 : memref<8x8x129xf32, #tpu.memory_space<vmem>>[vector<16xi32>, vector<16xi32>, vector<16xi32>], vector<16xf32>,
        %mul3A_1862 = arith.constant 8 : i32
        %mul3A_1863 = arith.muli %scan3A_1379, %mul3A_1862 : i32
        %add3A_1864 = arith.constant 5 : i32
        %add3A_1865 = arith.addi %mul3A_1863, %add3A_1864 : i32
        %broadcast_in_dim3A_1866 = vector.broadcast %add3A_1865 : i32 to vector<16xi32>
        %slice3A_1867 = vector.extract_strided_slice %get3A_1426 {offsets = [10], sizes = [1], strides = [1]} : vector<16xi32> to vector<1xi32>
        %squeeze3A_1868 = vector.extract %slice3A_1867[0] : i32 from vector<1xi32>
        %broadcast_in_dim3A_1869 = vector.broadcast %squeeze3A_1868 : i32 to vector<16xi32>
        %slice3A_1870 = vector.extract_strided_slice %get3A_1426 {offsets = [11], sizes = [1], strides = [1]} : vector<16xi32> to vector<1xi32>
        %squeeze3A_1871 = vector.extract %slice3A_1870[0] : i32 from vector<1xi32>
        %broadcast_in_dim3A_1872 = vector.broadcast %squeeze3A_1871 : i32 to vector<16xi32>
        %shift_left3A_1873 = arith.shli %broadcast_in_dim3A_1869, %sub3A_221 : vector<16xi32>
        %bitcast_convert_type3A_1874 = tpu.bitcast %shift_left3A_1873 : vector<16xi32> -> vector<16xi32>
        %shift_right_arithmetic3A_1875 = arith.constant 31 : i32
        %shift_right_arithmetic3A_1876 = vector.broadcast %shift_right_arithmetic3A_1875 : i32 to vector<16xi32>
        %shift_right_arithmetic3A_1877 = arith.shrsi %bitcast_convert_type3A_1874, %shift_right_arithmetic3A_1876 : vector<16xi32>
        %and3A_1878 = arith.andi %shift_right_arithmetic3A_1877, %broadcast_in_dim3A_225 : vector<16xi32>
        %bitcast_convert_type3A_1879 = tpu.bitcast %and3A_1878 : vector<16xi32> -> vector<16xf32>
        %get3A_1880 = arith.constant 0 : i32
        %get3A_1881 = arith.index_cast %get3A_1880 : i32 to index
        %get3A_1882 = arith.index_cast %add3A_1865 : i32 to index
        %get3A_1883 = arith.constant 0 : index
        %get3A_1884 = tpu.vector_load %arg7[%get3A_1881, %get3A_1882, %get3A_1883] {strides = array<i32>} : memref<2x128x64xf32, #tpu.memory_space<vmem>>, vector<16xf32>,
        %mul3A_1885 = arith.mulf %get3A_1884, %bitcast_convert_type3A_1879 : vector<16xf32>
        %scatter3A_1886 = arith.constant 0 : i32
        %scatter3A_1887 = arith.constant 0 : i32
        %scatter3A_1888 = arith.constant 0 : i32
        %scatter3A_1889 = arith.constant 0 : i32
        %scatter3A_1890 = tpu.memref_slice %arg9[%scatter3A_1886, %scatter3A_1887, %scatter3A_1888, %scatter3A_1889] : memref<2x8x8x129xf32, #tpu.memory_space<vmem>> -> memref<1x8x8x129xf32, #tpu.memory_space<vmem>>
        %scatter3A_1891 = tpu.memref_squeeze %scatter3A_1890 : memref<1x8x8x129xf32, #tpu.memory_space<vmem>> -> memref<8x8x129xf32, #tpu.memory_space<vmem>>
        tpu.vector_store_idx %scatter3A_1891[%select_n3A, %select_n3A_58, %broadcast_in_dim3A_1866], %mul3A_1885 : memref<8x8x129xf32, #tpu.memory_space<vmem>>[vector<16xi32>, vector<16xi32>, vector<16xi32>], vector<16xf32>,
        %shift_left3A_1892 = arith.shli %broadcast_in_dim3A_1869, %sub3A_224 : vector<16xi32>
        %bitcast_convert_type3A_1893 = tpu.bitcast %shift_left3A_1892 : vector<16xi32> -> vector<16xi32>
        %shift_right_arithmetic3A_1894 = arith.constant 31 : i32
        %shift_right_arithmetic3A_1895 = vector.broadcast %shift_right_arithmetic3A_1894 : i32 to vector<16xi32>
        %shift_right_arithmetic3A_1896 = arith.shrsi %bitcast_convert_type3A_1893, %shift_right_arithmetic3A_1895 : vector<16xi32>
        %and3A_1897 = arith.andi %shift_right_arithmetic3A_1896, %broadcast_in_dim3A_225 : vector<16xi32>
        %bitcast_convert_type3A_1898 = tpu.bitcast %and3A_1897 : vector<16xi32> -> vector<16xf32>
        %get3A_1899 = arith.constant 0 : i32
        %get3A_1900 = arith.index_cast %get3A_1899 : i32 to index
        %get3A_1901 = arith.index_cast %add3A_1865 : i32 to index
        %get3A_1902 = arith.constant 16 : index
        %get3A_1903 = tpu.vector_load %arg7[%get3A_1900, %get3A_1901, %get3A_1902] {strides = array<i32>} : memref<2x128x64xf32, #tpu.memory_space<vmem>>, vector<16xf32>,
        %mul3A_1904 = arith.mulf %get3A_1903, %bitcast_convert_type3A_1898 : vector<16xf32>
        %scatter3A_1905 = arith.constant 0 : i32
        %scatter3A_1906 = arith.constant 0 : i32
        %scatter3A_1907 = arith.constant 0 : i32
        %scatter3A_1908 = arith.constant 0 : i32
        %scatter3A_1909 = tpu.memref_slice %arg9[%scatter3A_1905, %scatter3A_1906, %scatter3A_1907, %scatter3A_1908] : memref<2x8x8x129xf32, #tpu.memory_space<vmem>> -> memref<1x8x8x129xf32, #tpu.memory_space<vmem>>
        %scatter3A_1910 = tpu.memref_squeeze %scatter3A_1909 : memref<1x8x8x129xf32, #tpu.memory_space<vmem>> -> memref<8x8x129xf32, #tpu.memory_space<vmem>>
        tpu.vector_store_idx %scatter3A_1910[%select_n3A_89, %select_n3A_111, %broadcast_in_dim3A_1866], %mul3A_1904 : memref<8x8x129xf32, #tpu.memory_space<vmem>>[vector<16xi32>, vector<16xi32>, vector<16xi32>], vector<16xf32>,
        %shift_left3A_1911 = arith.shli %broadcast_in_dim3A_1872, %sub3A_221 : vector<16xi32>
        %bitcast_convert_type3A_1912 = tpu.bitcast %shift_left3A_1911 : vector<16xi32> -> vector<16xi32>
        %shift_right_arithmetic3A_1913 = arith.constant 31 : i32
        %shift_right_arithmetic3A_1914 = vector.broadcast %shift_right_arithmetic3A_1913 : i32 to vector<16xi32>
        %shift_right_arithmetic3A_1915 = arith.shrsi %bitcast_convert_type3A_1912, %shift_right_arithmetic3A_1914 : vector<16xi32>
        %and3A_1916 = arith.andi %shift_right_arithmetic3A_1915, %broadcast_in_dim3A_225 : vector<16xi32>
        %bitcast_convert_type3A_1917 = tpu.bitcast %and3A_1916 : vector<16xi32> -> vector<16xf32>
        %get3A_1918 = arith.constant 0 : i32
        %get3A_1919 = arith.index_cast %get3A_1918 : i32 to index
        %get3A_1920 = arith.index_cast %add3A_1865 : i32 to index
        %get3A_1921 = arith.constant 32 : index
        %get3A_1922 = tpu.vector_load %arg7[%get3A_1919, %get3A_1920, %get3A_1921] {strides = array<i32>} : memref<2x128x64xf32, #tpu.memory_space<vmem>>, vector<16xf32>,
        %mul3A_1923 = arith.mulf %get3A_1922, %bitcast_convert_type3A_1917 : vector<16xf32>
        %scatter3A_1924 = arith.constant 0 : i32
        %scatter3A_1925 = arith.constant 0 : i32
        %scatter3A_1926 = arith.constant 0 : i32
        %scatter3A_1927 = arith.constant 0 : i32
        %scatter3A_1928 = tpu.memref_slice %arg9[%scatter3A_1924, %scatter3A_1925, %scatter3A_1926, %scatter3A_1927] : memref<2x8x8x129xf32, #tpu.memory_space<vmem>> -> memref<1x8x8x129xf32, #tpu.memory_space<vmem>>
        %scatter3A_1929 = tpu.memref_squeeze %scatter3A_1928 : memref<1x8x8x129xf32, #tpu.memory_space<vmem>> -> memref<8x8x129xf32, #tpu.memory_space<vmem>>
        tpu.vector_store_idx %scatter3A_1929[%select_n3A_142, %select_n3A_164, %broadcast_in_dim3A_1866], %mul3A_1923 : memref<8x8x129xf32, #tpu.memory_space<vmem>>[vector<16xi32>, vector<16xi32>, vector<16xi32>], vector<16xf32>,
        %shift_left3A_1930 = arith.shli %broadcast_in_dim3A_1872, %sub3A_224 : vector<16xi32>
        %bitcast_convert_type3A_1931 = tpu.bitcast %shift_left3A_1930 : vector<16xi32> -> vector<16xi32>
        %shift_right_arithmetic3A_1932 = arith.constant 31 : i32
        %shift_right_arithmetic3A_1933 = vector.broadcast %shift_right_arithmetic3A_1932 : i32 to vector<16xi32>
        %shift_right_arithmetic3A_1934 = arith.shrsi %bitcast_convert_type3A_1931, %shift_right_arithmetic3A_1933 : vector<16xi32>
        %and3A_1935 = arith.andi %shift_right_arithmetic3A_1934, %broadcast_in_dim3A_225 : vector<16xi32>
        %bitcast_convert_type3A_1936 = tpu.bitcast %and3A_1935 : vector<16xi32> -> vector<16xf32>
        %get3A_1937 = arith.constant 0 : i32
        %get3A_1938 = arith.index_cast %get3A_1937 : i32 to index
        %get3A_1939 = arith.index_cast %add3A_1865 : i32 to index
        %get3A_1940 = arith.constant 48 : index
        %get3A_1941 = tpu.vector_load %arg7[%get3A_1938, %get3A_1939, %get3A_1940] {strides = array<i32>} : memref<2x128x64xf32, #tpu.memory_space<vmem>>, vector<16xf32>,
        %mul3A_1942 = arith.mulf %get3A_1941, %bitcast_convert_type3A_1936 : vector<16xf32>
        %scatter3A_1943 = arith.constant 0 : i32
        %scatter3A_1944 = arith.constant 0 : i32
        %scatter3A_1945 = arith.constant 0 : i32
        %scatter3A_1946 = arith.constant 0 : i32
        %scatter3A_1947 = tpu.memref_slice %arg9[%scatter3A_1943, %scatter3A_1944, %scatter3A_1945, %scatter3A_1946] : memref<2x8x8x129xf32, #tpu.memory_space<vmem>> -> memref<1x8x8x129xf32, #tpu.memory_space<vmem>>
        %scatter3A_1948 = tpu.memref_squeeze %scatter3A_1947 : memref<1x8x8x129xf32, #tpu.memory_space<vmem>> -> memref<8x8x129xf32, #tpu.memory_space<vmem>>
        tpu.vector_store_idx %scatter3A_1948[%select_n3A_195, %select_n3A_217, %broadcast_in_dim3A_1866], %mul3A_1942 : memref<8x8x129xf32, #tpu.memory_space<vmem>>[vector<16xi32>, vector<16xi32>, vector<16xi32>], vector<16xf32>,
        %mul3A_1949 = arith.constant 8 : i32
        %mul3A_1950 = arith.muli %scan3A_1379, %mul3A_1949 : i32
        %add3A_1951 = arith.constant 6 : i32
        %add3A_1952 = arith.addi %mul3A_1950, %add3A_1951 : i32
        %broadcast_in_dim3A_1953 = vector.broadcast %add3A_1952 : i32 to vector<16xi32>
        %slice3A_1954 = vector.extract_strided_slice %get3A_1426 {offsets = [12], sizes = [1], strides = [1]} : vector<16xi32> to vector<1xi32>
        %squeeze3A_1955 = vector.extract %slice3A_1954[0] : i32 from vector<1xi32>
        %broadcast_in_dim3A_1956 = vector.broadcast %squeeze3A_1955 : i32 to vector<16xi32>
        %slice3A_1957 = vector.extract_strided_slice %get3A_1426 {offsets = [13], sizes = [1], strides = [1]} : vector<16xi32> to vector<1xi32>
        %squeeze3A_1958 = vector.extract %slice3A_1957[0] : i32 from vector<1xi32>
        %broadcast_in_dim3A_1959 = vector.broadcast %squeeze3A_1958 : i32 to vector<16xi32>
        %shift_left3A_1960 = arith.shli %broadcast_in_dim3A_1956, %sub3A_221 : vector<16xi32>
        %bitcast_convert_type3A_1961 = tpu.bitcast %shift_left3A_1960 : vector<16xi32> -> vector<16xi32>
        %shift_right_arithmetic3A_1962 = arith.constant 31 : i32
        %shift_right_arithmetic3A_1963 = vector.broadcast %shift_right_arithmetic3A_1962 : i32 to vector<16xi32>
        %shift_right_arithmetic3A_1964 = arith.shrsi %bitcast_convert_type3A_1961, %shift_right_arithmetic3A_1963 : vector<16xi32>
        %and3A_1965 = arith.andi %shift_right_arithmetic3A_1964, %broadcast_in_dim3A_225 : vector<16xi32>
        %bitcast_convert_type3A_1966 = tpu.bitcast %and3A_1965 : vector<16xi32> -> vector<16xf32>
        %get3A_1967 = arith.constant 0 : i32
        %get3A_1968 = arith.index_cast %get3A_1967 : i32 to index
        %get3A_1969 = arith.index_cast %add3A_1952 : i32 to index
        %get3A_1970 = arith.constant 0 : index
        %get3A_1971 = tpu.vector_load %arg7[%get3A_1968, %get3A_1969, %get3A_1970] {strides = array<i32>} : memref<2x128x64xf32, #tpu.memory_space<vmem>>, vector<16xf32>,
        %mul3A_1972 = arith.mulf %get3A_1971, %bitcast_convert_type3A_1966 : vector<16xf32>
        %scatter3A_1973 = arith.constant 0 : i32
        %scatter3A_1974 = arith.constant 0 : i32
        %scatter3A_1975 = arith.constant 0 : i32
        %scatter3A_1976 = arith.constant 0 : i32
        %scatter3A_1977 = tpu.memref_slice %arg9[%scatter3A_1973, %scatter3A_1974, %scatter3A_1975, %scatter3A_1976] : memref<2x8x8x129xf32, #tpu.memory_space<vmem>> -> memref<1x8x8x129xf32, #tpu.memory_space<vmem>>
        %scatter3A_1978 = tpu.memref_squeeze %scatter3A_1977 : memref<1x8x8x129xf32, #tpu.memory_space<vmem>> -> memref<8x8x129xf32, #tpu.memory_space<vmem>>
        tpu.vector_store_idx %scatter3A_1978[%select_n3A, %select_n3A_58, %broadcast_in_dim3A_1953], %mul3A_1972 : memref<8x8x129xf32, #tpu.memory_space<vmem>>[vector<16xi32>, vector<16xi32>, vector<16xi32>], vector<16xf32>,
        %shift_left3A_1979 = arith.shli %broadcast_in_dim3A_1956, %sub3A_224 : vector<16xi32>
        %bitcast_convert_type3A_1980 = tpu.bitcast %shift_left3A_1979 : vector<16xi32> -> vector<16xi32>
        %shift_right_arithmetic3A_1981 = arith.constant 31 : i32
        %shift_right_arithmetic3A_1982 = vector.broadcast %shift_right_arithmetic3A_1981 : i32 to vector<16xi32>
        %shift_right_arithmetic3A_1983 = arith.shrsi %bitcast_convert_type3A_1980, %shift_right_arithmetic3A_1982 : vector<16xi32>
        %and3A_1984 = arith.andi %shift_right_arithmetic3A_1983, %broadcast_in_dim3A_225 : vector<16xi32>
        %bitcast_convert_type3A_1985 = tpu.bitcast %and3A_1984 : vector<16xi32> -> vector<16xf32>
        %get3A_1986 = arith.constant 0 : i32
        %get3A_1987 = arith.index_cast %get3A_1986 : i32 to index
        %get3A_1988 = arith.index_cast %add3A_1952 : i32 to index
        %get3A_1989 = arith.constant 16 : index
        %get3A_1990 = tpu.vector_load %arg7[%get3A_1987, %get3A_1988, %get3A_1989] {strides = array<i32>} : memref<2x128x64xf32, #tpu.memory_space<vmem>>, vector<16xf32>,
        %mul3A_1991 = arith.mulf %get3A_1990, %bitcast_convert_type3A_1985 : vector<16xf32>
        %scatter3A_1992 = arith.constant 0 : i32
        %scatter3A_1993 = arith.constant 0 : i32
        %scatter3A_1994 = arith.constant 0 : i32
        %scatter3A_1995 = arith.constant 0 : i32
        %scatter3A_1996 = tpu.memref_slice %arg9[%scatter3A_1992, %scatter3A_1993, %scatter3A_1994, %scatter3A_1995] : memref<2x8x8x129xf32, #tpu.memory_space<vmem>> -> memref<1x8x8x129xf32, #tpu.memory_space<vmem>>
        %scatter3A_1997 = tpu.memref_squeeze %scatter3A_1996 : memref<1x8x8x129xf32, #tpu.memory_space<vmem>> -> memref<8x8x129xf32, #tpu.memory_space<vmem>>
        tpu.vector_store_idx %scatter3A_1997[%select_n3A_89, %select_n3A_111, %broadcast_in_dim3A_1953], %mul3A_1991 : memref<8x8x129xf32, #tpu.memory_space<vmem>>[vector<16xi32>, vector<16xi32>, vector<16xi32>], vector<16xf32>,
        %shift_left3A_1998 = arith.shli %broadcast_in_dim3A_1959, %sub3A_221 : vector<16xi32>
        %bitcast_convert_type3A_1999 = tpu.bitcast %shift_left3A_1998 : vector<16xi32> -> vector<16xi32>
        %shift_right_arithmetic3A_2000 = arith.constant 31 : i32
        %shift_right_arithmetic3A_2001 = vector.broadcast %shift_right_arithmetic3A_2000 : i32 to vector<16xi32>
        %shift_right_arithmetic3A_2002 = arith.shrsi %bitcast_convert_type3A_1999, %shift_right_arithmetic3A_2001 : vector<16xi32>
        %and3A_2003 = arith.andi %shift_right_arithmetic3A_2002, %broadcast_in_dim3A_225 : vector<16xi32>
        %bitcast_convert_type3A_2004 = tpu.bitcast %and3A_2003 : vector<16xi32> -> vector<16xf32>
        %get3A_2005 = arith.constant 0 : i32
        %get3A_2006 = arith.index_cast %get3A_2005 : i32 to index
        %get3A_2007 = arith.index_cast %add3A_1952 : i32 to index
        %get3A_2008 = arith.constant 32 : index
        %get3A_2009 = tpu.vector_load %arg7[%get3A_2006, %get3A_2007, %get3A_2008] {strides = array<i32>} : memref<2x128x64xf32, #tpu.memory_space<vmem>>, vector<16xf32>,
        %mul3A_2010 = arith.mulf %get3A_2009, %bitcast_convert_type3A_2004 : vector<16xf32>
        %scatter3A_2011 = arith.constant 0 : i32
        %scatter3A_2012 = arith.constant 0 : i32
        %scatter3A_2013 = arith.constant 0 : i32
        %scatter3A_2014 = arith.constant 0 : i32
        %scatter3A_2015 = tpu.memref_slice %arg9[%scatter3A_2011, %scatter3A_2012, %scatter3A_2013, %scatter3A_2014] : memref<2x8x8x129xf32, #tpu.memory_space<vmem>> -> memref<1x8x8x129xf32, #tpu.memory_space<vmem>>
        %scatter3A_2016 = tpu.memref_squeeze %scatter3A_2015 : memref<1x8x8x129xf32, #tpu.memory_space<vmem>> -> memref<8x8x129xf32, #tpu.memory_space<vmem>>
        tpu.vector_store_idx %scatter3A_2016[%select_n3A_142, %select_n3A_164, %broadcast_in_dim3A_1953], %mul3A_2010 : memref<8x8x129xf32, #tpu.memory_space<vmem>>[vector<16xi32>, vector<16xi32>, vector<16xi32>], vector<16xf32>,
        %shift_left3A_2017 = arith.shli %broadcast_in_dim3A_1959, %sub3A_224 : vector<16xi32>
        %bitcast_convert_type3A_2018 = tpu.bitcast %shift_left3A_2017 : vector<16xi32> -> vector<16xi32>
        %shift_right_arithmetic3A_2019 = arith.constant 31 : i32
        %shift_right_arithmetic3A_2020 = vector.broadcast %shift_right_arithmetic3A_2019 : i32 to vector<16xi32>
        %shift_right_arithmetic3A_2021 = arith.shrsi %bitcast_convert_type3A_2018, %shift_right_arithmetic3A_2020 : vector<16xi32>
        %and3A_2022 = arith.andi %shift_right_arithmetic3A_2021, %broadcast_in_dim3A_225 : vector<16xi32>
        %bitcast_convert_type3A_2023 = tpu.bitcast %and3A_2022 : vector<16xi32> -> vector<16xf32>
        %get3A_2024 = arith.constant 0 : i32
        %get3A_2025 = arith.index_cast %get3A_2024 : i32 to index
        %get3A_2026 = arith.index_cast %add3A_1952 : i32 to index
        %get3A_2027 = arith.constant 48 : index
        %get3A_2028 = tpu.vector_load %arg7[%get3A_2025, %get3A_2026, %get3A_2027] {strides = array<i32>} : memref<2x128x64xf32, #tpu.memory_space<vmem>>, vector<16xf32>,
        %mul3A_2029 = arith.mulf %get3A_2028, %bitcast_convert_type3A_2023 : vector<16xf32>
        %scatter3A_2030 = arith.constant 0 : i32
        %scatter3A_2031 = arith.constant 0 : i32
        %scatter3A_2032 = arith.constant 0 : i32
        %scatter3A_2033 = arith.constant 0 : i32
        %scatter3A_2034 = tpu.memref_slice %arg9[%scatter3A_2030, %scatter3A_2031, %scatter3A_2032, %scatter3A_2033] : memref<2x8x8x129xf32, #tpu.memory_space<vmem>> -> memref<1x8x8x129xf32, #tpu.memory_space<vmem>>
        %scatter3A_2035 = tpu.memref_squeeze %scatter3A_2034 : memref<1x8x8x129xf32, #tpu.memory_space<vmem>> -> memref<8x8x129xf32, #tpu.memory_space<vmem>>
        tpu.vector_store_idx %scatter3A_2035[%select_n3A_195, %select_n3A_217, %broadcast_in_dim3A_1953], %mul3A_2029 : memref<8x8x129xf32, #tpu.memory_space<vmem>>[vector<16xi32>, vector<16xi32>, vector<16xi32>], vector<16xf32>,
        %mul3A_2036 = arith.constant 8 : i32
        %mul3A_2037 = arith.muli %scan3A_1379, %mul3A_2036 : i32
        %add3A_2038 = arith.constant 7 : i32
        %add3A_2039 = arith.addi %mul3A_2037, %add3A_2038 : i32
        %broadcast_in_dim3A_2040 = vector.broadcast %add3A_2039 : i32 to vector<16xi32>
        %slice3A_2041 = vector.extract_strided_slice %get3A_1426 {offsets = [14], sizes = [1], strides = [1]} : vector<16xi32> to vector<1xi32>
        %squeeze3A_2042 = vector.extract %slice3A_2041[0] : i32 from vector<1xi32>
        %broadcast_in_dim3A_2043 = vector.broadcast %squeeze3A_2042 : i32 to vector<16xi32>
        %slice3A_2044 = vector.extract_strided_slice %get3A_1426 {offsets = [15], sizes = [1], strides = [1]} : vector<16xi32> to vector<1xi32>
        %squeeze3A_2045 = vector.extract %slice3A_2044[0] : i32 from vector<1xi32>
        %broadcast_in_dim3A_2046 = vector.broadcast %squeeze3A_2045 : i32 to vector<16xi32>
        %shift_left3A_2047 = arith.shli %broadcast_in_dim3A_2043, %sub3A_221 : vector<16xi32>
        %bitcast_convert_type3A_2048 = tpu.bitcast %shift_left3A_2047 : vector<16xi32> -> vector<16xi32>
        %shift_right_arithmetic3A_2049 = arith.constant 31 : i32
        %shift_right_arithmetic3A_2050 = vector.broadcast %shift_right_arithmetic3A_2049 : i32 to vector<16xi32>
        %shift_right_arithmetic3A_2051 = arith.shrsi %bitcast_convert_type3A_2048, %shift_right_arithmetic3A_2050 : vector<16xi32>
        %and3A_2052 = arith.andi %shift_right_arithmetic3A_2051, %broadcast_in_dim3A_225 : vector<16xi32>
        %bitcast_convert_type3A_2053 = tpu.bitcast %and3A_2052 : vector<16xi32> -> vector<16xf32>
        %get3A_2054 = arith.constant 0 : i32
        %get3A_2055 = arith.index_cast %get3A_2054 : i32 to index
        %get3A_2056 = arith.index_cast %add3A_2039 : i32 to index
        %get3A_2057 = arith.constant 0 : index
        %get3A_2058 = tpu.vector_load %arg7[%get3A_2055, %get3A_2056, %get3A_2057] {strides = array<i32>} : memref<2x128x64xf32, #tpu.memory_space<vmem>>, vector<16xf32>,
        %mul3A_2059 = arith.mulf %get3A_2058, %bitcast_convert_type3A_2053 : vector<16xf32>
        %scatter3A_2060 = arith.constant 0 : i32
        %scatter3A_2061 = arith.constant 0 : i32
        %scatter3A_2062 = arith.constant 0 : i32
        %scatter3A_2063 = arith.constant 0 : i32
        %scatter3A_2064 = tpu.memref_slice %arg9[%scatter3A_2060, %scatter3A_2061, %scatter3A_2062, %scatter3A_2063] : memref<2x8x8x129xf32, #tpu.memory_space<vmem>> -> memref<1x8x8x129xf32, #tpu.memory_space<vmem>>
        %scatter3A_2065 = tpu.memref_squeeze %scatter3A_2064 : memref<1x8x8x129xf32, #tpu.memory_space<vmem>> -> memref<8x8x129xf32, #tpu.memory_space<vmem>>
        tpu.vector_store_idx %scatter3A_2065[%select_n3A, %select_n3A_58, %broadcast_in_dim3A_2040], %mul3A_2059 : memref<8x8x129xf32, #tpu.memory_space<vmem>>[vector<16xi32>, vector<16xi32>, vector<16xi32>], vector<16xf32>,
        %shift_left3A_2066 = arith.shli %broadcast_in_dim3A_2043, %sub3A_224 : vector<16xi32>
        %bitcast_convert_type3A_2067 = tpu.bitcast %shift_left3A_2066 : vector<16xi32> -> vector<16xi32>
        %shift_right_arithmetic3A_2068 = arith.constant 31 : i32
        %shift_right_arithmetic3A_2069 = vector.broadcast %shift_right_arithmetic3A_2068 : i32 to vector<16xi32>
        %shift_right_arithmetic3A_2070 = arith.shrsi %bitcast_convert_type3A_2067, %shift_right_arithmetic3A_2069 : vector<16xi32>
        %and3A_2071 = arith.andi %shift_right_arithmetic3A_2070, %broadcast_in_dim3A_225 : vector<16xi32>
        %bitcast_convert_type3A_2072 = tpu.bitcast %and3A_2071 : vector<16xi32> -> vector<16xf32>
        %get3A_2073 = arith.constant 0 : i32
        %get3A_2074 = arith.index_cast %get3A_2073 : i32 to index
        %get3A_2075 = arith.index_cast %add3A_2039 : i32 to index
        %get3A_2076 = arith.constant 16 : index
        %get3A_2077 = tpu.vector_load %arg7[%get3A_2074, %get3A_2075, %get3A_2076] {strides = array<i32>} : memref<2x128x64xf32, #tpu.memory_space<vmem>>, vector<16xf32>,
        %mul3A_2078 = arith.mulf %get3A_2077, %bitcast_convert_type3A_2072 : vector<16xf32>
        %scatter3A_2079 = arith.constant 0 : i32
        %scatter3A_2080 = arith.constant 0 : i32
        %scatter3A_2081 = arith.constant 0 : i32
        %scatter3A_2082 = arith.constant 0 : i32
        %scatter3A_2083 = tpu.memref_slice %arg9[%scatter3A_2079, %scatter3A_2080, %scatter3A_2081, %scatter3A_2082] : memref<2x8x8x129xf32, #tpu.memory_space<vmem>> -> memref<1x8x8x129xf32, #tpu.memory_space<vmem>>
        %scatter3A_2084 = tpu.memref_squeeze %scatter3A_2083 : memref<1x8x8x129xf32, #tpu.memory_space<vmem>> -> memref<8x8x129xf32, #tpu.memory_space<vmem>>
        tpu.vector_store_idx %scatter3A_2084[%select_n3A_89, %select_n3A_111, %broadcast_in_dim3A_2040], %mul3A_2078 : memref<8x8x129xf32, #tpu.memory_space<vmem>>[vector<16xi32>, vector<16xi32>, vector<16xi32>], vector<16xf32>,
        %shift_left3A_2085 = arith.shli %broadcast_in_dim3A_2046, %sub3A_221 : vector<16xi32>
        %bitcast_convert_type3A_2086 = tpu.bitcast %shift_left3A_2085 : vector<16xi32> -> vector<16xi32>
        %shift_right_arithmetic3A_2087 = arith.constant 31 : i32
        %shift_right_arithmetic3A_2088 = vector.broadcast %shift_right_arithmetic3A_2087 : i32 to vector<16xi32>
        %shift_right_arithmetic3A_2089 = arith.shrsi %bitcast_convert_type3A_2086, %shift_right_arithmetic3A_2088 : vector<16xi32>
        %and3A_2090 = arith.andi %shift_right_arithmetic3A_2089, %broadcast_in_dim3A_225 : vector<16xi32>
        %bitcast_convert_type3A_2091 = tpu.bitcast %and3A_2090 : vector<16xi32> -> vector<16xf32>
        %get3A_2092 = arith.constant 0 : i32
        %get3A_2093 = arith.index_cast %get3A_2092 : i32 to index
        %get3A_2094 = arith.index_cast %add3A_2039 : i32 to index
        %get3A_2095 = arith.constant 32 : index
        %get3A_2096 = tpu.vector_load %arg7[%get3A_2093, %get3A_2094, %get3A_2095] {strides = array<i32>} : memref<2x128x64xf32, #tpu.memory_space<vmem>>, vector<16xf32>,
        %mul3A_2097 = arith.mulf %get3A_2096, %bitcast_convert_type3A_2091 : vector<16xf32>
        %scatter3A_2098 = arith.constant 0 : i32
        %scatter3A_2099 = arith.constant 0 : i32
        %scatter3A_2100 = arith.constant 0 : i32
        %scatter3A_2101 = arith.constant 0 : i32
        %scatter3A_2102 = tpu.memref_slice %arg9[%scatter3A_2098, %scatter3A_2099, %scatter3A_2100, %scatter3A_2101] : memref<2x8x8x129xf32, #tpu.memory_space<vmem>> -> memref<1x8x8x129xf32, #tpu.memory_space<vmem>>
        %scatter3A_2103 = tpu.memref_squeeze %scatter3A_2102 : memref<1x8x8x129xf32, #tpu.memory_space<vmem>> -> memref<8x8x129xf32, #tpu.memory_space<vmem>>
        tpu.vector_store_idx %scatter3A_2103[%select_n3A_142, %select_n3A_164, %broadcast_in_dim3A_2040], %mul3A_2097 : memref<8x8x129xf32, #tpu.memory_space<vmem>>[vector<16xi32>, vector<16xi32>, vector<16xi32>], vector<16xf32>,
        %shift_left3A_2104 = arith.shli %broadcast_in_dim3A_2046, %sub3A_224 : vector<16xi32>
        %bitcast_convert_type3A_2105 = tpu.bitcast %shift_left3A_2104 : vector<16xi32> -> vector<16xi32>
        %shift_right_arithmetic3A_2106 = arith.constant 31 : i32
        %shift_right_arithmetic3A_2107 = vector.broadcast %shift_right_arithmetic3A_2106 : i32 to vector<16xi32>
        %shift_right_arithmetic3A_2108 = arith.shrsi %bitcast_convert_type3A_2105, %shift_right_arithmetic3A_2107 : vector<16xi32>
        %and3A_2109 = arith.andi %shift_right_arithmetic3A_2108, %broadcast_in_dim3A_225 : vector<16xi32>
        %bitcast_convert_type3A_2110 = tpu.bitcast %and3A_2109 : vector<16xi32> -> vector<16xf32>
        %get3A_2111 = arith.constant 0 : i32
        %get3A_2112 = arith.index_cast %get3A_2111 : i32 to index
        %get3A_2113 = arith.index_cast %add3A_2039 : i32 to index
        %get3A_2114 = arith.constant 48 : index
        %get3A_2115 = tpu.vector_load %arg7[%get3A_2112, %get3A_2113, %get3A_2114] {strides = array<i32>} : memref<2x128x64xf32, #tpu.memory_space<vmem>>, vector<16xf32>,
        %mul3A_2116 = arith.mulf %get3A_2115, %bitcast_convert_type3A_2110 : vector<16xf32>
        %scatter3A_2117 = arith.constant 0 : i32
        %scatter3A_2118 = arith.constant 0 : i32
        %scatter3A_2119 = arith.constant 0 : i32
        %scatter3A_2120 = arith.constant 0 : i32
        %scatter3A_2121 = tpu.memref_slice %arg9[%scatter3A_2117, %scatter3A_2118, %scatter3A_2119, %scatter3A_2120] : memref<2x8x8x129xf32, #tpu.memory_space<vmem>> -> memref<1x8x8x129xf32, #tpu.memory_space<vmem>>
        %scatter3A_2122 = tpu.memref_squeeze %scatter3A_2121 : memref<1x8x8x129xf32, #tpu.memory_space<vmem>> -> memref<8x8x129xf32, #tpu.memory_space<vmem>>
        tpu.vector_store_idx %scatter3A_2122[%select_n3A_195, %select_n3A_217, %broadcast_in_dim3A_2040], %mul3A_2116 : memref<8x8x129xf32, #tpu.memory_space<vmem>>[vector<16xi32>, vector<16xi32>, vector<16xi32>], vector<16xf32>,
      }
      %scan3A_502 = arith.constant 16 : i32
      %dma_start3A_503 = arith.constant 0 : i32
      %dma_start3A_504 = arith.constant 0 : i32
      %dma_start3A_505 = arith.constant 0 : i32
      %dma_start3A_506 = arith.constant 0 : i32
      %dma_start3A_507 = tpu.memref_slice %arg9[%dma_start3A_503, %dma_start3A_504, %dma_start3A_505, %dma_start3A_506] : memref<2x8x8x129xf32, #tpu.memory_space<vmem>> -> memref<1x8x8x128xf32, #tpu.memory_space<vmem>>
      %dma_start3A_508 = tpu.memref_squeeze %dma_start3A_507 : memref<1x8x8x128xf32, #tpu.memory_space<vmem>> -> memref<8x8x128xf32, #tpu.memory_space<vmem>>
      %dma_start3A_509 = arith.constant 0 : i32
      %dma_start3A_510 = arith.constant 0 : i32
      %dma_start3A_511 = arith.constant 0 : i32
      %dma_start3A_512 = tpu.memref_slice %arg5[%add3A_423, %dma_start3A_509, %add3A, %dma_start3A_510, %dma_start3A_511] : memref<50x8x32x8x128xf32, #tpu.memory_space<hbm>> -> memref<1x8x1x8x128xf32, #tpu.memory_space<hbm>>
      %dma_start3A_513 = tpu.memref_squeeze %dma_start3A_512 : memref<1x8x1x8x128xf32, #tpu.memory_space<hbm>> -> memref<8x8x128xf32, #tpu.memory_space<hbm>>
      %dma_start3A_514 = arith.constant 0 : i32
      %dma_start3A_515 = arith.constant 0 : i32
      %dma_start3A_516 = arith.constant 0 : i32
      %dma_start3A_517 = tpu.memref_slice %arg5[%add3A_423, %dma_start3A_514, %add3A, %dma_start3A_515, %dma_start3A_516] : memref<50x8x32x8x128xf32, #tpu.memory_space<hbm>> -> memref<1x8x1x8x128xf32, #tpu.memory_space<hbm>>
      %dma_start3A_518 = tpu.memref_squeeze %dma_start3A_517 : memref<1x8x1x8x128xf32, #tpu.memory_space<hbm>> -> memref<8x8x128xf32, #tpu.memory_space<hbm>>
      %dma_start3A_519 = arith.constant 0 : i32
      %dma_start3A_520 = arith.constant 0 : i32
      %dma_start3A_521 = arith.constant 0 : i32
      %dma_start3A_522 = tpu.memref_slice %arg9[%dma_start3A_503, %dma_start3A_519, %dma_start3A_520, %dma_start3A_521] : memref<2x8x8x129xf32, #tpu.memory_space<vmem>> -> memref<1x8x8x128xf32, #tpu.memory_space<vmem>>
      %dma_start3A_523 = tpu.memref_squeeze %dma_start3A_522 : memref<1x8x8x128xf32, #tpu.memory_space<vmem>> -> memref<8x8x128xf32, #tpu.memory_space<vmem>>
      tpu.enqueue_dma source(%dma_start3A_523 : memref<8x8x128xf32, #tpu.memory_space<vmem>>) target(%dma_start3A_518 : memref<8x8x128xf32, #tpu.memory_space<hbm>>) target_semaphore(%arg14 : memref<!tpu.dma_semaphore, #tpu.memory_space<semaphore_mem>>)
      %lt3A_524 = arith.constant 24 : i32
      %lt3A_525 = arith.cmpi slt, %scan3A_419, %lt3A_524 : i32
      %convert_element_type3A_526 = arith.extui %lt3A_525 : i1 to i32
      %cond3A_527 = arith.constant 0 : i32
      %cond3A_528 = arith.cmpi ne, %convert_element_type3A_526, %cond3A_527 : i32
      scf.if %cond3A_528 {
        %add3A_641 = arith.constant 2 : i32
        %add3A_642 = arith.addi %add3A_423, %add3A_641 : i32
        %dma_start3A_643 = arith.constant 0 : i32
        %dma_start3A_644 = arith.constant 0 : i32
        %dma_start3A_645 = arith.constant 0 : i32
        %dma_start3A_646 = tpu.memref_slice %arg7[%dma_start3A_643, %dma_start3A_644, %dma_start3A_645] : memref<2x128x64xf32, #tpu.memory_space<vmem>> -> memref<1x128x64xf32, #tpu.memory_space<vmem>>
        %dma_start3A_647 = tpu.memref_squeeze %dma_start3A_646 : memref<1x128x64xf32, #tpu.memory_space<vmem>> -> memref<128x64xf32, #tpu.memory_space<vmem>>
        %dma_start3A_648 = arith.constant 0 : i32
        %dma_start3A_649 = tpu.memref_slice %arg6[%add3A_642, %dma_start3A_648] : memref<50x128xi32, #tpu.memory_space<vmem>> -> memref<1x128xi32, #tpu.memory_space<vmem>>
        %dma_start3A_650 = tpu.memref_squeeze %dma_start3A_649 : memref<1x128xi32, #tpu.memory_space<vmem>> -> memref<128xi32, #tpu.memory_space<vmem>>
        %dma_start3A_651 = arith.constant 0 : i32
        %dma_start3A_652 = arith.constant 0 : i32
        %dma_start3A_653 = tpu.memref_slice %arg3[%dma_start3A_651, %dma_start3A_652] : memref<100000x64xf32, #tpu.memory_space<hbm>> -> memref<100000x64xf32, #tpu.memory_space<hbm>>
        tpu.enqueue_indirect_dma source(%dma_start3A_653 : memref<100000x64xf32, #tpu.memory_space<hbm>>) target(%dma_start3A_647 : memref<128x64xf32, #tpu.memory_space<vmem>>) offsets(%dma_start3A_650 : memref<128xi32, #tpu.memory_space<vmem>>) semaphore(%arg10 : memref<!tpu.dma_semaphore, #tpu.memory_space<semaphore_mem>>)
        %add3A_654 = arith.constant 2 : i32
        %add3A_655 = arith.addi %add3A_423, %add3A_654 : i32
        %mul3A_656 = arith.constant 50 : i32
        %mul3A_657 = arith.muli %add3A, %mul3A_656 : i32
        %add3A_658 = arith.addi %mul3A_657, %add3A_655 : i32
        %jit3A_659 = arith.constant 4 : i32
        %div3A_660 = arith.divsi %add3A_658, %jit3A_659 : i32
        %sign3A_661 = arith.constant 0 : i32
        %sign3A_662 = arith.cmpi sgt, %add3A_658, %sign3A_661 : i32
        %sign3A_663 = arith.extui %sign3A_662 : i1 to i32
        %sign3A_664 = arith.constant 0 : i32
        %sign3A_665 = arith.cmpi slt, %add3A_658, %sign3A_664 : i32
        %sign3A_666 = arith.extui %sign3A_665 : i1 to i32
        %sign3A_667 = arith.subi %sign3A_663, %sign3A_666 : i32
        %sign3A_668 = arith.constant 0 : i32
        %sign3A_669 = arith.cmpi sgt, %jit3A_659, %sign3A_668 : i32
        %sign3A_670 = arith.extui %sign3A_669 : i1 to i32
        %sign3A_671 = arith.constant 0 : i32
        %sign3A_672 = arith.cmpi slt, %jit3A_659, %sign3A_671 : i32
        %sign3A_673 = arith.extui %sign3A_672 : i1 to i32
        %sign3A_674 = arith.subi %sign3A_670, %sign3A_673 : i32
        %ne3A_675 = arith.cmpi ne, %sign3A_667, %sign3A_674 : i32
        %rem3A_676 = arith.remsi %add3A_658, %jit3A_659 : i32
        %ne3A_677 = arith.constant 0 : i32
        %ne3A_678 = arith.cmpi ne, %rem3A_676, %ne3A_677 : i32
        %and3A_679 = arith.andi %ne3A_675, %ne3A_678 : i1
        %sub3A_680 = arith.constant 1 : i32
        %sub3A_681 = arith.subi %div3A_660, %sub3A_680 : i32
        %select_n3A_682 = arith.select %and3A_679, %sub3A_681, %div3A_660 : i32
        %jit3A_683 = arith.constant 4 : i32
        %eq3A_684 = arith.constant 0 : i32
        %eq3A_685 = arith.cmpi eq, %jit3A_683, %eq3A_684 : i32
        %jit3A_686 = arith.constant 1 : i32
        %select_n3A_687 = arith.select %eq3A_685, %jit3A_686, %jit3A_683 : i32
        %rem3A_688 = arith.remsi %add3A_658, %select_n3A_687 : i32
        %ne3A_689 = arith.constant 0 : i32
        %ne3A_690 = arith.cmpi ne, %rem3A_688, %ne3A_689 : i32
        %lt3A_691 = arith.constant 0 : i32
        %lt3A_692 = arith.cmpi slt, %rem3A_688, %lt3A_691 : i32
        %lt3A_693 = arith.constant 0 : i32
        %lt3A_694 = arith.cmpi slt, %select_n3A_687, %lt3A_693 : i32
        %ne3A_695 = arith.xori %lt3A_692, %lt3A_694 : i1
        %and3A_696 = arith.andi %ne3A_695, %ne3A_690 : i1
        %add3A_697 = arith.addi %rem3A_688, %select_n3A_687 : i32
        %select_n3A_698 = arith.select %and3A_696, %add3A_697, %rem3A_688 : i32
        %mul3A_699 = arith.constant 2 : i32
        %mul3A_700 = arith.muli %select_n3A_698, %mul3A_699 : i32
        %dma_start3A_701 = arith.constant 0 : i32
        %dma_start3A_702 = arith.constant 0 : i32
        %dma_start3A_703 = arith.constant 0 : i32
        %dma_start3A_704 = tpu.memref_slice %arg8[%dma_start3A_701, %dma_start3A_702, %dma_start3A_703] : memref<2x2x128xi32, #tpu.memory_space<vmem>> -> memref<1x2x128xi32, #tpu.memory_space<vmem>>
        %dma_start3A_705 = tpu.memref_squeeze %dma_start3A_704 : memref<1x2x128xi32, #tpu.memory_space<vmem>> -> memref<2x128xi32, #tpu.memory_space<vmem>>
        %dma_start3A_706 = arith.constant 0 : i32
        %dma_start3A_707 = tpu.memref_slice %arg4[%select_n3A_682, %mul3A_700, %dma_start3A_706] : memref<400x8x128xi32, #tpu.memory_space<hbm>> -> memref<1x2x128xi32, #tpu.memory_space<hbm>>
        %dma_start3A_708 = tpu.memref_squeeze %dma_start3A_707 : memref<1x2x128xi32, #tpu.memory_space<hbm>> -> memref<2x128xi32, #tpu.memory_space<hbm>>
        %dma_start3A_709 = arith.constant 0 : i32
        %dma_start3A_710 = arith.constant 0 : i32
        %dma_start3A_711 = tpu.memref_slice %arg8[%dma_start3A_701, %dma_start3A_709, %dma_start3A_710] : memref<2x2x128xi32, #tpu.memory_space<vmem>> -> memref<1x2x128xi32, #tpu.memory_space<vmem>>
        %dma_start3A_712 = tpu.memref_squeeze %dma_start3A_711 : memref<1x2x128xi32, #tpu.memory_space<vmem>> -> memref<2x128xi32, #tpu.memory_space<vmem>>
        %dma_start3A_713 = arith.constant 0 : i32
        %dma_start3A_714 = tpu.memref_slice %arg4[%select_n3A_682, %mul3A_700, %dma_start3A_713] : memref<400x8x128xi32, #tpu.memory_space<hbm>> -> memref<1x2x128xi32, #tpu.memory_space<hbm>>
        %dma_start3A_715 = tpu.memref_squeeze %dma_start3A_714 : memref<1x2x128xi32, #tpu.memory_space<hbm>> -> memref<2x128xi32, #tpu.memory_space<hbm>>
        tpu.enqueue_dma source(%dma_start3A_715 : memref<2x128xi32, #tpu.memory_space<hbm>>) target(%dma_start3A_712 : memref<2x128xi32, #tpu.memory_space<vmem>>) target_semaphore(%arg12 : memref<!tpu.dma_semaphore, #tpu.memory_space<semaphore_mem>>)
      } else {
      }
      %mul3A_529 = arith.constant 2 : i32
      %mul3A_530 = arith.muli %mul3A_529, %scan3A_419 : i32
      %add3A_531 = arith.constant 1 : i32
      %add3A_532 = arith.addi %mul3A_530, %add3A_531 : i32
      %dma_wait3A_533 = arith.constant 1 : i32
      %dma_wait3A_534 = arith.constant 0 : i32
      %dma_wait3A_535 = arith.constant 0 : i32
      %dma_wait3A_536 = tpu.memref_slice %arg7[%dma_wait3A_533, %dma_wait3A_534, %dma_wait3A_535] : memref<2x128x64xf32, #tpu.memory_space<vmem>> -> memref<1x128x64xf32, #tpu.memory_space<vmem>>
      %dma_wait3A_537 = tpu.memref_squeeze %dma_wait3A_536 : memref<1x128x64xf32, #tpu.memory_space<vmem>> -> memref<128x64xf32, #tpu.memory_space<vmem>>
      %dma_wait3A_538 = arith.constant 0 : i32
      %dma_wait3A_539 = tpu.memref_slice %arg6[%add3A_532, %dma_wait3A_538] : memref<50x128xi32, #tpu.memory_space<vmem>> -> memref<1x128xi32, #tpu.memory_space<vmem>>
      %dma_wait3A_540 = tpu.memref_squeeze %dma_wait3A_539 : memref<1x128xi32, #tpu.memory_space<vmem>> -> memref<128xi32, #tpu.memory_space<vmem>>
      %dma_wait3A_541 = arith.constant 0 : i32
      %dma_wait3A_542 = arith.constant 0 : i32
      %dma_wait3A_543 = tpu.memref_slice %arg3[%dma_wait3A_541, %dma_wait3A_542] : memref<100000x64xf32, #tpu.memory_space<hbm>> -> memref<100000x64xf32, #tpu.memory_space<hbm>>
      tpu.wait_indirect_dma semaphore(%arg11 : memref<!tpu.dma_semaphore, #tpu.memory_space<semaphore_mem>>) src(%dma_wait3A_543 : memref<100000x64xf32, #tpu.memory_space<hbm>>) dst(%dma_wait3A_537 : memref<128x64xf32, #tpu.memory_space<vmem>>)
      %mul3A_544 = arith.constant 50 : i32
      %mul3A_545 = arith.muli %add3A, %mul3A_544 : i32
      %add3A_546 = arith.addi %mul3A_545, %add3A_532 : i32
      %jit3A_547 = arith.constant 4 : i32
      %div3A_548 = arith.divsi %add3A_546, %jit3A_547 : i32
      %sign3A_549 = arith.constant 0 : i32
      %sign3A_550 = arith.cmpi sgt, %add3A_546, %sign3A_549 : i32
      %sign3A_551 = arith.extui %sign3A_550 : i1 to i32
      %sign3A_552 = arith.constant 0 : i32
      %sign3A_553 = arith.cmpi slt, %add3A_546, %sign3A_552 : i32
      %sign3A_554 = arith.extui %sign3A_553 : i1 to i32
      %sign3A_555 = arith.subi %sign3A_551, %sign3A_554 : i32
      %sign3A_556 = arith.constant 0 : i32
      %sign3A_557 = arith.cmpi sgt, %jit3A_547, %sign3A_556 : i32
      %sign3A_558 = arith.extui %sign3A_557 : i1 to i32
      %sign3A_559 = arith.constant 0 : i32
      %sign3A_560 = arith.cmpi slt, %jit3A_547, %sign3A_559 : i32
      %sign3A_561 = arith.extui %sign3A_560 : i1 to i32
      %sign3A_562 = arith.subi %sign3A_558, %sign3A_561 : i32
      %ne3A_563 = arith.cmpi ne, %sign3A_555, %sign3A_562 : i32
      %rem3A_564 = arith.remsi %add3A_546, %jit3A_547 : i32
      %ne3A_565 = arith.constant 0 : i32
      %ne3A_566 = arith.cmpi ne, %rem3A_564, %ne3A_565 : i32
      %and3A_567 = arith.andi %ne3A_563, %ne3A_566 : i1
      %sub3A_568 = arith.constant 1 : i32
      %sub3A_569 = arith.subi %div3A_548, %sub3A_568 : i32
      %select_n3A_570 = arith.select %and3A_567, %sub3A_569, %div3A_548 : i32
      %jit3A_571 = arith.constant 4 : i32
      %eq3A_572 = arith.constant 0 : i32
      %eq3A_573 = arith.cmpi eq, %jit3A_571, %eq3A_572 : i32
      %jit3A_574 = arith.constant 1 : i32
      %select_n3A_575 = arith.select %eq3A_573, %jit3A_574, %jit3A_571 : i32
      %rem3A_576 = arith.remsi %add3A_546, %select_n3A_575 : i32
      %ne3A_577 = arith.constant 0 : i32
      %ne3A_578 = arith.cmpi ne, %rem3A_576, %ne3A_577 : i32
      %lt3A_579 = arith.constant 0 : i32
      %lt3A_580 = arith.cmpi slt, %rem3A_576, %lt3A_579 : i32
      %lt3A_581 = arith.constant 0 : i32
      %lt3A_582 = arith.cmpi slt, %select_n3A_575, %lt3A_581 : i32
      %ne3A_583 = arith.xori %lt3A_580, %lt3A_582 : i1
      %and3A_584 = arith.andi %ne3A_583, %ne3A_578 : i1
      %add3A_585 = arith.addi %rem3A_576, %select_n3A_575 : i32
      %select_n3A_586 = arith.select %and3A_584, %add3A_585, %rem3A_576 : i32
      %mul3A_587 = arith.constant 2 : i32
      %mul3A_588 = arith.muli %select_n3A_586, %mul3A_587 : i32
      %dma_wait3A_589 = arith.constant 1 : i32
      %dma_wait3A_590 = arith.constant 0 : i32
      %dma_wait3A_591 = arith.constant 0 : i32
      %dma_wait3A_592 = tpu.memref_slice %arg8[%dma_wait3A_589, %dma_wait3A_590, %dma_wait3A_591] : memref<2x2x128xi32, #tpu.memory_space<vmem>> -> memref<1x2x128xi32, #tpu.memory_space<vmem>>
      %dma_wait3A_593 = tpu.memref_squeeze %dma_wait3A_592 : memref<1x2x128xi32, #tpu.memory_space<vmem>> -> memref<2x128xi32, #tpu.memory_space<vmem>>
      %dma_wait3A_594 = arith.constant 0 : i32
      %dma_wait3A_595 = tpu.memref_slice %arg4[%select_n3A_570, %mul3A_588, %dma_wait3A_594] : memref<400x8x128xi32, #tpu.memory_space<hbm>> -> memref<1x2x128xi32, #tpu.memory_space<hbm>>
      %dma_wait3A_596 = tpu.memref_squeeze %dma_wait3A_595 : memref<1x2x128xi32, #tpu.memory_space<hbm>> -> memref<2x128xi32, #tpu.memory_space<hbm>>
      %dma_wait3A_597 = arith.constant 0 : i32
      %dma_wait3A_598 = arith.constant 0 : i32
      %dma_wait3A_599 = tpu.memref_slice %arg8[%dma_wait3A_589, %dma_wait3A_597, %dma_wait3A_598] : memref<2x2x128xi32, #tpu.memory_space<vmem>> -> memref<1x2x128xi32, #tpu.memory_space<vmem>>
      %dma_wait3A_600 = tpu.memref_squeeze %dma_wait3A_599 : memref<1x2x128xi32, #tpu.memory_space<vmem>> -> memref<2x128xi32, #tpu.memory_space<vmem>>
      %dma_wait3A_601 = arith.constant 0 : i32
      %dma_wait3A_602 = tpu.memref_slice %arg4[%select_n3A_570, %mul3A_588, %dma_wait3A_601] : memref<400x8x128xi32, #tpu.memory_space<hbm>> -> memref<1x2x128xi32, #tpu.memory_space<hbm>>
      %dma_wait3A_603 = tpu.memref_squeeze %dma_wait3A_602 : memref<1x2x128xi32, #tpu.memory_space<hbm>> -> memref<2x128xi32, #tpu.memory_space<hbm>>
      tpu.wait_dma2 semaphore(%arg13 : memref<!tpu.dma_semaphore, #tpu.memory_space<semaphore_mem>>) src(%dma_wait3A_603 : memref<2x128xi32, #tpu.memory_space<hbm>>) dst(%dma_wait3A_600 : memref<2x128xi32, #tpu.memory_space<vmem>>)
      %ge3A_604 = arith.constant 1 : i32
      %ge3A_605 = arith.cmpi sge, %scan3A_419, %ge3A_604 : i32
      %convert_element_type3A_606 = arith.extui %ge3A_605 : i1 to i32
      %cond3A_607 = arith.constant 0 : i32
      %cond3A_608 = arith.cmpi ne, %convert_element_type3A_606, %cond3A_607 : i32
      scf.if %cond3A_608 {
        %dma_wait3A_641 = arith.constant 1 : i32
        %dma_wait3A_642 = arith.constant 0 : i32
        %dma_wait3A_643 = arith.constant 0 : i32
        %dma_wait3A_644 = arith.constant 0 : i32
        %dma_wait3A_645 = tpu.memref_slice %arg9[%dma_wait3A_641, %dma_wait3A_642, %dma_wait3A_643, %dma_wait3A_644] : memref<2x8x8x129xf32, #tpu.memory_space<vmem>> -> memref<1x8x8x128xf32, #tpu.memory_space<vmem>>
        %dma_wait3A_646 = tpu.memref_squeeze %dma_wait3A_645 : memref<1x8x8x128xf32, #tpu.memory_space<vmem>> -> memref<8x8x128xf32, #tpu.memory_space<vmem>>
        %dma_wait3A_647 = arith.constant 0 : i32
        %dma_wait3A_648 = arith.constant 0 : i32
        %dma_wait3A_649 = arith.constant 0 : i32
        %dma_wait3A_650 = tpu.memref_slice %arg5[%add3A_532, %dma_wait3A_647, %add3A, %dma_wait3A_648, %dma_wait3A_649] : memref<50x8x32x8x128xf32, #tpu.memory_space<hbm>> -> memref<1x8x1x8x128xf32, #tpu.memory_space<hbm>>
        %dma_wait3A_651 = tpu.memref_squeeze %dma_wait3A_650 : memref<1x8x1x8x128xf32, #tpu.memory_space<hbm>> -> memref<8x8x128xf32, #tpu.memory_space<hbm>>
        %dma_wait3A_652 = arith.constant 0 : i32
        %dma_wait3A_653 = arith.constant 0 : i32
        %dma_wait3A_654 = arith.constant 0 : i32
        %dma_wait3A_655 = tpu.memref_slice %arg5[%add3A_532, %dma_wait3A_652, %add3A, %dma_wait3A_653, %dma_wait3A_654] : memref<50x8x32x8x128xf32, #tpu.memory_space<hbm>> -> memref<1x8x1x8x128xf32, #tpu.memory_space<hbm>>
        %dma_wait3A_656 = tpu.memref_squeeze %dma_wait3A_655 : memref<1x8x1x8x128xf32, #tpu.memory_space<hbm>> -> memref<8x8x128xf32, #tpu.memory_space<hbm>>
        %dma_wait3A_657 = arith.constant 0 : i32
        %dma_wait3A_658 = arith.constant 0 : i32
        %dma_wait3A_659 = arith.constant 0 : i32
        %dma_wait3A_660 = tpu.memref_slice %arg9[%dma_wait3A_641, %dma_wait3A_657, %dma_wait3A_658, %dma_wait3A_659] : memref<2x8x8x129xf32, #tpu.memory_space<vmem>> -> memref<1x8x8x128xf32, #tpu.memory_space<vmem>>
        %dma_wait3A_661 = tpu.memref_squeeze %dma_wait3A_660 : memref<1x8x8x128xf32, #tpu.memory_space<vmem>> -> memref<8x8x128xf32, #tpu.memory_space<vmem>>
        tpu.wait_dma2 semaphore(%arg15 : memref<!tpu.dma_semaphore, #tpu.memory_space<semaphore_mem>>) src(%dma_wait3A_661 : memref<8x8x128xf32, #tpu.memory_space<vmem>>) dst(%dma_wait3A_656 : memref<8x8x128xf32, #tpu.memory_space<hbm>>)
      } else {
      }
      %scan3A_609 = arith.constant 0 : i32
      %scan3A_610 = arith.constant 0 : i32
      %scan3A_611 = arith.constant 16 : i32
      %scan3A_612 = arith.addi %scan3A_610, %scan3A_611 : i32
      %scan3A_613 = arith.constant 2 : i32
      scf.for %scan3A_641 = %scan3A_610 to %scan3A_612 step %scan3A_613  : i32 {
        %jit3A_642 = arith.constant 8 : i32
        %div3A_643 = arith.divsi %scan3A_641, %jit3A_642 : i32
        %sign3A_644 = arith.constant 0 : i32
        %sign3A_645 = arith.cmpi sgt, %scan3A_641, %sign3A_644 : i32
        %sign3A_646 = arith.extui %sign3A_645 : i1 to i32
        %sign3A_647 = arith.constant 0 : i32
        %sign3A_648 = arith.cmpi slt, %scan3A_641, %sign3A_647 : i32
        %sign3A_649 = arith.extui %sign3A_648 : i1 to i32
        %sign3A_650 = arith.subi %sign3A_646, %sign3A_649 : i32
        %sign3A_651 = arith.constant 0 : i32
        %sign3A_652 = arith.cmpi sgt, %jit3A_642, %sign3A_651 : i32
        %sign3A_653 = arith.extui %sign3A_652 : i1 to i32
        %sign3A_654 = arith.constant 0 : i32
        %sign3A_655 = arith.cmpi slt, %jit3A_642, %sign3A_654 : i32
        %sign3A_656 = arith.extui %sign3A_655 : i1 to i32
        %sign3A_657 = arith.subi %sign3A_653, %sign3A_656 : i32
        %ne3A_658 = arith.cmpi ne, %sign3A_650, %sign3A_657 : i32
        %rem3A_659 = arith.remsi %scan3A_641, %jit3A_642 : i32
        %ne3A_660 = arith.constant 0 : i32
        %ne3A_661 = arith.cmpi ne, %rem3A_659, %ne3A_660 : i32
        %and3A_662 = arith.andi %ne3A_658, %ne3A_661 : i1
        %sub3A_663 = arith.constant 1 : i32
        %sub3A_664 = arith.subi %div3A_643, %sub3A_663 : i32
        %select_n3A_665 = arith.select %and3A_662, %sub3A_664, %div3A_643 : i32
        %jit3A_666 = arith.constant 8 : i32
        %eq3A_667 = arith.constant 0 : i32
        %eq3A_668 = arith.cmpi eq, %jit3A_666, %eq3A_667 : i32
        %jit3A_669 = arith.constant 1 : i32
        %select_n3A_670 = arith.select %eq3A_668, %jit3A_669, %jit3A_666 : i32
        %rem3A_671 = arith.remsi %scan3A_641, %select_n3A_670 : i32
        %ne3A_672 = arith.constant 0 : i32
        %ne3A_673 = arith.cmpi ne, %rem3A_671, %ne3A_672 : i32
        %lt3A_674 = arith.constant 0 : i32
        %lt3A_675 = arith.cmpi slt, %rem3A_671, %lt3A_674 : i32
        %lt3A_676 = arith.constant 0 : i32
        %lt3A_677 = arith.cmpi slt, %select_n3A_670, %lt3A_676 : i32
        %ne3A_678 = arith.xori %lt3A_675, %lt3A_677 : i1
        %and3A_679 = arith.andi %ne3A_678, %ne3A_673 : i1
        %add3A_680 = arith.addi %rem3A_671, %select_n3A_670 : i32
        %select_n3A_681 = arith.select %and3A_679, %add3A_680, %rem3A_671 : i32
        %mul3A_682 = arith.constant 16 : i32
        %mul3A_683 = arith.muli %select_n3A_681, %mul3A_682 : i32
        %get3A = arith.constant 1 : i32
        %get3A_684 = arith.index_cast %get3A : i32 to index
        %get3A_685 = arith.index_cast %select_n3A_665 : i32 to index
        %get3A_686 = arith.index_cast %mul3A_683 : i32 to index
        %get3A_687 = tpu.vector_load %arg8[%get3A_684, %get3A_685, %get3A_686] {strides = array<i32>} : memref<2x2x128xi32, #tpu.memory_space<vmem>>, vector<16xi32>,
        %mul3A_688 = arith.constant 8 : i32
        %mul3A_689 = arith.muli %scan3A_641, %mul3A_688 : i32
        %add3A_690 = arith.constant 0 : i32
        %add3A_691 = arith.addi %mul3A_689, %add3A_690 : i32
        %broadcast_in_dim3A_692 = vector.broadcast %add3A_691 : i32 to vector<16xi32>
        %slice3A = vector.extract_strided_slice %get3A_687 {offsets = [0], sizes = [1], strides = [1]} : vector<16xi32> to vector<1xi32>
        %squeeze3A = vector.extract %slice3A[0] : i32 from vector<1xi32>
        %broadcast_in_dim3A_693 = vector.broadcast %squeeze3A : i32 to vector<16xi32>
        %slice3A_694 = vector.extract_strided_slice %get3A_687 {offsets = [1], sizes = [1], strides = [1]} : vector<16xi32> to vector<1xi32>
        %squeeze3A_695 = vector.extract %slice3A_694[0] : i32 from vector<1xi32>
        %broadcast_in_dim3A_696 = vector.broadcast %squeeze3A_695 : i32 to vector<16xi32>
        %shift_left3A = arith.shli %broadcast_in_dim3A_693, %sub3A_221 : vector<16xi32>
        %bitcast_convert_type3A = tpu.bitcast %shift_left3A : vector<16xi32> -> vector<16xi32>
        %shift_right_arithmetic3A = arith.constant 31 : i32
        %shift_right_arithmetic3A_697 = vector.broadcast %shift_right_arithmetic3A : i32 to vector<16xi32>
        %shift_right_arithmetic3A_698 = arith.shrsi %bitcast_convert_type3A, %shift_right_arithmetic3A_697 : vector<16xi32>
        %and3A_699 = arith.andi %shift_right_arithmetic3A_698, %broadcast_in_dim3A_225 : vector<16xi32>
        %bitcast_convert_type3A_700 = tpu.bitcast %and3A_699 : vector<16xi32> -> vector<16xf32>
        %get3A_701 = arith.constant 1 : i32
        %get3A_702 = arith.index_cast %get3A_701 : i32 to index
        %get3A_703 = arith.index_cast %add3A_691 : i32 to index
        %get3A_704 = arith.constant 0 : index
        %get3A_705 = tpu.vector_load %arg7[%get3A_702, %get3A_703, %get3A_704] {strides = array<i32>} : memref<2x128x64xf32, #tpu.memory_space<vmem>>, vector<16xf32>,
        %mul3A_706 = arith.mulf %get3A_705, %bitcast_convert_type3A_700 : vector<16xf32>
        %scatter3A = arith.constant 1 : i32
        %scatter3A_707 = arith.constant 0 : i32
        %scatter3A_708 = arith.constant 0 : i32
        %scatter3A_709 = arith.constant 0 : i32
        %scatter3A_710 = tpu.memref_slice %arg9[%scatter3A, %scatter3A_707, %scatter3A_708, %scatter3A_709] : memref<2x8x8x129xf32, #tpu.memory_space<vmem>> -> memref<1x8x8x129xf32, #tpu.memory_space<vmem>>
        %scatter3A_711 = tpu.memref_squeeze %scatter3A_710 : memref<1x8x8x129xf32, #tpu.memory_space<vmem>> -> memref<8x8x129xf32, #tpu.memory_space<vmem>>
        tpu.vector_store_idx %scatter3A_711[%select_n3A, %select_n3A_58, %broadcast_in_dim3A_692], %mul3A_706 : memref<8x8x129xf32, #tpu.memory_space<vmem>>[vector<16xi32>, vector<16xi32>, vector<16xi32>], vector<16xf32>,
        %shift_left3A_712 = arith.shli %broadcast_in_dim3A_693, %sub3A_224 : vector<16xi32>
        %bitcast_convert_type3A_713 = tpu.bitcast %shift_left3A_712 : vector<16xi32> -> vector<16xi32>
        %shift_right_arithmetic3A_714 = arith.constant 31 : i32
        %shift_right_arithmetic3A_715 = vector.broadcast %shift_right_arithmetic3A_714 : i32 to vector<16xi32>
        %shift_right_arithmetic3A_716 = arith.shrsi %bitcast_convert_type3A_713, %shift_right_arithmetic3A_715 : vector<16xi32>
        %and3A_717 = arith.andi %shift_right_arithmetic3A_716, %broadcast_in_dim3A_225 : vector<16xi32>
        %bitcast_convert_type3A_718 = tpu.bitcast %and3A_717 : vector<16xi32> -> vector<16xf32>
        %get3A_719 = arith.constant 1 : i32
        %get3A_720 = arith.index_cast %get3A_719 : i32 to index
        %get3A_721 = arith.index_cast %add3A_691 : i32 to index
        %get3A_722 = arith.constant 16 : index
        %get3A_723 = tpu.vector_load %arg7[%get3A_720, %get3A_721, %get3A_722] {strides = array<i32>} : memref<2x128x64xf32, #tpu.memory_space<vmem>>, vector<16xf32>,
        %mul3A_724 = arith.mulf %get3A_723, %bitcast_convert_type3A_718 : vector<16xf32>
        %scatter3A_725 = arith.constant 1 : i32
        %scatter3A_726 = arith.constant 0 : i32
        %scatter3A_727 = arith.constant 0 : i32
        %scatter3A_728 = arith.constant 0 : i32
        %scatter3A_729 = tpu.memref_slice %arg9[%scatter3A_725, %scatter3A_726, %scatter3A_727, %scatter3A_728] : memref<2x8x8x129xf32, #tpu.memory_space<vmem>> -> memref<1x8x8x129xf32, #tpu.memory_space<vmem>>
        %scatter3A_730 = tpu.memref_squeeze %scatter3A_729 : memref<1x8x8x129xf32, #tpu.memory_space<vmem>> -> memref<8x8x129xf32, #tpu.memory_space<vmem>>
        tpu.vector_store_idx %scatter3A_730[%select_n3A_89, %select_n3A_111, %broadcast_in_dim3A_692], %mul3A_724 : memref<8x8x129xf32, #tpu.memory_space<vmem>>[vector<16xi32>, vector<16xi32>, vector<16xi32>], vector<16xf32>,
        %shift_left3A_731 = arith.shli %broadcast_in_dim3A_696, %sub3A_221 : vector<16xi32>
        %bitcast_convert_type3A_732 = tpu.bitcast %shift_left3A_731 : vector<16xi32> -> vector<16xi32>
        %shift_right_arithmetic3A_733 = arith.constant 31 : i32
        %shift_right_arithmetic3A_734 = vector.broadcast %shift_right_arithmetic3A_733 : i32 to vector<16xi32>
        %shift_right_arithmetic3A_735 = arith.shrsi %bitcast_convert_type3A_732, %shift_right_arithmetic3A_734 : vector<16xi32>
        %and3A_736 = arith.andi %shift_right_arithmetic3A_735, %broadcast_in_dim3A_225 : vector<16xi32>
        %bitcast_convert_type3A_737 = tpu.bitcast %and3A_736 : vector<16xi32> -> vector<16xf32>
        %get3A_738 = arith.constant 1 : i32
        %get3A_739 = arith.index_cast %get3A_738 : i32 to index
        %get3A_740 = arith.index_cast %add3A_691 : i32 to index
        %get3A_741 = arith.constant 32 : index
        %get3A_742 = tpu.vector_load %arg7[%get3A_739, %get3A_740, %get3A_741] {strides = array<i32>} : memref<2x128x64xf32, #tpu.memory_space<vmem>>, vector<16xf32>,
        %mul3A_743 = arith.mulf %get3A_742, %bitcast_convert_type3A_737 : vector<16xf32>
        %scatter3A_744 = arith.constant 1 : i32
        %scatter3A_745 = arith.constant 0 : i32
        %scatter3A_746 = arith.constant 0 : i32
        %scatter3A_747 = arith.constant 0 : i32
        %scatter3A_748 = tpu.memref_slice %arg9[%scatter3A_744, %scatter3A_745, %scatter3A_746, %scatter3A_747] : memref<2x8x8x129xf32, #tpu.memory_space<vmem>> -> memref<1x8x8x129xf32, #tpu.memory_space<vmem>>
        %scatter3A_749 = tpu.memref_squeeze %scatter3A_748 : memref<1x8x8x129xf32, #tpu.memory_space<vmem>> -> memref<8x8x129xf32, #tpu.memory_space<vmem>>
        tpu.vector_store_idx %scatter3A_749[%select_n3A_142, %select_n3A_164, %broadcast_in_dim3A_692], %mul3A_743 : memref<8x8x129xf32, #tpu.memory_space<vmem>>[vector<16xi32>, vector<16xi32>, vector<16xi32>], vector<16xf32>,
        %shift_left3A_750 = arith.shli %broadcast_in_dim3A_696, %sub3A_224 : vector<16xi32>
        %bitcast_convert_type3A_751 = tpu.bitcast %shift_left3A_750 : vector<16xi32> -> vector<16xi32>
        %shift_right_arithmetic3A_752 = arith.constant 31 : i32
        %shift_right_arithmetic3A_753 = vector.broadcast %shift_right_arithmetic3A_752 : i32 to vector<16xi32>
        %shift_right_arithmetic3A_754 = arith.shrsi %bitcast_convert_type3A_751, %shift_right_arithmetic3A_753 : vector<16xi32>
        %and3A_755 = arith.andi %shift_right_arithmetic3A_754, %broadcast_in_dim3A_225 : vector<16xi32>
        %bitcast_convert_type3A_756 = tpu.bitcast %and3A_755 : vector<16xi32> -> vector<16xf32>
        %get3A_757 = arith.constant 1 : i32
        %get3A_758 = arith.index_cast %get3A_757 : i32 to index
        %get3A_759 = arith.index_cast %add3A_691 : i32 to index
        %get3A_760 = arith.constant 48 : index
        %get3A_761 = tpu.vector_load %arg7[%get3A_758, %get3A_759, %get3A_760] {strides = array<i32>} : memref<2x128x64xf32, #tpu.memory_space<vmem>>, vector<16xf32>,
        %mul3A_762 = arith.mulf %get3A_761, %bitcast_convert_type3A_756 : vector<16xf32>
        %scatter3A_763 = arith.constant 1 : i32
        %scatter3A_764 = arith.constant 0 : i32
        %scatter3A_765 = arith.constant 0 : i32
        %scatter3A_766 = arith.constant 0 : i32
        %scatter3A_767 = tpu.memref_slice %arg9[%scatter3A_763, %scatter3A_764, %scatter3A_765, %scatter3A_766] : memref<2x8x8x129xf32, #tpu.memory_space<vmem>> -> memref<1x8x8x129xf32, #tpu.memory_space<vmem>>
        %scatter3A_768 = tpu.memref_squeeze %scatter3A_767 : memref<1x8x8x129xf32, #tpu.memory_space<vmem>> -> memref<8x8x129xf32, #tpu.memory_space<vmem>>
        tpu.vector_store_idx %scatter3A_768[%select_n3A_195, %select_n3A_217, %broadcast_in_dim3A_692], %mul3A_762 : memref<8x8x129xf32, #tpu.memory_space<vmem>>[vector<16xi32>, vector<16xi32>, vector<16xi32>], vector<16xf32>,
        %mul3A_769 = arith.constant 8 : i32
        %mul3A_770 = arith.muli %scan3A_641, %mul3A_769 : i32
        %add3A_771 = arith.constant 1 : i32
        %add3A_772 = arith.addi %mul3A_770, %add3A_771 : i32
        %broadcast_in_dim3A_773 = vector.broadcast %add3A_772 : i32 to vector<16xi32>
        %slice3A_774 = vector.extract_strided_slice %get3A_687 {offsets = [2], sizes = [1], strides = [1]} : vector<16xi32> to vector<1xi32>
        %squeeze3A_775 = vector.extract %slice3A_774[0] : i32 from vector<1xi32>
        %broadcast_in_dim3A_776 = vector.broadcast %squeeze3A_775 : i32 to vector<16xi32>
        %slice3A_777 = vector.extract_strided_slice %get3A_687 {offsets = [3], sizes = [1], strides = [1]} : vector<16xi32> to vector<1xi32>
        %squeeze3A_778 = vector.extract %slice3A_777[0] : i32 from vector<1xi32>
        %broadcast_in_dim3A_779 = vector.broadcast %squeeze3A_778 : i32 to vector<16xi32>
        %shift_left3A_780 = arith.shli %broadcast_in_dim3A_776, %sub3A_221 : vector<16xi32>
        %bitcast_convert_type3A_781 = tpu.bitcast %shift_left3A_780 : vector<16xi32> -> vector<16xi32>
        %shift_right_arithmetic3A_782 = arith.constant 31 : i32
        %shift_right_arithmetic3A_783 = vector.broadcast %shift_right_arithmetic3A_782 : i32 to vector<16xi32>
        %shift_right_arithmetic3A_784 = arith.shrsi %bitcast_convert_type3A_781, %shift_right_arithmetic3A_783 : vector<16xi32>
        %and3A_785 = arith.andi %shift_right_arithmetic3A_784, %broadcast_in_dim3A_225 : vector<16xi32>
        %bitcast_convert_type3A_786 = tpu.bitcast %and3A_785 : vector<16xi32> -> vector<16xf32>
        %get3A_787 = arith.constant 1 : i32
        %get3A_788 = arith.index_cast %get3A_787 : i32 to index
        %get3A_789 = arith.index_cast %add3A_772 : i32 to index
        %get3A_790 = arith.constant 0 : index
        %get3A_791 = tpu.vector_load %arg7[%get3A_788, %get3A_789, %get3A_790] {strides = array<i32>} : memref<2x128x64xf32, #tpu.memory_space<vmem>>, vector<16xf32>,
        %mul3A_792 = arith.mulf %get3A_791, %bitcast_convert_type3A_786 : vector<16xf32>
        %scatter3A_793 = arith.constant 1 : i32
        %scatter3A_794 = arith.constant 0 : i32
        %scatter3A_795 = arith.constant 0 : i32
        %scatter3A_796 = arith.constant 0 : i32
        %scatter3A_797 = tpu.memref_slice %arg9[%scatter3A_793, %scatter3A_794, %scatter3A_795, %scatter3A_796] : memref<2x8x8x129xf32, #tpu.memory_space<vmem>> -> memref<1x8x8x129xf32, #tpu.memory_space<vmem>>
        %scatter3A_798 = tpu.memref_squeeze %scatter3A_797 : memref<1x8x8x129xf32, #tpu.memory_space<vmem>> -> memref<8x8x129xf32, #tpu.memory_space<vmem>>
        tpu.vector_store_idx %scatter3A_798[%select_n3A, %select_n3A_58, %broadcast_in_dim3A_773], %mul3A_792 : memref<8x8x129xf32, #tpu.memory_space<vmem>>[vector<16xi32>, vector<16xi32>, vector<16xi32>], vector<16xf32>,
        %shift_left3A_799 = arith.shli %broadcast_in_dim3A_776, %sub3A_224 : vector<16xi32>
        %bitcast_convert_type3A_800 = tpu.bitcast %shift_left3A_799 : vector<16xi32> -> vector<16xi32>
        %shift_right_arithmetic3A_801 = arith.constant 31 : i32
        %shift_right_arithmetic3A_802 = vector.broadcast %shift_right_arithmetic3A_801 : i32 to vector<16xi32>
        %shift_right_arithmetic3A_803 = arith.shrsi %bitcast_convert_type3A_800, %shift_right_arithmetic3A_802 : vector<16xi32>
        %and3A_804 = arith.andi %shift_right_arithmetic3A_803, %broadcast_in_dim3A_225 : vector<16xi32>
        %bitcast_convert_type3A_805 = tpu.bitcast %and3A_804 : vector<16xi32> -> vector<16xf32>
        %get3A_806 = arith.constant 1 : i32
        %get3A_807 = arith.index_cast %get3A_806 : i32 to index
        %get3A_808 = arith.index_cast %add3A_772 : i32 to index
        %get3A_809 = arith.constant 16 : index
        %get3A_810 = tpu.vector_load %arg7[%get3A_807, %get3A_808, %get3A_809] {strides = array<i32>} : memref<2x128x64xf32, #tpu.memory_space<vmem>>, vector<16xf32>,
        %mul3A_811 = arith.mulf %get3A_810, %bitcast_convert_type3A_805 : vector<16xf32>
        %scatter3A_812 = arith.constant 1 : i32
        %scatter3A_813 = arith.constant 0 : i32
        %scatter3A_814 = arith.constant 0 : i32
        %scatter3A_815 = arith.constant 0 : i32
        %scatter3A_816 = tpu.memref_slice %arg9[%scatter3A_812, %scatter3A_813, %scatter3A_814, %scatter3A_815] : memref<2x8x8x129xf32, #tpu.memory_space<vmem>> -> memref<1x8x8x129xf32, #tpu.memory_space<vmem>>
        %scatter3A_817 = tpu.memref_squeeze %scatter3A_816 : memref<1x8x8x129xf32, #tpu.memory_space<vmem>> -> memref<8x8x129xf32, #tpu.memory_space<vmem>>
        tpu.vector_store_idx %scatter3A_817[%select_n3A_89, %select_n3A_111, %broadcast_in_dim3A_773], %mul3A_811 : memref<8x8x129xf32, #tpu.memory_space<vmem>>[vector<16xi32>, vector<16xi32>, vector<16xi32>], vector<16xf32>,
        %shift_left3A_818 = arith.shli %broadcast_in_dim3A_779, %sub3A_221 : vector<16xi32>
        %bitcast_convert_type3A_819 = tpu.bitcast %shift_left3A_818 : vector<16xi32> -> vector<16xi32>
        %shift_right_arithmetic3A_820 = arith.constant 31 : i32
        %shift_right_arithmetic3A_821 = vector.broadcast %shift_right_arithmetic3A_820 : i32 to vector<16xi32>
        %shift_right_arithmetic3A_822 = arith.shrsi %bitcast_convert_type3A_819, %shift_right_arithmetic3A_821 : vector<16xi32>
        %and3A_823 = arith.andi %shift_right_arithmetic3A_822, %broadcast_in_dim3A_225 : vector<16xi32>
        %bitcast_convert_type3A_824 = tpu.bitcast %and3A_823 : vector<16xi32> -> vector<16xf32>
        %get3A_825 = arith.constant 1 : i32
        %get3A_826 = arith.index_cast %get3A_825 : i32 to index
        %get3A_827 = arith.index_cast %add3A_772 : i32 to index
        %get3A_828 = arith.constant 32 : index
        %get3A_829 = tpu.vector_load %arg7[%get3A_826, %get3A_827, %get3A_828] {strides = array<i32>} : memref<2x128x64xf32, #tpu.memory_space<vmem>>, vector<16xf32>,
        %mul3A_830 = arith.mulf %get3A_829, %bitcast_convert_type3A_824 : vector<16xf32>
        %scatter3A_831 = arith.constant 1 : i32
        %scatter3A_832 = arith.constant 0 : i32
        %scatter3A_833 = arith.constant 0 : i32
        %scatter3A_834 = arith.constant 0 : i32
        %scatter3A_835 = tpu.memref_slice %arg9[%scatter3A_831, %scatter3A_832, %scatter3A_833, %scatter3A_834] : memref<2x8x8x129xf32, #tpu.memory_space<vmem>> -> memref<1x8x8x129xf32, #tpu.memory_space<vmem>>
        %scatter3A_836 = tpu.memref_squeeze %scatter3A_835 : memref<1x8x8x129xf32, #tpu.memory_space<vmem>> -> memref<8x8x129xf32, #tpu.memory_space<vmem>>
        tpu.vector_store_idx %scatter3A_836[%select_n3A_142, %select_n3A_164, %broadcast_in_dim3A_773], %mul3A_830 : memref<8x8x129xf32, #tpu.memory_space<vmem>>[vector<16xi32>, vector<16xi32>, vector<16xi32>], vector<16xf32>,
        %shift_left3A_837 = arith.shli %broadcast_in_dim3A_779, %sub3A_224 : vector<16xi32>
        %bitcast_convert_type3A_838 = tpu.bitcast %shift_left3A_837 : vector<16xi32> -> vector<16xi32>
        %shift_right_arithmetic3A_839 = arith.constant 31 : i32
        %shift_right_arithmetic3A_840 = vector.broadcast %shift_right_arithmetic3A_839 : i32 to vector<16xi32>
        %shift_right_arithmetic3A_841 = arith.shrsi %bitcast_convert_type3A_838, %shift_right_arithmetic3A_840 : vector<16xi32>
        %and3A_842 = arith.andi %shift_right_arithmetic3A_841, %broadcast_in_dim3A_225 : vector<16xi32>
        %bitcast_convert_type3A_843 = tpu.bitcast %and3A_842 : vector<16xi32> -> vector<16xf32>
        %get3A_844 = arith.constant 1 : i32
        %get3A_845 = arith.index_cast %get3A_844 : i32 to index
        %get3A_846 = arith.index_cast %add3A_772 : i32 to index
        %get3A_847 = arith.constant 48 : index
        %get3A_848 = tpu.vector_load %arg7[%get3A_845, %get3A_846, %get3A_847] {strides = array<i32>} : memref<2x128x64xf32, #tpu.memory_space<vmem>>, vector<16xf32>,
        %mul3A_849 = arith.mulf %get3A_848, %bitcast_convert_type3A_843 : vector<16xf32>
        %scatter3A_850 = arith.constant 1 : i32
        %scatter3A_851 = arith.constant 0 : i32
        %scatter3A_852 = arith.constant 0 : i32
        %scatter3A_853 = arith.constant 0 : i32
        %scatter3A_854 = tpu.memref_slice %arg9[%scatter3A_850, %scatter3A_851, %scatter3A_852, %scatter3A_853] : memref<2x8x8x129xf32, #tpu.memory_space<vmem>> -> memref<1x8x8x129xf32, #tpu.memory_space<vmem>>
        %scatter3A_855 = tpu.memref_squeeze %scatter3A_854 : memref<1x8x8x129xf32, #tpu.memory_space<vmem>> -> memref<8x8x129xf32, #tpu.memory_space<vmem>>
        tpu.vector_store_idx %scatter3A_855[%select_n3A_195, %select_n3A_217, %broadcast_in_dim3A_773], %mul3A_849 : memref<8x8x129xf32, #tpu.memory_space<vmem>>[vector<16xi32>, vector<16xi32>, vector<16xi32>], vector<16xf32>,
        %mul3A_856 = arith.constant 8 : i32
        %mul3A_857 = arith.muli %scan3A_641, %mul3A_856 : i32
        %add3A_858 = arith.constant 2 : i32
        %add3A_859 = arith.addi %mul3A_857, %add3A_858 : i32
        %broadcast_in_dim3A_860 = vector.broadcast %add3A_859 : i32 to vector<16xi32>
        %slice3A_861 = vector.extract_strided_slice %get3A_687 {offsets = [4], sizes = [1], strides = [1]} : vector<16xi32> to vector<1xi32>
        %squeeze3A_862 = vector.extract %slice3A_861[0] : i32 from vector<1xi32>
        %broadcast_in_dim3A_863 = vector.broadcast %squeeze3A_862 : i32 to vector<16xi32>
        %slice3A_864 = vector.extract_strided_slice %get3A_687 {offsets = [5], sizes = [1], strides = [1]} : vector<16xi32> to vector<1xi32>
        %squeeze3A_865 = vector.extract %slice3A_864[0] : i32 from vector<1xi32>
        %broadcast_in_dim3A_866 = vector.broadcast %squeeze3A_865 : i32 to vector<16xi32>
        %shift_left3A_867 = arith.shli %broadcast_in_dim3A_863, %sub3A_221 : vector<16xi32>
        %bitcast_convert_type3A_868 = tpu.bitcast %shift_left3A_867 : vector<16xi32> -> vector<16xi32>
        %shift_right_arithmetic3A_869 = arith.constant 31 : i32
        %shift_right_arithmetic3A_870 = vector.broadcast %shift_right_arithmetic3A_869 : i32 to vector<16xi32>
        %shift_right_arithmetic3A_871 = arith.shrsi %bitcast_convert_type3A_868, %shift_right_arithmetic3A_870 : vector<16xi32>
        %and3A_872 = arith.andi %shift_right_arithmetic3A_871, %broadcast_in_dim3A_225 : vector<16xi32>
        %bitcast_convert_type3A_873 = tpu.bitcast %and3A_872 : vector<16xi32> -> vector<16xf32>
        %get3A_874 = arith.constant 1 : i32
        %get3A_875 = arith.index_cast %get3A_874 : i32 to index
        %get3A_876 = arith.index_cast %add3A_859 : i32 to index
        %get3A_877 = arith.constant 0 : index
        %get3A_878 = tpu.vector_load %arg7[%get3A_875, %get3A_876, %get3A_877] {strides = array<i32>} : memref<2x128x64xf32, #tpu.memory_space<vmem>>, vector<16xf32>,
        %mul3A_879 = arith.mulf %get3A_878, %bitcast_convert_type3A_873 : vector<16xf32>
        %scatter3A_880 = arith.constant 1 : i32
        %scatter3A_881 = arith.constant 0 : i32
        %scatter3A_882 = arith.constant 0 : i32
        %scatter3A_883 = arith.constant 0 : i32
        %scatter3A_884 = tpu.memref_slice %arg9[%scatter3A_880, %scatter3A_881, %scatter3A_882, %scatter3A_883] : memref<2x8x8x129xf32, #tpu.memory_space<vmem>> -> memref<1x8x8x129xf32, #tpu.memory_space<vmem>>
        %scatter3A_885 = tpu.memref_squeeze %scatter3A_884 : memref<1x8x8x129xf32, #tpu.memory_space<vmem>> -> memref<8x8x129xf32, #tpu.memory_space<vmem>>
        tpu.vector_store_idx %scatter3A_885[%select_n3A, %select_n3A_58, %broadcast_in_dim3A_860], %mul3A_879 : memref<8x8x129xf32, #tpu.memory_space<vmem>>[vector<16xi32>, vector<16xi32>, vector<16xi32>], vector<16xf32>,
        %shift_left3A_886 = arith.shli %broadcast_in_dim3A_863, %sub3A_224 : vector<16xi32>
        %bitcast_convert_type3A_887 = tpu.bitcast %shift_left3A_886 : vector<16xi32> -> vector<16xi32>
        %shift_right_arithmetic3A_888 = arith.constant 31 : i32
        %shift_right_arithmetic3A_889 = vector.broadcast %shift_right_arithmetic3A_888 : i32 to vector<16xi32>
        %shift_right_arithmetic3A_890 = arith.shrsi %bitcast_convert_type3A_887, %shift_right_arithmetic3A_889 : vector<16xi32>
        %and3A_891 = arith.andi %shift_right_arithmetic3A_890, %broadcast_in_dim3A_225 : vector<16xi32>
        %bitcast_convert_type3A_892 = tpu.bitcast %and3A_891 : vector<16xi32> -> vector<16xf32>
        %get3A_893 = arith.constant 1 : i32
        %get3A_894 = arith.index_cast %get3A_893 : i32 to index
        %get3A_895 = arith.index_cast %add3A_859 : i32 to index
        %get3A_896 = arith.constant 16 : index
        %get3A_897 = tpu.vector_load %arg7[%get3A_894, %get3A_895, %get3A_896] {strides = array<i32>} : memref<2x128x64xf32, #tpu.memory_space<vmem>>, vector<16xf32>,
        %mul3A_898 = arith.mulf %get3A_897, %bitcast_convert_type3A_892 : vector<16xf32>
        %scatter3A_899 = arith.constant 1 : i32
        %scatter3A_900 = arith.constant 0 : i32
        %scatter3A_901 = arith.constant 0 : i32
        %scatter3A_902 = arith.constant 0 : i32
        %scatter3A_903 = tpu.memref_slice %arg9[%scatter3A_899, %scatter3A_900, %scatter3A_901, %scatter3A_902] : memref<2x8x8x129xf32, #tpu.memory_space<vmem>> -> memref<1x8x8x129xf32, #tpu.memory_space<vmem>>
        %scatter3A_904 = tpu.memref_squeeze %scatter3A_903 : memref<1x8x8x129xf32, #tpu.memory_space<vmem>> -> memref<8x8x129xf32, #tpu.memory_space<vmem>>
        tpu.vector_store_idx %scatter3A_904[%select_n3A_89, %select_n3A_111, %broadcast_in_dim3A_860], %mul3A_898 : memref<8x8x129xf32, #tpu.memory_space<vmem>>[vector<16xi32>, vector<16xi32>, vector<16xi32>], vector<16xf32>,
        %shift_left3A_905 = arith.shli %broadcast_in_dim3A_866, %sub3A_221 : vector<16xi32>
        %bitcast_convert_type3A_906 = tpu.bitcast %shift_left3A_905 : vector<16xi32> -> vector<16xi32>
        %shift_right_arithmetic3A_907 = arith.constant 31 : i32
        %shift_right_arithmetic3A_908 = vector.broadcast %shift_right_arithmetic3A_907 : i32 to vector<16xi32>
        %shift_right_arithmetic3A_909 = arith.shrsi %bitcast_convert_type3A_906, %shift_right_arithmetic3A_908 : vector<16xi32>
        %and3A_910 = arith.andi %shift_right_arithmetic3A_909, %broadcast_in_dim3A_225 : vector<16xi32>
        %bitcast_convert_type3A_911 = tpu.bitcast %and3A_910 : vector<16xi32> -> vector<16xf32>
        %get3A_912 = arith.constant 1 : i32
        %get3A_913 = arith.index_cast %get3A_912 : i32 to index
        %get3A_914 = arith.index_cast %add3A_859 : i32 to index
        %get3A_915 = arith.constant 32 : index
        %get3A_916 = tpu.vector_load %arg7[%get3A_913, %get3A_914, %get3A_915] {strides = array<i32>} : memref<2x128x64xf32, #tpu.memory_space<vmem>>, vector<16xf32>,
        %mul3A_917 = arith.mulf %get3A_916, %bitcast_convert_type3A_911 : vector<16xf32>
        %scatter3A_918 = arith.constant 1 : i32
        %scatter3A_919 = arith.constant 0 : i32
        %scatter3A_920 = arith.constant 0 : i32
        %scatter3A_921 = arith.constant 0 : i32
        %scatter3A_922 = tpu.memref_slice %arg9[%scatter3A_918, %scatter3A_919, %scatter3A_920, %scatter3A_921] : memref<2x8x8x129xf32, #tpu.memory_space<vmem>> -> memref<1x8x8x129xf32, #tpu.memory_space<vmem>>
        %scatter3A_923 = tpu.memref_squeeze %scatter3A_922 : memref<1x8x8x129xf32, #tpu.memory_space<vmem>> -> memref<8x8x129xf32, #tpu.memory_space<vmem>>
        tpu.vector_store_idx %scatter3A_923[%select_n3A_142, %select_n3A_164, %broadcast_in_dim3A_860], %mul3A_917 : memref<8x8x129xf32, #tpu.memory_space<vmem>>[vector<16xi32>, vector<16xi32>, vector<16xi32>], vector<16xf32>,
        %shift_left3A_924 = arith.shli %broadcast_in_dim3A_866, %sub3A_224 : vector<16xi32>
        %bitcast_convert_type3A_925 = tpu.bitcast %shift_left3A_924 : vector<16xi32> -> vector<16xi32>
        %shift_right_arithmetic3A_926 = arith.constant 31 : i32
        %shift_right_arithmetic3A_927 = vector.broadcast %shift_right_arithmetic3A_926 : i32 to vector<16xi32>
        %shift_right_arithmetic3A_928 = arith.shrsi %bitcast_convert_type3A_925, %shift_right_arithmetic3A_927 : vector<16xi32>
        %and3A_929 = arith.andi %shift_right_arithmetic3A_928, %broadcast_in_dim3A_225 : vector<16xi32>
        %bitcast_convert_type3A_930 = tpu.bitcast %and3A_929 : vector<16xi32> -> vector<16xf32>
        %get3A_931 = arith.constant 1 : i32
        %get3A_932 = arith.index_cast %get3A_931 : i32 to index
        %get3A_933 = arith.index_cast %add3A_859 : i32 to index
        %get3A_934 = arith.constant 48 : index
        %get3A_935 = tpu.vector_load %arg7[%get3A_932, %get3A_933, %get3A_934] {strides = array<i32>} : memref<2x128x64xf32, #tpu.memory_space<vmem>>, vector<16xf32>,
        %mul3A_936 = arith.mulf %get3A_935, %bitcast_convert_type3A_930 : vector<16xf32>
        %scatter3A_937 = arith.constant 1 : i32
        %scatter3A_938 = arith.constant 0 : i32
        %scatter3A_939 = arith.constant 0 : i32
        %scatter3A_940 = arith.constant 0 : i32
        %scatter3A_941 = tpu.memref_slice %arg9[%scatter3A_937, %scatter3A_938, %scatter3A_939, %scatter3A_940] : memref<2x8x8x129xf32, #tpu.memory_space<vmem>> -> memref<1x8x8x129xf32, #tpu.memory_space<vmem>>
        %scatter3A_942 = tpu.memref_squeeze %scatter3A_941 : memref<1x8x8x129xf32, #tpu.memory_space<vmem>> -> memref<8x8x129xf32, #tpu.memory_space<vmem>>
        tpu.vector_store_idx %scatter3A_942[%select_n3A_195, %select_n3A_217, %broadcast_in_dim3A_860], %mul3A_936 : memref<8x8x129xf32, #tpu.memory_space<vmem>>[vector<16xi32>, vector<16xi32>, vector<16xi32>], vector<16xf32>,
        %mul3A_943 = arith.constant 8 : i32
        %mul3A_944 = arith.muli %scan3A_641, %mul3A_943 : i32
        %add3A_945 = arith.constant 3 : i32
        %add3A_946 = arith.addi %mul3A_944, %add3A_945 : i32
        %broadcast_in_dim3A_947 = vector.broadcast %add3A_946 : i32 to vector<16xi32>
        %slice3A_948 = vector.extract_strided_slice %get3A_687 {offsets = [6], sizes = [1], strides = [1]} : vector<16xi32> to vector<1xi32>
        %squeeze3A_949 = vector.extract %slice3A_948[0] : i32 from vector<1xi32>
        %broadcast_in_dim3A_950 = vector.broadcast %squeeze3A_949 : i32 to vector<16xi32>
        %slice3A_951 = vector.extract_strided_slice %get3A_687 {offsets = [7], sizes = [1], strides = [1]} : vector<16xi32> to vector<1xi32>
        %squeeze3A_952 = vector.extract %slice3A_951[0] : i32 from vector<1xi32>
        %broadcast_in_dim3A_953 = vector.broadcast %squeeze3A_952 : i32 to vector<16xi32>
        %shift_left3A_954 = arith.shli %broadcast_in_dim3A_950, %sub3A_221 : vector<16xi32>
        %bitcast_convert_type3A_955 = tpu.bitcast %shift_left3A_954 : vector<16xi32> -> vector<16xi32>
        %shift_right_arithmetic3A_956 = arith.constant 31 : i32
        %shift_right_arithmetic3A_957 = vector.broadcast %shift_right_arithmetic3A_956 : i32 to vector<16xi32>
        %shift_right_arithmetic3A_958 = arith.shrsi %bitcast_convert_type3A_955, %shift_right_arithmetic3A_957 : vector<16xi32>
        %and3A_959 = arith.andi %shift_right_arithmetic3A_958, %broadcast_in_dim3A_225 : vector<16xi32>
        %bitcast_convert_type3A_960 = tpu.bitcast %and3A_959 : vector<16xi32> -> vector<16xf32>
        %get3A_961 = arith.constant 1 : i32
        %get3A_962 = arith.index_cast %get3A_961 : i32 to index
        %get3A_963 = arith.index_cast %add3A_946 : i32 to index
        %get3A_964 = arith.constant 0 : index
        %get3A_965 = tpu.vector_load %arg7[%get3A_962, %get3A_963, %get3A_964] {strides = array<i32>} : memref<2x128x64xf32, #tpu.memory_space<vmem>>, vector<16xf32>,
        %mul3A_966 = arith.mulf %get3A_965, %bitcast_convert_type3A_960 : vector<16xf32>
        %scatter3A_967 = arith.constant 1 : i32
        %scatter3A_968 = arith.constant 0 : i32
        %scatter3A_969 = arith.constant 0 : i32
        %scatter3A_970 = arith.constant 0 : i32
        %scatter3A_971 = tpu.memref_slice %arg9[%scatter3A_967, %scatter3A_968, %scatter3A_969, %scatter3A_970] : memref<2x8x8x129xf32, #tpu.memory_space<vmem>> -> memref<1x8x8x129xf32, #tpu.memory_space<vmem>>
        %scatter3A_972 = tpu.memref_squeeze %scatter3A_971 : memref<1x8x8x129xf32, #tpu.memory_space<vmem>> -> memref<8x8x129xf32, #tpu.memory_space<vmem>>
        tpu.vector_store_idx %scatter3A_972[%select_n3A, %select_n3A_58, %broadcast_in_dim3A_947], %mul3A_966 : memref<8x8x129xf32, #tpu.memory_space<vmem>>[vector<16xi32>, vector<16xi32>, vector<16xi32>], vector<16xf32>,
        %shift_left3A_973 = arith.shli %broadcast_in_dim3A_950, %sub3A_224 : vector<16xi32>
        %bitcast_convert_type3A_974 = tpu.bitcast %shift_left3A_973 : vector<16xi32> -> vector<16xi32>
        %shift_right_arithmetic3A_975 = arith.constant 31 : i32
        %shift_right_arithmetic3A_976 = vector.broadcast %shift_right_arithmetic3A_975 : i32 to vector<16xi32>
        %shift_right_arithmetic3A_977 = arith.shrsi %bitcast_convert_type3A_974, %shift_right_arithmetic3A_976 : vector<16xi32>
        %and3A_978 = arith.andi %shift_right_arithmetic3A_977, %broadcast_in_dim3A_225 : vector<16xi32>
        %bitcast_convert_type3A_979 = tpu.bitcast %and3A_978 : vector<16xi32> -> vector<16xf32>
        %get3A_980 = arith.constant 1 : i32
        %get3A_981 = arith.index_cast %get3A_980 : i32 to index
        %get3A_982 = arith.index_cast %add3A_946 : i32 to index
        %get3A_983 = arith.constant 16 : index
        %get3A_984 = tpu.vector_load %arg7[%get3A_981, %get3A_982, %get3A_983] {strides = array<i32>} : memref<2x128x64xf32, #tpu.memory_space<vmem>>, vector<16xf32>,
        %mul3A_985 = arith.mulf %get3A_984, %bitcast_convert_type3A_979 : vector<16xf32>
        %scatter3A_986 = arith.constant 1 : i32
        %scatter3A_987 = arith.constant 0 : i32
        %scatter3A_988 = arith.constant 0 : i32
        %scatter3A_989 = arith.constant 0 : i32
        %scatter3A_990 = tpu.memref_slice %arg9[%scatter3A_986, %scatter3A_987, %scatter3A_988, %scatter3A_989] : memref<2x8x8x129xf32, #tpu.memory_space<vmem>> -> memref<1x8x8x129xf32, #tpu.memory_space<vmem>>
        %scatter3A_991 = tpu.memref_squeeze %scatter3A_990 : memref<1x8x8x129xf32, #tpu.memory_space<vmem>> -> memref<8x8x129xf32, #tpu.memory_space<vmem>>
        tpu.vector_store_idx %scatter3A_991[%select_n3A_89, %select_n3A_111, %broadcast_in_dim3A_947], %mul3A_985 : memref<8x8x129xf32, #tpu.memory_space<vmem>>[vector<16xi32>, vector<16xi32>, vector<16xi32>], vector<16xf32>,
        %shift_left3A_992 = arith.shli %broadcast_in_dim3A_953, %sub3A_221 : vector<16xi32>
        %bitcast_convert_type3A_993 = tpu.bitcast %shift_left3A_992 : vector<16xi32> -> vector<16xi32>
        %shift_right_arithmetic3A_994 = arith.constant 31 : i32
        %shift_right_arithmetic3A_995 = vector.broadcast %shift_right_arithmetic3A_994 : i32 to vector<16xi32>
        %shift_right_arithmetic3A_996 = arith.shrsi %bitcast_convert_type3A_993, %shift_right_arithmetic3A_995 : vector<16xi32>
        %and3A_997 = arith.andi %shift_right_arithmetic3A_996, %broadcast_in_dim3A_225 : vector<16xi32>
        %bitcast_convert_type3A_998 = tpu.bitcast %and3A_997 : vector<16xi32> -> vector<16xf32>
        %get3A_999 = arith.constant 1 : i32
        %get3A_1000 = arith.index_cast %get3A_999 : i32 to index
        %get3A_1001 = arith.index_cast %add3A_946 : i32 to index
        %get3A_1002 = arith.constant 32 : index
        %get3A_1003 = tpu.vector_load %arg7[%get3A_1000, %get3A_1001, %get3A_1002] {strides = array<i32>} : memref<2x128x64xf32, #tpu.memory_space<vmem>>, vector<16xf32>,
        %mul3A_1004 = arith.mulf %get3A_1003, %bitcast_convert_type3A_998 : vector<16xf32>
        %scatter3A_1005 = arith.constant 1 : i32
        %scatter3A_1006 = arith.constant 0 : i32
        %scatter3A_1007 = arith.constant 0 : i32
        %scatter3A_1008 = arith.constant 0 : i32
        %scatter3A_1009 = tpu.memref_slice %arg9[%scatter3A_1005, %scatter3A_1006, %scatter3A_1007, %scatter3A_1008] : memref<2x8x8x129xf32, #tpu.memory_space<vmem>> -> memref<1x8x8x129xf32, #tpu.memory_space<vmem>>
        %scatter3A_1010 = tpu.memref_squeeze %scatter3A_1009 : memref<1x8x8x129xf32, #tpu.memory_space<vmem>> -> memref<8x8x129xf32, #tpu.memory_space<vmem>>
        tpu.vector_store_idx %scatter3A_1010[%select_n3A_142, %select_n3A_164, %broadcast_in_dim3A_947], %mul3A_1004 : memref<8x8x129xf32, #tpu.memory_space<vmem>>[vector<16xi32>, vector<16xi32>, vector<16xi32>], vector<16xf32>,
        %shift_left3A_1011 = arith.shli %broadcast_in_dim3A_953, %sub3A_224 : vector<16xi32>
        %bitcast_convert_type3A_1012 = tpu.bitcast %shift_left3A_1011 : vector<16xi32> -> vector<16xi32>
        %shift_right_arithmetic3A_1013 = arith.constant 31 : i32
        %shift_right_arithmetic3A_1014 = vector.broadcast %shift_right_arithmetic3A_1013 : i32 to vector<16xi32>
        %shift_right_arithmetic3A_1015 = arith.shrsi %bitcast_convert_type3A_1012, %shift_right_arithmetic3A_1014 : vector<16xi32>
        %and3A_1016 = arith.andi %shift_right_arithmetic3A_1015, %broadcast_in_dim3A_225 : vector<16xi32>
        %bitcast_convert_type3A_1017 = tpu.bitcast %and3A_1016 : vector<16xi32> -> vector<16xf32>
        %get3A_1018 = arith.constant 1 : i32
        %get3A_1019 = arith.index_cast %get3A_1018 : i32 to index
        %get3A_1020 = arith.index_cast %add3A_946 : i32 to index
        %get3A_1021 = arith.constant 48 : index
        %get3A_1022 = tpu.vector_load %arg7[%get3A_1019, %get3A_1020, %get3A_1021] {strides = array<i32>} : memref<2x128x64xf32, #tpu.memory_space<vmem>>, vector<16xf32>,
        %mul3A_1023 = arith.mulf %get3A_1022, %bitcast_convert_type3A_1017 : vector<16xf32>
        %scatter3A_1024 = arith.constant 1 : i32
        %scatter3A_1025 = arith.constant 0 : i32
        %scatter3A_1026 = arith.constant 0 : i32
        %scatter3A_1027 = arith.constant 0 : i32
        %scatter3A_1028 = tpu.memref_slice %arg9[%scatter3A_1024, %scatter3A_1025, %scatter3A_1026, %scatter3A_1027] : memref<2x8x8x129xf32, #tpu.memory_space<vmem>> -> memref<1x8x8x129xf32, #tpu.memory_space<vmem>>
        %scatter3A_1029 = tpu.memref_squeeze %scatter3A_1028 : memref<1x8x8x129xf32, #tpu.memory_space<vmem>> -> memref<8x8x129xf32, #tpu.memory_space<vmem>>
        tpu.vector_store_idx %scatter3A_1029[%select_n3A_195, %select_n3A_217, %broadcast_in_dim3A_947], %mul3A_1023 : memref<8x8x129xf32, #tpu.memory_space<vmem>>[vector<16xi32>, vector<16xi32>, vector<16xi32>], vector<16xf32>,
        %mul3A_1030 = arith.constant 8 : i32
        %mul3A_1031 = arith.muli %scan3A_641, %mul3A_1030 : i32
        %add3A_1032 = arith.constant 4 : i32
        %add3A_1033 = arith.addi %mul3A_1031, %add3A_1032 : i32
        %broadcast_in_dim3A_1034 = vector.broadcast %add3A_1033 : i32 to vector<16xi32>
        %slice3A_1035 = vector.extract_strided_slice %get3A_687 {offsets = [8], sizes = [1], strides = [1]} : vector<16xi32> to vector<1xi32>
        %squeeze3A_1036 = vector.extract %slice3A_1035[0] : i32 from vector<1xi32>
        %broadcast_in_dim3A_1037 = vector.broadcast %squeeze3A_1036 : i32 to vector<16xi32>
        %slice3A_1038 = vector.extract_strided_slice %get3A_687 {offsets = [9], sizes = [1], strides = [1]} : vector<16xi32> to vector<1xi32>
        %squeeze3A_1039 = vector.extract %slice3A_1038[0] : i32 from vector<1xi32>
        %broadcast_in_dim3A_1040 = vector.broadcast %squeeze3A_1039 : i32 to vector<16xi32>
        %shift_left3A_1041 = arith.shli %broadcast_in_dim3A_1037, %sub3A_221 : vector<16xi32>
        %bitcast_convert_type3A_1042 = tpu.bitcast %shift_left3A_1041 : vector<16xi32> -> vector<16xi32>
        %shift_right_arithmetic3A_1043 = arith.constant 31 : i32
        %shift_right_arithmetic3A_1044 = vector.broadcast %shift_right_arithmetic3A_1043 : i32 to vector<16xi32>
        %shift_right_arithmetic3A_1045 = arith.shrsi %bitcast_convert_type3A_1042, %shift_right_arithmetic3A_1044 : vector<16xi32>
        %and3A_1046 = arith.andi %shift_right_arithmetic3A_1045, %broadcast_in_dim3A_225 : vector<16xi32>
        %bitcast_convert_type3A_1047 = tpu.bitcast %and3A_1046 : vector<16xi32> -> vector<16xf32>
        %get3A_1048 = arith.constant 1 : i32
        %get3A_1049 = arith.index_cast %get3A_1048 : i32 to index
        %get3A_1050 = arith.index_cast %add3A_1033 : i32 to index
        %get3A_1051 = arith.constant 0 : index
        %get3A_1052 = tpu.vector_load %arg7[%get3A_1049, %get3A_1050, %get3A_1051] {strides = array<i32>} : memref<2x128x64xf32, #tpu.memory_space<vmem>>, vector<16xf32>,
        %mul3A_1053 = arith.mulf %get3A_1052, %bitcast_convert_type3A_1047 : vector<16xf32>
        %scatter3A_1054 = arith.constant 1 : i32
        %scatter3A_1055 = arith.constant 0 : i32
        %scatter3A_1056 = arith.constant 0 : i32
        %scatter3A_1057 = arith.constant 0 : i32
        %scatter3A_1058 = tpu.memref_slice %arg9[%scatter3A_1054, %scatter3A_1055, %scatter3A_1056, %scatter3A_1057] : memref<2x8x8x129xf32, #tpu.memory_space<vmem>> -> memref<1x8x8x129xf32, #tpu.memory_space<vmem>>
        %scatter3A_1059 = tpu.memref_squeeze %scatter3A_1058 : memref<1x8x8x129xf32, #tpu.memory_space<vmem>> -> memref<8x8x129xf32, #tpu.memory_space<vmem>>
        tpu.vector_store_idx %scatter3A_1059[%select_n3A, %select_n3A_58, %broadcast_in_dim3A_1034], %mul3A_1053 : memref<8x8x129xf32, #tpu.memory_space<vmem>>[vector<16xi32>, vector<16xi32>, vector<16xi32>], vector<16xf32>,
        %shift_left3A_1060 = arith.shli %broadcast_in_dim3A_1037, %sub3A_224 : vector<16xi32>
        %bitcast_convert_type3A_1061 = tpu.bitcast %shift_left3A_1060 : vector<16xi32> -> vector<16xi32>
        %shift_right_arithmetic3A_1062 = arith.constant 31 : i32
        %shift_right_arithmetic3A_1063 = vector.broadcast %shift_right_arithmetic3A_1062 : i32 to vector<16xi32>
        %shift_right_arithmetic3A_1064 = arith.shrsi %bitcast_convert_type3A_1061, %shift_right_arithmetic3A_1063 : vector<16xi32>
        %and3A_1065 = arith.andi %shift_right_arithmetic3A_1064, %broadcast_in_dim3A_225 : vector<16xi32>
        %bitcast_convert_type3A_1066 = tpu.bitcast %and3A_1065 : vector<16xi32> -> vector<16xf32>
        %get3A_1067 = arith.constant 1 : i32
        %get3A_1068 = arith.index_cast %get3A_1067 : i32 to index
        %get3A_1069 = arith.index_cast %add3A_1033 : i32 to index
        %get3A_1070 = arith.constant 16 : index
        %get3A_1071 = tpu.vector_load %arg7[%get3A_1068, %get3A_1069, %get3A_1070] {strides = array<i32>} : memref<2x128x64xf32, #tpu.memory_space<vmem>>, vector<16xf32>,
        %mul3A_1072 = arith.mulf %get3A_1071, %bitcast_convert_type3A_1066 : vector<16xf32>
        %scatter3A_1073 = arith.constant 1 : i32
        %scatter3A_1074 = arith.constant 0 : i32
        %scatter3A_1075 = arith.constant 0 : i32
        %scatter3A_1076 = arith.constant 0 : i32
        %scatter3A_1077 = tpu.memref_slice %arg9[%scatter3A_1073, %scatter3A_1074, %scatter3A_1075, %scatter3A_1076] : memref<2x8x8x129xf32, #tpu.memory_space<vmem>> -> memref<1x8x8x129xf32, #tpu.memory_space<vmem>>
        %scatter3A_1078 = tpu.memref_squeeze %scatter3A_1077 : memref<1x8x8x129xf32, #tpu.memory_space<vmem>> -> memref<8x8x129xf32, #tpu.memory_space<vmem>>
        tpu.vector_store_idx %scatter3A_1078[%select_n3A_89, %select_n3A_111, %broadcast_in_dim3A_1034], %mul3A_1072 : memref<8x8x129xf32, #tpu.memory_space<vmem>>[vector<16xi32>, vector<16xi32>, vector<16xi32>], vector<16xf32>,
        %shift_left3A_1079 = arith.shli %broadcast_in_dim3A_1040, %sub3A_221 : vector<16xi32>
        %bitcast_convert_type3A_1080 = tpu.bitcast %shift_left3A_1079 : vector<16xi32> -> vector<16xi32>
        %shift_right_arithmetic3A_1081 = arith.constant 31 : i32
        %shift_right_arithmetic3A_1082 = vector.broadcast %shift_right_arithmetic3A_1081 : i32 to vector<16xi32>
        %shift_right_arithmetic3A_1083 = arith.shrsi %bitcast_convert_type3A_1080, %shift_right_arithmetic3A_1082 : vector<16xi32>
        %and3A_1084 = arith.andi %shift_right_arithmetic3A_1083, %broadcast_in_dim3A_225 : vector<16xi32>
        %bitcast_convert_type3A_1085 = tpu.bitcast %and3A_1084 : vector<16xi32> -> vector<16xf32>
        %get3A_1086 = arith.constant 1 : i32
        %get3A_1087 = arith.index_cast %get3A_1086 : i32 to index
        %get3A_1088 = arith.index_cast %add3A_1033 : i32 to index
        %get3A_1089 = arith.constant 32 : index
        %get3A_1090 = tpu.vector_load %arg7[%get3A_1087, %get3A_1088, %get3A_1089] {strides = array<i32>} : memref<2x128x64xf32, #tpu.memory_space<vmem>>, vector<16xf32>,
        %mul3A_1091 = arith.mulf %get3A_1090, %bitcast_convert_type3A_1085 : vector<16xf32>
        %scatter3A_1092 = arith.constant 1 : i32
        %scatter3A_1093 = arith.constant 0 : i32
        %scatter3A_1094 = arith.constant 0 : i32
        %scatter3A_1095 = arith.constant 0 : i32
        %scatter3A_1096 = tpu.memref_slice %arg9[%scatter3A_1092, %scatter3A_1093, %scatter3A_1094, %scatter3A_1095] : memref<2x8x8x129xf32, #tpu.memory_space<vmem>> -> memref<1x8x8x129xf32, #tpu.memory_space<vmem>>
        %scatter3A_1097 = tpu.memref_squeeze %scatter3A_1096 : memref<1x8x8x129xf32, #tpu.memory_space<vmem>> -> memref<8x8x129xf32, #tpu.memory_space<vmem>>
        tpu.vector_store_idx %scatter3A_1097[%select_n3A_142, %select_n3A_164, %broadcast_in_dim3A_1034], %mul3A_1091 : memref<8x8x129xf32, #tpu.memory_space<vmem>>[vector<16xi32>, vector<16xi32>, vector<16xi32>], vector<16xf32>,
        %shift_left3A_1098 = arith.shli %broadcast_in_dim3A_1040, %sub3A_224 : vector<16xi32>
        %bitcast_convert_type3A_1099 = tpu.bitcast %shift_left3A_1098 : vector<16xi32> -> vector<16xi32>
        %shift_right_arithmetic3A_1100 = arith.constant 31 : i32
        %shift_right_arithmetic3A_1101 = vector.broadcast %shift_right_arithmetic3A_1100 : i32 to vector<16xi32>
        %shift_right_arithmetic3A_1102 = arith.shrsi %bitcast_convert_type3A_1099, %shift_right_arithmetic3A_1101 : vector<16xi32>
        %and3A_1103 = arith.andi %shift_right_arithmetic3A_1102, %broadcast_in_dim3A_225 : vector<16xi32>
        %bitcast_convert_type3A_1104 = tpu.bitcast %and3A_1103 : vector<16xi32> -> vector<16xf32>
        %get3A_1105 = arith.constant 1 : i32
        %get3A_1106 = arith.index_cast %get3A_1105 : i32 to index
        %get3A_1107 = arith.index_cast %add3A_1033 : i32 to index
        %get3A_1108 = arith.constant 48 : index
        %get3A_1109 = tpu.vector_load %arg7[%get3A_1106, %get3A_1107, %get3A_1108] {strides = array<i32>} : memref<2x128x64xf32, #tpu.memory_space<vmem>>, vector<16xf32>,
        %mul3A_1110 = arith.mulf %get3A_1109, %bitcast_convert_type3A_1104 : vector<16xf32>
        %scatter3A_1111 = arith.constant 1 : i32
        %scatter3A_1112 = arith.constant 0 : i32
        %scatter3A_1113 = arith.constant 0 : i32
        %scatter3A_1114 = arith.constant 0 : i32
        %scatter3A_1115 = tpu.memref_slice %arg9[%scatter3A_1111, %scatter3A_1112, %scatter3A_1113, %scatter3A_1114] : memref<2x8x8x129xf32, #tpu.memory_space<vmem>> -> memref<1x8x8x129xf32, #tpu.memory_space<vmem>>
        %scatter3A_1116 = tpu.memref_squeeze %scatter3A_1115 : memref<1x8x8x129xf32, #tpu.memory_space<vmem>> -> memref<8x8x129xf32, #tpu.memory_space<vmem>>
        tpu.vector_store_idx %scatter3A_1116[%select_n3A_195, %select_n3A_217, %broadcast_in_dim3A_1034], %mul3A_1110 : memref<8x8x129xf32, #tpu.memory_space<vmem>>[vector<16xi32>, vector<16xi32>, vector<16xi32>], vector<16xf32>,
        %mul3A_1117 = arith.constant 8 : i32
        %mul3A_1118 = arith.muli %scan3A_641, %mul3A_1117 : i32
        %add3A_1119 = arith.constant 5 : i32
        %add3A_1120 = arith.addi %mul3A_1118, %add3A_1119 : i32
        %broadcast_in_dim3A_1121 = vector.broadcast %add3A_1120 : i32 to vector<16xi32>
        %slice3A_1122 = vector.extract_strided_slice %get3A_687 {offsets = [10], sizes = [1], strides = [1]} : vector<16xi32> to vector<1xi32>
        %squeeze3A_1123 = vector.extract %slice3A_1122[0] : i32 from vector<1xi32>
        %broadcast_in_dim3A_1124 = vector.broadcast %squeeze3A_1123 : i32 to vector<16xi32>
        %slice3A_1125 = vector.extract_strided_slice %get3A_687 {offsets = [11], sizes = [1], strides = [1]} : vector<16xi32> to vector<1xi32>
        %squeeze3A_1126 = vector.extract %slice3A_1125[0] : i32 from vector<1xi32>
        %broadcast_in_dim3A_1127 = vector.broadcast %squeeze3A_1126 : i32 to vector<16xi32>
        %shift_left3A_1128 = arith.shli %broadcast_in_dim3A_1124, %sub3A_221 : vector<16xi32>
        %bitcast_convert_type3A_1129 = tpu.bitcast %shift_left3A_1128 : vector<16xi32> -> vector<16xi32>
        %shift_right_arithmetic3A_1130 = arith.constant 31 : i32
        %shift_right_arithmetic3A_1131 = vector.broadcast %shift_right_arithmetic3A_1130 : i32 to vector<16xi32>
        %shift_right_arithmetic3A_1132 = arith.shrsi %bitcast_convert_type3A_1129, %shift_right_arithmetic3A_1131 : vector<16xi32>
        %and3A_1133 = arith.andi %shift_right_arithmetic3A_1132, %broadcast_in_dim3A_225 : vector<16xi32>
        %bitcast_convert_type3A_1134 = tpu.bitcast %and3A_1133 : vector<16xi32> -> vector<16xf32>
        %get3A_1135 = arith.constant 1 : i32
        %get3A_1136 = arith.index_cast %get3A_1135 : i32 to index
        %get3A_1137 = arith.index_cast %add3A_1120 : i32 to index
        %get3A_1138 = arith.constant 0 : index
        %get3A_1139 = tpu.vector_load %arg7[%get3A_1136, %get3A_1137, %get3A_1138] {strides = array<i32>} : memref<2x128x64xf32, #tpu.memory_space<vmem>>, vector<16xf32>,
        %mul3A_1140 = arith.mulf %get3A_1139, %bitcast_convert_type3A_1134 : vector<16xf32>
        %scatter3A_1141 = arith.constant 1 : i32
        %scatter3A_1142 = arith.constant 0 : i32
        %scatter3A_1143 = arith.constant 0 : i32
        %scatter3A_1144 = arith.constant 0 : i32
        %scatter3A_1145 = tpu.memref_slice %arg9[%scatter3A_1141, %scatter3A_1142, %scatter3A_1143, %scatter3A_1144] : memref<2x8x8x129xf32, #tpu.memory_space<vmem>> -> memref<1x8x8x129xf32, #tpu.memory_space<vmem>>
        %scatter3A_1146 = tpu.memref_squeeze %scatter3A_1145 : memref<1x8x8x129xf32, #tpu.memory_space<vmem>> -> memref<8x8x129xf32, #tpu.memory_space<vmem>>
        tpu.vector_store_idx %scatter3A_1146[%select_n3A, %select_n3A_58, %broadcast_in_dim3A_1121], %mul3A_1140 : memref<8x8x129xf32, #tpu.memory_space<vmem>>[vector<16xi32>, vector<16xi32>, vector<16xi32>], vector<16xf32>,
        %shift_left3A_1147 = arith.shli %broadcast_in_dim3A_1124, %sub3A_224 : vector<16xi32>
        %bitcast_convert_type3A_1148 = tpu.bitcast %shift_left3A_1147 : vector<16xi32> -> vector<16xi32>
        %shift_right_arithmetic3A_1149 = arith.constant 31 : i32
        %shift_right_arithmetic3A_1150 = vector.broadcast %shift_right_arithmetic3A_1149 : i32 to vector<16xi32>
        %shift_right_arithmetic3A_1151 = arith.shrsi %bitcast_convert_type3A_1148, %shift_right_arithmetic3A_1150 : vector<16xi32>
        %and3A_1152 = arith.andi %shift_right_arithmetic3A_1151, %broadcast_in_dim3A_225 : vector<16xi32>
        %bitcast_convert_type3A_1153 = tpu.bitcast %and3A_1152 : vector<16xi32> -> vector<16xf32>
        %get3A_1154 = arith.constant 1 : i32
        %get3A_1155 = arith.index_cast %get3A_1154 : i32 to index
        %get3A_1156 = arith.index_cast %add3A_1120 : i32 to index
        %get3A_1157 = arith.constant 16 : index
        %get3A_1158 = tpu.vector_load %arg7[%get3A_1155, %get3A_1156, %get3A_1157] {strides = array<i32>} : memref<2x128x64xf32, #tpu.memory_space<vmem>>, vector<16xf32>,
        %mul3A_1159 = arith.mulf %get3A_1158, %bitcast_convert_type3A_1153 : vector<16xf32>
        %scatter3A_1160 = arith.constant 1 : i32
        %scatter3A_1161 = arith.constant 0 : i32
        %scatter3A_1162 = arith.constant 0 : i32
        %scatter3A_1163 = arith.constant 0 : i32
        %scatter3A_1164 = tpu.memref_slice %arg9[%scatter3A_1160, %scatter3A_1161, %scatter3A_1162, %scatter3A_1163] : memref<2x8x8x129xf32, #tpu.memory_space<vmem>> -> memref<1x8x8x129xf32, #tpu.memory_space<vmem>>
        %scatter3A_1165 = tpu.memref_squeeze %scatter3A_1164 : memref<1x8x8x129xf32, #tpu.memory_space<vmem>> -> memref<8x8x129xf32, #tpu.memory_space<vmem>>
        tpu.vector_store_idx %scatter3A_1165[%select_n3A_89, %select_n3A_111, %broadcast_in_dim3A_1121], %mul3A_1159 : memref<8x8x129xf32, #tpu.memory_space<vmem>>[vector<16xi32>, vector<16xi32>, vector<16xi32>], vector<16xf32>,
        %shift_left3A_1166 = arith.shli %broadcast_in_dim3A_1127, %sub3A_221 : vector<16xi32>
        %bitcast_convert_type3A_1167 = tpu.bitcast %shift_left3A_1166 : vector<16xi32> -> vector<16xi32>
        %shift_right_arithmetic3A_1168 = arith.constant 31 : i32
        %shift_right_arithmetic3A_1169 = vector.broadcast %shift_right_arithmetic3A_1168 : i32 to vector<16xi32>
        %shift_right_arithmetic3A_1170 = arith.shrsi %bitcast_convert_type3A_1167, %shift_right_arithmetic3A_1169 : vector<16xi32>
        %and3A_1171 = arith.andi %shift_right_arithmetic3A_1170, %broadcast_in_dim3A_225 : vector<16xi32>
        %bitcast_convert_type3A_1172 = tpu.bitcast %and3A_1171 : vector<16xi32> -> vector<16xf32>
        %get3A_1173 = arith.constant 1 : i32
        %get3A_1174 = arith.index_cast %get3A_1173 : i32 to index
        %get3A_1175 = arith.index_cast %add3A_1120 : i32 to index
        %get3A_1176 = arith.constant 32 : index
        %get3A_1177 = tpu.vector_load %arg7[%get3A_1174, %get3A_1175, %get3A_1176] {strides = array<i32>} : memref<2x128x64xf32, #tpu.memory_space<vmem>>, vector<16xf32>,
        %mul3A_1178 = arith.mulf %get3A_1177, %bitcast_convert_type3A_1172 : vector<16xf32>
        %scatter3A_1179 = arith.constant 1 : i32
        %scatter3A_1180 = arith.constant 0 : i32
        %scatter3A_1181 = arith.constant 0 : i32
        %scatter3A_1182 = arith.constant 0 : i32
        %scatter3A_1183 = tpu.memref_slice %arg9[%scatter3A_1179, %scatter3A_1180, %scatter3A_1181, %scatter3A_1182] : memref<2x8x8x129xf32, #tpu.memory_space<vmem>> -> memref<1x8x8x129xf32, #tpu.memory_space<vmem>>
        %scatter3A_1184 = tpu.memref_squeeze %scatter3A_1183 : memref<1x8x8x129xf32, #tpu.memory_space<vmem>> -> memref<8x8x129xf32, #tpu.memory_space<vmem>>
        tpu.vector_store_idx %scatter3A_1184[%select_n3A_142, %select_n3A_164, %broadcast_in_dim3A_1121], %mul3A_1178 : memref<8x8x129xf32, #tpu.memory_space<vmem>>[vector<16xi32>, vector<16xi32>, vector<16xi32>], vector<16xf32>,
        %shift_left3A_1185 = arith.shli %broadcast_in_dim3A_1127, %sub3A_224 : vector<16xi32>
        %bitcast_convert_type3A_1186 = tpu.bitcast %shift_left3A_1185 : vector<16xi32> -> vector<16xi32>
        %shift_right_arithmetic3A_1187 = arith.constant 31 : i32
        %shift_right_arithmetic3A_1188 = vector.broadcast %shift_right_arithmetic3A_1187 : i32 to vector<16xi32>
        %shift_right_arithmetic3A_1189 = arith.shrsi %bitcast_convert_type3A_1186, %shift_right_arithmetic3A_1188 : vector<16xi32>
        %and3A_1190 = arith.andi %shift_right_arithmetic3A_1189, %broadcast_in_dim3A_225 : vector<16xi32>
        %bitcast_convert_type3A_1191 = tpu.bitcast %and3A_1190 : vector<16xi32> -> vector<16xf32>
        %get3A_1192 = arith.constant 1 : i32
        %get3A_1193 = arith.index_cast %get3A_1192 : i32 to index
        %get3A_1194 = arith.index_cast %add3A_1120 : i32 to index
        %get3A_1195 = arith.constant 48 : index
        %get3A_1196 = tpu.vector_load %arg7[%get3A_1193, %get3A_1194, %get3A_1195] {strides = array<i32>} : memref<2x128x64xf32, #tpu.memory_space<vmem>>, vector<16xf32>,
        %mul3A_1197 = arith.mulf %get3A_1196, %bitcast_convert_type3A_1191 : vector<16xf32>
        %scatter3A_1198 = arith.constant 1 : i32
        %scatter3A_1199 = arith.constant 0 : i32
        %scatter3A_1200 = arith.constant 0 : i32
        %scatter3A_1201 = arith.constant 0 : i32
        %scatter3A_1202 = tpu.memref_slice %arg9[%scatter3A_1198, %scatter3A_1199, %scatter3A_1200, %scatter3A_1201] : memref<2x8x8x129xf32, #tpu.memory_space<vmem>> -> memref<1x8x8x129xf32, #tpu.memory_space<vmem>>
        %scatter3A_1203 = tpu.memref_squeeze %scatter3A_1202 : memref<1x8x8x129xf32, #tpu.memory_space<vmem>> -> memref<8x8x129xf32, #tpu.memory_space<vmem>>
        tpu.vector_store_idx %scatter3A_1203[%select_n3A_195, %select_n3A_217, %broadcast_in_dim3A_1121], %mul3A_1197 : memref<8x8x129xf32, #tpu.memory_space<vmem>>[vector<16xi32>, vector<16xi32>, vector<16xi32>], vector<16xf32>,
        %mul3A_1204 = arith.constant 8 : i32
        %mul3A_1205 = arith.muli %scan3A_641, %mul3A_1204 : i32
        %add3A_1206 = arith.constant 6 : i32
        %add3A_1207 = arith.addi %mul3A_1205, %add3A_1206 : i32
        %broadcast_in_dim3A_1208 = vector.broadcast %add3A_1207 : i32 to vector<16xi32>
        %slice3A_1209 = vector.extract_strided_slice %get3A_687 {offsets = [12], sizes = [1], strides = [1]} : vector<16xi32> to vector<1xi32>
        %squeeze3A_1210 = vector.extract %slice3A_1209[0] : i32 from vector<1xi32>
        %broadcast_in_dim3A_1211 = vector.broadcast %squeeze3A_1210 : i32 to vector<16xi32>
        %slice3A_1212 = vector.extract_strided_slice %get3A_687 {offsets = [13], sizes = [1], strides = [1]} : vector<16xi32> to vector<1xi32>
        %squeeze3A_1213 = vector.extract %slice3A_1212[0] : i32 from vector<1xi32>
        %broadcast_in_dim3A_1214 = vector.broadcast %squeeze3A_1213 : i32 to vector<16xi32>
        %shift_left3A_1215 = arith.shli %broadcast_in_dim3A_1211, %sub3A_221 : vector<16xi32>
        %bitcast_convert_type3A_1216 = tpu.bitcast %shift_left3A_1215 : vector<16xi32> -> vector<16xi32>
        %shift_right_arithmetic3A_1217 = arith.constant 31 : i32
        %shift_right_arithmetic3A_1218 = vector.broadcast %shift_right_arithmetic3A_1217 : i32 to vector<16xi32>
        %shift_right_arithmetic3A_1219 = arith.shrsi %bitcast_convert_type3A_1216, %shift_right_arithmetic3A_1218 : vector<16xi32>
        %and3A_1220 = arith.andi %shift_right_arithmetic3A_1219, %broadcast_in_dim3A_225 : vector<16xi32>
        %bitcast_convert_type3A_1221 = tpu.bitcast %and3A_1220 : vector<16xi32> -> vector<16xf32>
        %get3A_1222 = arith.constant 1 : i32
        %get3A_1223 = arith.index_cast %get3A_1222 : i32 to index
        %get3A_1224 = arith.index_cast %add3A_1207 : i32 to index
        %get3A_1225 = arith.constant 0 : index
        %get3A_1226 = tpu.vector_load %arg7[%get3A_1223, %get3A_1224, %get3A_1225] {strides = array<i32>} : memref<2x128x64xf32, #tpu.memory_space<vmem>>, vector<16xf32>,
        %mul3A_1227 = arith.mulf %get3A_1226, %bitcast_convert_type3A_1221 : vector<16xf32>
        %scatter3A_1228 = arith.constant 1 : i32
        %scatter3A_1229 = arith.constant 0 : i32
        %scatter3A_1230 = arith.constant 0 : i32
        %scatter3A_1231 = arith.constant 0 : i32
        %scatter3A_1232 = tpu.memref_slice %arg9[%scatter3A_1228, %scatter3A_1229, %scatter3A_1230, %scatter3A_1231] : memref<2x8x8x129xf32, #tpu.memory_space<vmem>> -> memref<1x8x8x129xf32, #tpu.memory_space<vmem>>
        %scatter3A_1233 = tpu.memref_squeeze %scatter3A_1232 : memref<1x8x8x129xf32, #tpu.memory_space<vmem>> -> memref<8x8x129xf32, #tpu.memory_space<vmem>>
        tpu.vector_store_idx %scatter3A_1233[%select_n3A, %select_n3A_58, %broadcast_in_dim3A_1208], %mul3A_1227 : memref<8x8x129xf32, #tpu.memory_space<vmem>>[vector<16xi32>, vector<16xi32>, vector<16xi32>], vector<16xf32>,
        %shift_left3A_1234 = arith.shli %broadcast_in_dim3A_1211, %sub3A_224 : vector<16xi32>
        %bitcast_convert_type3A_1235 = tpu.bitcast %shift_left3A_1234 : vector<16xi32> -> vector<16xi32>
        %shift_right_arithmetic3A_1236 = arith.constant 31 : i32
        %shift_right_arithmetic3A_1237 = vector.broadcast %shift_right_arithmetic3A_1236 : i32 to vector<16xi32>
        %shift_right_arithmetic3A_1238 = arith.shrsi %bitcast_convert_type3A_1235, %shift_right_arithmetic3A_1237 : vector<16xi32>
        %and3A_1239 = arith.andi %shift_right_arithmetic3A_1238, %broadcast_in_dim3A_225 : vector<16xi32>
        %bitcast_convert_type3A_1240 = tpu.bitcast %and3A_1239 : vector<16xi32> -> vector<16xf32>
        %get3A_1241 = arith.constant 1 : i32
        %get3A_1242 = arith.index_cast %get3A_1241 : i32 to index
        %get3A_1243 = arith.index_cast %add3A_1207 : i32 to index
        %get3A_1244 = arith.constant 16 : index
        %get3A_1245 = tpu.vector_load %arg7[%get3A_1242, %get3A_1243, %get3A_1244] {strides = array<i32>} : memref<2x128x64xf32, #tpu.memory_space<vmem>>, vector<16xf32>,
        %mul3A_1246 = arith.mulf %get3A_1245, %bitcast_convert_type3A_1240 : vector<16xf32>
        %scatter3A_1247 = arith.constant 1 : i32
        %scatter3A_1248 = arith.constant 0 : i32
        %scatter3A_1249 = arith.constant 0 : i32
        %scatter3A_1250 = arith.constant 0 : i32
        %scatter3A_1251 = tpu.memref_slice %arg9[%scatter3A_1247, %scatter3A_1248, %scatter3A_1249, %scatter3A_1250] : memref<2x8x8x129xf32, #tpu.memory_space<vmem>> -> memref<1x8x8x129xf32, #tpu.memory_space<vmem>>
        %scatter3A_1252 = tpu.memref_squeeze %scatter3A_1251 : memref<1x8x8x129xf32, #tpu.memory_space<vmem>> -> memref<8x8x129xf32, #tpu.memory_space<vmem>>
        tpu.vector_store_idx %scatter3A_1252[%select_n3A_89, %select_n3A_111, %broadcast_in_dim3A_1208], %mul3A_1246 : memref<8x8x129xf32, #tpu.memory_space<vmem>>[vector<16xi32>, vector<16xi32>, vector<16xi32>], vector<16xf32>,
        %shift_left3A_1253 = arith.shli %broadcast_in_dim3A_1214, %sub3A_221 : vector<16xi32>
        %bitcast_convert_type3A_1254 = tpu.bitcast %shift_left3A_1253 : vector<16xi32> -> vector<16xi32>
        %shift_right_arithmetic3A_1255 = arith.constant 31 : i32
        %shift_right_arithmetic3A_1256 = vector.broadcast %shift_right_arithmetic3A_1255 : i32 to vector<16xi32>
        %shift_right_arithmetic3A_1257 = arith.shrsi %bitcast_convert_type3A_1254, %shift_right_arithmetic3A_1256 : vector<16xi32>
        %and3A_1258 = arith.andi %shift_right_arithmetic3A_1257, %broadcast_in_dim3A_225 : vector<16xi32>
        %bitcast_convert_type3A_1259 = tpu.bitcast %and3A_1258 : vector<16xi32> -> vector<16xf32>
        %get3A_1260 = arith.constant 1 : i32
        %get3A_1261 = arith.index_cast %get3A_1260 : i32 to index
        %get3A_1262 = arith.index_cast %add3A_1207 : i32 to index
        %get3A_1263 = arith.constant 32 : index
        %get3A_1264 = tpu.vector_load %arg7[%get3A_1261, %get3A_1262, %get3A_1263] {strides = array<i32>} : memref<2x128x64xf32, #tpu.memory_space<vmem>>, vector<16xf32>,
        %mul3A_1265 = arith.mulf %get3A_1264, %bitcast_convert_type3A_1259 : vector<16xf32>
        %scatter3A_1266 = arith.constant 1 : i32
        %scatter3A_1267 = arith.constant 0 : i32
        %scatter3A_1268 = arith.constant 0 : i32
        %scatter3A_1269 = arith.constant 0 : i32
        %scatter3A_1270 = tpu.memref_slice %arg9[%scatter3A_1266, %scatter3A_1267, %scatter3A_1268, %scatter3A_1269] : memref<2x8x8x129xf32, #tpu.memory_space<vmem>> -> memref<1x8x8x129xf32, #tpu.memory_space<vmem>>
        %scatter3A_1271 = tpu.memref_squeeze %scatter3A_1270 : memref<1x8x8x129xf32, #tpu.memory_space<vmem>> -> memref<8x8x129xf32, #tpu.memory_space<vmem>>
        tpu.vector_store_idx %scatter3A_1271[%select_n3A_142, %select_n3A_164, %broadcast_in_dim3A_1208], %mul3A_1265 : memref<8x8x129xf32, #tpu.memory_space<vmem>>[vector<16xi32>, vector<16xi32>, vector<16xi32>], vector<16xf32>,
        %shift_left3A_1272 = arith.shli %broadcast_in_dim3A_1214, %sub3A_224 : vector<16xi32>
        %bitcast_convert_type3A_1273 = tpu.bitcast %shift_left3A_1272 : vector<16xi32> -> vector<16xi32>
        %shift_right_arithmetic3A_1274 = arith.constant 31 : i32
        %shift_right_arithmetic3A_1275 = vector.broadcast %shift_right_arithmetic3A_1274 : i32 to vector<16xi32>
        %shift_right_arithmetic3A_1276 = arith.shrsi %bitcast_convert_type3A_1273, %shift_right_arithmetic3A_1275 : vector<16xi32>
        %and3A_1277 = arith.andi %shift_right_arithmetic3A_1276, %broadcast_in_dim3A_225 : vector<16xi32>
        %bitcast_convert_type3A_1278 = tpu.bitcast %and3A_1277 : vector<16xi32> -> vector<16xf32>
        %get3A_1279 = arith.constant 1 : i32
        %get3A_1280 = arith.index_cast %get3A_1279 : i32 to index
        %get3A_1281 = arith.index_cast %add3A_1207 : i32 to index
        %get3A_1282 = arith.constant 48 : index
        %get3A_1283 = tpu.vector_load %arg7[%get3A_1280, %get3A_1281, %get3A_1282] {strides = array<i32>} : memref<2x128x64xf32, #tpu.memory_space<vmem>>, vector<16xf32>,
        %mul3A_1284 = arith.mulf %get3A_1283, %bitcast_convert_type3A_1278 : vector<16xf32>
        %scatter3A_1285 = arith.constant 1 : i32
        %scatter3A_1286 = arith.constant 0 : i32
        %scatter3A_1287 = arith.constant 0 : i32
        %scatter3A_1288 = arith.constant 0 : i32
        %scatter3A_1289 = tpu.memref_slice %arg9[%scatter3A_1285, %scatter3A_1286, %scatter3A_1287, %scatter3A_1288] : memref<2x8x8x129xf32, #tpu.memory_space<vmem>> -> memref<1x8x8x129xf32, #tpu.memory_space<vmem>>
        %scatter3A_1290 = tpu.memref_squeeze %scatter3A_1289 : memref<1x8x8x129xf32, #tpu.memory_space<vmem>> -> memref<8x8x129xf32, #tpu.memory_space<vmem>>
        tpu.vector_store_idx %scatter3A_1290[%select_n3A_195, %select_n3A_217, %broadcast_in_dim3A_1208], %mul3A_1284 : memref<8x8x129xf32, #tpu.memory_space<vmem>>[vector<16xi32>, vector<16xi32>, vector<16xi32>], vector<16xf32>,
        %mul3A_1291 = arith.constant 8 : i32
        %mul3A_1292 = arith.muli %scan3A_641, %mul3A_1291 : i32
        %add3A_1293 = arith.constant 7 : i32
        %add3A_1294 = arith.addi %mul3A_1292, %add3A_1293 : i32
        %broadcast_in_dim3A_1295 = vector.broadcast %add3A_1294 : i32 to vector<16xi32>
        %slice3A_1296 = vector.extract_strided_slice %get3A_687 {offsets = [14], sizes = [1], strides = [1]} : vector<16xi32> to vector<1xi32>
        %squeeze3A_1297 = vector.extract %slice3A_1296[0] : i32 from vector<1xi32>
        %broadcast_in_dim3A_1298 = vector.broadcast %squeeze3A_1297 : i32 to vector<16xi32>
        %slice3A_1299 = vector.extract_strided_slice %get3A_687 {offsets = [15], sizes = [1], strides = [1]} : vector<16xi32> to vector<1xi32>
        %squeeze3A_1300 = vector.extract %slice3A_1299[0] : i32 from vector<1xi32>
        %broadcast_in_dim3A_1301 = vector.broadcast %squeeze3A_1300 : i32 to vector<16xi32>
        %shift_left3A_1302 = arith.shli %broadcast_in_dim3A_1298, %sub3A_221 : vector<16xi32>
        %bitcast_convert_type3A_1303 = tpu.bitcast %shift_left3A_1302 : vector<16xi32> -> vector<16xi32>
        %shift_right_arithmetic3A_1304 = arith.constant 31 : i32
        %shift_right_arithmetic3A_1305 = vector.broadcast %shift_right_arithmetic3A_1304 : i32 to vector<16xi32>
        %shift_right_arithmetic3A_1306 = arith.shrsi %bitcast_convert_type3A_1303, %shift_right_arithmetic3A_1305 : vector<16xi32>
        %and3A_1307 = arith.andi %shift_right_arithmetic3A_1306, %broadcast_in_dim3A_225 : vector<16xi32>
        %bitcast_convert_type3A_1308 = tpu.bitcast %and3A_1307 : vector<16xi32> -> vector<16xf32>
        %get3A_1309 = arith.constant 1 : i32
        %get3A_1310 = arith.index_cast %get3A_1309 : i32 to index
        %get3A_1311 = arith.index_cast %add3A_1294 : i32 to index
        %get3A_1312 = arith.constant 0 : index
        %get3A_1313 = tpu.vector_load %arg7[%get3A_1310, %get3A_1311, %get3A_1312] {strides = array<i32>} : memref<2x128x64xf32, #tpu.memory_space<vmem>>, vector<16xf32>,
        %mul3A_1314 = arith.mulf %get3A_1313, %bitcast_convert_type3A_1308 : vector<16xf32>
        %scatter3A_1315 = arith.constant 1 : i32
        %scatter3A_1316 = arith.constant 0 : i32
        %scatter3A_1317 = arith.constant 0 : i32
        %scatter3A_1318 = arith.constant 0 : i32
        %scatter3A_1319 = tpu.memref_slice %arg9[%scatter3A_1315, %scatter3A_1316, %scatter3A_1317, %scatter3A_1318] : memref<2x8x8x129xf32, #tpu.memory_space<vmem>> -> memref<1x8x8x129xf32, #tpu.memory_space<vmem>>
        %scatter3A_1320 = tpu.memref_squeeze %scatter3A_1319 : memref<1x8x8x129xf32, #tpu.memory_space<vmem>> -> memref<8x8x129xf32, #tpu.memory_space<vmem>>
        tpu.vector_store_idx %scatter3A_1320[%select_n3A, %select_n3A_58, %broadcast_in_dim3A_1295], %mul3A_1314 : memref<8x8x129xf32, #tpu.memory_space<vmem>>[vector<16xi32>, vector<16xi32>, vector<16xi32>], vector<16xf32>,
        %shift_left3A_1321 = arith.shli %broadcast_in_dim3A_1298, %sub3A_224 : vector<16xi32>
        %bitcast_convert_type3A_1322 = tpu.bitcast %shift_left3A_1321 : vector<16xi32> -> vector<16xi32>
        %shift_right_arithmetic3A_1323 = arith.constant 31 : i32
        %shift_right_arithmetic3A_1324 = vector.broadcast %shift_right_arithmetic3A_1323 : i32 to vector<16xi32>
        %shift_right_arithmetic3A_1325 = arith.shrsi %bitcast_convert_type3A_1322, %shift_right_arithmetic3A_1324 : vector<16xi32>
        %and3A_1326 = arith.andi %shift_right_arithmetic3A_1325, %broadcast_in_dim3A_225 : vector<16xi32>
        %bitcast_convert_type3A_1327 = tpu.bitcast %and3A_1326 : vector<16xi32> -> vector<16xf32>
        %get3A_1328 = arith.constant 1 : i32
        %get3A_1329 = arith.index_cast %get3A_1328 : i32 to index
        %get3A_1330 = arith.index_cast %add3A_1294 : i32 to index
        %get3A_1331 = arith.constant 16 : index
        %get3A_1332 = tpu.vector_load %arg7[%get3A_1329, %get3A_1330, %get3A_1331] {strides = array<i32>} : memref<2x128x64xf32, #tpu.memory_space<vmem>>, vector<16xf32>,
        %mul3A_1333 = arith.mulf %get3A_1332, %bitcast_convert_type3A_1327 : vector<16xf32>
        %scatter3A_1334 = arith.constant 1 : i32
        %scatter3A_1335 = arith.constant 0 : i32
        %scatter3A_1336 = arith.constant 0 : i32
        %scatter3A_1337 = arith.constant 0 : i32
        %scatter3A_1338 = tpu.memref_slice %arg9[%scatter3A_1334, %scatter3A_1335, %scatter3A_1336, %scatter3A_1337] : memref<2x8x8x129xf32, #tpu.memory_space<vmem>> -> memref<1x8x8x129xf32, #tpu.memory_space<vmem>>
        %scatter3A_1339 = tpu.memref_squeeze %scatter3A_1338 : memref<1x8x8x129xf32, #tpu.memory_space<vmem>> -> memref<8x8x129xf32, #tpu.memory_space<vmem>>
        tpu.vector_store_idx %scatter3A_1339[%select_n3A_89, %select_n3A_111, %broadcast_in_dim3A_1295], %mul3A_1333 : memref<8x8x129xf32, #tpu.memory_space<vmem>>[vector<16xi32>, vector<16xi32>, vector<16xi32>], vector<16xf32>,
        %shift_left3A_1340 = arith.shli %broadcast_in_dim3A_1301, %sub3A_221 : vector<16xi32>
        %bitcast_convert_type3A_1341 = tpu.bitcast %shift_left3A_1340 : vector<16xi32> -> vector<16xi32>
        %shift_right_arithmetic3A_1342 = arith.constant 31 : i32
        %shift_right_arithmetic3A_1343 = vector.broadcast %shift_right_arithmetic3A_1342 : i32 to vector<16xi32>
        %shift_right_arithmetic3A_1344 = arith.shrsi %bitcast_convert_type3A_1341, %shift_right_arithmetic3A_1343 : vector<16xi32>
        %and3A_1345 = arith.andi %shift_right_arithmetic3A_1344, %broadcast_in_dim3A_225 : vector<16xi32>
        %bitcast_convert_type3A_1346 = tpu.bitcast %and3A_1345 : vector<16xi32> -> vector<16xf32>
        %get3A_1347 = arith.constant 1 : i32
        %get3A_1348 = arith.index_cast %get3A_1347 : i32 to index
        %get3A_1349 = arith.index_cast %add3A_1294 : i32 to index
        %get3A_1350 = arith.constant 32 : index
        %get3A_1351 = tpu.vector_load %arg7[%get3A_1348, %get3A_1349, %get3A_1350] {strides = array<i32>} : memref<2x128x64xf32, #tpu.memory_space<vmem>>, vector<16xf32>,
        %mul3A_1352 = arith.mulf %get3A_1351, %bitcast_convert_type3A_1346 : vector<16xf32>
        %scatter3A_1353 = arith.constant 1 : i32
        %scatter3A_1354 = arith.constant 0 : i32
        %scatter3A_1355 = arith.constant 0 : i32
        %scatter3A_1356 = arith.constant 0 : i32
        %scatter3A_1357 = tpu.memref_slice %arg9[%scatter3A_1353, %scatter3A_1354, %scatter3A_1355, %scatter3A_1356] : memref<2x8x8x129xf32, #tpu.memory_space<vmem>> -> memref<1x8x8x129xf32, #tpu.memory_space<vmem>>
        %scatter3A_1358 = tpu.memref_squeeze %scatter3A_1357 : memref<1x8x8x129xf32, #tpu.memory_space<vmem>> -> memref<8x8x129xf32, #tpu.memory_space<vmem>>
        tpu.vector_store_idx %scatter3A_1358[%select_n3A_142, %select_n3A_164, %broadcast_in_dim3A_1295], %mul3A_1352 : memref<8x8x129xf32, #tpu.memory_space<vmem>>[vector<16xi32>, vector<16xi32>, vector<16xi32>], vector<16xf32>,
        %shift_left3A_1359 = arith.shli %broadcast_in_dim3A_1301, %sub3A_224 : vector<16xi32>
        %bitcast_convert_type3A_1360 = tpu.bitcast %shift_left3A_1359 : vector<16xi32> -> vector<16xi32>
        %shift_right_arithmetic3A_1361 = arith.constant 31 : i32
        %shift_right_arithmetic3A_1362 = vector.broadcast %shift_right_arithmetic3A_1361 : i32 to vector<16xi32>
        %shift_right_arithmetic3A_1363 = arith.shrsi %bitcast_convert_type3A_1360, %shift_right_arithmetic3A_1362 : vector<16xi32>
        %and3A_1364 = arith.andi %shift_right_arithmetic3A_1363, %broadcast_in_dim3A_225 : vector<16xi32>
        %bitcast_convert_type3A_1365 = tpu.bitcast %and3A_1364 : vector<16xi32> -> vector<16xf32>
        %get3A_1366 = arith.constant 1 : i32
        %get3A_1367 = arith.index_cast %get3A_1366 : i32 to index
        %get3A_1368 = arith.index_cast %add3A_1294 : i32 to index
        %get3A_1369 = arith.constant 48 : index
        %get3A_1370 = tpu.vector_load %arg7[%get3A_1367, %get3A_1368, %get3A_1369] {strides = array<i32>} : memref<2x128x64xf32, #tpu.memory_space<vmem>>, vector<16xf32>,
        %mul3A_1371 = arith.mulf %get3A_1370, %bitcast_convert_type3A_1365 : vector<16xf32>
        %scatter3A_1372 = arith.constant 1 : i32
        %scatter3A_1373 = arith.constant 0 : i32
        %scatter3A_1374 = arith.constant 0 : i32
        %scatter3A_1375 = arith.constant 0 : i32
        %scatter3A_1376 = tpu.memref_slice %arg9[%scatter3A_1372, %scatter3A_1373, %scatter3A_1374, %scatter3A_1375] : memref<2x8x8x129xf32, #tpu.memory_space<vmem>> -> memref<1x8x8x129xf32, #tpu.memory_space<vmem>>
        %scatter3A_1377 = tpu.memref_squeeze %scatter3A_1376 : memref<1x8x8x129xf32, #tpu.memory_space<vmem>> -> memref<8x8x129xf32, #tpu.memory_space<vmem>>
        tpu.vector_store_idx %scatter3A_1377[%select_n3A_195, %select_n3A_217, %broadcast_in_dim3A_1295], %mul3A_1371 : memref<8x8x129xf32, #tpu.memory_space<vmem>>[vector<16xi32>, vector<16xi32>, vector<16xi32>], vector<16xf32>,
        %scan3A_1378 = arith.constant 1 : i32
        %scan3A_1379 = arith.addi %scan3A_641, %scan3A_1378 : i32
        %jit3A_1380 = arith.constant 8 : i32
        %div3A_1381 = arith.divsi %scan3A_1379, %jit3A_1380 : i32
        %sign3A_1382 = arith.constant 0 : i32
        %sign3A_1383 = arith.cmpi sgt, %scan3A_1379, %sign3A_1382 : i32
        %sign3A_1384 = arith.extui %sign3A_1383 : i1 to i32
        %sign3A_1385 = arith.constant 0 : i32
        %sign3A_1386 = arith.cmpi slt, %scan3A_1379, %sign3A_1385 : i32
        %sign3A_1387 = arith.extui %sign3A_1386 : i1 to i32
        %sign3A_1388 = arith.subi %sign3A_1384, %sign3A_1387 : i32
        %sign3A_1389 = arith.constant 0 : i32
        %sign3A_1390 = arith.cmpi sgt, %jit3A_1380, %sign3A_1389 : i32
        %sign3A_1391 = arith.extui %sign3A_1390 : i1 to i32
        %sign3A_1392 = arith.constant 0 : i32
        %sign3A_1393 = arith.cmpi slt, %jit3A_1380, %sign3A_1392 : i32
        %sign3A_1394 = arith.extui %sign3A_1393 : i1 to i32
        %sign3A_1395 = arith.subi %sign3A_1391, %sign3A_1394 : i32
        %ne3A_1396 = arith.cmpi ne, %sign3A_1388, %sign3A_1395 : i32
        %rem3A_1397 = arith.remsi %scan3A_1379, %jit3A_1380 : i32
        %ne3A_1398 = arith.constant 0 : i32
        %ne3A_1399 = arith.cmpi ne, %rem3A_1397, %ne3A_1398 : i32
        %and3A_1400 = arith.andi %ne3A_1396, %ne3A_1399 : i1
        %sub3A_1401 = arith.constant 1 : i32
        %sub3A_1402 = arith.subi %div3A_1381, %sub3A_1401 : i32
        %select_n3A_1403 = arith.select %and3A_1400, %sub3A_1402, %div3A_1381 : i32
        %jit3A_1404 = arith.constant 8 : i32
        %eq3A_1405 = arith.constant 0 : i32
        %eq3A_1406 = arith.cmpi eq, %jit3A_1404, %eq3A_1405 : i32
        %jit3A_1407 = arith.constant 1 : i32
        %select_n3A_1408 = arith.select %eq3A_1406, %jit3A_1407, %jit3A_1404 : i32
        %rem3A_1409 = arith.remsi %scan3A_1379, %select_n3A_1408 : i32
        %ne3A_1410 = arith.constant 0 : i32
        %ne3A_1411 = arith.cmpi ne, %rem3A_1409, %ne3A_1410 : i32
        %lt3A_1412 = arith.constant 0 : i32
        %lt3A_1413 = arith.cmpi slt, %rem3A_1409, %lt3A_1412 : i32
        %lt3A_1414 = arith.constant 0 : i32
        %lt3A_1415 = arith.cmpi slt, %select_n3A_1408, %lt3A_1414 : i32
        %ne3A_1416 = arith.xori %lt3A_1413, %lt3A_1415 : i1
        %and3A_1417 = arith.andi %ne3A_1416, %ne3A_1411 : i1
        %add3A_1418 = arith.addi %rem3A_1409, %select_n3A_1408 : i32
        %select_n3A_1419 = arith.select %and3A_1417, %add3A_1418, %rem3A_1409 : i32
        %mul3A_1420 = arith.constant 16 : i32
        %mul3A_1421 = arith.muli %select_n3A_1419, %mul3A_1420 : i32
        %get3A_1422 = arith.constant 1 : i32
        %get3A_1423 = arith.index_cast %get3A_1422 : i32 to index
        %get3A_1424 = arith.index_cast %select_n3A_1403 : i32 to index
        %get3A_1425 = arith.index_cast %mul3A_1421 : i32 to index
        %get3A_1426 = tpu.vector_load %arg8[%get3A_1423, %get3A_1424, %get3A_1425] {strides = array<i32>} : memref<2x2x128xi32, #tpu.memory_space<vmem>>, vector<16xi32>,
        %mul3A_1427 = arith.constant 8 : i32
        %mul3A_1428 = arith.muli %scan3A_1379, %mul3A_1427 : i32
        %add3A_1429 = arith.constant 0 : i32
        %add3A_1430 = arith.addi %mul3A_1428, %add3A_1429 : i32
        %broadcast_in_dim3A_1431 = vector.broadcast %add3A_1430 : i32 to vector<16xi32>
        %slice3A_1432 = vector.extract_strided_slice %get3A_1426 {offsets = [0], sizes = [1], strides = [1]} : vector<16xi32> to vector<1xi32>
        %squeeze3A_1433 = vector.extract %slice3A_1432[0] : i32 from vector<1xi32>
        %broadcast_in_dim3A_1434 = vector.broadcast %squeeze3A_1433 : i32 to vector<16xi32>
        %slice3A_1435 = vector.extract_strided_slice %get3A_1426 {offsets = [1], sizes = [1], strides = [1]} : vector<16xi32> to vector<1xi32>
        %squeeze3A_1436 = vector.extract %slice3A_1435[0] : i32 from vector<1xi32>
        %broadcast_in_dim3A_1437 = vector.broadcast %squeeze3A_1436 : i32 to vector<16xi32>
        %shift_left3A_1438 = arith.shli %broadcast_in_dim3A_1434, %sub3A_221 : vector<16xi32>
        %bitcast_convert_type3A_1439 = tpu.bitcast %shift_left3A_1438 : vector<16xi32> -> vector<16xi32>
        %shift_right_arithmetic3A_1440 = arith.constant 31 : i32
        %shift_right_arithmetic3A_1441 = vector.broadcast %shift_right_arithmetic3A_1440 : i32 to vector<16xi32>
        %shift_right_arithmetic3A_1442 = arith.shrsi %bitcast_convert_type3A_1439, %shift_right_arithmetic3A_1441 : vector<16xi32>
        %and3A_1443 = arith.andi %shift_right_arithmetic3A_1442, %broadcast_in_dim3A_225 : vector<16xi32>
        %bitcast_convert_type3A_1444 = tpu.bitcast %and3A_1443 : vector<16xi32> -> vector<16xf32>
        %get3A_1445 = arith.constant 1 : i32
        %get3A_1446 = arith.index_cast %get3A_1445 : i32 to index
        %get3A_1447 = arith.index_cast %add3A_1430 : i32 to index
        %get3A_1448 = arith.constant 0 : index
        %get3A_1449 = tpu.vector_load %arg7[%get3A_1446, %get3A_1447, %get3A_1448] {strides = array<i32>} : memref<2x128x64xf32, #tpu.memory_space<vmem>>, vector<16xf32>,
        %mul3A_1450 = arith.mulf %get3A_1449, %bitcast_convert_type3A_1444 : vector<16xf32>
        %scatter3A_1451 = arith.constant 1 : i32
        %scatter3A_1452 = arith.constant 0 : i32
        %scatter3A_1453 = arith.constant 0 : i32
        %scatter3A_1454 = arith.constant 0 : i32
        %scatter3A_1455 = tpu.memref_slice %arg9[%scatter3A_1451, %scatter3A_1452, %scatter3A_1453, %scatter3A_1454] : memref<2x8x8x129xf32, #tpu.memory_space<vmem>> -> memref<1x8x8x129xf32, #tpu.memory_space<vmem>>
        %scatter3A_1456 = tpu.memref_squeeze %scatter3A_1455 : memref<1x8x8x129xf32, #tpu.memory_space<vmem>> -> memref<8x8x129xf32, #tpu.memory_space<vmem>>
        tpu.vector_store_idx %scatter3A_1456[%select_n3A, %select_n3A_58, %broadcast_in_dim3A_1431], %mul3A_1450 : memref<8x8x129xf32, #tpu.memory_space<vmem>>[vector<16xi32>, vector<16xi32>, vector<16xi32>], vector<16xf32>,
        %shift_left3A_1457 = arith.shli %broadcast_in_dim3A_1434, %sub3A_224 : vector<16xi32>
        %bitcast_convert_type3A_1458 = tpu.bitcast %shift_left3A_1457 : vector<16xi32> -> vector<16xi32>
        %shift_right_arithmetic3A_1459 = arith.constant 31 : i32
        %shift_right_arithmetic3A_1460 = vector.broadcast %shift_right_arithmetic3A_1459 : i32 to vector<16xi32>
        %shift_right_arithmetic3A_1461 = arith.shrsi %bitcast_convert_type3A_1458, %shift_right_arithmetic3A_1460 : vector<16xi32>
        %and3A_1462 = arith.andi %shift_right_arithmetic3A_1461, %broadcast_in_dim3A_225 : vector<16xi32>
        %bitcast_convert_type3A_1463 = tpu.bitcast %and3A_1462 : vector<16xi32> -> vector<16xf32>
        %get3A_1464 = arith.constant 1 : i32
        %get3A_1465 = arith.index_cast %get3A_1464 : i32 to index
        %get3A_1466 = arith.index_cast %add3A_1430 : i32 to index
        %get3A_1467 = arith.constant 16 : index
        %get3A_1468 = tpu.vector_load %arg7[%get3A_1465, %get3A_1466, %get3A_1467] {strides = array<i32>} : memref<2x128x64xf32, #tpu.memory_space<vmem>>, vector<16xf32>,
        %mul3A_1469 = arith.mulf %get3A_1468, %bitcast_convert_type3A_1463 : vector<16xf32>
        %scatter3A_1470 = arith.constant 1 : i32
        %scatter3A_1471 = arith.constant 0 : i32
        %scatter3A_1472 = arith.constant 0 : i32
        %scatter3A_1473 = arith.constant 0 : i32
        %scatter3A_1474 = tpu.memref_slice %arg9[%scatter3A_1470, %scatter3A_1471, %scatter3A_1472, %scatter3A_1473] : memref<2x8x8x129xf32, #tpu.memory_space<vmem>> -> memref<1x8x8x129xf32, #tpu.memory_space<vmem>>
        %scatter3A_1475 = tpu.memref_squeeze %scatter3A_1474 : memref<1x8x8x129xf32, #tpu.memory_space<vmem>> -> memref<8x8x129xf32, #tpu.memory_space<vmem>>
        tpu.vector_store_idx %scatter3A_1475[%select_n3A_89, %select_n3A_111, %broadcast_in_dim3A_1431], %mul3A_1469 : memref<8x8x129xf32, #tpu.memory_space<vmem>>[vector<16xi32>, vector<16xi32>, vector<16xi32>], vector<16xf32>,
        %shift_left3A_1476 = arith.shli %broadcast_in_dim3A_1437, %sub3A_221 : vector<16xi32>
        %bitcast_convert_type3A_1477 = tpu.bitcast %shift_left3A_1476 : vector<16xi32> -> vector<16xi32>
        %shift_right_arithmetic3A_1478 = arith.constant 31 : i32
        %shift_right_arithmetic3A_1479 = vector.broadcast %shift_right_arithmetic3A_1478 : i32 to vector<16xi32>
        %shift_right_arithmetic3A_1480 = arith.shrsi %bitcast_convert_type3A_1477, %shift_right_arithmetic3A_1479 : vector<16xi32>
        %and3A_1481 = arith.andi %shift_right_arithmetic3A_1480, %broadcast_in_dim3A_225 : vector<16xi32>
        %bitcast_convert_type3A_1482 = tpu.bitcast %and3A_1481 : vector<16xi32> -> vector<16xf32>
        %get3A_1483 = arith.constant 1 : i32
        %get3A_1484 = arith.index_cast %get3A_1483 : i32 to index
        %get3A_1485 = arith.index_cast %add3A_1430 : i32 to index
        %get3A_1486 = arith.constant 32 : index
        %get3A_1487 = tpu.vector_load %arg7[%get3A_1484, %get3A_1485, %get3A_1486] {strides = array<i32>} : memref<2x128x64xf32, #tpu.memory_space<vmem>>, vector<16xf32>,
        %mul3A_1488 = arith.mulf %get3A_1487, %bitcast_convert_type3A_1482 : vector<16xf32>
        %scatter3A_1489 = arith.constant 1 : i32
        %scatter3A_1490 = arith.constant 0 : i32
        %scatter3A_1491 = arith.constant 0 : i32
        %scatter3A_1492 = arith.constant 0 : i32
        %scatter3A_1493 = tpu.memref_slice %arg9[%scatter3A_1489, %scatter3A_1490, %scatter3A_1491, %scatter3A_1492] : memref<2x8x8x129xf32, #tpu.memory_space<vmem>> -> memref<1x8x8x129xf32, #tpu.memory_space<vmem>>
        %scatter3A_1494 = tpu.memref_squeeze %scatter3A_1493 : memref<1x8x8x129xf32, #tpu.memory_space<vmem>> -> memref<8x8x129xf32, #tpu.memory_space<vmem>>
        tpu.vector_store_idx %scatter3A_1494[%select_n3A_142, %select_n3A_164, %broadcast_in_dim3A_1431], %mul3A_1488 : memref<8x8x129xf32, #tpu.memory_space<vmem>>[vector<16xi32>, vector<16xi32>, vector<16xi32>], vector<16xf32>,
        %shift_left3A_1495 = arith.shli %broadcast_in_dim3A_1437, %sub3A_224 : vector<16xi32>
        %bitcast_convert_type3A_1496 = tpu.bitcast %shift_left3A_1495 : vector<16xi32> -> vector<16xi32>
        %shift_right_arithmetic3A_1497 = arith.constant 31 : i32
        %shift_right_arithmetic3A_1498 = vector.broadcast %shift_right_arithmetic3A_1497 : i32 to vector<16xi32>
        %shift_right_arithmetic3A_1499 = arith.shrsi %bitcast_convert_type3A_1496, %shift_right_arithmetic3A_1498 : vector<16xi32>
        %and3A_1500 = arith.andi %shift_right_arithmetic3A_1499, %broadcast_in_dim3A_225 : vector<16xi32>
        %bitcast_convert_type3A_1501 = tpu.bitcast %and3A_1500 : vector<16xi32> -> vector<16xf32>
        %get3A_1502 = arith.constant 1 : i32
        %get3A_1503 = arith.index_cast %get3A_1502 : i32 to index
        %get3A_1504 = arith.index_cast %add3A_1430 : i32 to index
        %get3A_1505 = arith.constant 48 : index
        %get3A_1506 = tpu.vector_load %arg7[%get3A_1503, %get3A_1504, %get3A_1505] {strides = array<i32>} : memref<2x128x64xf32, #tpu.memory_space<vmem>>, vector<16xf32>,
        %mul3A_1507 = arith.mulf %get3A_1506, %bitcast_convert_type3A_1501 : vector<16xf32>
        %scatter3A_1508 = arith.constant 1 : i32
        %scatter3A_1509 = arith.constant 0 : i32
        %scatter3A_1510 = arith.constant 0 : i32
        %scatter3A_1511 = arith.constant 0 : i32
        %scatter3A_1512 = tpu.memref_slice %arg9[%scatter3A_1508, %scatter3A_1509, %scatter3A_1510, %scatter3A_1511] : memref<2x8x8x129xf32, #tpu.memory_space<vmem>> -> memref<1x8x8x129xf32, #tpu.memory_space<vmem>>
        %scatter3A_1513 = tpu.memref_squeeze %scatter3A_1512 : memref<1x8x8x129xf32, #tpu.memory_space<vmem>> -> memref<8x8x129xf32, #tpu.memory_space<vmem>>
        tpu.vector_store_idx %scatter3A_1513[%select_n3A_195, %select_n3A_217, %broadcast_in_dim3A_1431], %mul3A_1507 : memref<8x8x129xf32, #tpu.memory_space<vmem>>[vector<16xi32>, vector<16xi32>, vector<16xi32>], vector<16xf32>,
        %mul3A_1514 = arith.constant 8 : i32
        %mul3A_1515 = arith.muli %scan3A_1379, %mul3A_1514 : i32
        %add3A_1516 = arith.constant 1 : i32
        %add3A_1517 = arith.addi %mul3A_1515, %add3A_1516 : i32
        %broadcast_in_dim3A_1518 = vector.broadcast %add3A_1517 : i32 to vector<16xi32>
        %slice3A_1519 = vector.extract_strided_slice %get3A_1426 {offsets = [2], sizes = [1], strides = [1]} : vector<16xi32> to vector<1xi32>
        %squeeze3A_1520 = vector.extract %slice3A_1519[0] : i32 from vector<1xi32>
        %broadcast_in_dim3A_1521 = vector.broadcast %squeeze3A_1520 : i32 to vector<16xi32>
        %slice3A_1522 = vector.extract_strided_slice %get3A_1426 {offsets = [3], sizes = [1], strides = [1]} : vector<16xi32> to vector<1xi32>
        %squeeze3A_1523 = vector.extract %slice3A_1522[0] : i32 from vector<1xi32>
        %broadcast_in_dim3A_1524 = vector.broadcast %squeeze3A_1523 : i32 to vector<16xi32>
        %shift_left3A_1525 = arith.shli %broadcast_in_dim3A_1521, %sub3A_221 : vector<16xi32>
        %bitcast_convert_type3A_1526 = tpu.bitcast %shift_left3A_1525 : vector<16xi32> -> vector<16xi32>
        %shift_right_arithmetic3A_1527 = arith.constant 31 : i32
        %shift_right_arithmetic3A_1528 = vector.broadcast %shift_right_arithmetic3A_1527 : i32 to vector<16xi32>
        %shift_right_arithmetic3A_1529 = arith.shrsi %bitcast_convert_type3A_1526, %shift_right_arithmetic3A_1528 : vector<16xi32>
        %and3A_1530 = arith.andi %shift_right_arithmetic3A_1529, %broadcast_in_dim3A_225 : vector<16xi32>
        %bitcast_convert_type3A_1531 = tpu.bitcast %and3A_1530 : vector<16xi32> -> vector<16xf32>
        %get3A_1532 = arith.constant 1 : i32
        %get3A_1533 = arith.index_cast %get3A_1532 : i32 to index
        %get3A_1534 = arith.index_cast %add3A_1517 : i32 to index
        %get3A_1535 = arith.constant 0 : index
        %get3A_1536 = tpu.vector_load %arg7[%get3A_1533, %get3A_1534, %get3A_1535] {strides = array<i32>} : memref<2x128x64xf32, #tpu.memory_space<vmem>>, vector<16xf32>,
        %mul3A_1537 = arith.mulf %get3A_1536, %bitcast_convert_type3A_1531 : vector<16xf32>
        %scatter3A_1538 = arith.constant 1 : i32
        %scatter3A_1539 = arith.constant 0 : i32
        %scatter3A_1540 = arith.constant 0 : i32
        %scatter3A_1541 = arith.constant 0 : i32
        %scatter3A_1542 = tpu.memref_slice %arg9[%scatter3A_1538, %scatter3A_1539, %scatter3A_1540, %scatter3A_1541] : memref<2x8x8x129xf32, #tpu.memory_space<vmem>> -> memref<1x8x8x129xf32, #tpu.memory_space<vmem>>
        %scatter3A_1543 = tpu.memref_squeeze %scatter3A_1542 : memref<1x8x8x129xf32, #tpu.memory_space<vmem>> -> memref<8x8x129xf32, #tpu.memory_space<vmem>>
        tpu.vector_store_idx %scatter3A_1543[%select_n3A, %select_n3A_58, %broadcast_in_dim3A_1518], %mul3A_1537 : memref<8x8x129xf32, #tpu.memory_space<vmem>>[vector<16xi32>, vector<16xi32>, vector<16xi32>], vector<16xf32>,
        %shift_left3A_1544 = arith.shli %broadcast_in_dim3A_1521, %sub3A_224 : vector<16xi32>
        %bitcast_convert_type3A_1545 = tpu.bitcast %shift_left3A_1544 : vector<16xi32> -> vector<16xi32>
        %shift_right_arithmetic3A_1546 = arith.constant 31 : i32
        %shift_right_arithmetic3A_1547 = vector.broadcast %shift_right_arithmetic3A_1546 : i32 to vector<16xi32>
        %shift_right_arithmetic3A_1548 = arith.shrsi %bitcast_convert_type3A_1545, %shift_right_arithmetic3A_1547 : vector<16xi32>
        %and3A_1549 = arith.andi %shift_right_arithmetic3A_1548, %broadcast_in_dim3A_225 : vector<16xi32>
        %bitcast_convert_type3A_1550 = tpu.bitcast %and3A_1549 : vector<16xi32> -> vector<16xf32>
        %get3A_1551 = arith.constant 1 : i32
        %get3A_1552 = arith.index_cast %get3A_1551 : i32 to index
        %get3A_1553 = arith.index_cast %add3A_1517 : i32 to index
        %get3A_1554 = arith.constant 16 : index
        %get3A_1555 = tpu.vector_load %arg7[%get3A_1552, %get3A_1553, %get3A_1554] {strides = array<i32>} : memref<2x128x64xf32, #tpu.memory_space<vmem>>, vector<16xf32>,
        %mul3A_1556 = arith.mulf %get3A_1555, %bitcast_convert_type3A_1550 : vector<16xf32>
        %scatter3A_1557 = arith.constant 1 : i32
        %scatter3A_1558 = arith.constant 0 : i32
        %scatter3A_1559 = arith.constant 0 : i32
        %scatter3A_1560 = arith.constant 0 : i32
        %scatter3A_1561 = tpu.memref_slice %arg9[%scatter3A_1557, %scatter3A_1558, %scatter3A_1559, %scatter3A_1560] : memref<2x8x8x129xf32, #tpu.memory_space<vmem>> -> memref<1x8x8x129xf32, #tpu.memory_space<vmem>>
        %scatter3A_1562 = tpu.memref_squeeze %scatter3A_1561 : memref<1x8x8x129xf32, #tpu.memory_space<vmem>> -> memref<8x8x129xf32, #tpu.memory_space<vmem>>
        tpu.vector_store_idx %scatter3A_1562[%select_n3A_89, %select_n3A_111, %broadcast_in_dim3A_1518], %mul3A_1556 : memref<8x8x129xf32, #tpu.memory_space<vmem>>[vector<16xi32>, vector<16xi32>, vector<16xi32>], vector<16xf32>,
        %shift_left3A_1563 = arith.shli %broadcast_in_dim3A_1524, %sub3A_221 : vector<16xi32>
        %bitcast_convert_type3A_1564 = tpu.bitcast %shift_left3A_1563 : vector<16xi32> -> vector<16xi32>
        %shift_right_arithmetic3A_1565 = arith.constant 31 : i32
        %shift_right_arithmetic3A_1566 = vector.broadcast %shift_right_arithmetic3A_1565 : i32 to vector<16xi32>
        %shift_right_arithmetic3A_1567 = arith.shrsi %bitcast_convert_type3A_1564, %shift_right_arithmetic3A_1566 : vector<16xi32>
        %and3A_1568 = arith.andi %shift_right_arithmetic3A_1567, %broadcast_in_dim3A_225 : vector<16xi32>
        %bitcast_convert_type3A_1569 = tpu.bitcast %and3A_1568 : vector<16xi32> -> vector<16xf32>
        %get3A_1570 = arith.constant 1 : i32
        %get3A_1571 = arith.index_cast %get3A_1570 : i32 to index
        %get3A_1572 = arith.index_cast %add3A_1517 : i32 to index
        %get3A_1573 = arith.constant 32 : index
        %get3A_1574 = tpu.vector_load %arg7[%get3A_1571, %get3A_1572, %get3A_1573] {strides = array<i32>} : memref<2x128x64xf32, #tpu.memory_space<vmem>>, vector<16xf32>,
        %mul3A_1575 = arith.mulf %get3A_1574, %bitcast_convert_type3A_1569 : vector<16xf32>
        %scatter3A_1576 = arith.constant 1 : i32
        %scatter3A_1577 = arith.constant 0 : i32
        %scatter3A_1578 = arith.constant 0 : i32
        %scatter3A_1579 = arith.constant 0 : i32
        %scatter3A_1580 = tpu.memref_slice %arg9[%scatter3A_1576, %scatter3A_1577, %scatter3A_1578, %scatter3A_1579] : memref<2x8x8x129xf32, #tpu.memory_space<vmem>> -> memref<1x8x8x129xf32, #tpu.memory_space<vmem>>
        %scatter3A_1581 = tpu.memref_squeeze %scatter3A_1580 : memref<1x8x8x129xf32, #tpu.memory_space<vmem>> -> memref<8x8x129xf32, #tpu.memory_space<vmem>>
        tpu.vector_store_idx %scatter3A_1581[%select_n3A_142, %select_n3A_164, %broadcast_in_dim3A_1518], %mul3A_1575 : memref<8x8x129xf32, #tpu.memory_space<vmem>>[vector<16xi32>, vector<16xi32>, vector<16xi32>], vector<16xf32>,
        %shift_left3A_1582 = arith.shli %broadcast_in_dim3A_1524, %sub3A_224 : vector<16xi32>
        %bitcast_convert_type3A_1583 = tpu.bitcast %shift_left3A_1582 : vector<16xi32> -> vector<16xi32>
        %shift_right_arithmetic3A_1584 = arith.constant 31 : i32
        %shift_right_arithmetic3A_1585 = vector.broadcast %shift_right_arithmetic3A_1584 : i32 to vector<16xi32>
        %shift_right_arithmetic3A_1586 = arith.shrsi %bitcast_convert_type3A_1583, %shift_right_arithmetic3A_1585 : vector<16xi32>
        %and3A_1587 = arith.andi %shift_right_arithmetic3A_1586, %broadcast_in_dim3A_225 : vector<16xi32>
        %bitcast_convert_type3A_1588 = tpu.bitcast %and3A_1587 : vector<16xi32> -> vector<16xf32>
        %get3A_1589 = arith.constant 1 : i32
        %get3A_1590 = arith.index_cast %get3A_1589 : i32 to index
        %get3A_1591 = arith.index_cast %add3A_1517 : i32 to index
        %get3A_1592 = arith.constant 48 : index
        %get3A_1593 = tpu.vector_load %arg7[%get3A_1590, %get3A_1591, %get3A_1592] {strides = array<i32>} : memref<2x128x64xf32, #tpu.memory_space<vmem>>, vector<16xf32>,
        %mul3A_1594 = arith.mulf %get3A_1593, %bitcast_convert_type3A_1588 : vector<16xf32>
        %scatter3A_1595 = arith.constant 1 : i32
        %scatter3A_1596 = arith.constant 0 : i32
        %scatter3A_1597 = arith.constant 0 : i32
        %scatter3A_1598 = arith.constant 0 : i32
        %scatter3A_1599 = tpu.memref_slice %arg9[%scatter3A_1595, %scatter3A_1596, %scatter3A_1597, %scatter3A_1598] : memref<2x8x8x129xf32, #tpu.memory_space<vmem>> -> memref<1x8x8x129xf32, #tpu.memory_space<vmem>>
        %scatter3A_1600 = tpu.memref_squeeze %scatter3A_1599 : memref<1x8x8x129xf32, #tpu.memory_space<vmem>> -> memref<8x8x129xf32, #tpu.memory_space<vmem>>
        tpu.vector_store_idx %scatter3A_1600[%select_n3A_195, %select_n3A_217, %broadcast_in_dim3A_1518], %mul3A_1594 : memref<8x8x129xf32, #tpu.memory_space<vmem>>[vector<16xi32>, vector<16xi32>, vector<16xi32>], vector<16xf32>,
        %mul3A_1601 = arith.constant 8 : i32
        %mul3A_1602 = arith.muli %scan3A_1379, %mul3A_1601 : i32
        %add3A_1603 = arith.constant 2 : i32
        %add3A_1604 = arith.addi %mul3A_1602, %add3A_1603 : i32
        %broadcast_in_dim3A_1605 = vector.broadcast %add3A_1604 : i32 to vector<16xi32>
        %slice3A_1606 = vector.extract_strided_slice %get3A_1426 {offsets = [4], sizes = [1], strides = [1]} : vector<16xi32> to vector<1xi32>
        %squeeze3A_1607 = vector.extract %slice3A_1606[0] : i32 from vector<1xi32>
        %broadcast_in_dim3A_1608 = vector.broadcast %squeeze3A_1607 : i32 to vector<16xi32>
        %slice3A_1609 = vector.extract_strided_slice %get3A_1426 {offsets = [5], sizes = [1], strides = [1]} : vector<16xi32> to vector<1xi32>
        %squeeze3A_1610 = vector.extract %slice3A_1609[0] : i32 from vector<1xi32>
        %broadcast_in_dim3A_1611 = vector.broadcast %squeeze3A_1610 : i32 to vector<16xi32>
        %shift_left3A_1612 = arith.shli %broadcast_in_dim3A_1608, %sub3A_221 : vector<16xi32>
        %bitcast_convert_type3A_1613 = tpu.bitcast %shift_left3A_1612 : vector<16xi32> -> vector<16xi32>
        %shift_right_arithmetic3A_1614 = arith.constant 31 : i32
        %shift_right_arithmetic3A_1615 = vector.broadcast %shift_right_arithmetic3A_1614 : i32 to vector<16xi32>
        %shift_right_arithmetic3A_1616 = arith.shrsi %bitcast_convert_type3A_1613, %shift_right_arithmetic3A_1615 : vector<16xi32>
        %and3A_1617 = arith.andi %shift_right_arithmetic3A_1616, %broadcast_in_dim3A_225 : vector<16xi32>
        %bitcast_convert_type3A_1618 = tpu.bitcast %and3A_1617 : vector<16xi32> -> vector<16xf32>
        %get3A_1619 = arith.constant 1 : i32
        %get3A_1620 = arith.index_cast %get3A_1619 : i32 to index
        %get3A_1621 = arith.index_cast %add3A_1604 : i32 to index
        %get3A_1622 = arith.constant 0 : index
        %get3A_1623 = tpu.vector_load %arg7[%get3A_1620, %get3A_1621, %get3A_1622] {strides = array<i32>} : memref<2x128x64xf32, #tpu.memory_space<vmem>>, vector<16xf32>,
        %mul3A_1624 = arith.mulf %get3A_1623, %bitcast_convert_type3A_1618 : vector<16xf32>
        %scatter3A_1625 = arith.constant 1 : i32
        %scatter3A_1626 = arith.constant 0 : i32
        %scatter3A_1627 = arith.constant 0 : i32
        %scatter3A_1628 = arith.constant 0 : i32
        %scatter3A_1629 = tpu.memref_slice %arg9[%scatter3A_1625, %scatter3A_1626, %scatter3A_1627, %scatter3A_1628] : memref<2x8x8x129xf32, #tpu.memory_space<vmem>> -> memref<1x8x8x129xf32, #tpu.memory_space<vmem>>
        %scatter3A_1630 = tpu.memref_squeeze %scatter3A_1629 : memref<1x8x8x129xf32, #tpu.memory_space<vmem>> -> memref<8x8x129xf32, #tpu.memory_space<vmem>>
        tpu.vector_store_idx %scatter3A_1630[%select_n3A, %select_n3A_58, %broadcast_in_dim3A_1605], %mul3A_1624 : memref<8x8x129xf32, #tpu.memory_space<vmem>>[vector<16xi32>, vector<16xi32>, vector<16xi32>], vector<16xf32>,
        %shift_left3A_1631 = arith.shli %broadcast_in_dim3A_1608, %sub3A_224 : vector<16xi32>
        %bitcast_convert_type3A_1632 = tpu.bitcast %shift_left3A_1631 : vector<16xi32> -> vector<16xi32>
        %shift_right_arithmetic3A_1633 = arith.constant 31 : i32
        %shift_right_arithmetic3A_1634 = vector.broadcast %shift_right_arithmetic3A_1633 : i32 to vector<16xi32>
        %shift_right_arithmetic3A_1635 = arith.shrsi %bitcast_convert_type3A_1632, %shift_right_arithmetic3A_1634 : vector<16xi32>
        %and3A_1636 = arith.andi %shift_right_arithmetic3A_1635, %broadcast_in_dim3A_225 : vector<16xi32>
        %bitcast_convert_type3A_1637 = tpu.bitcast %and3A_1636 : vector<16xi32> -> vector<16xf32>
        %get3A_1638 = arith.constant 1 : i32
        %get3A_1639 = arith.index_cast %get3A_1638 : i32 to index
        %get3A_1640 = arith.index_cast %add3A_1604 : i32 to index
        %get3A_1641 = arith.constant 16 : index
        %get3A_1642 = tpu.vector_load %arg7[%get3A_1639, %get3A_1640, %get3A_1641] {strides = array<i32>} : memref<2x128x64xf32, #tpu.memory_space<vmem>>, vector<16xf32>,
        %mul3A_1643 = arith.mulf %get3A_1642, %bitcast_convert_type3A_1637 : vector<16xf32>
        %scatter3A_1644 = arith.constant 1 : i32
        %scatter3A_1645 = arith.constant 0 : i32
        %scatter3A_1646 = arith.constant 0 : i32
        %scatter3A_1647 = arith.constant 0 : i32
        %scatter3A_1648 = tpu.memref_slice %arg9[%scatter3A_1644, %scatter3A_1645, %scatter3A_1646, %scatter3A_1647] : memref<2x8x8x129xf32, #tpu.memory_space<vmem>> -> memref<1x8x8x129xf32, #tpu.memory_space<vmem>>
        %scatter3A_1649 = tpu.memref_squeeze %scatter3A_1648 : memref<1x8x8x129xf32, #tpu.memory_space<vmem>> -> memref<8x8x129xf32, #tpu.memory_space<vmem>>
        tpu.vector_store_idx %scatter3A_1649[%select_n3A_89, %select_n3A_111, %broadcast_in_dim3A_1605], %mul3A_1643 : memref<8x8x129xf32, #tpu.memory_space<vmem>>[vector<16xi32>, vector<16xi32>, vector<16xi32>], vector<16xf32>,
        %shift_left3A_1650 = arith.shli %broadcast_in_dim3A_1611, %sub3A_221 : vector<16xi32>
        %bitcast_convert_type3A_1651 = tpu.bitcast %shift_left3A_1650 : vector<16xi32> -> vector<16xi32>
        %shift_right_arithmetic3A_1652 = arith.constant 31 : i32
        %shift_right_arithmetic3A_1653 = vector.broadcast %shift_right_arithmetic3A_1652 : i32 to vector<16xi32>
        %shift_right_arithmetic3A_1654 = arith.shrsi %bitcast_convert_type3A_1651, %shift_right_arithmetic3A_1653 : vector<16xi32>
        %and3A_1655 = arith.andi %shift_right_arithmetic3A_1654, %broadcast_in_dim3A_225 : vector<16xi32>
        %bitcast_convert_type3A_1656 = tpu.bitcast %and3A_1655 : vector<16xi32> -> vector<16xf32>
        %get3A_1657 = arith.constant 1 : i32
        %get3A_1658 = arith.index_cast %get3A_1657 : i32 to index
        %get3A_1659 = arith.index_cast %add3A_1604 : i32 to index
        %get3A_1660 = arith.constant 32 : index
        %get3A_1661 = tpu.vector_load %arg7[%get3A_1658, %get3A_1659, %get3A_1660] {strides = array<i32>} : memref<2x128x64xf32, #tpu.memory_space<vmem>>, vector<16xf32>,
        %mul3A_1662 = arith.mulf %get3A_1661, %bitcast_convert_type3A_1656 : vector<16xf32>
        %scatter3A_1663 = arith.constant 1 : i32
        %scatter3A_1664 = arith.constant 0 : i32
        %scatter3A_1665 = arith.constant 0 : i32
        %scatter3A_1666 = arith.constant 0 : i32
        %scatter3A_1667 = tpu.memref_slice %arg9[%scatter3A_1663, %scatter3A_1664, %scatter3A_1665, %scatter3A_1666] : memref<2x8x8x129xf32, #tpu.memory_space<vmem>> -> memref<1x8x8x129xf32, #tpu.memory_space<vmem>>
        %scatter3A_1668 = tpu.memref_squeeze %scatter3A_1667 : memref<1x8x8x129xf32, #tpu.memory_space<vmem>> -> memref<8x8x129xf32, #tpu.memory_space<vmem>>
        tpu.vector_store_idx %scatter3A_1668[%select_n3A_142, %select_n3A_164, %broadcast_in_dim3A_1605], %mul3A_1662 : memref<8x8x129xf32, #tpu.memory_space<vmem>>[vector<16xi32>, vector<16xi32>, vector<16xi32>], vector<16xf32>,
        %shift_left3A_1669 = arith.shli %broadcast_in_dim3A_1611, %sub3A_224 : vector<16xi32>
        %bitcast_convert_type3A_1670 = tpu.bitcast %shift_left3A_1669 : vector<16xi32> -> vector<16xi32>
        %shift_right_arithmetic3A_1671 = arith.constant 31 : i32
        %shift_right_arithmetic3A_1672 = vector.broadcast %shift_right_arithmetic3A_1671 : i32 to vector<16xi32>
        %shift_right_arithmetic3A_1673 = arith.shrsi %bitcast_convert_type3A_1670, %shift_right_arithmetic3A_1672 : vector<16xi32>
        %and3A_1674 = arith.andi %shift_right_arithmetic3A_1673, %broadcast_in_dim3A_225 : vector<16xi32>
        %bitcast_convert_type3A_1675 = tpu.bitcast %and3A_1674 : vector<16xi32> -> vector<16xf32>
        %get3A_1676 = arith.constant 1 : i32
        %get3A_1677 = arith.index_cast %get3A_1676 : i32 to index
        %get3A_1678 = arith.index_cast %add3A_1604 : i32 to index
        %get3A_1679 = arith.constant 48 : index
        %get3A_1680 = tpu.vector_load %arg7[%get3A_1677, %get3A_1678, %get3A_1679] {strides = array<i32>} : memref<2x128x64xf32, #tpu.memory_space<vmem>>, vector<16xf32>,
        %mul3A_1681 = arith.mulf %get3A_1680, %bitcast_convert_type3A_1675 : vector<16xf32>
        %scatter3A_1682 = arith.constant 1 : i32
        %scatter3A_1683 = arith.constant 0 : i32
        %scatter3A_1684 = arith.constant 0 : i32
        %scatter3A_1685 = arith.constant 0 : i32
        %scatter3A_1686 = tpu.memref_slice %arg9[%scatter3A_1682, %scatter3A_1683, %scatter3A_1684, %scatter3A_1685] : memref<2x8x8x129xf32, #tpu.memory_space<vmem>> -> memref<1x8x8x129xf32, #tpu.memory_space<vmem>>
        %scatter3A_1687 = tpu.memref_squeeze %scatter3A_1686 : memref<1x8x8x129xf32, #tpu.memory_space<vmem>> -> memref<8x8x129xf32, #tpu.memory_space<vmem>>
        tpu.vector_store_idx %scatter3A_1687[%select_n3A_195, %select_n3A_217, %broadcast_in_dim3A_1605], %mul3A_1681 : memref<8x8x129xf32, #tpu.memory_space<vmem>>[vector<16xi32>, vector<16xi32>, vector<16xi32>], vector<16xf32>,
        %mul3A_1688 = arith.constant 8 : i32
        %mul3A_1689 = arith.muli %scan3A_1379, %mul3A_1688 : i32
        %add3A_1690 = arith.constant 3 : i32
        %add3A_1691 = arith.addi %mul3A_1689, %add3A_1690 : i32
        %broadcast_in_dim3A_1692 = vector.broadcast %add3A_1691 : i32 to vector<16xi32>
        %slice3A_1693 = vector.extract_strided_slice %get3A_1426 {offsets = [6], sizes = [1], strides = [1]} : vector<16xi32> to vector<1xi32>
        %squeeze3A_1694 = vector.extract %slice3A_1693[0] : i32 from vector<1xi32>
        %broadcast_in_dim3A_1695 = vector.broadcast %squeeze3A_1694 : i32 to vector<16xi32>
        %slice3A_1696 = vector.extract_strided_slice %get3A_1426 {offsets = [7], sizes = [1], strides = [1]} : vector<16xi32> to vector<1xi32>
        %squeeze3A_1697 = vector.extract %slice3A_1696[0] : i32 from vector<1xi32>
        %broadcast_in_dim3A_1698 = vector.broadcast %squeeze3A_1697 : i32 to vector<16xi32>
        %shift_left3A_1699 = arith.shli %broadcast_in_dim3A_1695, %sub3A_221 : vector<16xi32>
        %bitcast_convert_type3A_1700 = tpu.bitcast %shift_left3A_1699 : vector<16xi32> -> vector<16xi32>
        %shift_right_arithmetic3A_1701 = arith.constant 31 : i32
        %shift_right_arithmetic3A_1702 = vector.broadcast %shift_right_arithmetic3A_1701 : i32 to vector<16xi32>
        %shift_right_arithmetic3A_1703 = arith.shrsi %bitcast_convert_type3A_1700, %shift_right_arithmetic3A_1702 : vector<16xi32>
        %and3A_1704 = arith.andi %shift_right_arithmetic3A_1703, %broadcast_in_dim3A_225 : vector<16xi32>
        %bitcast_convert_type3A_1705 = tpu.bitcast %and3A_1704 : vector<16xi32> -> vector<16xf32>
        %get3A_1706 = arith.constant 1 : i32
        %get3A_1707 = arith.index_cast %get3A_1706 : i32 to index
        %get3A_1708 = arith.index_cast %add3A_1691 : i32 to index
        %get3A_1709 = arith.constant 0 : index
        %get3A_1710 = tpu.vector_load %arg7[%get3A_1707, %get3A_1708, %get3A_1709] {strides = array<i32>} : memref<2x128x64xf32, #tpu.memory_space<vmem>>, vector<16xf32>,
        %mul3A_1711 = arith.mulf %get3A_1710, %bitcast_convert_type3A_1705 : vector<16xf32>
        %scatter3A_1712 = arith.constant 1 : i32
        %scatter3A_1713 = arith.constant 0 : i32
        %scatter3A_1714 = arith.constant 0 : i32
        %scatter3A_1715 = arith.constant 0 : i32
        %scatter3A_1716 = tpu.memref_slice %arg9[%scatter3A_1712, %scatter3A_1713, %scatter3A_1714, %scatter3A_1715] : memref<2x8x8x129xf32, #tpu.memory_space<vmem>> -> memref<1x8x8x129xf32, #tpu.memory_space<vmem>>
        %scatter3A_1717 = tpu.memref_squeeze %scatter3A_1716 : memref<1x8x8x129xf32, #tpu.memory_space<vmem>> -> memref<8x8x129xf32, #tpu.memory_space<vmem>>
        tpu.vector_store_idx %scatter3A_1717[%select_n3A, %select_n3A_58, %broadcast_in_dim3A_1692], %mul3A_1711 : memref<8x8x129xf32, #tpu.memory_space<vmem>>[vector<16xi32>, vector<16xi32>, vector<16xi32>], vector<16xf32>,
        %shift_left3A_1718 = arith.shli %broadcast_in_dim3A_1695, %sub3A_224 : vector<16xi32>
        %bitcast_convert_type3A_1719 = tpu.bitcast %shift_left3A_1718 : vector<16xi32> -> vector<16xi32>
        %shift_right_arithmetic3A_1720 = arith.constant 31 : i32
        %shift_right_arithmetic3A_1721 = vector.broadcast %shift_right_arithmetic3A_1720 : i32 to vector<16xi32>
        %shift_right_arithmetic3A_1722 = arith.shrsi %bitcast_convert_type3A_1719, %shift_right_arithmetic3A_1721 : vector<16xi32>
        %and3A_1723 = arith.andi %shift_right_arithmetic3A_1722, %broadcast_in_dim3A_225 : vector<16xi32>
        %bitcast_convert_type3A_1724 = tpu.bitcast %and3A_1723 : vector<16xi32> -> vector<16xf32>
        %get3A_1725 = arith.constant 1 : i32
        %get3A_1726 = arith.index_cast %get3A_1725 : i32 to index
        %get3A_1727 = arith.index_cast %add3A_1691 : i32 to index
        %get3A_1728 = arith.constant 16 : index
        %get3A_1729 = tpu.vector_load %arg7[%get3A_1726, %get3A_1727, %get3A_1728] {strides = array<i32>} : memref<2x128x64xf32, #tpu.memory_space<vmem>>, vector<16xf32>,
        %mul3A_1730 = arith.mulf %get3A_1729, %bitcast_convert_type3A_1724 : vector<16xf32>
        %scatter3A_1731 = arith.constant 1 : i32
        %scatter3A_1732 = arith.constant 0 : i32
        %scatter3A_1733 = arith.constant 0 : i32
        %scatter3A_1734 = arith.constant 0 : i32
        %scatter3A_1735 = tpu.memref_slice %arg9[%scatter3A_1731, %scatter3A_1732, %scatter3A_1733, %scatter3A_1734] : memref<2x8x8x129xf32, #tpu.memory_space<vmem>> -> memref<1x8x8x129xf32, #tpu.memory_space<vmem>>
        %scatter3A_1736 = tpu.memref_squeeze %scatter3A_1735 : memref<1x8x8x129xf32, #tpu.memory_space<vmem>> -> memref<8x8x129xf32, #tpu.memory_space<vmem>>
        tpu.vector_store_idx %scatter3A_1736[%select_n3A_89, %select_n3A_111, %broadcast_in_dim3A_1692], %mul3A_1730 : memref<8x8x129xf32, #tpu.memory_space<vmem>>[vector<16xi32>, vector<16xi32>, vector<16xi32>], vector<16xf32>,
        %shift_left3A_1737 = arith.shli %broadcast_in_dim3A_1698, %sub3A_221 : vector<16xi32>
        %bitcast_convert_type3A_1738 = tpu.bitcast %shift_left3A_1737 : vector<16xi32> -> vector<16xi32>
        %shift_right_arithmetic3A_1739 = arith.constant 31 : i32
        %shift_right_arithmetic3A_1740 = vector.broadcast %shift_right_arithmetic3A_1739 : i32 to vector<16xi32>
        %shift_right_arithmetic3A_1741 = arith.shrsi %bitcast_convert_type3A_1738, %shift_right_arithmetic3A_1740 : vector<16xi32>
        %and3A_1742 = arith.andi %shift_right_arithmetic3A_1741, %broadcast_in_dim3A_225 : vector<16xi32>
        %bitcast_convert_type3A_1743 = tpu.bitcast %and3A_1742 : vector<16xi32> -> vector<16xf32>
        %get3A_1744 = arith.constant 1 : i32
        %get3A_1745 = arith.index_cast %get3A_1744 : i32 to index
        %get3A_1746 = arith.index_cast %add3A_1691 : i32 to index
        %get3A_1747 = arith.constant 32 : index
        %get3A_1748 = tpu.vector_load %arg7[%get3A_1745, %get3A_1746, %get3A_1747] {strides = array<i32>} : memref<2x128x64xf32, #tpu.memory_space<vmem>>, vector<16xf32>,
        %mul3A_1749 = arith.mulf %get3A_1748, %bitcast_convert_type3A_1743 : vector<16xf32>
        %scatter3A_1750 = arith.constant 1 : i32
        %scatter3A_1751 = arith.constant 0 : i32
        %scatter3A_1752 = arith.constant 0 : i32
        %scatter3A_1753 = arith.constant 0 : i32
        %scatter3A_1754 = tpu.memref_slice %arg9[%scatter3A_1750, %scatter3A_1751, %scatter3A_1752, %scatter3A_1753] : memref<2x8x8x129xf32, #tpu.memory_space<vmem>> -> memref<1x8x8x129xf32, #tpu.memory_space<vmem>>
        %scatter3A_1755 = tpu.memref_squeeze %scatter3A_1754 : memref<1x8x8x129xf32, #tpu.memory_space<vmem>> -> memref<8x8x129xf32, #tpu.memory_space<vmem>>
        tpu.vector_store_idx %scatter3A_1755[%select_n3A_142, %select_n3A_164, %broadcast_in_dim3A_1692], %mul3A_1749 : memref<8x8x129xf32, #tpu.memory_space<vmem>>[vector<16xi32>, vector<16xi32>, vector<16xi32>], vector<16xf32>,
        %shift_left3A_1756 = arith.shli %broadcast_in_dim3A_1698, %sub3A_224 : vector<16xi32>
        %bitcast_convert_type3A_1757 = tpu.bitcast %shift_left3A_1756 : vector<16xi32> -> vector<16xi32>
        %shift_right_arithmetic3A_1758 = arith.constant 31 : i32
        %shift_right_arithmetic3A_1759 = vector.broadcast %shift_right_arithmetic3A_1758 : i32 to vector<16xi32>
        %shift_right_arithmetic3A_1760 = arith.shrsi %bitcast_convert_type3A_1757, %shift_right_arithmetic3A_1759 : vector<16xi32>
        %and3A_1761 = arith.andi %shift_right_arithmetic3A_1760, %broadcast_in_dim3A_225 : vector<16xi32>
        %bitcast_convert_type3A_1762 = tpu.bitcast %and3A_1761 : vector<16xi32> -> vector<16xf32>
        %get3A_1763 = arith.constant 1 : i32
        %get3A_1764 = arith.index_cast %get3A_1763 : i32 to index
        %get3A_1765 = arith.index_cast %add3A_1691 : i32 to index
        %get3A_1766 = arith.constant 48 : index
        %get3A_1767 = tpu.vector_load %arg7[%get3A_1764, %get3A_1765, %get3A_1766] {strides = array<i32>} : memref<2x128x64xf32, #tpu.memory_space<vmem>>, vector<16xf32>,
        %mul3A_1768 = arith.mulf %get3A_1767, %bitcast_convert_type3A_1762 : vector<16xf32>
        %scatter3A_1769 = arith.constant 1 : i32
        %scatter3A_1770 = arith.constant 0 : i32
        %scatter3A_1771 = arith.constant 0 : i32
        %scatter3A_1772 = arith.constant 0 : i32
        %scatter3A_1773 = tpu.memref_slice %arg9[%scatter3A_1769, %scatter3A_1770, %scatter3A_1771, %scatter3A_1772] : memref<2x8x8x129xf32, #tpu.memory_space<vmem>> -> memref<1x8x8x129xf32, #tpu.memory_space<vmem>>
        %scatter3A_1774 = tpu.memref_squeeze %scatter3A_1773 : memref<1x8x8x129xf32, #tpu.memory_space<vmem>> -> memref<8x8x129xf32, #tpu.memory_space<vmem>>
        tpu.vector_store_idx %scatter3A_1774[%select_n3A_195, %select_n3A_217, %broadcast_in_dim3A_1692], %mul3A_1768 : memref<8x8x129xf32, #tpu.memory_space<vmem>>[vector<16xi32>, vector<16xi32>, vector<16xi32>], vector<16xf32>,
        %mul3A_1775 = arith.constant 8 : i32
        %mul3A_1776 = arith.muli %scan3A_1379, %mul3A_1775 : i32
        %add3A_1777 = arith.constant 4 : i32
        %add3A_1778 = arith.addi %mul3A_1776, %add3A_1777 : i32
        %broadcast_in_dim3A_1779 = vector.broadcast %add3A_1778 : i32 to vector<16xi32>
        %slice3A_1780 = vector.extract_strided_slice %get3A_1426 {offsets = [8], sizes = [1], strides = [1]} : vector<16xi32> to vector<1xi32>
        %squeeze3A_1781 = vector.extract %slice3A_1780[0] : i32 from vector<1xi32>
        %broadcast_in_dim3A_1782 = vector.broadcast %squeeze3A_1781 : i32 to vector<16xi32>
        %slice3A_1783 = vector.extract_strided_slice %get3A_1426 {offsets = [9], sizes = [1], strides = [1]} : vector<16xi32> to vector<1xi32>
        %squeeze3A_1784 = vector.extract %slice3A_1783[0] : i32 from vector<1xi32>
        %broadcast_in_dim3A_1785 = vector.broadcast %squeeze3A_1784 : i32 to vector<16xi32>
        %shift_left3A_1786 = arith.shli %broadcast_in_dim3A_1782, %sub3A_221 : vector<16xi32>
        %bitcast_convert_type3A_1787 = tpu.bitcast %shift_left3A_1786 : vector<16xi32> -> vector<16xi32>
        %shift_right_arithmetic3A_1788 = arith.constant 31 : i32
        %shift_right_arithmetic3A_1789 = vector.broadcast %shift_right_arithmetic3A_1788 : i32 to vector<16xi32>
        %shift_right_arithmetic3A_1790 = arith.shrsi %bitcast_convert_type3A_1787, %shift_right_arithmetic3A_1789 : vector<16xi32>
        %and3A_1791 = arith.andi %shift_right_arithmetic3A_1790, %broadcast_in_dim3A_225 : vector<16xi32>
        %bitcast_convert_type3A_1792 = tpu.bitcast %and3A_1791 : vector<16xi32> -> vector<16xf32>
        %get3A_1793 = arith.constant 1 : i32
        %get3A_1794 = arith.index_cast %get3A_1793 : i32 to index
        %get3A_1795 = arith.index_cast %add3A_1778 : i32 to index
        %get3A_1796 = arith.constant 0 : index
        %get3A_1797 = tpu.vector_load %arg7[%get3A_1794, %get3A_1795, %get3A_1796] {strides = array<i32>} : memref<2x128x64xf32, #tpu.memory_space<vmem>>, vector<16xf32>,
        %mul3A_1798 = arith.mulf %get3A_1797, %bitcast_convert_type3A_1792 : vector<16xf32>
        %scatter3A_1799 = arith.constant 1 : i32
        %scatter3A_1800 = arith.constant 0 : i32
        %scatter3A_1801 = arith.constant 0 : i32
        %scatter3A_1802 = arith.constant 0 : i32
        %scatter3A_1803 = tpu.memref_slice %arg9[%scatter3A_1799, %scatter3A_1800, %scatter3A_1801, %scatter3A_1802] : memref<2x8x8x129xf32, #tpu.memory_space<vmem>> -> memref<1x8x8x129xf32, #tpu.memory_space<vmem>>
        %scatter3A_1804 = tpu.memref_squeeze %scatter3A_1803 : memref<1x8x8x129xf32, #tpu.memory_space<vmem>> -> memref<8x8x129xf32, #tpu.memory_space<vmem>>
        tpu.vector_store_idx %scatter3A_1804[%select_n3A, %select_n3A_58, %broadcast_in_dim3A_1779], %mul3A_1798 : memref<8x8x129xf32, #tpu.memory_space<vmem>>[vector<16xi32>, vector<16xi32>, vector<16xi32>], vector<16xf32>,
        %shift_left3A_1805 = arith.shli %broadcast_in_dim3A_1782, %sub3A_224 : vector<16xi32>
        %bitcast_convert_type3A_1806 = tpu.bitcast %shift_left3A_1805 : vector<16xi32> -> vector<16xi32>
        %shift_right_arithmetic3A_1807 = arith.constant 31 : i32
        %shift_right_arithmetic3A_1808 = vector.broadcast %shift_right_arithmetic3A_1807 : i32 to vector<16xi32>
        %shift_right_arithmetic3A_1809 = arith.shrsi %bitcast_convert_type3A_1806, %shift_right_arithmetic3A_1808 : vector<16xi32>
        %and3A_1810 = arith.andi %shift_right_arithmetic3A_1809, %broadcast_in_dim3A_225 : vector<16xi32>
        %bitcast_convert_type3A_1811 = tpu.bitcast %and3A_1810 : vector<16xi32> -> vector<16xf32>
        %get3A_1812 = arith.constant 1 : i32
        %get3A_1813 = arith.index_cast %get3A_1812 : i32 to index
        %get3A_1814 = arith.index_cast %add3A_1778 : i32 to index
        %get3A_1815 = arith.constant 16 : index
        %get3A_1816 = tpu.vector_load %arg7[%get3A_1813, %get3A_1814, %get3A_1815] {strides = array<i32>} : memref<2x128x64xf32, #tpu.memory_space<vmem>>, vector<16xf32>,
        %mul3A_1817 = arith.mulf %get3A_1816, %bitcast_convert_type3A_1811 : vector<16xf32>
        %scatter3A_1818 = arith.constant 1 : i32
        %scatter3A_1819 = arith.constant 0 : i32
        %scatter3A_1820 = arith.constant 0 : i32
        %scatter3A_1821 = arith.constant 0 : i32
        %scatter3A_1822 = tpu.memref_slice %arg9[%scatter3A_1818, %scatter3A_1819, %scatter3A_1820, %scatter3A_1821] : memref<2x8x8x129xf32, #tpu.memory_space<vmem>> -> memref<1x8x8x129xf32, #tpu.memory_space<vmem>>
        %scatter3A_1823 = tpu.memref_squeeze %scatter3A_1822 : memref<1x8x8x129xf32, #tpu.memory_space<vmem>> -> memref<8x8x129xf32, #tpu.memory_space<vmem>>
        tpu.vector_store_idx %scatter3A_1823[%select_n3A_89, %select_n3A_111, %broadcast_in_dim3A_1779], %mul3A_1817 : memref<8x8x129xf32, #tpu.memory_space<vmem>>[vector<16xi32>, vector<16xi32>, vector<16xi32>], vector<16xf32>,
        %shift_left3A_1824 = arith.shli %broadcast_in_dim3A_1785, %sub3A_221 : vector<16xi32>
        %bitcast_convert_type3A_1825 = tpu.bitcast %shift_left3A_1824 : vector<16xi32> -> vector<16xi32>
        %shift_right_arithmetic3A_1826 = arith.constant 31 : i32
        %shift_right_arithmetic3A_1827 = vector.broadcast %shift_right_arithmetic3A_1826 : i32 to vector<16xi32>
        %shift_right_arithmetic3A_1828 = arith.shrsi %bitcast_convert_type3A_1825, %shift_right_arithmetic3A_1827 : vector<16xi32>
        %and3A_1829 = arith.andi %shift_right_arithmetic3A_1828, %broadcast_in_dim3A_225 : vector<16xi32>
        %bitcast_convert_type3A_1830 = tpu.bitcast %and3A_1829 : vector<16xi32> -> vector<16xf32>
        %get3A_1831 = arith.constant 1 : i32
        %get3A_1832 = arith.index_cast %get3A_1831 : i32 to index
        %get3A_1833 = arith.index_cast %add3A_1778 : i32 to index
        %get3A_1834 = arith.constant 32 : index
        %get3A_1835 = tpu.vector_load %arg7[%get3A_1832, %get3A_1833, %get3A_1834] {strides = array<i32>} : memref<2x128x64xf32, #tpu.memory_space<vmem>>, vector<16xf32>,
        %mul3A_1836 = arith.mulf %get3A_1835, %bitcast_convert_type3A_1830 : vector<16xf32>
        %scatter3A_1837 = arith.constant 1 : i32
        %scatter3A_1838 = arith.constant 0 : i32
        %scatter3A_1839 = arith.constant 0 : i32
        %scatter3A_1840 = arith.constant 0 : i32
        %scatter3A_1841 = tpu.memref_slice %arg9[%scatter3A_1837, %scatter3A_1838, %scatter3A_1839, %scatter3A_1840] : memref<2x8x8x129xf32, #tpu.memory_space<vmem>> -> memref<1x8x8x129xf32, #tpu.memory_space<vmem>>
        %scatter3A_1842 = tpu.memref_squeeze %scatter3A_1841 : memref<1x8x8x129xf32, #tpu.memory_space<vmem>> -> memref<8x8x129xf32, #tpu.memory_space<vmem>>
        tpu.vector_store_idx %scatter3A_1842[%select_n3A_142, %select_n3A_164, %broadcast_in_dim3A_1779], %mul3A_1836 : memref<8x8x129xf32, #tpu.memory_space<vmem>>[vector<16xi32>, vector<16xi32>, vector<16xi32>], vector<16xf32>,
        %shift_left3A_1843 = arith.shli %broadcast_in_dim3A_1785, %sub3A_224 : vector<16xi32>
        %bitcast_convert_type3A_1844 = tpu.bitcast %shift_left3A_1843 : vector<16xi32> -> vector<16xi32>
        %shift_right_arithmetic3A_1845 = arith.constant 31 : i32
        %shift_right_arithmetic3A_1846 = vector.broadcast %shift_right_arithmetic3A_1845 : i32 to vector<16xi32>
        %shift_right_arithmetic3A_1847 = arith.shrsi %bitcast_convert_type3A_1844, %shift_right_arithmetic3A_1846 : vector<16xi32>
        %and3A_1848 = arith.andi %shift_right_arithmetic3A_1847, %broadcast_in_dim3A_225 : vector<16xi32>
        %bitcast_convert_type3A_1849 = tpu.bitcast %and3A_1848 : vector<16xi32> -> vector<16xf32>
        %get3A_1850 = arith.constant 1 : i32
        %get3A_1851 = arith.index_cast %get3A_1850 : i32 to index
        %get3A_1852 = arith.index_cast %add3A_1778 : i32 to index
        %get3A_1853 = arith.constant 48 : index
        %get3A_1854 = tpu.vector_load %arg7[%get3A_1851, %get3A_1852, %get3A_1853] {strides = array<i32>} : memref<2x128x64xf32, #tpu.memory_space<vmem>>, vector<16xf32>,
        %mul3A_1855 = arith.mulf %get3A_1854, %bitcast_convert_type3A_1849 : vector<16xf32>
        %scatter3A_1856 = arith.constant 1 : i32
        %scatter3A_1857 = arith.constant 0 : i32
        %scatter3A_1858 = arith.constant 0 : i32
        %scatter3A_1859 = arith.constant 0 : i32
        %scatter3A_1860 = tpu.memref_slice %arg9[%scatter3A_1856, %scatter3A_1857, %scatter3A_1858, %scatter3A_1859] : memref<2x8x8x129xf32, #tpu.memory_space<vmem>> -> memref<1x8x8x129xf32, #tpu.memory_space<vmem>>
        %scatter3A_1861 = tpu.memref_squeeze %scatter3A_1860 : memref<1x8x8x129xf32, #tpu.memory_space<vmem>> -> memref<8x8x129xf32, #tpu.memory_space<vmem>>
        tpu.vector_store_idx %scatter3A_1861[%select_n3A_195, %select_n3A_217, %broadcast_in_dim3A_1779], %mul3A_1855 : memref<8x8x129xf32, #tpu.memory_space<vmem>>[vector<16xi32>, vector<16xi32>, vector<16xi32>], vector<16xf32>,
        %mul3A_1862 = arith.constant 8 : i32
        %mul3A_1863 = arith.muli %scan3A_1379, %mul3A_1862 : i32
        %add3A_1864 = arith.constant 5 : i32
        %add3A_1865 = arith.addi %mul3A_1863, %add3A_1864 : i32
        %broadcast_in_dim3A_1866 = vector.broadcast %add3A_1865 : i32 to vector<16xi32>
        %slice3A_1867 = vector.extract_strided_slice %get3A_1426 {offsets = [10], sizes = [1], strides = [1]} : vector<16xi32> to vector<1xi32>
        %squeeze3A_1868 = vector.extract %slice3A_1867[0] : i32 from vector<1xi32>
        %broadcast_in_dim3A_1869 = vector.broadcast %squeeze3A_1868 : i32 to vector<16xi32>
        %slice3A_1870 = vector.extract_strided_slice %get3A_1426 {offsets = [11], sizes = [1], strides = [1]} : vector<16xi32> to vector<1xi32>
        %squeeze3A_1871 = vector.extract %slice3A_1870[0] : i32 from vector<1xi32>
        %broadcast_in_dim3A_1872 = vector.broadcast %squeeze3A_1871 : i32 to vector<16xi32>
        %shift_left3A_1873 = arith.shli %broadcast_in_dim3A_1869, %sub3A_221 : vector<16xi32>
        %bitcast_convert_type3A_1874 = tpu.bitcast %shift_left3A_1873 : vector<16xi32> -> vector<16xi32>
        %shift_right_arithmetic3A_1875 = arith.constant 31 : i32
        %shift_right_arithmetic3A_1876 = vector.broadcast %shift_right_arithmetic3A_1875 : i32 to vector<16xi32>
        %shift_right_arithmetic3A_1877 = arith.shrsi %bitcast_convert_type3A_1874, %shift_right_arithmetic3A_1876 : vector<16xi32>
        %and3A_1878 = arith.andi %shift_right_arithmetic3A_1877, %broadcast_in_dim3A_225 : vector<16xi32>
        %bitcast_convert_type3A_1879 = tpu.bitcast %and3A_1878 : vector<16xi32> -> vector<16xf32>
        %get3A_1880 = arith.constant 1 : i32
        %get3A_1881 = arith.index_cast %get3A_1880 : i32 to index
        %get3A_1882 = arith.index_cast %add3A_1865 : i32 to index
        %get3A_1883 = arith.constant 0 : index
        %get3A_1884 = tpu.vector_load %arg7[%get3A_1881, %get3A_1882, %get3A_1883] {strides = array<i32>} : memref<2x128x64xf32, #tpu.memory_space<vmem>>, vector<16xf32>,
        %mul3A_1885 = arith.mulf %get3A_1884, %bitcast_convert_type3A_1879 : vector<16xf32>
        %scatter3A_1886 = arith.constant 1 : i32
        %scatter3A_1887 = arith.constant 0 : i32
        %scatter3A_1888 = arith.constant 0 : i32
        %scatter3A_1889 = arith.constant 0 : i32
        %scatter3A_1890 = tpu.memref_slice %arg9[%scatter3A_1886, %scatter3A_1887, %scatter3A_1888, %scatter3A_1889] : memref<2x8x8x129xf32, #tpu.memory_space<vmem>> -> memref<1x8x8x129xf32, #tpu.memory_space<vmem>>
        %scatter3A_1891 = tpu.memref_squeeze %scatter3A_1890 : memref<1x8x8x129xf32, #tpu.memory_space<vmem>> -> memref<8x8x129xf32, #tpu.memory_space<vmem>>
        tpu.vector_store_idx %scatter3A_1891[%select_n3A, %select_n3A_58, %broadcast_in_dim3A_1866], %mul3A_1885 : memref<8x8x129xf32, #tpu.memory_space<vmem>>[vector<16xi32>, vector<16xi32>, vector<16xi32>], vector<16xf32>,
        %shift_left3A_1892 = arith.shli %broadcast_in_dim3A_1869, %sub3A_224 : vector<16xi32>
        %bitcast_convert_type3A_1893 = tpu.bitcast %shift_left3A_1892 : vector<16xi32> -> vector<16xi32>
        %shift_right_arithmetic3A_1894 = arith.constant 31 : i32
        %shift_right_arithmetic3A_1895 = vector.broadcast %shift_right_arithmetic3A_1894 : i32 to vector<16xi32>
        %shift_right_arithmetic3A_1896 = arith.shrsi %bitcast_convert_type3A_1893, %shift_right_arithmetic3A_1895 : vector<16xi32>
        %and3A_1897 = arith.andi %shift_right_arithmetic3A_1896, %broadcast_in_dim3A_225 : vector<16xi32>
        %bitcast_convert_type3A_1898 = tpu.bitcast %and3A_1897 : vector<16xi32> -> vector<16xf32>
        %get3A_1899 = arith.constant 1 : i32
        %get3A_1900 = arith.index_cast %get3A_1899 : i32 to index
        %get3A_1901 = arith.index_cast %add3A_1865 : i32 to index
        %get3A_1902 = arith.constant 16 : index
        %get3A_1903 = tpu.vector_load %arg7[%get3A_1900, %get3A_1901, %get3A_1902] {strides = array<i32>} : memref<2x128x64xf32, #tpu.memory_space<vmem>>, vector<16xf32>,
        %mul3A_1904 = arith.mulf %get3A_1903, %bitcast_convert_type3A_1898 : vector<16xf32>
        %scatter3A_1905 = arith.constant 1 : i32
        %scatter3A_1906 = arith.constant 0 : i32
        %scatter3A_1907 = arith.constant 0 : i32
        %scatter3A_1908 = arith.constant 0 : i32
        %scatter3A_1909 = tpu.memref_slice %arg9[%scatter3A_1905, %scatter3A_1906, %scatter3A_1907, %scatter3A_1908] : memref<2x8x8x129xf32, #tpu.memory_space<vmem>> -> memref<1x8x8x129xf32, #tpu.memory_space<vmem>>
        %scatter3A_1910 = tpu.memref_squeeze %scatter3A_1909 : memref<1x8x8x129xf32, #tpu.memory_space<vmem>> -> memref<8x8x129xf32, #tpu.memory_space<vmem>>
        tpu.vector_store_idx %scatter3A_1910[%select_n3A_89, %select_n3A_111, %broadcast_in_dim3A_1866], %mul3A_1904 : memref<8x8x129xf32, #tpu.memory_space<vmem>>[vector<16xi32>, vector<16xi32>, vector<16xi32>], vector<16xf32>,
        %shift_left3A_1911 = arith.shli %broadcast_in_dim3A_1872, %sub3A_221 : vector<16xi32>
        %bitcast_convert_type3A_1912 = tpu.bitcast %shift_left3A_1911 : vector<16xi32> -> vector<16xi32>
        %shift_right_arithmetic3A_1913 = arith.constant 31 : i32
        %shift_right_arithmetic3A_1914 = vector.broadcast %shift_right_arithmetic3A_1913 : i32 to vector<16xi32>
        %shift_right_arithmetic3A_1915 = arith.shrsi %bitcast_convert_type3A_1912, %shift_right_arithmetic3A_1914 : vector<16xi32>
        %and3A_1916 = arith.andi %shift_right_arithmetic3A_1915, %broadcast_in_dim3A_225 : vector<16xi32>
        %bitcast_convert_type3A_1917 = tpu.bitcast %and3A_1916 : vector<16xi32> -> vector<16xf32>
        %get3A_1918 = arith.constant 1 : i32
        %get3A_1919 = arith.index_cast %get3A_1918 : i32 to index
        %get3A_1920 = arith.index_cast %add3A_1865 : i32 to index
        %get3A_1921 = arith.constant 32 : index
        %get3A_1922 = tpu.vector_load %arg7[%get3A_1919, %get3A_1920, %get3A_1921] {strides = array<i32>} : memref<2x128x64xf32, #tpu.memory_space<vmem>>, vector<16xf32>,
        %mul3A_1923 = arith.mulf %get3A_1922, %bitcast_convert_type3A_1917 : vector<16xf32>
        %scatter3A_1924 = arith.constant 1 : i32
        %scatter3A_1925 = arith.constant 0 : i32
        %scatter3A_1926 = arith.constant 0 : i32
        %scatter3A_1927 = arith.constant 0 : i32
        %scatter3A_1928 = tpu.memref_slice %arg9[%scatter3A_1924, %scatter3A_1925, %scatter3A_1926, %scatter3A_1927] : memref<2x8x8x129xf32, #tpu.memory_space<vmem>> -> memref<1x8x8x129xf32, #tpu.memory_space<vmem>>
        %scatter3A_1929 = tpu.memref_squeeze %scatter3A_1928 : memref<1x8x8x129xf32, #tpu.memory_space<vmem>> -> memref<8x8x129xf32, #tpu.memory_space<vmem>>
        tpu.vector_store_idx %scatter3A_1929[%select_n3A_142, %select_n3A_164, %broadcast_in_dim3A_1866], %mul3A_1923 : memref<8x8x129xf32, #tpu.memory_space<vmem>>[vector<16xi32>, vector<16xi32>, vector<16xi32>], vector<16xf32>,
        %shift_left3A_1930 = arith.shli %broadcast_in_dim3A_1872, %sub3A_224 : vector<16xi32>
        %bitcast_convert_type3A_1931 = tpu.bitcast %shift_left3A_1930 : vector<16xi32> -> vector<16xi32>
        %shift_right_arithmetic3A_1932 = arith.constant 31 : i32
        %shift_right_arithmetic3A_1933 = vector.broadcast %shift_right_arithmetic3A_1932 : i32 to vector<16xi32>
        %shift_right_arithmetic3A_1934 = arith.shrsi %bitcast_convert_type3A_1931, %shift_right_arithmetic3A_1933 : vector<16xi32>
        %and3A_1935 = arith.andi %shift_right_arithmetic3A_1934, %broadcast_in_dim3A_225 : vector<16xi32>
        %bitcast_convert_type3A_1936 = tpu.bitcast %and3A_1935 : vector<16xi32> -> vector<16xf32>
        %get3A_1937 = arith.constant 1 : i32
        %get3A_1938 = arith.index_cast %get3A_1937 : i32 to index
        %get3A_1939 = arith.index_cast %add3A_1865 : i32 to index
        %get3A_1940 = arith.constant 48 : index
        %get3A_1941 = tpu.vector_load %arg7[%get3A_1938, %get3A_1939, %get3A_1940] {strides = array<i32>} : memref<2x128x64xf32, #tpu.memory_space<vmem>>, vector<16xf32>,
        %mul3A_1942 = arith.mulf %get3A_1941, %bitcast_convert_type3A_1936 : vector<16xf32>
        %scatter3A_1943 = arith.constant 1 : i32
        %scatter3A_1944 = arith.constant 0 : i32
        %scatter3A_1945 = arith.constant 0 : i32
        %scatter3A_1946 = arith.constant 0 : i32
        %scatter3A_1947 = tpu.memref_slice %arg9[%scatter3A_1943, %scatter3A_1944, %scatter3A_1945, %scatter3A_1946] : memref<2x8x8x129xf32, #tpu.memory_space<vmem>> -> memref<1x8x8x129xf32, #tpu.memory_space<vmem>>
        %scatter3A_1948 = tpu.memref_squeeze %scatter3A_1947 : memref<1x8x8x129xf32, #tpu.memory_space<vmem>> -> memref<8x8x129xf32, #tpu.memory_space<vmem>>
        tpu.vector_store_idx %scatter3A_1948[%select_n3A_195, %select_n3A_217, %broadcast_in_dim3A_1866], %mul3A_1942 : memref<8x8x129xf32, #tpu.memory_space<vmem>>[vector<16xi32>, vector<16xi32>, vector<16xi32>], vector<16xf32>,
        %mul3A_1949 = arith.constant 8 : i32
        %mul3A_1950 = arith.muli %scan3A_1379, %mul3A_1949 : i32
        %add3A_1951 = arith.constant 6 : i32
        %add3A_1952 = arith.addi %mul3A_1950, %add3A_1951 : i32
        %broadcast_in_dim3A_1953 = vector.broadcast %add3A_1952 : i32 to vector<16xi32>
        %slice3A_1954 = vector.extract_strided_slice %get3A_1426 {offsets = [12], sizes = [1], strides = [1]} : vector<16xi32> to vector<1xi32>
        %squeeze3A_1955 = vector.extract %slice3A_1954[0] : i32 from vector<1xi32>
        %broadcast_in_dim3A_1956 = vector.broadcast %squeeze3A_1955 : i32 to vector<16xi32>
        %slice3A_1957 = vector.extract_strided_slice %get3A_1426 {offsets = [13], sizes = [1], strides = [1]} : vector<16xi32> to vector<1xi32>
        %squeeze3A_1958 = vector.extract %slice3A_1957[0] : i32 from vector<1xi32>
        %broadcast_in_dim3A_1959 = vector.broadcast %squeeze3A_1958 : i32 to vector<16xi32>
        %shift_left3A_1960 = arith.shli %broadcast_in_dim3A_1956, %sub3A_221 : vector<16xi32>
        %bitcast_convert_type3A_1961 = tpu.bitcast %shift_left3A_1960 : vector<16xi32> -> vector<16xi32>
        %shift_right_arithmetic3A_1962 = arith.constant 31 : i32
        %shift_right_arithmetic3A_1963 = vector.broadcast %shift_right_arithmetic3A_1962 : i32 to vector<16xi32>
        %shift_right_arithmetic3A_1964 = arith.shrsi %bitcast_convert_type3A_1961, %shift_right_arithmetic3A_1963 : vector<16xi32>
        %and3A_1965 = arith.andi %shift_right_arithmetic3A_1964, %broadcast_in_dim3A_225 : vector<16xi32>
        %bitcast_convert_type3A_1966 = tpu.bitcast %and3A_1965 : vector<16xi32> -> vector<16xf32>
        %get3A_1967 = arith.constant 1 : i32
        %get3A_1968 = arith.index_cast %get3A_1967 : i32 to index
        %get3A_1969 = arith.index_cast %add3A_1952 : i32 to index
        %get3A_1970 = arith.constant 0 : index
        %get3A_1971 = tpu.vector_load %arg7[%get3A_1968, %get3A_1969, %get3A_1970] {strides = array<i32>} : memref<2x128x64xf32, #tpu.memory_space<vmem>>, vector<16xf32>,
        %mul3A_1972 = arith.mulf %get3A_1971, %bitcast_convert_type3A_1966 : vector<16xf32>
        %scatter3A_1973 = arith.constant 1 : i32
        %scatter3A_1974 = arith.constant 0 : i32
        %scatter3A_1975 = arith.constant 0 : i32
        %scatter3A_1976 = arith.constant 0 : i32
        %scatter3A_1977 = tpu.memref_slice %arg9[%scatter3A_1973, %scatter3A_1974, %scatter3A_1975, %scatter3A_1976] : memref<2x8x8x129xf32, #tpu.memory_space<vmem>> -> memref<1x8x8x129xf32, #tpu.memory_space<vmem>>
        %scatter3A_1978 = tpu.memref_squeeze %scatter3A_1977 : memref<1x8x8x129xf32, #tpu.memory_space<vmem>> -> memref<8x8x129xf32, #tpu.memory_space<vmem>>
        tpu.vector_store_idx %scatter3A_1978[%select_n3A, %select_n3A_58, %broadcast_in_dim3A_1953], %mul3A_1972 : memref<8x8x129xf32, #tpu.memory_space<vmem>>[vector<16xi32>, vector<16xi32>, vector<16xi32>], vector<16xf32>,
        %shift_left3A_1979 = arith.shli %broadcast_in_dim3A_1956, %sub3A_224 : vector<16xi32>
        %bitcast_convert_type3A_1980 = tpu.bitcast %shift_left3A_1979 : vector<16xi32> -> vector<16xi32>
        %shift_right_arithmetic3A_1981 = arith.constant 31 : i32
        %shift_right_arithmetic3A_1982 = vector.broadcast %shift_right_arithmetic3A_1981 : i32 to vector<16xi32>
        %shift_right_arithmetic3A_1983 = arith.shrsi %bitcast_convert_type3A_1980, %shift_right_arithmetic3A_1982 : vector<16xi32>
        %and3A_1984 = arith.andi %shift_right_arithmetic3A_1983, %broadcast_in_dim3A_225 : vector<16xi32>
        %bitcast_convert_type3A_1985 = tpu.bitcast %and3A_1984 : vector<16xi32> -> vector<16xf32>
        %get3A_1986 = arith.constant 1 : i32
        %get3A_1987 = arith.index_cast %get3A_1986 : i32 to index
        %get3A_1988 = arith.index_cast %add3A_1952 : i32 to index
        %get3A_1989 = arith.constant 16 : index
        %get3A_1990 = tpu.vector_load %arg7[%get3A_1987, %get3A_1988, %get3A_1989] {strides = array<i32>} : memref<2x128x64xf32, #tpu.memory_space<vmem>>, vector<16xf32>,
        %mul3A_1991 = arith.mulf %get3A_1990, %bitcast_convert_type3A_1985 : vector<16xf32>
        %scatter3A_1992 = arith.constant 1 : i32
        %scatter3A_1993 = arith.constant 0 : i32
        %scatter3A_1994 = arith.constant 0 : i32
        %scatter3A_1995 = arith.constant 0 : i32
        %scatter3A_1996 = tpu.memref_slice %arg9[%scatter3A_1992, %scatter3A_1993, %scatter3A_1994, %scatter3A_1995] : memref<2x8x8x129xf32, #tpu.memory_space<vmem>> -> memref<1x8x8x129xf32, #tpu.memory_space<vmem>>
        %scatter3A_1997 = tpu.memref_squeeze %scatter3A_1996 : memref<1x8x8x129xf32, #tpu.memory_space<vmem>> -> memref<8x8x129xf32, #tpu.memory_space<vmem>>
        tpu.vector_store_idx %scatter3A_1997[%select_n3A_89, %select_n3A_111, %broadcast_in_dim3A_1953], %mul3A_1991 : memref<8x8x129xf32, #tpu.memory_space<vmem>>[vector<16xi32>, vector<16xi32>, vector<16xi32>], vector<16xf32>,
        %shift_left3A_1998 = arith.shli %broadcast_in_dim3A_1959, %sub3A_221 : vector<16xi32>
        %bitcast_convert_type3A_1999 = tpu.bitcast %shift_left3A_1998 : vector<16xi32> -> vector<16xi32>
        %shift_right_arithmetic3A_2000 = arith.constant 31 : i32
        %shift_right_arithmetic3A_2001 = vector.broadcast %shift_right_arithmetic3A_2000 : i32 to vector<16xi32>
        %shift_right_arithmetic3A_2002 = arith.shrsi %bitcast_convert_type3A_1999, %shift_right_arithmetic3A_2001 : vector<16xi32>
        %and3A_2003 = arith.andi %shift_right_arithmetic3A_2002, %broadcast_in_dim3A_225 : vector<16xi32>
        %bitcast_convert_type3A_2004 = tpu.bitcast %and3A_2003 : vector<16xi32> -> vector<16xf32>
        %get3A_2005 = arith.constant 1 : i32
        %get3A_2006 = arith.index_cast %get3A_2005 : i32 to index
        %get3A_2007 = arith.index_cast %add3A_1952 : i32 to index
        %get3A_2008 = arith.constant 32 : index
        %get3A_2009 = tpu.vector_load %arg7[%get3A_2006, %get3A_2007, %get3A_2008] {strides = array<i32>} : memref<2x128x64xf32, #tpu.memory_space<vmem>>, vector<16xf32>,
        %mul3A_2010 = arith.mulf %get3A_2009, %bitcast_convert_type3A_2004 : vector<16xf32>
        %scatter3A_2011 = arith.constant 1 : i32
        %scatter3A_2012 = arith.constant 0 : i32
        %scatter3A_2013 = arith.constant 0 : i32
        %scatter3A_2014 = arith.constant 0 : i32
        %scatter3A_2015 = tpu.memref_slice %arg9[%scatter3A_2011, %scatter3A_2012, %scatter3A_2013, %scatter3A_2014] : memref<2x8x8x129xf32, #tpu.memory_space<vmem>> -> memref<1x8x8x129xf32, #tpu.memory_space<vmem>>
        %scatter3A_2016 = tpu.memref_squeeze %scatter3A_2015 : memref<1x8x8x129xf32, #tpu.memory_space<vmem>> -> memref<8x8x129xf32, #tpu.memory_space<vmem>>
        tpu.vector_store_idx %scatter3A_2016[%select_n3A_142, %select_n3A_164, %broadcast_in_dim3A_1953], %mul3A_2010 : memref<8x8x129xf32, #tpu.memory_space<vmem>>[vector<16xi32>, vector<16xi32>, vector<16xi32>], vector<16xf32>,
        %shift_left3A_2017 = arith.shli %broadcast_in_dim3A_1959, %sub3A_224 : vector<16xi32>
        %bitcast_convert_type3A_2018 = tpu.bitcast %shift_left3A_2017 : vector<16xi32> -> vector<16xi32>
        %shift_right_arithmetic3A_2019 = arith.constant 31 : i32
        %shift_right_arithmetic3A_2020 = vector.broadcast %shift_right_arithmetic3A_2019 : i32 to vector<16xi32>
        %shift_right_arithmetic3A_2021 = arith.shrsi %bitcast_convert_type3A_2018, %shift_right_arithmetic3A_2020 : vector<16xi32>
        %and3A_2022 = arith.andi %shift_right_arithmetic3A_2021, %broadcast_in_dim3A_225 : vector<16xi32>
        %bitcast_convert_type3A_2023 = tpu.bitcast %and3A_2022 : vector<16xi32> -> vector<16xf32>
        %get3A_2024 = arith.constant 1 : i32
        %get3A_2025 = arith.index_cast %get3A_2024 : i32 to index
        %get3A_2026 = arith.index_cast %add3A_1952 : i32 to index
        %get3A_2027 = arith.constant 48 : index
        %get3A_2028 = tpu.vector_load %arg7[%get3A_2025, %get3A_2026, %get3A_2027] {strides = array<i32>} : memref<2x128x64xf32, #tpu.memory_space<vmem>>, vector<16xf32>,
        %mul3A_2029 = arith.mulf %get3A_2028, %bitcast_convert_type3A_2023 : vector<16xf32>
        %scatter3A_2030 = arith.constant 1 : i32
        %scatter3A_2031 = arith.constant 0 : i32
        %scatter3A_2032 = arith.constant 0 : i32
        %scatter3A_2033 = arith.constant 0 : i32
        %scatter3A_2034 = tpu.memref_slice %arg9[%scatter3A_2030, %scatter3A_2031, %scatter3A_2032, %scatter3A_2033] : memref<2x8x8x129xf32, #tpu.memory_space<vmem>> -> memref<1x8x8x129xf32, #tpu.memory_space<vmem>>
        %scatter3A_2035 = tpu.memref_squeeze %scatter3A_2034 : memref<1x8x8x129xf32, #tpu.memory_space<vmem>> -> memref<8x8x129xf32, #tpu.memory_space<vmem>>
        tpu.vector_store_idx %scatter3A_2035[%select_n3A_195, %select_n3A_217, %broadcast_in_dim3A_1953], %mul3A_2029 : memref<8x8x129xf32, #tpu.memory_space<vmem>>[vector<16xi32>, vector<16xi32>, vector<16xi32>], vector<16xf32>,
        %mul3A_2036 = arith.constant 8 : i32
        %mul3A_2037 = arith.muli %scan3A_1379, %mul3A_2036 : i32
        %add3A_2038 = arith.constant 7 : i32
        %add3A_2039 = arith.addi %mul3A_2037, %add3A_2038 : i32
        %broadcast_in_dim3A_2040 = vector.broadcast %add3A_2039 : i32 to vector<16xi32>
        %slice3A_2041 = vector.extract_strided_slice %get3A_1426 {offsets = [14], sizes = [1], strides = [1]} : vector<16xi32> to vector<1xi32>
        %squeeze3A_2042 = vector.extract %slice3A_2041[0] : i32 from vector<1xi32>
        %broadcast_in_dim3A_2043 = vector.broadcast %squeeze3A_2042 : i32 to vector<16xi32>
        %slice3A_2044 = vector.extract_strided_slice %get3A_1426 {offsets = [15], sizes = [1], strides = [1]} : vector<16xi32> to vector<1xi32>
        %squeeze3A_2045 = vector.extract %slice3A_2044[0] : i32 from vector<1xi32>
        %broadcast_in_dim3A_2046 = vector.broadcast %squeeze3A_2045 : i32 to vector<16xi32>
        %shift_left3A_2047 = arith.shli %broadcast_in_dim3A_2043, %sub3A_221 : vector<16xi32>
        %bitcast_convert_type3A_2048 = tpu.bitcast %shift_left3A_2047 : vector<16xi32> -> vector<16xi32>
        %shift_right_arithmetic3A_2049 = arith.constant 31 : i32
        %shift_right_arithmetic3A_2050 = vector.broadcast %shift_right_arithmetic3A_2049 : i32 to vector<16xi32>
        %shift_right_arithmetic3A_2051 = arith.shrsi %bitcast_convert_type3A_2048, %shift_right_arithmetic3A_2050 : vector<16xi32>
        %and3A_2052 = arith.andi %shift_right_arithmetic3A_2051, %broadcast_in_dim3A_225 : vector<16xi32>
        %bitcast_convert_type3A_2053 = tpu.bitcast %and3A_2052 : vector<16xi32> -> vector<16xf32>
        %get3A_2054 = arith.constant 1 : i32
        %get3A_2055 = arith.index_cast %get3A_2054 : i32 to index
        %get3A_2056 = arith.index_cast %add3A_2039 : i32 to index
        %get3A_2057 = arith.constant 0 : index
        %get3A_2058 = tpu.vector_load %arg7[%get3A_2055, %get3A_2056, %get3A_2057] {strides = array<i32>} : memref<2x128x64xf32, #tpu.memory_space<vmem>>, vector<16xf32>,
        %mul3A_2059 = arith.mulf %get3A_2058, %bitcast_convert_type3A_2053 : vector<16xf32>
        %scatter3A_2060 = arith.constant 1 : i32
        %scatter3A_2061 = arith.constant 0 : i32
        %scatter3A_2062 = arith.constant 0 : i32
        %scatter3A_2063 = arith.constant 0 : i32
        %scatter3A_2064 = tpu.memref_slice %arg9[%scatter3A_2060, %scatter3A_2061, %scatter3A_2062, %scatter3A_2063] : memref<2x8x8x129xf32, #tpu.memory_space<vmem>> -> memref<1x8x8x129xf32, #tpu.memory_space<vmem>>
        %scatter3A_2065 = tpu.memref_squeeze %scatter3A_2064 : memref<1x8x8x129xf32, #tpu.memory_space<vmem>> -> memref<8x8x129xf32, #tpu.memory_space<vmem>>
        tpu.vector_store_idx %scatter3A_2065[%select_n3A, %select_n3A_58, %broadcast_in_dim3A_2040], %mul3A_2059 : memref<8x8x129xf32, #tpu.memory_space<vmem>>[vector<16xi32>, vector<16xi32>, vector<16xi32>], vector<16xf32>,
        %shift_left3A_2066 = arith.shli %broadcast_in_dim3A_2043, %sub3A_224 : vector<16xi32>
        %bitcast_convert_type3A_2067 = tpu.bitcast %shift_left3A_2066 : vector<16xi32> -> vector<16xi32>
        %shift_right_arithmetic3A_2068 = arith.constant 31 : i32
        %shift_right_arithmetic3A_2069 = vector.broadcast %shift_right_arithmetic3A_2068 : i32 to vector<16xi32>
        %shift_right_arithmetic3A_2070 = arith.shrsi %bitcast_convert_type3A_2067, %shift_right_arithmetic3A_2069 : vector<16xi32>
        %and3A_2071 = arith.andi %shift_right_arithmetic3A_2070, %broadcast_in_dim3A_225 : vector<16xi32>
        %bitcast_convert_type3A_2072 = tpu.bitcast %and3A_2071 : vector<16xi32> -> vector<16xf32>
        %get3A_2073 = arith.constant 1 : i32
        %get3A_2074 = arith.index_cast %get3A_2073 : i32 to index
        %get3A_2075 = arith.index_cast %add3A_2039 : i32 to index
        %get3A_2076 = arith.constant 16 : index
        %get3A_2077 = tpu.vector_load %arg7[%get3A_2074, %get3A_2075, %get3A_2076] {strides = array<i32>} : memref<2x128x64xf32, #tpu.memory_space<vmem>>, vector<16xf32>,
        %mul3A_2078 = arith.mulf %get3A_2077, %bitcast_convert_type3A_2072 : vector<16xf32>
        %scatter3A_2079 = arith.constant 1 : i32
        %scatter3A_2080 = arith.constant 0 : i32
        %scatter3A_2081 = arith.constant 0 : i32
        %scatter3A_2082 = arith.constant 0 : i32
        %scatter3A_2083 = tpu.memref_slice %arg9[%scatter3A_2079, %scatter3A_2080, %scatter3A_2081, %scatter3A_2082] : memref<2x8x8x129xf32, #tpu.memory_space<vmem>> -> memref<1x8x8x129xf32, #tpu.memory_space<vmem>>
        %scatter3A_2084 = tpu.memref_squeeze %scatter3A_2083 : memref<1x8x8x129xf32, #tpu.memory_space<vmem>> -> memref<8x8x129xf32, #tpu.memory_space<vmem>>
        tpu.vector_store_idx %scatter3A_2084[%select_n3A_89, %select_n3A_111, %broadcast_in_dim3A_2040], %mul3A_2078 : memref<8x8x129xf32, #tpu.memory_space<vmem>>[vector<16xi32>, vector<16xi32>, vector<16xi32>], vector<16xf32>,
        %shift_left3A_2085 = arith.shli %broadcast_in_dim3A_2046, %sub3A_221 : vector<16xi32>
        %bitcast_convert_type3A_2086 = tpu.bitcast %shift_left3A_2085 : vector<16xi32> -> vector<16xi32>
        %shift_right_arithmetic3A_2087 = arith.constant 31 : i32
        %shift_right_arithmetic3A_2088 = vector.broadcast %shift_right_arithmetic3A_2087 : i32 to vector<16xi32>
        %shift_right_arithmetic3A_2089 = arith.shrsi %bitcast_convert_type3A_2086, %shift_right_arithmetic3A_2088 : vector<16xi32>
        %and3A_2090 = arith.andi %shift_right_arithmetic3A_2089, %broadcast_in_dim3A_225 : vector<16xi32>
        %bitcast_convert_type3A_2091 = tpu.bitcast %and3A_2090 : vector<16xi32> -> vector<16xf32>
        %get3A_2092 = arith.constant 1 : i32
        %get3A_2093 = arith.index_cast %get3A_2092 : i32 to index
        %get3A_2094 = arith.index_cast %add3A_2039 : i32 to index
        %get3A_2095 = arith.constant 32 : index
        %get3A_2096 = tpu.vector_load %arg7[%get3A_2093, %get3A_2094, %get3A_2095] {strides = array<i32>} : memref<2x128x64xf32, #tpu.memory_space<vmem>>, vector<16xf32>,
        %mul3A_2097 = arith.mulf %get3A_2096, %bitcast_convert_type3A_2091 : vector<16xf32>
        %scatter3A_2098 = arith.constant 1 : i32
        %scatter3A_2099 = arith.constant 0 : i32
        %scatter3A_2100 = arith.constant 0 : i32
        %scatter3A_2101 = arith.constant 0 : i32
        %scatter3A_2102 = tpu.memref_slice %arg9[%scatter3A_2098, %scatter3A_2099, %scatter3A_2100, %scatter3A_2101] : memref<2x8x8x129xf32, #tpu.memory_space<vmem>> -> memref<1x8x8x129xf32, #tpu.memory_space<vmem>>
        %scatter3A_2103 = tpu.memref_squeeze %scatter3A_2102 : memref<1x8x8x129xf32, #tpu.memory_space<vmem>> -> memref<8x8x129xf32, #tpu.memory_space<vmem>>
        tpu.vector_store_idx %scatter3A_2103[%select_n3A_142, %select_n3A_164, %broadcast_in_dim3A_2040], %mul3A_2097 : memref<8x8x129xf32, #tpu.memory_space<vmem>>[vector<16xi32>, vector<16xi32>, vector<16xi32>], vector<16xf32>,
        %shift_left3A_2104 = arith.shli %broadcast_in_dim3A_2046, %sub3A_224 : vector<16xi32>
        %bitcast_convert_type3A_2105 = tpu.bitcast %shift_left3A_2104 : vector<16xi32> -> vector<16xi32>
        %shift_right_arithmetic3A_2106 = arith.constant 31 : i32
        %shift_right_arithmetic3A_2107 = vector.broadcast %shift_right_arithmetic3A_2106 : i32 to vector<16xi32>
        %shift_right_arithmetic3A_2108 = arith.shrsi %bitcast_convert_type3A_2105, %shift_right_arithmetic3A_2107 : vector<16xi32>
        %and3A_2109 = arith.andi %shift_right_arithmetic3A_2108, %broadcast_in_dim3A_225 : vector<16xi32>
        %bitcast_convert_type3A_2110 = tpu.bitcast %and3A_2109 : vector<16xi32> -> vector<16xf32>
        %get3A_2111 = arith.constant 1 : i32
        %get3A_2112 = arith.index_cast %get3A_2111 : i32 to index
        %get3A_2113 = arith.index_cast %add3A_2039 : i32 to index
        %get3A_2114 = arith.constant 48 : index
        %get3A_2115 = tpu.vector_load %arg7[%get3A_2112, %get3A_2113, %get3A_2114] {strides = array<i32>} : memref<2x128x64xf32, #tpu.memory_space<vmem>>, vector<16xf32>,
        %mul3A_2116 = arith.mulf %get3A_2115, %bitcast_convert_type3A_2110 : vector<16xf32>
        %scatter3A_2117 = arith.constant 1 : i32
        %scatter3A_2118 = arith.constant 0 : i32
        %scatter3A_2119 = arith.constant 0 : i32
        %scatter3A_2120 = arith.constant 0 : i32
        %scatter3A_2121 = tpu.memref_slice %arg9[%scatter3A_2117, %scatter3A_2118, %scatter3A_2119, %scatter3A_2120] : memref<2x8x8x129xf32, #tpu.memory_space<vmem>> -> memref<1x8x8x129xf32, #tpu.memory_space<vmem>>
        %scatter3A_2122 = tpu.memref_squeeze %scatter3A_2121 : memref<1x8x8x129xf32, #tpu.memory_space<vmem>> -> memref<8x8x129xf32, #tpu.memory_space<vmem>>
        tpu.vector_store_idx %scatter3A_2122[%select_n3A_195, %select_n3A_217, %broadcast_in_dim3A_2040], %mul3A_2116 : memref<8x8x129xf32, #tpu.memory_space<vmem>>[vector<16xi32>, vector<16xi32>, vector<16xi32>], vector<16xf32>,
      }
      %scan3A_614 = arith.constant 16 : i32
      %dma_start3A_615 = arith.constant 1 : i32
      %dma_start3A_616 = arith.constant 0 : i32
      %dma_start3A_617 = arith.constant 0 : i32
      %dma_start3A_618 = arith.constant 0 : i32
      %dma_start3A_619 = tpu.memref_slice %arg9[%dma_start3A_615, %dma_start3A_616, %dma_start3A_617, %dma_start3A_618] : memref<2x8x8x129xf32, #tpu.memory_space<vmem>> -> memref<1x8x8x128xf32, #tpu.memory_space<vmem>>
      %dma_start3A_620 = tpu.memref_squeeze %dma_start3A_619 : memref<1x8x8x128xf32, #tpu.memory_space<vmem>> -> memref<8x8x128xf32, #tpu.memory_space<vmem>>
      %dma_start3A_621 = arith.constant 0 : i32
      %dma_start3A_622 = arith.constant 0 : i32
      %dma_start3A_623 = arith.constant 0 : i32
      %dma_start3A_624 = tpu.memref_slice %arg5[%add3A_532, %dma_start3A_621, %add3A, %dma_start3A_622, %dma_start3A_623] : memref<50x8x32x8x128xf32, #tpu.memory_space<hbm>> -> memref<1x8x1x8x128xf32, #tpu.memory_space<hbm>>
      %dma_start3A_625 = tpu.memref_squeeze %dma_start3A_624 : memref<1x8x1x8x128xf32, #tpu.memory_space<hbm>> -> memref<8x8x128xf32, #tpu.memory_space<hbm>>
      %dma_start3A_626 = arith.constant 0 : i32
      %dma_start3A_627 = arith.constant 0 : i32
      %dma_start3A_628 = arith.constant 0 : i32
      %dma_start3A_629 = tpu.memref_slice %arg5[%add3A_532, %dma_start3A_626, %add3A, %dma_start3A_627, %dma_start3A_628] : memref<50x8x32x8x128xf32, #tpu.memory_space<hbm>> -> memref<1x8x1x8x128xf32, #tpu.memory_space<hbm>>
      %dma_start3A_630 = tpu.memref_squeeze %dma_start3A_629 : memref<1x8x1x8x128xf32, #tpu.memory_space<hbm>> -> memref<8x8x128xf32, #tpu.memory_space<hbm>>
      %dma_start3A_631 = arith.constant 0 : i32
      %dma_start3A_632 = arith.constant 0 : i32
      %dma_start3A_633 = arith.constant 0 : i32
      %dma_start3A_634 = tpu.memref_slice %arg9[%dma_start3A_615, %dma_start3A_631, %dma_start3A_632, %dma_start3A_633] : memref<2x8x8x129xf32, #tpu.memory_space<vmem>> -> memref<1x8x8x128xf32, #tpu.memory_space<vmem>>
      %dma_start3A_635 = tpu.memref_squeeze %dma_start3A_634 : memref<1x8x8x128xf32, #tpu.memory_space<vmem>> -> memref<8x8x128xf32, #tpu.memory_space<vmem>>
      tpu.enqueue_dma source(%dma_start3A_635 : memref<8x8x128xf32, #tpu.memory_space<vmem>>) target(%dma_start3A_630 : memref<8x8x128xf32, #tpu.memory_space<hbm>>) target_semaphore(%arg15 : memref<!tpu.dma_semaphore, #tpu.memory_space<semaphore_mem>>)
      %lt3A_636 = arith.constant 24 : i32
      %lt3A_637 = arith.cmpi slt, %scan3A_419, %lt3A_636 : i32
      %convert_element_type3A_638 = arith.extui %lt3A_637 : i1 to i32
      %cond3A_639 = arith.constant 0 : i32
      %cond3A_640 = arith.cmpi ne, %convert_element_type3A_638, %cond3A_639 : i32
      scf.if %cond3A_640 {
        %add3A_641 = arith.constant 2 : i32
        %add3A_642 = arith.addi %add3A_532, %add3A_641 : i32
        %dma_start3A_643 = arith.constant 1 : i32
        %dma_start3A_644 = arith.constant 0 : i32
        %dma_start3A_645 = arith.constant 0 : i32
        %dma_start3A_646 = tpu.memref_slice %arg7[%dma_start3A_643, %dma_start3A_644, %dma_start3A_645] : memref<2x128x64xf32, #tpu.memory_space<vmem>> -> memref<1x128x64xf32, #tpu.memory_space<vmem>>
        %dma_start3A_647 = tpu.memref_squeeze %dma_start3A_646 : memref<1x128x64xf32, #tpu.memory_space<vmem>> -> memref<128x64xf32, #tpu.memory_space<vmem>>
        %dma_start3A_648 = arith.constant 0 : i32
        %dma_start3A_649 = tpu.memref_slice %arg6[%add3A_642, %dma_start3A_648] : memref<50x128xi32, #tpu.memory_space<vmem>> -> memref<1x128xi32, #tpu.memory_space<vmem>>
        %dma_start3A_650 = tpu.memref_squeeze %dma_start3A_649 : memref<1x128xi32, #tpu.memory_space<vmem>> -> memref<128xi32, #tpu.memory_space<vmem>>
        %dma_start3A_651 = arith.constant 0 : i32
        %dma_start3A_652 = arith.constant 0 : i32
        %dma_start3A_653 = tpu.memref_slice %arg3[%dma_start3A_651, %dma_start3A_652] : memref<100000x64xf32, #tpu.memory_space<hbm>> -> memref<100000x64xf32, #tpu.memory_space<hbm>>
        tpu.enqueue_indirect_dma source(%dma_start3A_653 : memref<100000x64xf32, #tpu.memory_space<hbm>>) target(%dma_start3A_647 : memref<128x64xf32, #tpu.memory_space<vmem>>) offsets(%dma_start3A_650 : memref<128xi32, #tpu.memory_space<vmem>>) semaphore(%arg11 : memref<!tpu.dma_semaphore, #tpu.memory_space<semaphore_mem>>)
        %add3A_654 = arith.constant 2 : i32
        %add3A_655 = arith.addi %add3A_532, %add3A_654 : i32
        %mul3A_656 = arith.constant 50 : i32
        %mul3A_657 = arith.muli %add3A, %mul3A_656 : i32
        %add3A_658 = arith.addi %mul3A_657, %add3A_655 : i32
        %jit3A_659 = arith.constant 4 : i32
        %div3A_660 = arith.divsi %add3A_658, %jit3A_659 : i32
        %sign3A_661 = arith.constant 0 : i32
        %sign3A_662 = arith.cmpi sgt, %add3A_658, %sign3A_661 : i32
        %sign3A_663 = arith.extui %sign3A_662 : i1 to i32
        %sign3A_664 = arith.constant 0 : i32
        %sign3A_665 = arith.cmpi slt, %add3A_658, %sign3A_664 : i32
        %sign3A_666 = arith.extui %sign3A_665 : i1 to i32
        %sign3A_667 = arith.subi %sign3A_663, %sign3A_666 : i32
        %sign3A_668 = arith.constant 0 : i32
        %sign3A_669 = arith.cmpi sgt, %jit3A_659, %sign3A_668 : i32
        %sign3A_670 = arith.extui %sign3A_669 : i1 to i32
        %sign3A_671 = arith.constant 0 : i32
        %sign3A_672 = arith.cmpi slt, %jit3A_659, %sign3A_671 : i32
        %sign3A_673 = arith.extui %sign3A_672 : i1 to i32
        %sign3A_674 = arith.subi %sign3A_670, %sign3A_673 : i32
        %ne3A_675 = arith.cmpi ne, %sign3A_667, %sign3A_674 : i32
        %rem3A_676 = arith.remsi %add3A_658, %jit3A_659 : i32
        %ne3A_677 = arith.constant 0 : i32
        %ne3A_678 = arith.cmpi ne, %rem3A_676, %ne3A_677 : i32
        %and3A_679 = arith.andi %ne3A_675, %ne3A_678 : i1
        %sub3A_680 = arith.constant 1 : i32
        %sub3A_681 = arith.subi %div3A_660, %sub3A_680 : i32
        %select_n3A_682 = arith.select %and3A_679, %sub3A_681, %div3A_660 : i32
        %jit3A_683 = arith.constant 4 : i32
        %eq3A_684 = arith.constant 0 : i32
        %eq3A_685 = arith.cmpi eq, %jit3A_683, %eq3A_684 : i32
        %jit3A_686 = arith.constant 1 : i32
        %select_n3A_687 = arith.select %eq3A_685, %jit3A_686, %jit3A_683 : i32
        %rem3A_688 = arith.remsi %add3A_658, %select_n3A_687 : i32
        %ne3A_689 = arith.constant 0 : i32
        %ne3A_690 = arith.cmpi ne, %rem3A_688, %ne3A_689 : i32
        %lt3A_691 = arith.constant 0 : i32
        %lt3A_692 = arith.cmpi slt, %rem3A_688, %lt3A_691 : i32
        %lt3A_693 = arith.constant 0 : i32
        %lt3A_694 = arith.cmpi slt, %select_n3A_687, %lt3A_693 : i32
        %ne3A_695 = arith.xori %lt3A_692, %lt3A_694 : i1
        %and3A_696 = arith.andi %ne3A_695, %ne3A_690 : i1
        %add3A_697 = arith.addi %rem3A_688, %select_n3A_687 : i32
        %select_n3A_698 = arith.select %and3A_696, %add3A_697, %rem3A_688 : i32
        %mul3A_699 = arith.constant 2 : i32
        %mul3A_700 = arith.muli %select_n3A_698, %mul3A_699 : i32
        %dma_start3A_701 = arith.constant 1 : i32
        %dma_start3A_702 = arith.constant 0 : i32
        %dma_start3A_703 = arith.constant 0 : i32
        %dma_start3A_704 = tpu.memref_slice %arg8[%dma_start3A_701, %dma_start3A_702, %dma_start3A_703] : memref<2x2x128xi32, #tpu.memory_space<vmem>> -> memref<1x2x128xi32, #tpu.memory_space<vmem>>
        %dma_start3A_705 = tpu.memref_squeeze %dma_start3A_704 : memref<1x2x128xi32, #tpu.memory_space<vmem>> -> memref<2x128xi32, #tpu.memory_space<vmem>>
        %dma_start3A_706 = arith.constant 0 : i32
        %dma_start3A_707 = tpu.memref_slice %arg4[%select_n3A_682, %mul3A_700, %dma_start3A_706] : memref<400x8x128xi32, #tpu.memory_space<hbm>> -> memref<1x2x128xi32, #tpu.memory_space<hbm>>
        %dma_start3A_708 = tpu.memref_squeeze %dma_start3A_707 : memref<1x2x128xi32, #tpu.memory_space<hbm>> -> memref<2x128xi32, #tpu.memory_space<hbm>>
        %dma_start3A_709 = arith.constant 0 : i32
        %dma_start3A_710 = arith.constant 0 : i32
        %dma_start3A_711 = tpu.memref_slice %arg8[%dma_start3A_701, %dma_start3A_709, %dma_start3A_710] : memref<2x2x128xi32, #tpu.memory_space<vmem>> -> memref<1x2x128xi32, #tpu.memory_space<vmem>>
        %dma_start3A_712 = tpu.memref_squeeze %dma_start3A_711 : memref<1x2x128xi32, #tpu.memory_space<vmem>> -> memref<2x128xi32, #tpu.memory_space<vmem>>
        %dma_start3A_713 = arith.constant 0 : i32
        %dma_start3A_714 = tpu.memref_slice %arg4[%select_n3A_682, %mul3A_700, %dma_start3A_713] : memref<400x8x128xi32, #tpu.memory_space<hbm>> -> memref<1x2x128xi32, #tpu.memory_space<hbm>>
        %dma_start3A_715 = tpu.memref_squeeze %dma_start3A_714 : memref<1x2x128xi32, #tpu.memory_space<hbm>> -> memref<2x128xi32, #tpu.memory_space<hbm>>
        tpu.enqueue_dma source(%dma_start3A_715 : memref<2x128xi32, #tpu.memory_space<hbm>>) target(%dma_start3A_712 : memref<2x128xi32, #tpu.memory_space<vmem>>) target_semaphore(%arg13 : memref<!tpu.dma_semaphore, #tpu.memory_space<semaphore_mem>>)
      } else {
      }
    }
    %scan3A_375 = arith.constant 25 : i32
    %dma_wait3A = arith.constant 0 : i32
    %dma_wait3A_376 = arith.constant 0 : i32
    %dma_wait3A_377 = arith.constant 0 : i32
    %dma_wait3A_378 = arith.constant 0 : i32
    %dma_wait3A_379 = arith.constant 0 : i32
    %dma_wait3A_380 = tpu.memref_slice %arg9[%dma_wait3A, %dma_wait3A_377, %dma_wait3A_378, %dma_wait3A_379] : memref<2x8x8x129xf32, #tpu.memory_space<vmem>> -> memref<1x8x8x128xf32, #tpu.memory_space<vmem>>
    %dma_wait3A_381 = tpu.memref_squeeze %dma_wait3A_380 : memref<1x8x8x128xf32, #tpu.memory_space<vmem>> -> memref<8x8x128xf32, #tpu.memory_space<vmem>>
    %dma_wait3A_382 = arith.constant 0 : i32
    %dma_wait3A_383 = arith.constant 0 : i32
    %dma_wait3A_384 = arith.constant 0 : i32
    %dma_wait3A_385 = tpu.memref_slice %arg5[%dma_wait3A_376, %dma_wait3A_382, %add3A, %dma_wait3A_383, %dma_wait3A_384] : memref<50x8x32x8x128xf32, #tpu.memory_space<hbm>> -> memref<1x8x1x8x128xf32, #tpu.memory_space<hbm>>
    %dma_wait3A_386 = tpu.memref_squeeze %dma_wait3A_385 : memref<1x8x1x8x128xf32, #tpu.memory_space<hbm>> -> memref<8x8x128xf32, #tpu.memory_space<hbm>>
    %dma_wait3A_387 = arith.constant 0 : i32
    %dma_wait3A_388 = arith.constant 0 : i32
    %dma_wait3A_389 = arith.constant 0 : i32
    %dma_wait3A_390 = tpu.memref_slice %arg5[%dma_wait3A_376, %dma_wait3A_387, %add3A, %dma_wait3A_388, %dma_wait3A_389] : memref<50x8x32x8x128xf32, #tpu.memory_space<hbm>> -> memref<1x8x1x8x128xf32, #tpu.memory_space<hbm>>
    %dma_wait3A_391 = tpu.memref_squeeze %dma_wait3A_390 : memref<1x8x1x8x128xf32, #tpu.memory_space<hbm>> -> memref<8x8x128xf32, #tpu.memory_space<hbm>>
    %dma_wait3A_392 = arith.constant 0 : i32
    %dma_wait3A_393 = arith.constant 0 : i32
    %dma_wait3A_394 = arith.constant 0 : i32
    %dma_wait3A_395 = tpu.memref_slice %arg9[%dma_wait3A, %dma_wait3A_392, %dma_wait3A_393, %dma_wait3A_394] : memref<2x8x8x129xf32, #tpu.memory_space<vmem>> -> memref<1x8x8x128xf32, #tpu.memory_space<vmem>>
    %dma_wait3A_396 = tpu.memref_squeeze %dma_wait3A_395 : memref<1x8x8x128xf32, #tpu.memory_space<vmem>> -> memref<8x8x128xf32, #tpu.memory_space<vmem>>
    tpu.wait_dma2 semaphore(%arg14 : memref<!tpu.dma_semaphore, #tpu.memory_space<semaphore_mem>>) src(%dma_wait3A_396 : memref<8x8x128xf32, #tpu.memory_space<vmem>>) dst(%dma_wait3A_391 : memref<8x8x128xf32, #tpu.memory_space<hbm>>)
    %dma_wait3A_397 = arith.constant 1 : i32
    %dma_wait3A_398 = arith.constant 1 : i32
    %dma_wait3A_399 = arith.constant 0 : i32
    %dma_wait3A_400 = arith.constant 0 : i32
    %dma_wait3A_401 = arith.constant 0 : i32
    %dma_wait3A_402 = tpu.memref_slice %arg9[%dma_wait3A_397, %dma_wait3A_399, %dma_wait3A_400, %dma_wait3A_401] : memref<2x8x8x129xf32, #tpu.memory_space<vmem>> -> memref<1x8x8x128xf32, #tpu.memory_space<vmem>>
    %dma_wait3A_403 = tpu.memref_squeeze %dma_wait3A_402 : memref<1x8x8x128xf32, #tpu.memory_space<vmem>> -> memref<8x8x128xf32, #tpu.memory_space<vmem>>
    %dma_wait3A_404 = arith.constant 0 : i32
    %dma_wait3A_405 = arith.constant 0 : i32
    %dma_wait3A_406 = arith.constant 0 : i32
    %dma_wait3A_407 = tpu.memref_slice %arg5[%dma_wait3A_398, %dma_wait3A_404, %add3A, %dma_wait3A_405, %dma_wait3A_406] : memref<50x8x32x8x128xf32, #tpu.memory_space<hbm>> -> memref<1x8x1x8x128xf32, #tpu.memory_space<hbm>>
    %dma_wait3A_408 = tpu.memref_squeeze %dma_wait3A_407 : memref<1x8x1x8x128xf32, #tpu.memory_space<hbm>> -> memref<8x8x128xf32, #tpu.memory_space<hbm>>
    %dma_wait3A_409 = arith.constant 0 : i32
    %dma_wait3A_410 = arith.constant 0 : i32
    %dma_wait3A_411 = arith.constant 0 : i32
    %dma_wait3A_412 = tpu.memref_slice %arg5[%dma_wait3A_398, %dma_wait3A_409, %add3A, %dma_wait3A_410, %dma_wait3A_411] : memref<50x8x32x8x128xf32, #tpu.memory_space<hbm>> -> memref<1x8x1x8x128xf32, #tpu.memory_space<hbm>>
    %dma_wait3A_413 = tpu.memref_squeeze %dma_wait3A_412 : memref<1x8x1x8x128xf32, #tpu.memory_space<hbm>> -> memref<8x8x128xf32, #tpu.memory_space<hbm>>
    %dma_wait3A_414 = arith.constant 0 : i32
    %dma_wait3A_415 = arith.constant 0 : i32
    %dma_wait3A_416 = arith.constant 0 : i32
    %dma_wait3A_417 = tpu.memref_slice %arg9[%dma_wait3A_397, %dma_wait3A_414, %dma_wait3A_415, %dma_wait3A_416] : memref<2x8x8x129xf32, #tpu.memory_space<vmem>> -> memref<1x8x8x128xf32, #tpu.memory_space<vmem>>
    %dma_wait3A_418 = tpu.memref_squeeze %dma_wait3A_417 : memref<1x8x8x128xf32, #tpu.memory_space<vmem>> -> memref<8x8x128xf32, #tpu.memory_space<vmem>>
    tpu.wait_dma2 semaphore(%arg15 : memref<!tpu.dma_semaphore, #tpu.memory_space<semaphore_mem>>) src(%dma_wait3A_418 : memref<8x8x128xf32, #tpu.memory_space<vmem>>) dst(%dma_wait3A_413 : memref<8x8x128xf32, #tpu.memory_space<hbm>>)
    return
  }
}

</mosaic_0001>

<sc_bundles>
// kernel: kernel.3.cloned.1.call-start
scs
__scs_entry_jumppad:
0x0: {  	(pc) =	sbr.rel $0x88, $3  }
0x1: {  	(tag) =	ssettag $0x0;
	lr =	simm.s32 $0x1  }
0x2: {  	[smem:$0x3F9F] =	sst lr;
	_ =	strace $0xD0000000  }
0x3: {  	_ = 	snop  }
0x4: {  	_ = 	snop  }
0x5: {  	_ = 	snop  }
0x6: {  	_ = 	snop  }
0x7: {  	_ = 	snop  }
__scs_overlays_trampoline_lowered:
0x8: {  	[smem:$0x3FAE] =	sst s0  }
0x9: {  	[smem:$0x3FAF] =	sst s1  }
0xa: {  	[smem:$0x3FB0] =	sst s2  }
0xb: {  	[smem:$0x3FB1] =	sst s3  }
0xc: {  	[smem:$0x3FB2] =	sst s4  }
0xd: {  	[smem:$0x3FB3] =	sst s5  }
0xe: {  	[smem:$0x3FB4] =	sst s6  }
0xf: {  	[smem:$0x3FB5] =	sst s7  }
0x10: {  	[smem:$0x3FB6] =	sst s8  }
0x11: {  	[smem:$0x3FB7] =	sst s9;
	s0 =	simm.s32 @!p0 $0x0  }
0x12: {  	s1 =	sld [smem:$0x3F9D];
	s0 =	simm.s32 @p0 $0x1  }
0x13: {  	[smem:$0x3FB8] =	sst s0;
	s0 =	simm.s32 @!p1 $0x0  }
0x14: {  	s2 =	sld [smem:$0x3F9C];
	s0 =	simm.s32 @p1 $0x1  }
0x15: {  	[smem:$0x3FB9] =	sst s0;
	s0 =	simm.s32 @!p2 $0x0  }
0x16: {  	s3 =	sld [smem:$0x3FDB];
	s0 =	simm.s32 @p2 $0x1  }
0x17: {  	s4 =	simm.s32 $0x1BF5;
	[smem:$0x3FBB] =	sst s0  }
0x18: {  	s0 =	sld [smem:$0x3F9E];
	_ =	swait.ge [sflag:s4], $0x0  }
0x19: {  	s7 =	sld [smem:$0x3F9F]  }
0x1a: {  	s8 =	sadd.s32 $0xFFFFE003, lr  }
0x1b: {  	s9 =	sadd.s32 $0xFFFFFEF7, lr;
	s5 =	simm.s32 $0xFFFFFFFF;
	p2 =	slt.u32 s8, $0xFFFFF086  }
0x1c: {  	p1 =	slt.u32 s9, $0xF7A;
	s5 =	simm.s32 @!p2 $0x0  }
0x1d: {  	s5 =	simm.s32 @p1 $0x1;
	p0 =	seq.s32 s7, s2  }
0x1e: {  	s7 =	smul.u32 @!p0 $0xF7A, s2;
	p2 =	seq.s32 @!p0 s5, $0x0  }
0x1f: {  	s9 =	smul.u32 $0xF7A, s1;
	s8 =	simm.s32 @!p0 $0x1BF5;
	p2 =	por !p2, p0  }
0x20: {  	[sflag:s8] =	ssyncset.s32 @!p0 $0xFFFFF086;
	s6 =	sadd.s32 @!p0 s3, s7;
	s7 =	simm.s32 @!p0 $0x108  }
0x21: {  	s3 =	sadd.s32 s3, s9;
	s6 =	sadd.s32 @!p0 $0x88, s6;
	s7 =	simm.s32 @p2 $0x1082  }
0x22: {  	[simem:s7], [sflag:s8] =	dma.local @!p0 [hbm:s6], $0xF7A  }
0x23: {  	s9 =	sor.u32 $0xD0000000, s2;
	s6 =	simm.s32 $0x108;
	_ =	swait.ge @!p0 [sflag:s8], $0x0  }
0x24: {  	s3 =	sadd.s32 $0x88, s3;
	s6 =	simm.s32 @!p1 $0x1082;
	[sflag:s4] =	ssyncset.s32 $0xFFFFF086  }
0x25: {  	[simem:s6], [sflag:s4] =	dma.local [hbm:s3], $0xF7A  }
0x26: {  	[smem:$0x3F9F] =	sst s1;
	(tag) =	ssettag s2;
	_ =	strace s9  }
0x27: {  	s1 =	sld [smem:$0x3FAF]  }
0x28: {  	s2 =	sld [smem:$0x3FB0]  }
0x29: {  	s4 =	sld [smem:$0x3FB2]  }
0x2a: {  	p0 =	seq.s32 s5, $0x0;
	s5 =	sld [smem:$0x3FB3]  }
0x2b: {  	s6 =	sld [smem:$0x3FB4]  }
0x2c: {  	s7 =	sld [smem:$0x3FB5]  }
0x2d: {  	s3 =	simm.s32 $0x108;
	s8 =	sld [smem:$0x3FB6]  }
0x2e: {  	s3 =	simm.s32 @!p0 $0x1082;
	s9 =	sld [smem:$0x3FB7]  }
0x2f: {  	lr =	sadd.s32 s0, s3;
	s0 =	sld [smem:$0x3FAE]  }
0x30: {  	s3 =	sld [smem:$0x3FB1]  }
0x31: {  	[smem:$0x3FBA] =	sst s10  }
0x32: {  	s10 =	sld [smem:$0x3FB8];
	_ =	sdelay $0x3  }
0x33: {  	p0 =	seq.s32 s10, $0x1;
	s10 =	sld [smem:$0x3FBA];
	_ =	sdelay $0x3  }
0x34: {  	[smem:$0x3FBA] =	sst s10  }
0x35: {  	s10 =	sld [smem:$0x3FB9];
	_ =	sdelay $0x3  }
0x36: {  	p1 =	seq.s32 s10, $0x1;
	s10 =	sld [smem:$0x3FBA];
	_ =	sdelay $0x3  }
0x37: {  	[smem:$0x3FBA] =	sst s10  }
0x38: {  	s10 =	sld [smem:$0x3FBB]  }
0x39: {  	_ = 	snop;
	(pc) =	sbr.ind lr, $3  }
0x3a: {  	_ = 	snop  }
0x3b: {  	_ = 	snop  }
0x3c: {  	p2 =	seq.s32 s10, $0x1;
	s10 =	sld [smem:$0x3FBA]  }
0x3d: {  	_ =	shalt  }
0x3e: {  	_ =	shalt  }
0x3f: {  	_ =	shalt  }
0x40: {  	_ =	shalt  }
0x41: {  	_ =	shalt  }
0x42: {  	_ =	shalt  }
0x43: {  	_ =	shalt  }
0x44: {  	_ =	shalt  }
0x45: {  	_ =	shalt  }
0x46: {  	_ =	shalt  }
0x47: {  	_ =	shalt  }
0x48: {  	_ =	shalt  }
0x49: {  	_ =	shalt  }
0x4a: {  	_ =	shalt  }
0x4b: {  	_ =	shalt  }
0x4c: {  	_ =	shalt  }
0x4d: {  	_ =	shalt  }
0x4e: {  	_ =	shalt  }
0x4f: {  	_ =	shalt  }
0x50: {  	_ =	shalt  }
0x51: {  	_ =	shalt  }
0x52: {  	_ =	shalt  }
0x53: {  	_ =	shalt  }
0x54: {  	_ =	shalt  }
0x55: {  	_ =	shalt  }
0x56: {  	_ =	shalt  }
0x57: {  	_ =	shalt  }
0x58: {  	_ =	shalt  }
0x59: {  	_ =	shalt  }
0x5a: {  	_ =	shalt  }
0x5b: {  	_ =	shalt  }
0x5c: {  	_ =	shalt  }
0x5d: {  	_ =	shalt  }
0x5e: {  	_ =	shalt  }
0x5f: {  	_ =	shalt  }
0x60: {  	_ =	shalt  }
0x61: {  	_ =	shalt  }
0x62: {  	_ =	shalt  }
0x63: {  	_ =	shalt  }
0x64: {  	_ =	shalt  }
0x65: {  	_ =	shalt  }
0x66: {  	_ =	shalt  }
0x67: {  	_ =	shalt  }
0x68: {  	_ =	shalt  }
0x69: {  	_ =	shalt  }
0x6a: {  	_ =	shalt  }
0x6b: {  	_ =	shalt  }
0x6c: {  	_ =	shalt  }
0x6d: {  	_ =	shalt  }
0x6e: {  	_ =	shalt  }
0x6f: {  	_ =	shalt  }
0x70: {  	_ =	shalt  }
0x71: {  	_ =	shalt  }
0x72: {  	_ =	shalt  }
0x73: {  	_ =	shalt  }
0x74: {  	_ =	shalt  }
0x75: {  	_ =	shalt  }
0x76: {  	_ =	shalt  }
0x77: {  	_ =	shalt  }
0x78: {  	_ =	shalt  }
0x79: {  	_ =	shalt  }
0x7a: {  	_ =	shalt  }
0x7b: {  	_ =	shalt  }
0x7c: {  	_ =	shalt  }
0x7d: {  	_ =	shalt  }
0x7e: {  	_ =	shalt  }
0x7f: {  	_ =	shalt  }
0x80: {  	_ =	shalt  }
0x81: {  	_ =	shalt  }
0x82: {  	_ =	shalt  }
0x83: {  	_ =	shalt  }
0x84: {  	_ =	shalt  }
0x85: {  	_ =	shalt  }
0x86: {  	_ =	shalt  }
0x87: {  	_ =	shalt  }
.Lfunc_end0:
.L_simem_size_0:
called_computation_lowered:
.L_overlay_start_0:
0x88: {  	s2 =	sld [smem:$0x3FD9]  }
0x89: {  	s3 =	sld [smem:$0x3FFE];
	_ =	sdelay $0x1  }
0x8a: {  	s1 =	srdreg.scid  }
0x8b: {  	s0 =	sand.u32 $0x1, s1  }
0x8c: {  	s17 =	sshll.u32 s0, $0xA;
	s2 =	sadd.s32 s3, s2  }
0x8d: {  	s2 =	sadd.s32 s2, s17  }
0x8e: {  	[smem:$0x3FC6] =	sst s2  }
0x8f: {  	_ = 	snop  }
0x90: {  	s2 =	sld [smem:$0x3FD0];
	(tm) =	ssettm $0x1  }
0x91: {  	s18 =	sld [smem:$0x3FFB];
	_ =	sdelay $0x3  }
0x92: {  	_ =	strace s18  }
0x93: {  	s3 =	sld [smem:$0x3FFC];
	_ =	sdelay $0x3  }
0x94: {  	_ =	strace s3  }
0x95: {  	s3 =	sld [smem:$0x3FFD];
	_ =	sdelay $0x3  }
0x96: {  	_ =	strace s3  }
0x97: {  	_ =	strace $0x8FFFFFFF  }
0x98: {  	s19 =	sld [smem:$0x3FDB];
	_ =	sdelay $0x1  }
0x99: {  	s4 =	simm.s32 $_scs_section_size  }
0x9a: {  	s5 =	simm.s32 $_size__tile_overlayer_lowered;
	s6 =	simm.s32 $_tile_overlayer_lowered  }
0x9b: {  	s22 =	simm.s32 $0x1BFF;
	s21 =	sshll.u32 s6, $0x1;
	s3 =	sadd.s32 s4, s19  }
0x9c: {  	s7 =	simm.s32 $0x0;
	s20 =	sshll.u32 s5, $0x1;
	s5 =	sadd.s32 s21, s3  }
0x9d: {  	[timem:s7], [sflag:s22] =	dma.local [hbm:s5], s20  }
0x9e: {  	_ =	swait.ge [sflag:s22], s20  }
0x9f: {  	s4 =	ssub.s32 $0x0, s20;
	[sflag:s22] =	ssyncset.done $0x0  }
0xa0: {  	[sflag:s22] =	ssyncadd.s32 s4;
	_ =	sdelay $0x1  }
0xa1: {  	s23 =	simm.s32 $0x1B8B  }
0xa2: {  	_ =	swait.ge [sflag:s23], $0x1  }
0xa3: {  	[sflag:s23] =	ssyncset.done $0x0  }
0xa4: {  	s25 =	simm.s32 $0x1B8E;
	s24 =	sld [smem:$0x3FFE];
	[sflag:s23] =	ssyncadd.s32 $0xFFFFFFFF  }
0xa5: {  	s26 =	simm.s32 $execute0_lowered;
	[smem:$0x3FD2] =	sst s25  }
0xa6: {  	s5 =	sshll.u32 s26, $0x1;
	_ =	strace $0x80000046;
	[dreg:$0x1] =	wrdreg $0xFFFFFFFF  }
0xa7: {  	s28 =	simm.s32 $_size_execute0_lowered;
	s3 =	sadd.s32 s3, s5;
	[dreg:$0x0] =	wrdreg $0x0  }
0xa8: {  	s5 =	sshll.u32 s28, $0x1;
	[dreg:$0x2] =	wrdreg s3  }
0xa9: {  	[dreg:$0x3] =	wrdreg s5  }
0xaa: {  	[dreg:$0x4] =	wrdreg $0xC0  }
0xab: {  	_ =	task [dreg:s7], $0x5FFFF  }
0xac: {  	[dreg:$0x1] =	wrdreg $0xFFFFFFFF  }
0xad: {  	[dreg:$0x0] =	wrdreg $0x60  }
0xae: {  	[dreg:$0x2] =	wrdreg s24  }
0xaf: {  	[dreg:$0x3] =	wrdreg s2  }
0xb0: {  	[dreg:$0x4] =	wrdreg $0x9  }
0xb1: {  	_ =	task.clear_ibuf [dreg:s7], $0x5FFFF;
	_ =	strace $0x90000046  }
0xb2: {  	s29 =	simm.s32 $0x9;
	_ =	strace $0x80000048  }
0xb3: {  	_ =	swait.ge [sflag:s29], $0x1  }
0xb4: {  	[sflag:s29] =	ssyncadd.s32 $0xFFFFFFFF  }
0xb5: {  	_ =	strace $0x90000048  }
0xb6: {  	_ =	sfence  }
0xb7: {  	s30 =	sld [smem:$0x0];
	_ =	sdelay $0x2  }
0xb8: {  	s31 =	sshll.u32 s1, $0xD;
	s1 =	sshrl.u32 s1, $0x2  }
0xb9: {  	s3 =	sand.u32 $0x4000, s31;
	s1 =	sadd.s32 s1, s30  }
0xba: {  	s0 =	sor.u32 s3, s0;
	s1 =	sshll.u32 s1, $0x11  }
0xbb: {  	s0 =	sor.u32 s1, s0  }
0xbc: {  	s0 =	sadd.s32 $0x8F2B, s0  }
0xbd: {  	[sflag:s0] =	ssyncadd.remote.s32 $0x1  }
0xbe: {  	_ =	sfence.sel $0xFFFF  }
0xbf: {  	[dreg:$0x0] =	wrdreg $0xFFFFFFFF;
	(pc) =	sbr.abs _section_cstart, $3  }
0xc0: {  	[dreg:$0x1] =	wrdreg $0xFFFFFFFF  }
0xc1: {  	_ =	task.clear_ibuf [dreg:s7], $0x2FFFF;
	_ =	strace $0x9FFFFFFF  }
0xc2: {  	(tm) =	ssettm $0x7FFFFFFF  }
0xc3: {  	_ =	shalt  }
tec
execute0_lowered:
.L_overlay_start_1:
0x0: {  	(tag) =	ssettag $0x1  }
0x1: {  	s0 =	srdreg.scid;
	s2 =	stileid.u32  }
0x2: {  	s1 =	rddreg [dreg:$0x0];
	s13 =	simm.s32 $0x7;
	s14 =	simm.s32 $0x80  }
0x3: {  	v1 =	vlaneseq.u32;
	v3 =	vimm.s32 $0x0;
	s17 =	simm.s32 $0x3900;
	s18 =	simm.s32 $0x5A00;
	s19 =	simm.s32 $0x1  }
0x4: {  	vm0 =	vcmask $0x300;
	s20 =	simm.s32 $0x3;
	s21 =	simm.s32 $0x5B00;
	s22 =	simm.s32 $0x2;
	v4 =	vmul.u32 $0xFFFFFFFF, v1;
	v1 =	vmul.u32 $0x88, v1  }
0x5: {  	v2 =	vimm.f32 $0.0e+00;
	s23 =	simm.s32 $0x4;
	s24 =	simm.s32 $0x7D00;
	s28 =	simm.s32 $0x0;
	v3 =	vsel vm0, $0x3, v3  }
0x6: {  	s4 =	sand.u32 $0x1, s0;
	s3 =	sshll.u32 s2, $0x1;
	s2 =	rddreg [dreg:$0x1];
	v0 =	vadd.s32 $0x1F, v4;
	v4 =	vadd.s32 $0xF, v4;
	v5 =	vadd.s32 $0x880, v1  }
0x7: {  	s0 =	sshll.u32 s0, $0x9;
	s7 =	sor.u32 s4, s3;
	s3 =	simm.s32 $0x0;
	v6 =	vadd.s32 $0x1100, v1;
	v7 =	vadd.s32 $0x1980, v1;
	v8 =	vor.u32 $0x1, v1  }
0x8: {  	s0 =	sand.u32 $0x200, s0;
	s25 =	ssub.s32 $0x2, s4;
	s4 =	sadd.s32 $0xCA000, s1;
	v9 =	vadd.s32 $0x881, v1;
	v10 =	vadd.s32 $0x1101, v1;
	v11 =	vadd.s32 $0x1981, v1  }
0x9: {  	s11 =	sadd.s32 $0x8000, s2;
	s5 =	smul.u32 $0x3200, s7;
	[smem:$0x7FF] =	sst s3;
	v12 =	vor.u32 $0x2, v1;
	v13 =	vadd.s32 $0x882, v1;
	v14 =	vadd.s32 $0x1102, v1  }
0xa: {  	s6 =	smul.u32 $0x320, s7;
	s9 =	sshrl.u32 s25, $0x1;
	v15 =	vadd.s32 $0x1982, v1;
	v16 =	vor.u32 $0x3, v1;
	v17 =	vadd.s32 $0x883, v1;
	s10 =	sshll.u32 s7, $0x7  }
0xb: {  	v18 =	vadd.s32 $0x1103, v1;
	v19 =	vadd.s32 $0x1983, v1;
	v20 =	vor.u32 $0x4, v1;
	_ =	strace $0x80000047;
	s26 =	ssub.s32 s25, s9;
	s5 =	sand.u32 $0x7FC00, s5  }
.Ltmp0:
0xc: {  	v21 =	vadd.s32 $0x884, v1;
	v22 =	vadd.s32 $0x1104, v1;
	v23 =	vadd.s32 $0x1984, v1;
	s25 =	simm.s32 $0x5;
	s0 =	sor.u32 s0, s5;
	(pc) =	sbr.rel .LBB2_1-.Ltmp0, $4  }
0xd: {  	v24 =	vor.u32 $0x5, v1;
	v25 =	vadd.s32 $0x885, v1;
	v26 =	vadd.s32 $0x1105, v1;
	s8 =	sadd.s32 s6, s1;
	s31 =	smax.u32 s26, $0x1;
	s0 =	sshrl.u32 s0, $0x3  }
0xe: {  	v27 =	vadd.s32 $0x1985, v1;
	v28 =	vor.u32 $0x6, v1;
	v29 =	vadd.s32 $0x886, v1;
	s29 =	sadd.s32 $0x600, s8;
	[dreg:$0x5] =	wrdreg s31;
	s6 =	sadd.s32 s4, s0  }
0xf: {  	v30 =	vadd.s32 $0x1106, v1;
	v31 =	vadd.s32 $0x1986, v1;
	v32 =	vor.u32 $0x7, v1;
	s26 =	simm.s32 $0x6;
	[dreg:$0x3] =	wrdreg s29;
	s30 =	sadd.s32 $0x20, s6  }
0x10: {  	v33 =	vadd.s32 $0x887, v1;
	v34 =	vadd.s32 $0x1107, v1;
	v35 =	vadd.s32 $0x1987, v1;
	s5 =	sadd.s32 $0x6A00, s1;
	s8 =	smul.u32 $0x32, s7;
	[dreg:$0x4] =	wrdreg s30  }
.LBB2_12:
0x11: {  	_ =	swait.ge [sflag:s25], $0x2000  }
0x12: {  	[sflag:s25] =	ssyncset.done $0x0  }
0x13: {  	[sflag:s25] =	ssyncadd.s32 $0xFFFFE000  }
0x14: {  	_ =	swait.ge [sflag:s26], $0x2000  }
0x15: {  	s28 =	sadd.s32 $0x1, s28;
	s0 =	rddreg [dreg:$0x5]  }
0x16: {  	p0 =	sne.s32 s28, s0  }
.Ltmp1:
0x17: {  	_ = 	snop;
	(pc) =	sbr.rel @!p0 .LBB2_13-.Ltmp1, $3  }
0x18: {  	_ =	sdelay $0x1  }
0x19: {  	[sflag:s26] =	ssyncset.done $0x0  }
0x1a: {  	[sflag:s26] =	ssyncadd.s32 $0xFFFFE000  }
.LBB2_1:
0x1b: {  	s0 =	rddreg [dreg:$0x3]  }
0x1c: {  	[tilespmem:s3], [sflag:$0x7] =	stream.linear.gather [hbm4b:s0+s3], $0x1900, $0x38;
	[tilespmem:$0x9F00] =	vst v63  }
0x1d: {  	_ =	swait.ge [sflag:s13], $0x1900  }
0x1e: {  	[sflag:s13] =	ssyncset.done $0x0  }
0x1f: {  	s16 =	simm.s32 $0x1900;
	[sflag:s13] =	ssyncadd.s32 $0xFFFFE700  }
0x20: {  	[tilespmem:s16], [sflag:$0x1] =	stream.indirect.gather [hbm4b:s5+s14], $0x40, s3, s14, $0xb8;
	[tilespmem:$0x9F00] =	vst v63  }
0x21: {  	s30 =	simm.s32 $0x5900  }
0x22: {  	[tilespmem:s30], [sflag:$0x3] =	stream.linear.gather [hbm4b:s6+s3], $0x100, $0x38;
	[tilespmem:$0x9F00] =	vst v63  }
0x23: {  	_ = 	snop  }
0x24: {  	[tilespmem:s17], [sflag:$0x2] =	stream.indirect.gather [hbm4b:s5+s14], $0x40, s14, s14, $0xb8;
	[tilespmem:$0x9F00] =	vst v63  }
0x25: {  	s29 =	simm.s32 $0x0;
	s31 =	rddreg [dreg:$0x4]  }
0x26: {  	[tilespmem:s18], [sflag:$0x4] =	stream.linear.gather [hbm4b:s31+s3], $0x100, $0x38;
	[tilespmem:$0x9F00] =	vst v63  }
.LBB2_2:
0x27: {  	_ =	swait.ge [sflag:s19], $0x2000  }
0x28: {  	[sflag:s19] =	ssyncset.done $0x0  }
0x29: {  	[sflag:s19] =	ssyncadd.s32 $0xFFFFE000  }
0x2a: {  	_ =	swait.ge [sflag:s20], $0x100  }
0x2b: {  	p0 =	seq.s32 s29, $0x0;
	[sflag:s20] =	ssyncset.done $0x0  }
0x2c: {  	s0 =	simm.s32 @!p0 $0x5;
	[sflag:s20] =	ssyncadd.s32 $0xFFFFFF00  }
0x2d: {  	s30 =	sshll.u32 s29, $0x1;
	s31 =	simm.s32 $0xFFFFFFFE;
	_ =	swait.ge @!p0 [sflag:s0], $0x2000  }
0x2e: {  	s1 =	simm.s32 $0x0;
	s15 =	simm.s32 $0x1B00;
	[sflag:s0] =	ssyncset.done @!p0 $0x0  }
0x2f: {  	s16 =	simm.s32 $0x0;
	[sflag:s0] =	ssyncadd.s32 @!p0 $0xFFFFE000;
	s0 =	simm.s32 $0xF  }
.LBB2_3:
0x30: {  	s7 =	sand.u32 $0x200, s16  }
0x31: {  	s7 =	sshrl.u32 s7, $0x2  }
0x32: {  	s9 =	sand.u32 $0x60, s1;
	s7 =	sor.u32 $0x5900, s7  }
0x33: {  	s9 =	sor.u32 s9, s7  }
0x34: {  	v36 =	vld [tilespmem:s9+$0x0]  }
0x35: {  	s12 =	sadd.s32 $0xFFFFFFF1, s0  }
0x36: {  	v37 =	vmov s12  }
0x37: {  	v37 =	vshrl.u32 v37, $0x3  }
0x38: {  	v37 =	vshll.u32 v37, v3  }
0x39: {  	v39 =	vld [tilespmem:s15+$0xFFFFFE00];
	v37 =	vbroadcast v37, $0x0;
	v38 =	vbroadcast v36, $0x0;
	_ =	sdelay $0x1  }
0x3a: {  	v41 =	vadd.s32 v1, v37;
	v40 =	vshll.u32 v38, v0  }
0x3b: {  	vm0 =	vlt.s32 v40, $0x0  }
0x3c: {  	v40 =	vsel vm0, $0x3F8E38E4, v2  }
0x3d: {  	v39 =	vmul.f32 v40, v39;
	_ =	sdelay $0x1  }
0x3e: {  	[tilespmem:v41+s21+$0x0] =	vst.idx.msk $0xffff, v39  }
0x3f: {  	v39 =	vld [tilespmem:s15+$0xFFFFFE10];
	_ =	sdelay $0x1  }
0x40: {  	v48 =	vadd.s32 v5, v37;
	v38 =	vshll.u32 v38, v4  }
0x41: {  	vm13 =	vlt.s32 v38, $0x0  }
0x42: {  	v38 =	vsel vm13, $0x3F8E38E4, v2  }
0x43: {  	v38 =	vmul.f32 v38, v39;
	_ =	sdelay $0x1  }
0x44: {  	[tilespmem:v48+s21+$0x0] =	vst.idx.msk $0xffff, v38  }
0x45: {  	v49 =	vbroadcast v36, $0x1;
	v50 =	vld [tilespmem:s15+$0xFFFFFE20];
	_ =	sdelay $0x1  }
0x46: {  	v52 =	vadd.s32 v6, v37;
	v51 =	vshll.u32 v49, v0  }
0x47: {  	vm14 =	vlt.s32 v51, $0x0  }
0x48: {  	v40 =	vsel vm14, $0x3F8E38E4, v2  }
0x49: {  	v39 =	vmul.f32 v50, v40;
	_ =	sdelay $0x1  }
0x4a: {  	[tilespmem:v52+s21+$0x0] =	vst.idx.msk $0xffff, v39  }
0x4b: {  	v39 =	vld [tilespmem:s15+$0xFFFFFE30];
	_ =	sdelay $0x1  }
0x4c: {  	v37 =	vadd.s32 v7, v37;
	v38 =	vshll.u32 v49, v4  }
0x4d: {  	vm15 =	vlt.s32 v38, $0x0  }
0x4e: {  	s12 =	sadd.s32 $0xFFFFFFF2, s0;
	v38 =	vsel vm15, $0x3F8E38E4, v2  }
0x4f: {  	v53 =	vmov s12;
	v38 =	vmul.f32 v39, v38  }
0x50: {  	v39 =	vshrl.u32 v53, $0x3  }
0x51: {  	v54 =	vshll.u32 v39, v3;
	[tilespmem:v37+s21+$0x0] =	vst.idx.msk $0xffff, v38  }
0x52: {  	v55 =	vbroadcast v36, $0x2;
	v37 =	vbroadcast v54, $0x0;
	v56 =	vld [tilespmem:s15+$0xFFFFFE40];
	_ =	sdelay $0x1  }
0x53: {  	v57 =	vshll.u32 v55, v0;
	v58 =	vadd.s32 v8, v37  }
0x54: {  	vm4 =	vlt.s32 v57, $0x0  }
0x55: {  	v40 =	vsel vm4, $0x3F8E38E4, v2  }
0x56: {  	v39 =	vmul.f32 v56, v40;
	_ =	sdelay $0x1  }
0x57: {  	[tilespmem:v58+s21+$0x0] =	vst.idx.msk $0xffff, v39  }
0x58: {  	v39 =	vld [tilespmem:s15+$0xFFFFFE50];
	_ =	sdelay $0x1  }
0x59: {  	v38 =	vshll.u32 v55, v4;
	v59 =	vadd.s32 v9, v37  }
0x5a: {  	vm5 =	vlt.s32 v38, $0x0  }
0x5b: {  	v38 =	vsel vm5, $0x3F8E38E4, v2  }
0x5c: {  	v38 =	vmul.f32 v39, v38;
	_ =	sdelay $0x1  }
0x5d: {  	[tilespmem:v59+s21+$0x0] =	vst.idx.msk $0xffff, v38  }
0x5e: {  	v60 =	vbroadcast v36, $0x3;
	v61 =	vld [tilespmem:s15+$0xFFFFFE60];
	_ =	sdelay $0x1  }
0x5f: {  	v62 =	vshll.u32 v60, v0;
	v63 =	vadd.s32 v10, v37  }
0x60: {  	vm6 =	vlt.s32 v62, $0x0  }
0x61: {  	v40 =	vsel vm6, $0x3F8E38E4, v2  }
0x62: {  	v39 =	vmul.f32 v61, v40;
	_ =	sdelay $0x1  }
0x63: {  	[tilespmem:v63+s21+$0x0] =	vst.idx.msk $0xffff, v39  }
0x64: {  	v39 =	vld [tilespmem:s15+$0xFFFFFE70];
	_ =	sdelay $0x1  }
0x65: {  	v37 =	vadd.s32 v11, v37;
	v38 =	vshll.u32 v60, v4  }
0x66: {  	vm7 =	vlt.s32 v38, $0x0  }
0x67: {  	s12 =	sadd.s32 $0xFFFFFFF3, s0;
	v38 =	vsel vm7, $0x3F8E38E4, v2  }
0x68: {  	v42 =	vmov s12;
	v38 =	vmul.f32 v39, v38  }
0x69: {  	v39 =	vshrl.u32 v42, $0x3  }
0x6a: {  	v43 =	vshll.u32 v39, v3;
	[tilespmem:v37+s21+$0x0] =	vst.idx.msk $0xffff, v38  }
0x6b: {  	v44 =	vbroadcast v36, $0x4;
	v37 =	vbroadcast v43, $0x0;
	v45 =	vld [tilespmem:s15+$0xFFFFFE80];
	_ =	sdelay $0x1  }
0x6c: {  	v46 =	vshll.u32 v44, v0;
	v47 =	vadd.s32 v12, v37  }
0x6d: {  	vm8 =	vlt.s32 v46, $0x0  }
0x6e: {  	v40 =	vsel vm8, $0x3F8E38E4, v2  }
0x6f: {  	v39 =	vmul.f32 v45, v40;
	_ =	sdelay $0x1  }
0x70: {  	[tilespmem:v47+s21+$0x0] =	vst.idx.msk $0xffff, v39  }
0x71: {  	v39 =	vld [tilespmem:s15+$0xFFFFFE90];
	_ =	sdelay $0x1  }
0x72: {  	v38 =	vshll.u32 v44, v4;
	v48 =	vadd.s32 v13, v37  }
0x73: {  	vm9 =	vlt.s32 v38, $0x0  }
0x74: {  	v38 =	vsel vm9, $0x3F8E38E4, v2  }
0x75: {  	v38 =	vmul.f32 v39, v38;
	_ =	sdelay $0x1  }
0x76: {  	[tilespmem:v48+s21+$0x0] =	vst.idx.msk $0xffff, v38  }
0x77: {  	v49 =	vbroadcast v36, $0x5;
	v50 =	vld [tilespmem:s15+$0xFFFFFEA0];
	_ =	sdelay $0x1  }
0x78: {  	v51 =	vshll.u32 v49, v0;
	v52 =	vadd.s32 v14, v37  }
0x79: {  	vm10 =	vlt.s32 v51, $0x0  }
0x7a: {  	v40 =	vsel vm10, $0x3F8E38E4, v2  }
0x7b: {  	v39 =	vmul.f32 v50, v40;
	_ =	sdelay $0x1  }
0x7c: {  	[tilespmem:v52+s21+$0x0] =	vst.idx.msk $0xffff, v39  }
0x7d: {  	v39 =	vld [tilespmem:s15+$0xFFFFFEB0];
	_ =	sdelay $0x1  }
0x7e: {  	v37 =	vadd.s32 v15, v37;
	v38 =	vshll.u32 v49, v4  }
0x7f: {  	vm11 =	vlt.s32 v38, $0x0  }
0x80: {  	s12 =	sadd.s32 $0xFFFFFFF4, s0;
	v38 =	vsel vm11, $0x3F8E38E4, v2  }
0x81: {  	v53 =	vmov s12;
	v38 =	vmul.f32 v39, v38  }
0x82: {  	v39 =	vshrl.u32 v53, $0x3  }
0x83: {  	v54 =	vshll.u32 v39, v3;
	[tilespmem:v37+s21+$0x0] =	vst.idx.msk $0xffff, v38  }
0x84: {  	v55 =	vbroadcast v36, $0x6;
	v37 =	vbroadcast v54, $0x0;
	v56 =	vld [tilespmem:s15+$0xFFFFFEC0];
	_ =	sdelay $0x1  }
0x85: {  	v57 =	vshll.u32 v55, v0;
	v58 =	vadd.s32 v16, v37  }
0x86: {  	vm12 =	vlt.s32 v57, $0x0  }
0x87: {  	v40 =	vsel vm12, $0x3F8E38E4, v2  }
0x88: {  	v39 =	vmul.f32 v56, v40;
	_ =	sdelay $0x1  }
0x89: {  	[tilespmem:v58+s21+$0x0] =	vst.idx.msk $0xffff, v39  }
0x8a: {  	v39 =	vld [tilespmem:s15+$0xFFFFFED0];
	_ =	sdelay $0x1  }
0x8b: {  	v38 =	vshll.u32 v55, v4;
	v59 =	vadd.s32 v17, v37  }
0x8c: {  	vm13 =	vlt.s32 v38, $0x0  }
0x8d: {  	v38 =	vsel vm13, $0x3F8E38E4, v2  }
0x8e: {  	v38 =	vmul.f32 v39, v38;
	_ =	sdelay $0x1  }
0x8f: {  	[tilespmem:v59+s21+$0x0] =	vst.idx.msk $0xffff, v38  }
0x90: {  	v60 =	vbroadcast v36, $0x7;
	v61 =	vld [tilespmem:s15+$0xFFFFFEE0];
	_ =	sdelay $0x1  }
0x91: {  	v62 =	vshll.u32 v60, v0;
	v63 =	vadd.s32 v18, v37  }
0x92: {  	vm14 =	vlt.s32 v62, $0x0  }
0x93: {  	v40 =	vsel vm14, $0x3F8E38E4, v2  }
0x94: {  	v39 =	vmul.f32 v61, v40;
	_ =	sdelay $0x1  }
0x95: {  	[tilespmem:v63+s21+$0x0] =	vst.idx.msk $0xffff, v39  }
0x96: {  	v39 =	vld [tilespmem:s15+$0xFFFFFEF0];
	_ =	sdelay $0x1  }
0x97: {  	v37 =	vadd.s32 v19, v37;
	v38 =	vshll.u32 v60, v4  }
0x98: {  	vm15 =	vlt.s32 v38, $0x0  }
0x99: {  	s12 =	sadd.s32 $0xFFFFFFF5, s0;
	v38 =	vsel vm15, $0x3F8E38E4, v2  }
0x9a: {  	v42 =	vmov s12;
	v38 =	vmul.f32 v39, v38  }
0x9b: {  	v39 =	vshrl.u32 v42, $0x3  }
0x9c: {  	v43 =	vshll.u32 v39, v3;
	[tilespmem:v37+s21+$0x0] =	vst.idx.msk $0xffff, v38  }
0x9d: {  	v44 =	vbroadcast v36, $0x8;
	v37 =	vbroadcast v43, $0x0;
	v45 =	vld [tilespmem:s15+$0xFFFFFF00];
	_ =	sdelay $0x1  }
0x9e: {  	v46 =	vshll.u32 v44, v0;
	v47 =	vadd.s32 v20, v37  }
0x9f: {  	vm4 =	vlt.s32 v46, $0x0  }
0xa0: {  	v40 =	vsel vm4, $0x3F8E38E4, v2  }
0xa1: {  	v39 =	vmul.f32 v45, v40;
	_ =	sdelay $0x1  }
0xa2: {  	[tilespmem:v47+s21+$0x0] =	vst.idx.msk $0xffff, v39  }
0xa3: {  	v39 =	vld [tilespmem:s15+$0xFFFFFF10];
	_ =	sdelay $0x1  }
0xa4: {  	v38 =	vshll.u32 v44, v4;
	v48 =	vadd.s32 v21, v37  }
0xa5: {  	vm5 =	vlt.s32 v38, $0x0  }
0xa6: {  	v38 =	vsel vm5, $0x3F8E38E4, v2  }
0xa7: {  	v38 =	vmul.f32 v39, v38;
	_ =	sdelay $0x1  }
0xa8: {  	[tilespmem:v48+s21+$0x0] =	vst.idx.msk $0xffff, v38  }
0xa9: {  	v49 =	vbroadcast v36, $0x9;
	v50 =	vld [tilespmem:s15+$0xFFFFFF20];
	_ =	sdelay $0x1  }
0xaa: {  	v51 =	vshll.u32 v49, v0;
	v52 =	vadd.s32 v22, v37  }
0xab: {  	vm6 =	vlt.s32 v51, $0x0  }
0xac: {  	v40 =	vsel vm6, $0x3F8E38E4, v2  }
0xad: {  	v39 =	vmul.f32 v50, v40;
	_ =	sdelay $0x1  }
0xae: {  	[tilespmem:v52+s21+$0x0] =	vst.idx.msk $0xffff, v39  }
0xaf: {  	v39 =	vld [tilespmem:s15+$0xFFFFFF30];
	_ =	sdelay $0x1  }
0xb0: {  	v37 =	vadd.s32 v23, v37;
	v38 =	vshll.u32 v49, v4  }
0xb1: {  	vm7 =	vlt.s32 v38, $0x0  }
0xb2: {  	s12 =	sadd.s32 $0xFFFFFFF6, s0;
	v38 =	vsel vm7, $0x3F8E38E4, v2  }
0xb3: {  	v53 =	vmov s12;
	v38 =	vmul.f32 v39, v38  }
0xb4: {  	v39 =	vshrl.u32 v53, $0x3  }
0xb5: {  	v54 =	vshll.u32 v39, v3;
	[tilespmem:v37+s21+$0x0] =	vst.idx.msk $0xffff, v38  }
0xb6: {  	v55 =	vbroadcast v36, $0xA;
	v37 =	vbroadcast v54, $0x0;
	v56 =	vld [tilespmem:s15+$0xFFFFFF40];
	_ =	sdelay $0x1  }
0xb7: {  	v57 =	vshll.u32 v55, v0;
	v58 =	vadd.s32 v24, v37  }
0xb8: {  	vm8 =	vlt.s32 v57, $0x0  }
0xb9: {  	v40 =	vsel vm8, $0x3F8E38E4, v2  }
0xba: {  	v39 =	vmul.f32 v56, v40;
	_ =	sdelay $0x1  }
0xbb: {  	[tilespmem:v58+s21+$0x0] =	vst.idx.msk $0xffff, v39  }
0xbc: {  	v39 =	vld [tilespmem:s15+$0xFFFFFF50];
	_ =	sdelay $0x1  }
0xbd: {  	v38 =	vshll.u32 v55, v4;
	v59 =	vadd.s32 v25, v37  }
0xbe: {  	vm9 =	vlt.s32 v38, $0x0  }
0xbf: {  	v38 =	vsel vm9, $0x3F8E38E4, v2  }
0xc0: {  	v38 =	vmul.f32 v39, v38;
	_ =	sdelay $0x1  }
0xc1: {  	[tilespmem:v59+s21+$0x0] =	vst.idx.msk $0xffff, v38  }
0xc2: {  	v60 =	vbroadcast v36, $0xB;
	v61 =	vld [tilespmem:s15+$0xFFFFFF60];
	_ =	sdelay $0x1  }
0xc3: {  	v62 =	vshll.u32 v60, v0;
	v63 =	vadd.s32 v26, v37  }
0xc4: {  	vm10 =	vlt.s32 v62, $0x0  }
0xc5: {  	v40 =	vsel vm10, $0x3F8E38E4, v2  }
0xc6: {  	v39 =	vmul.f32 v61, v40;
	_ =	sdelay $0x1  }
0xc7: {  	[tilespmem:v63+s21+$0x0] =	vst.idx.msk $0xffff, v39  }
0xc8: {  	v39 =	vld [tilespmem:s15+$0xFFFFFF70];
	_ =	sdelay $0x1  }
0xc9: {  	v37 =	vadd.s32 v27, v37;
	v38 =	vshll.u32 v60, v4  }
0xca: {  	vm11 =	vlt.s32 v38, $0x0  }
0xcb: {  	s12 =	sadd.s32 $0xFFFFFFF7, s0;
	v38 =	vsel vm11, $0x3F8E38E4, v2  }
0xcc: {  	v44 =	vmov s12;
	v38 =	vmul.f32 v39, v38  }
0xcd: {  	v39 =	vshrl.u32 v44, $0x3  }
0xce: {  	v45 =	vshll.u32 v39, v3;
	[tilespmem:v37+s21+$0x0] =	vst.idx.msk $0xffff, v38  }
0xcf: {  	v46 =	vbroadcast v36, $0xC;
	v37 =	vbroadcast v45, $0x0;
	v47 =	vld [tilespmem:s15+$0xFFFFFF80];
	_ =	sdelay $0x1  }
0xd0: {  	v48 =	vshll.u32 v46, v0;
	v49 =	vadd.s32 v28, v37  }
0xd1: {  	vm12 =	vlt.s32 v48, $0x0  }
0xd2: {  	v40 =	vsel vm12, $0x3F8E38E4, v2  }
0xd3: {  	v39 =	vmul.f32 v47, v40;
	_ =	sdelay $0x1  }
0xd4: {  	[tilespmem:v49+s21+$0x0] =	vst.idx.msk $0xffff, v39  }
0xd5: {  	v39 =	vld [tilespmem:s15+$0xFFFFFF90];
	_ =	sdelay $0x1  }
0xd6: {  	v38 =	vshll.u32 v46, v4;
	v50 =	vadd.s32 v29, v37  }
0xd7: {  	vm13 =	vlt.s32 v38, $0x0  }
0xd8: {  	v38 =	vsel vm13, $0x3F8E38E4, v2  }
0xd9: {  	v38 =	vmul.f32 v39, v38;
	_ =	sdelay $0x1  }
0xda: {  	[tilespmem:v50+s21+$0x0] =	vst.idx.msk $0xffff, v38  }
0xdb: {  	v51 =	vbroadcast v36, $0xD;
	v52 =	vld [tilespmem:s15+$0xFFFFFFA0];
	_ =	sdelay $0x1  }
0xdc: {  	v53 =	vshll.u32 v51, v0;
	v54 =	vadd.s32 v30, v37  }
0xdd: {  	vm14 =	vlt.s32 v53, $0x0  }
0xde: {  	v40 =	vsel vm14, $0x3F8E38E4, v2  }
0xdf: {  	v39 =	vmul.f32 v52, v40;
	_ =	sdelay $0x1  }
0xe0: {  	[tilespmem:v54+s21+$0x0] =	vst.idx.msk $0xffff, v39  }
0xe1: {  	v39 =	vld [tilespmem:s15+$0xFFFFFFB0];
	_ =	sdelay $0x1  }
0xe2: {  	v37 =	vadd.s32 v31, v37;
	v38 =	vshll.u32 v51, v4  }
0xe3: {  	vm15 =	vlt.s32 v38, $0x0  }
0xe4: {  	s12 =	sadd.s32 $0xFFFFFFF8, s0;
	v38 =	vsel vm15, $0x3F8E38E4, v2  }
0xe5: {  	v55 =	vmov s12;
	v38 =	vmul.f32 v39, v38  }
0xe6: {  	v39 =	vshrl.u32 v55, $0x3  }
0xe7: {  	v56 =	vshll.u32 v39, v3;
	[tilespmem:v37+s21+$0x0] =	vst.idx.msk $0xffff, v38  }
0xe8: {  	v57 =	vbroadcast v36, $0xE;
	v37 =	vbroadcast v56, $0x0;
	v58 =	vld [tilespmem:s15+$0xFFFFFFC0];
	_ =	sdelay $0x1  }
0xe9: {  	v59 =	vshll.u32 v57, v0;
	v60 =	vadd.s32 v32, v37  }
0xea: {  	vm4 =	vlt.s32 v59, $0x0  }
0xeb: {  	v40 =	vsel vm4, $0x3F8E38E4, v2  }
0xec: {  	v39 =	vmul.f32 v58, v40;
	_ =	sdelay $0x1  }
0xed: {  	[tilespmem:v60+s21+$0x0] =	vst.idx.msk $0xffff, v39  }
0xee: {  	v39 =	vld [tilespmem:s15+$0xFFFFFFD0];
	_ =	sdelay $0x1  }
0xef: {  	v38 =	vshll.u32 v57, v4;
	v61 =	vadd.s32 v33, v37  }
0xf0: {  	vm5 =	vlt.s32 v38, $0x0  }
0xf1: {  	v38 =	vsel vm5, $0x3F8E38E4, v2  }
0xf2: {  	v38 =	vmul.f32 v39, v38;
	_ =	sdelay $0x1  }
0xf3: {  	[tilespmem:v61+s21+$0x0] =	vst.idx.msk $0xffff, v38  }
0xf4: {  	v36 =	vbroadcast v36, $0xF;
	v38 =	vld [tilespmem:s15+$0xFFFFFFE0];
	_ =	sdelay $0x1  }
0xf5: {  	v62 =	vshll.u32 v36, v0;
	v63 =	vadd.s32 v34, v37  }
0xf6: {  	vm6 =	vlt.s32 v62, $0x0  }
0xf7: {  	v39 =	vsel vm6, $0x3F8E38E4, v2  }
0xf8: {  	v38 =	vmul.f32 v38, v39;
	_ =	sdelay $0x1  }
0xf9: {  	[tilespmem:v63+s21+$0x0] =	vst.idx.msk $0xffff, v38  }
0xfa: {  	v38 =	vld [tilespmem:s15+$0xFFFFFFF0];
	_ =	sdelay $0x1  }
0xfb: {  	v36 =	vshll.u32 v36, v4;
	v37 =	vadd.s32 v35, v37  }
0xfc: {  	vm7 =	vlt.s32 v36, $0x0  }
0xfd: {  	v36 =	vsel vm7, $0x3F8E38E4, v2  }
0xfe: {  	s12 =	sadd.s32 $0x10, s1;
	v36 =	vmul.f32 v38, v36  }
0xff: {  	s9 =	sand.u32 $0x70, s12  }
0x100: {  	s7 =	sor.u32 s9, s7;
	[tilespmem:v37+s21+$0x0] =	vst.idx.msk $0xffff, v36  }
0x101: {  	v36 =	vld [tilespmem:s7+$0x0]  }
0x102: {  	s12 =	sadd.s32 $0xFFFFFFF9, s0  }
0x103: {  	v43 =	vmov s12  }
0x104: {  	v37 =	vshrl.u32 v43, $0x3  }
0x105: {  	v37 =	vshll.u32 v37, v3  }
0x106: {  	v45 =	vld [tilespmem:s15+$0x0];
	v37 =	vbroadcast v37, $0x0;
	v44 =	vbroadcast v36, $0x0;
	_ =	sdelay $0x1  }
0x107: {  	v47 =	vadd.s32 v1, v37;
	v46 =	vshll.u32 v44, v0  }
0x108: {  	vm8 =	vlt.s32 v46, $0x0  }
0x109: {  	v40 =	vsel vm8, $0x3F8E38E4, v2  }
0x10a: {  	v39 =	vmul.f32 v40, v45;
	_ =	sdelay $0x1  }
0x10b: {  	[tilespmem:v47+s21+$0x0] =	vst.idx.msk $0xffff, v39  }
0x10c: {  	v39 =	vld [tilespmem:s15+$0x10];
	_ =	sdelay $0x1  }
0x10d: {  	v48 =	vadd.s32 v5, v37;
	v38 =	vshll.u32 v44, v4  }
0x10e: {  	vm9 =	vlt.s32 v38, $0x0  }
0x10f: {  	v38 =	vsel vm9, $0x3F8E38E4, v2  }
0x110: {  	v38 =	vmul.f32 v38, v39;
	_ =	sdelay $0x1  }
0x111: {  	[tilespmem:v48+s21+$0x0] =	vst.idx.msk $0xffff, v38  }
0x112: {  	v49 =	vbroadcast v36, $0x1;
	v50 =	vld [tilespmem:s15+$0x20];
	_ =	sdelay $0x1  }
0x113: {  	v52 =	vadd.s32 v6, v37;
	v51 =	vshll.u32 v49, v0  }
0x114: {  	vm10 =	vlt.s32 v51, $0x0  }
0x115: {  	v40 =	vsel vm10, $0x3F8E38E4, v2  }
0x116: {  	v39 =	vmul.f32 v50, v40;
	_ =	sdelay $0x1  }
0x117: {  	[tilespmem:v52+s21+$0x0] =	vst.idx.msk $0xffff, v39  }
0x118: {  	v39 =	vld [tilespmem:s15+$0x30];
	_ =	sdelay $0x1  }
0x119: {  	v37 =	vadd.s32 v7, v37;
	v38 =	vshll.u32 v49, v4  }
0x11a: {  	vm11 =	vlt.s32 v38, $0x0  }
0x11b: {  	s9 =	sadd.s32 $0xFFFFFFFA, s0;
	v38 =	vsel vm11, $0x3F8E38E4, v2  }
0x11c: {  	v53 =	vmov s9;
	v38 =	vmul.f32 v39, v38  }
0x11d: {  	v39 =	vshrl.u32 v53, $0x3  }
0x11e: {  	v54 =	vshll.u32 v39, v3;
	[tilespmem:v37+s21+$0x0] =	vst.idx.msk $0xffff, v38  }
0x11f: {  	v55 =	vbroadcast v36, $0x2;
	v37 =	vbroadcast v54, $0x0;
	v56 =	vld [tilespmem:s15+$0x40];
	_ =	sdelay $0x1  }
0x120: {  	v57 =	vshll.u32 v55, v0;
	v58 =	vadd.s32 v8, v37  }
0x121: {  	vm12 =	vlt.s32 v57, $0x0  }
0x122: {  	v40 =	vsel vm12, $0x3F8E38E4, v2  }
0x123: {  	v39 =	vmul.f32 v56, v40;
	_ =	sdelay $0x1  }
0x124: {  	[tilespmem:v58+s21+$0x0] =	vst.idx.msk $0xffff, v39  }
0x125: {  	v39 =	vld [tilespmem:s15+$0x50];
	_ =	sdelay $0x1  }
0x126: {  	v38 =	vshll.u32 v55, v4;
	v59 =	vadd.s32 v9, v37  }
0x127: {  	vm13 =	vlt.s32 v38, $0x0  }
0x128: {  	v38 =	vsel vm13, $0x3F8E38E4, v2  }
0x129: {  	v38 =	vmul.f32 v39, v38;
	_ =	sdelay $0x1  }
0x12a: {  	[tilespmem:v59+s21+$0x0] =	vst.idx.msk $0xffff, v38  }
0x12b: {  	v60 =	vbroadcast v36, $0x3;
	v61 =	vld [tilespmem:s15+$0x60];
	_ =	sdelay $0x1  }
0x12c: {  	v62 =	vshll.u32 v60, v0;
	v63 =	vadd.s32 v10, v37  }
0x12d: {  	vm14 =	vlt.s32 v62, $0x0  }
0x12e: {  	v40 =	vsel vm14, $0x3F8E38E4, v2  }
0x12f: {  	v39 =	vmul.f32 v61, v40;
	_ =	sdelay $0x1  }
0x130: {  	[tilespmem:v63+s21+$0x0] =	vst.idx.msk $0xffff, v39  }
0x131: {  	v39 =	vld [tilespmem:s15+$0x70];
	_ =	sdelay $0x1  }
0x132: {  	v37 =	vadd.s32 v11, v37;
	v38 =	vshll.u32 v60, v4  }
0x133: {  	vm15 =	vlt.s32 v38, $0x0  }
0x134: {  	s12 =	sadd.s32 $0xFFFFFFFB, s0;
	v38 =	vsel vm15, $0x3F8E38E4, v2  }
0x135: {  	v42 =	vmov s12;
	v38 =	vmul.f32 v39, v38  }
0x136: {  	v39 =	vshrl.u32 v42, $0x3  }
0x137: {  	v43 =	vshll.u32 v39, v3;
	[tilespmem:v37+s21+$0x0] =	vst.idx.msk $0xffff, v38  }
0x138: {  	v44 =	vbroadcast v36, $0x4;
	v37 =	vbroadcast v43, $0x0;
	v45 =	vld [tilespmem:s15+$0x80];
	_ =	sdelay $0x1  }
0x139: {  	v46 =	vshll.u32 v44, v0;
	v47 =	vadd.s32 v12, v37  }
0x13a: {  	vm4 =	vlt.s32 v46, $0x0  }
0x13b: {  	v40 =	vsel vm4, $0x3F8E38E4, v2  }
0x13c: {  	v39 =	vmul.f32 v45, v40;
	_ =	sdelay $0x1  }
0x13d: {  	[tilespmem:v47+s21+$0x0] =	vst.idx.msk $0xffff, v39  }
0x13e: {  	v39 =	vld [tilespmem:s15+$0x90];
	_ =	sdelay $0x1  }
0x13f: {  	v38 =	vshll.u32 v44, v4;
	v48 =	vadd.s32 v13, v37  }
0x140: {  	vm5 =	vlt.s32 v38, $0x0  }
0x141: {  	v38 =	vsel vm5, $0x3F8E38E4, v2  }
0x142: {  	v38 =	vmul.f32 v39, v38;
	_ =	sdelay $0x1  }
0x143: {  	[tilespmem:v48+s21+$0x0] =	vst.idx.msk $0xffff, v38  }
0x144: {  	v49 =	vbroadcast v36, $0x5;
	v50 =	vld [tilespmem:s15+$0xA0];
	_ =	sdelay $0x1  }
0x145: {  	v51 =	vshll.u32 v49, v0;
	v52 =	vadd.s32 v14, v37  }
0x146: {  	vm6 =	vlt.s32 v51, $0x0  }
0x147: {  	v40 =	vsel vm6, $0x3F8E38E4, v2  }
0x148: {  	v39 =	vmul.f32 v50, v40;
	_ =	sdelay $0x1  }
0x149: {  	[tilespmem:v52+s21+$0x0] =	vst.idx.msk $0xffff, v39  }
0x14a: {  	v39 =	vld [tilespmem:s15+$0xB0];
	_ =	sdelay $0x1  }
0x14b: {  	v37 =	vadd.s32 v15, v37;
	v38 =	vshll.u32 v49, v4  }
0x14c: {  	vm7 =	vlt.s32 v38, $0x0  }
0x14d: {  	s9 =	sadd.s32 $0xFFFFFFFC, s0;
	v38 =	vsel vm7, $0x3F8E38E4, v2  }
0x14e: {  	v53 =	vmov s9;
	v38 =	vmul.f32 v39, v38  }
0x14f: {  	v39 =	vshrl.u32 v53, $0x3  }
0x150: {  	v54 =	vshll.u32 v39, v3;
	[tilespmem:v37+s21+$0x0] =	vst.idx.msk $0xffff, v38  }
0x151: {  	v55 =	vbroadcast v36, $0x6;
	v37 =	vbroadcast v54, $0x0;
	v56 =	vld [tilespmem:s15+$0xC0];
	_ =	sdelay $0x1  }
0x152: {  	v57 =	vshll.u32 v55, v0;
	v58 =	vadd.s32 v16, v37  }
0x153: {  	vm8 =	vlt.s32 v57, $0x0  }
0x154: {  	v40 =	vsel vm8, $0x3F8E38E4, v2  }
0x155: {  	v39 =	vmul.f32 v56, v40;
	_ =	sdelay $0x1  }
0x156: {  	[tilespmem:v58+s21+$0x0] =	vst.idx.msk $0xffff, v39  }
0x157: {  	v39 =	vld [tilespmem:s15+$0xD0];
	_ =	sdelay $0x1  }
0x158: {  	v38 =	vshll.u32 v55, v4;
	v59 =	vadd.s32 v17, v37  }
0x159: {  	vm9 =	vlt.s32 v38, $0x0  }
0x15a: {  	v38 =	vsel vm9, $0x3F8E38E4, v2  }
0x15b: {  	v38 =	vmul.f32 v39, v38;
	_ =	sdelay $0x1  }
0x15c: {  	[tilespmem:v59+s21+$0x0] =	vst.idx.msk $0xffff, v38  }
0x15d: {  	v60 =	vbroadcast v36, $0x7;
	v61 =	vld [tilespmem:s15+$0xE0];
	_ =	sdelay $0x1  }
0x15e: {  	v62 =	vshll.u32 v60, v0;
	v63 =	vadd.s32 v18, v37  }
0x15f: {  	vm10 =	vlt.s32 v62, $0x0  }
0x160: {  	v40 =	vsel vm10, $0x3F8E38E4, v2  }
0x161: {  	v39 =	vmul.f32 v61, v40;
	_ =	sdelay $0x1  }
0x162: {  	[tilespmem:v63+s21+$0x0] =	vst.idx.msk $0xffff, v39  }
0x163: {  	v39 =	vld [tilespmem:s15+$0xF0];
	_ =	sdelay $0x1  }
0x164: {  	v37 =	vadd.s32 v19, v37;
	v38 =	vshll.u32 v60, v4  }
0x165: {  	vm11 =	vlt.s32 v38, $0x0  }
0x166: {  	s12 =	sadd.s32 $0xFFFFFFFD, s0;
	v38 =	vsel vm11, $0x3F8E38E4, v2  }
0x167: {  	v42 =	vmov s12;
	v38 =	vmul.f32 v39, v38  }
0x168: {  	v39 =	vshrl.u32 v42, $0x3  }
0x169: {  	v43 =	vshll.u32 v39, v3;
	[tilespmem:v37+s21+$0x0] =	vst.idx.msk $0xffff, v38  }
0x16a: {  	v44 =	vbroadcast v36, $0x8;
	v37 =	vbroadcast v43, $0x0;
	v45 =	vld [tilespmem:s15+$0x100];
	_ =	sdelay $0x1  }
0x16b: {  	v46 =	vshll.u32 v44, v0;
	v47 =	vadd.s32 v20, v37  }
0x16c: {  	vm12 =	vlt.s32 v46, $0x0  }
0x16d: {  	v40 =	vsel vm12, $0x3F8E38E4, v2  }
0x16e: {  	v39 =	vmul.f32 v45, v40;
	_ =	sdelay $0x1  }
0x16f: {  	[tilespmem:v47+s21+$0x0] =	vst.idx.msk $0xffff, v39  }
0x170: {  	v39 =	vld [tilespmem:s15+$0x110];
	_ =	sdelay $0x1  }
0x171: {  	v38 =	vshll.u32 v44, v4;
	v48 =	vadd.s32 v21, v37  }
0x172: {  	vm13 =	vlt.s32 v38, $0x0  }
0x173: {  	v38 =	vsel vm13, $0x3F8E38E4, v2  }
0x174: {  	v38 =	vmul.f32 v39, v38;
	_ =	sdelay $0x1  }
0x175: {  	[tilespmem:v48+s21+$0x0] =	vst.idx.msk $0xffff, v38  }
0x176: {  	v49 =	vbroadcast v36, $0x9;
	v50 =	vld [tilespmem:s15+$0x120];
	_ =	sdelay $0x1  }
0x177: {  	v51 =	vshll.u32 v49, v0;
	v52 =	vadd.s32 v22, v37  }
0x178: {  	vm14 =	vlt.s32 v51, $0x0  }
0x179: {  	v40 =	vsel vm14, $0x3F8E38E4, v2  }
0x17a: {  	v39 =	vmul.f32 v50, v40;
	_ =	sdelay $0x1  }
0x17b: {  	[tilespmem:v52+s21+$0x0] =	vst.idx.msk $0xffff, v39  }
0x17c: {  	v39 =	vld [tilespmem:s15+$0x130];
	_ =	sdelay $0x1  }
0x17d: {  	v37 =	vadd.s32 v23, v37;
	v38 =	vshll.u32 v49, v4  }
0x17e: {  	vm15 =	vlt.s32 v38, $0x0  }
0x17f: {  	s9 =	sadd.s32 $0xFFFFFFFE, s0;
	v38 =	vsel vm15, $0x3F8E38E4, v2  }
0x180: {  	v53 =	vmov s9;
	v38 =	vmul.f32 v39, v38  }
0x181: {  	v39 =	vshrl.u32 v53, $0x3  }
0x182: {  	v54 =	vshll.u32 v39, v3;
	[tilespmem:v37+s21+$0x0] =	vst.idx.msk $0xffff, v38  }
0x183: {  	v55 =	vbroadcast v36, $0xA;
	v37 =	vbroadcast v54, $0x0;
	v56 =	vld [tilespmem:s15+$0x140];
	_ =	sdelay $0x1  }
0x184: {  	v57 =	vshll.u32 v55, v0;
	v58 =	vadd.s32 v24, v37  }
0x185: {  	vm4 =	vlt.s32 v57, $0x0  }
0x186: {  	v40 =	vsel vm4, $0x3F8E38E4, v2  }
0x187: {  	v39 =	vmul.f32 v56, v40;
	_ =	sdelay $0x1  }
0x188: {  	[tilespmem:v58+s21+$0x0] =	vst.idx.msk $0xffff, v39  }
0x189: {  	v39 =	vld [tilespmem:s15+$0x150];
	_ =	sdelay $0x1  }
0x18a: {  	v38 =	vshll.u32 v55, v4;
	v59 =	vadd.s32 v25, v37  }
0x18b: {  	vm5 =	vlt.s32 v38, $0x0  }
0x18c: {  	v38 =	vsel vm5, $0x3F8E38E4, v2  }
0x18d: {  	v38 =	vmul.f32 v39, v38;
	_ =	sdelay $0x1  }
0x18e: {  	[tilespmem:v59+s21+$0x0] =	vst.idx.msk $0xffff, v38  }
0x18f: {  	v60 =	vbroadcast v36, $0xB;
	v61 =	vld [tilespmem:s15+$0x160];
	_ =	sdelay $0x1  }
0x190: {  	v62 =	vshll.u32 v60, v0;
	v63 =	vadd.s32 v26, v37  }
0x191: {  	vm6 =	vlt.s32 v62, $0x0  }
0x192: {  	v40 =	vsel vm6, $0x3F8E38E4, v2  }
0x193: {  	v39 =	vmul.f32 v61, v40;
	_ =	sdelay $0x1  }
0x194: {  	[tilespmem:v63+s21+$0x0] =	vst.idx.msk $0xffff, v39  }
0x195: {  	v39 =	vld [tilespmem:s15+$0x170];
	_ =	sdelay $0x1  }
0x196: {  	v37 =	vadd.s32 v27, v37;
	v38 =	vshll.u32 v60, v4  }
0x197: {  	vm7 =	vlt.s32 v38, $0x0  }
0x198: {  	s12 =	sadd.s32 $0xFFFFFFFF, s0;
	v38 =	vsel vm7, $0x3F8E38E4, v2  }
0x199: {  	v44 =	vmov s12;
	v38 =	vmul.f32 v39, v38  }
0x19a: {  	v39 =	vshrl.u32 v44, $0x3  }
0x19b: {  	v45 =	vshll.u32 v39, v3;
	[tilespmem:v37+s21+$0x0] =	vst.idx.msk $0xffff, v38  }
0x19c: {  	v46 =	vbroadcast v36, $0xC;
	v37 =	vbroadcast v45, $0x0;
	v47 =	vld [tilespmem:s15+$0x180];
	_ =	sdelay $0x1  }
0x19d: {  	v48 =	vshll.u32 v46, v0;
	v49 =	vadd.s32 v28, v37  }
0x19e: {  	vm8 =	vlt.s32 v48, $0x0  }
0x19f: {  	v40 =	vsel vm8, $0x3F8E38E4, v2  }
0x1a0: {  	v39 =	vmul.f32 v47, v40;
	_ =	sdelay $0x1  }
0x1a1: {  	[tilespmem:v49+s21+$0x0] =	vst.idx.msk $0xffff, v39  }
0x1a2: {  	v39 =	vld [tilespmem:s15+$0x190];
	_ =	sdelay $0x1  }
0x1a3: {  	v38 =	vshll.u32 v46, v4;
	v50 =	vadd.s32 v29, v37  }
0x1a4: {  	vm9 =	vlt.s32 v38, $0x0  }
0x1a5: {  	v38 =	vsel vm9, $0x3F8E38E4, v2  }
0x1a6: {  	v38 =	vmul.f32 v39, v38;
	_ =	sdelay $0x1  }
0x1a7: {  	[tilespmem:v50+s21+$0x0] =	vst.idx.msk $0xffff, v38  }
0x1a8: {  	v51 =	vbroadcast v36, $0xD;
	v52 =	vld [tilespmem:s15+$0x1A0];
	_ =	sdelay $0x1  }
0x1a9: {  	v53 =	vshll.u32 v51, v0;
	v54 =	vadd.s32 v30, v37  }
0x1aa: {  	vm10 =	vlt.s32 v53, $0x0  }
0x1ab: {  	v40 =	vsel vm10, $0x3F8E38E4, v2  }
0x1ac: {  	v39 =	vmul.f32 v52, v40;
	_ =	sdelay $0x1  }
0x1ad: {  	[tilespmem:v54+s21+$0x0] =	vst.idx.msk $0xffff, v39  }
0x1ae: {  	v39 =	vld [tilespmem:s15+$0x1B0];
	_ =	sdelay $0x1  }
0x1af: {  	v37 =	vadd.s32 v31, v37;
	v38 =	vshll.u32 v51, v4  }
0x1b0: {  	vm11 =	vlt.s32 v38, $0x0  }
0x1b1: {  	v38 =	vsel vm11, $0x3F8E38E4, v2  }
0x1b2: {  	v55 =	vmov s0;
	v38 =	vmul.f32 v39, v38  }
0x1b3: {  	v39 =	vshrl.u32 v55, $0x3  }
0x1b4: {  	v56 =	vshll.u32 v39, v3;
	[tilespmem:v37+s21+$0x0] =	vst.idx.msk $0xffff, v38  }
0x1b5: {  	v57 =	vbroadcast v36, $0xE;
	v37 =	vbroadcast v56, $0x0;
	v58 =	vld [tilespmem:s15+$0x1C0];
	_ =	sdelay $0x1  }
0x1b6: {  	v59 =	vshll.u32 v57, v0;
	v60 =	vadd.s32 v32, v37  }
0x1b7: {  	vm12 =	vlt.s32 v59, $0x0  }
0x1b8: {  	v40 =	vsel vm12, $0x3F8E38E4, v2  }
0x1b9: {  	v39 =	vmul.f32 v58, v40;
	_ =	sdelay $0x1  }
0x1ba: {  	[tilespmem:v60+s21+$0x0] =	vst.idx.msk $0xffff, v39  }
0x1bb: {  	v39 =	vld [tilespmem:s15+$0x1D0];
	_ =	sdelay $0x1  }
0x1bc: {  	v38 =	vshll.u32 v57, v4;
	v61 =	vadd.s32 v33, v37  }
0x1bd: {  	vm13 =	vlt.s32 v38, $0x0  }
0x1be: {  	v38 =	vsel vm13, $0x3F8E38E4, v2  }
0x1bf: {  	v38 =	vmul.f32 v39, v38;
	_ =	sdelay $0x1  }
0x1c0: {  	[tilespmem:v61+s21+$0x0] =	vst.idx.msk $0xffff, v38  }
0x1c1: {  	v36 =	vbroadcast v36, $0xF;
	v38 =	vld [tilespmem:s15+$0x1E0];
	_ =	sdelay $0x1  }
0x1c2: {  	v62 =	vshll.u32 v36, v0;
	v63 =	vadd.s32 v34, v37  }
0x1c3: {  	vm14 =	vlt.s32 v62, $0x0  }
0x1c4: {  	v39 =	vsel vm14, $0x3F8E38E4, v2  }
0x1c5: {  	v38 =	vmul.f32 v38, v39;
	_ =	sdelay $0x1  }
0x1c6: {  	[tilespmem:v63+s21+$0x0] =	vst.idx.msk $0xffff, v38  }
0x1c7: {  	v38 =	vld [tilespmem:s15+$0x1F0]  }
0x1c8: {  	s31 =	sadd.s32 $0x2, s31  }
0x1c9: {  	p1 =	slt.u32 s31, $0xE;
	v36 =	vshll.u32 v36, v4;
	v37 =	vadd.s32 v35, v37  }
.Ltmp2:
0x1ca: {  	vm15 =	vlt.s32 v36, $0x0;
	(pc) =	sbr.rel @p1 .LBB2_3-.Ltmp2, $4  }
0x1cb: {  	v36 =	vsel vm15, $0x3F8E38E4, v2  }
0x1cc: {  	v36 =	vmul.f32 v38, v36  }
0x1cd: {  	s16 =	sadd.s32 $0x80, s16  }
0x1ce: {  	s1 =	sadd.s32 $0x20, s1;
	s0 =	sadd.s32 $0x10, s0;
	s15 =	sadd.s32 $0x400, s15;
	[tilespmem:v37+s21+$0x0] =	vst.idx.msk $0xffff, v36  }
0x1cf: {  	s0 =	sshll.u32 s29, $0x10  }
0x1d0: {  	s31 =	sor.u32 s10, s0  }
0x1d1: {  	s9 =	simm.s32 $0x5B00;
	s1 =	sadd.s32 s2, s31  }
0x1d2: {  	[hbm4b:s1+s3] =	stream.linear.scatter [tilespmem:s9], [sflag:$0x5], $0x80, $0x38;
	[tilespmem:$0x9F00] =	vst v63  }
0x1d3: {  	s12 =	simm.s32 $0x5B88;
	s7 =	sadd.s32 $0x10, s1  }
0x1d4: {  	[hbm4b:s7+s3] =	stream.linear.scatter [tilespmem:s12], [sflag:$0x5], $0x80, $0x38;
	[tilespmem:$0x9F00] =	vst v63  }
0x1d5: {  	s15 =	simm.s32 $0x5C10;
	s16 =	sadd.s32 $0x20, s1  }
0x1d6: {  	[hbm4b:s16+s3] =	stream.linear.scatter [tilespmem:s15], [sflag:$0x5], $0x80, $0x38;
	[tilespmem:$0x9F00] =	vst v63  }
0x1d7: {  	s9 =	simm.s32 $0x5C98;
	s12 =	sadd.s32 $0x30, s1  }
0x1d8: {  	[hbm4b:s12+s3] =	stream.linear.scatter [tilespmem:s9], [sflag:$0x5], $0x80, $0x38;
	[tilespmem:$0x9F00] =	vst v63  }
0x1d9: {  	s15 =	simm.s32 $0x5D20;
	s16 =	sadd.s32 $0x40, s1  }
0x1da: {  	[hbm4b:s16+s3] =	stream.linear.scatter [tilespmem:s15], [sflag:$0x5], $0x80, $0x38;
	[tilespmem:$0x9F00] =	vst v63  }
0x1db: {  	s0 =	simm.s32 $0x440;
	s9 =	simm.s32 $0x5DA8;
	s12 =	sadd.s32 $0x50, s1  }
0x1dc: {  	[hbm4b:s12+s3] =	stream.linear.scatter [tilespmem:s9], [sflag:$0x5], $0x80, $0x38;
	[tilespmem:$0x9F00] =	vst v63  }
0x1dd: {  	s7 =	simm.s32 $0x2200;
	s15 =	simm.s32 $0x5E30;
	s16 =	sadd.s32 $0x60, s1  }
0x1de: {  	[hbm4b:s16+s3] =	stream.linear.scatter [tilespmem:s15], [sflag:$0x5], $0x80, $0x38;
	[tilespmem:$0x9F00] =	vst v63  }
0x1df: {  	s9 =	simm.s32 $0x5EB8;
	s15 =	sadd.s32 $0x70, s1;
	s1 =	sadd.s32 $0x1000, s1  }
.LBB2_5:
0x1e0: {  	[hbm4b:s15+s3] =	stream.linear.scatter [tilespmem:s9], [sflag:$0x5], $0x80, $0x38;
	[tilespmem:$0x9F00] =	vst v63  }
0x1e1: {  	s9 =	smov.u32 s0;
	s0 =	smov.u32 s7  }
0x1e2: {  	s16 =	sadd.s32 $0x1100, s7;
	s0 =	sshra.s32 s0, $0x2;
	s15 =	sadd.s32 $0x5B00, s9  }
0x1e3: {  	[hbm4b:s1+s3] =	stream.linear.scatter [tilespmem:s15], [sflag:$0x5], $0x80, $0x38;
	[tilespmem:$0x9F00] =	vst v63  }
0x1e4: {  	p1 =	sne.s32 s7, $0x7700;
	s7 =	sadd.s32 $0x5B88, s9;
	s15 =	sadd.s32 $0x10, s1  }
0x1e5: {  	[hbm4b:s15+s3] =	stream.linear.scatter [tilespmem:s7], [sflag:$0x5], $0x80, $0x38;
	[tilespmem:$0x9F00] =	vst v63  }
0x1e6: {  	s7 =	sadd.s32 $0x5C10, s9;
	s15 =	sadd.s32 $0x20, s1  }
0x1e7: {  	[hbm4b:s15+s3] =	stream.linear.scatter [tilespmem:s7], [sflag:$0x5], $0x80, $0x38;
	[tilespmem:$0x9F00] =	vst v63  }
0x1e8: {  	s7 =	sadd.s32 $0x5C98, s9;
	s15 =	sadd.s32 $0x30, s1  }
0x1e9: {  	[hbm4b:s15+s3] =	stream.linear.scatter [tilespmem:s7], [sflag:$0x5], $0x80, $0x38;
	[tilespmem:$0x9F00] =	vst v63  }
0x1ea: {  	s7 =	sadd.s32 $0x5D20, s9;
	s15 =	sadd.s32 $0x40, s1  }
0x1eb: {  	[hbm4b:s15+s3] =	stream.linear.scatter [tilespmem:s7], [sflag:$0x5], $0x80, $0x38;
	[tilespmem:$0x9F00] =	vst v63  }
.Ltmp3:
0x1ec: {  	s7 =	sadd.s32 $0x5DA8, s9;
	s15 =	sadd.s32 $0x50, s1;
	(pc) =	sbr.rel @p1 .LBB2_5-.Ltmp3, $4  }
0x1ed: {  	[hbm4b:s15+s3] =	stream.linear.scatter [tilespmem:s7], [sflag:$0x5], $0x80, $0x38;
	[tilespmem:$0x9F00] =	vst v63  }
0x1ee: {  	s7 =	sadd.s32 $0x5E30, s9;
	s15 =	sadd.s32 $0x60, s1;
	s9 =	sadd.s32 $0x5EB8, s9  }
0x1ef: {  	[hbm4b:s15+s3] =	stream.linear.scatter [tilespmem:s7], [sflag:$0x5], $0x80, $0x38;
	[tilespmem:$0x9F00] =	vst v63  }
0x1f0: {  	s15 =	sadd.s32 $0x70, s1;
	s1 =	sadd.s32 $0x1000, s1;
	s7 =	smov.u32 s16  }
0x1f1: {  	[hbm4b:s15+s3] =	stream.linear.scatter [tilespmem:s9], [sflag:$0x5], $0x80, $0x38;
	[tilespmem:$0x9F00] =	vst v63  }
0x1f2: {  	s7 =	sadd.s32 $0x5B00, s0  }
0x1f3: {  	[hbm4b:s1+s3] =	stream.linear.scatter [tilespmem:s7], [sflag:$0x5], $0x80, $0x38;
	[tilespmem:$0x9F00] =	vst v63  }
0x1f4: {  	s15 =	sadd.s32 $0x5B88, s0;
	s16 =	sadd.s32 $0x10, s1  }
0x1f5: {  	[hbm4b:s16+s3] =	stream.linear.scatter [tilespmem:s15], [sflag:$0x5], $0x80, $0x38;
	[tilespmem:$0x9F00] =	vst v63  }
0x1f6: {  	s9 =	sadd.s32 $0x5C10, s0;
	s12 =	sadd.s32 $0x20, s1  }
0x1f7: {  	[hbm4b:s12+s3] =	stream.linear.scatter [tilespmem:s9], [sflag:$0x5], $0x80, $0x38;
	[tilespmem:$0x9F00] =	vst v63  }
0x1f8: {  	s15 =	sadd.s32 $0x5C98, s0;
	s16 =	sadd.s32 $0x30, s1  }
0x1f9: {  	[hbm4b:s16+s3] =	stream.linear.scatter [tilespmem:s15], [sflag:$0x5], $0x80, $0x38;
	[tilespmem:$0x9F00] =	vst v63  }
0x1fa: {  	p1 =	seq.s32 s29, $0x18;
	s9 =	sadd.s32 $0x5D20, s0;
	s12 =	sadd.s32 $0x40, s1  }
0x1fb: {  	[hbm4b:s12+s3] =	stream.linear.scatter [tilespmem:s9], [sflag:$0x5], $0x80, $0x38;
	[tilespmem:$0x9F00] =	vst v63  }
0x1fc: {  	s15 =	sadd.s32 $0x5DA8, s0;
	s16 =	sadd.s32 $0x50, s1;
	s9 =	sadd.s32 $0x5E30, s0  }
0x1fd: {  	[hbm4b:s16+s3] =	stream.linear.scatter [tilespmem:s15], [sflag:$0x5], $0x80, $0x38;
	[tilespmem:$0x9F00] =	vst v63  }
0x1fe: {  	s12 =	sadd.s32 $0x60, s1;
	s15 =	sadd.s32 $0x5EB8, s0;
	s0 =	sadd.s32 @!p1 $0x2, s30  }
0x1ff: {  	s16 =	sadd.s32 $0x70, s1;
	s1 =	sshll.u32 @!p1 s0, $0x7;
	s0 =	sadd.s32 @!p1 s8, s0  }
0x200: {  	[hbm4b:s12+s3] =	stream.linear.scatter [tilespmem:s9], [sflag:$0x5], $0x80, $0x38;
	[tilespmem:$0x9F00] =	vst v63  }
0x201: {  	s1 =	sand.u32 @!p1 $0x3FFFFF80, s1;
	s0 =	sshll.u32 @!p1 s0, $0x5  }
0x202: {  	[hbm4b:s16+s3] =	stream.linear.scatter [tilespmem:s15], [sflag:$0x5], $0x80, $0x38;
	[tilespmem:$0x9F00] =	vst v63  }
0x203: {  	s7 =	simm.s32 @!p1 $0x80;
	s9 =	simm.s32 @!p1 $0x1900;
	s0 =	sand.u32 @!p1 $0xFFFFFC0, s0  }
0x204: {  	[tilespmem:s9], [sflag:$0x1] =	stream.indirect.gather @!p1 [hbm4b:s5+s7], $0x40, s1, s7, $0xb8;
	[tilespmem:$0x9F00] =	vst v63  }
0x205: {  	s0 =	sadd.s32 @!p1 s4, s0;
	s1 =	simm.s32 @!p1 $0x0;
	s7 =	simm.s32 @!p1 $0x5900  }
0x206: {  	[tilespmem:s7], [sflag:$0x3] =	stream.linear.gather @!p1 [hbm4b:s0+s1], $0x100, $0x38;
	[tilespmem:$0x9F00] =	vst v63  }
0x207: {  	_ =	swait.ge [sflag:s22], $0x2000  }
0x208: {  	[sflag:s22] =	ssyncset.done $0x0  }
0x209: {  	[sflag:s22] =	ssyncadd.s32 $0xFFFFE000  }
0x20a: {  	_ =	swait.ge [sflag:s23], $0x100  }
0x20b: {  	[sflag:s23] =	ssyncset.done $0x0  }
0x20c: {  	s0 =	simm.s32 @!p0 $0x6;
	[sflag:s23] =	ssyncadd.s32 $0xFFFFFF00  }
0x20d: {  	s15 =	simm.s32 $0xF;
	_ =	swait.ge @!p0 [sflag:s0], $0x2000  }
0x20e: {  	s16 =	simm.s32 $0x3CF0;
	s1 =	simm.s32 $0xFFFFFFFE;
	[sflag:s0] =	ssyncset.done @!p0 $0x0  }
0x20f: {  	s7 =	simm.s32 $0x0;
	[sflag:s0] =	ssyncadd.s32 @!p0 $0xFFFFE000;
	s0 =	simm.s32 $0x0  }
.LBB2_7:
0x210: {  	s9 =	sand.u32 $0x200, s7  }
0x211: {  	s9 =	sshrl.u32 s9, $0x2  }
0x212: {  	s12 =	sand.u32 $0x60, s0;
	s9 =	sor.u32 $0x5A00, s9  }
0x213: {  	s12 =	sor.u32 s12, s9  }
0x214: {  	v36 =	vld [tilespmem:s12+$0x0]  }
0x215: {  	s12 =	sadd.s32 $0xFFFFFFF1, s15  }
0x216: {  	v37 =	vmov s12  }
0x217: {  	v37 =	vshrl.u32 v37, $0x3  }
0x218: {  	v37 =	vshll.u32 v37, v3  }
0x219: {  	v39 =	vld [tilespmem:s16+$0xFFFFFC10];
	v37 =	vbroadcast v37, $0x0;
	v38 =	vbroadcast v36, $0x0;
	_ =	sdelay $0x1  }
0x21a: {  	v41 =	vadd.s32 v1, v37;
	v40 =	vshll.u32 v38, v0  }
0x21b: {  	vm0 =	vlt.s32 v40, $0x0  }
0x21c: {  	v40 =	vsel vm0, $0x3F8E38E4, v2  }
0x21d: {  	v39 =	vmul.f32 v40, v39;
	_ =	sdelay $0x1  }
0x21e: {  	[tilespmem:v41+s24+$0x0] =	vst.idx.msk $0xffff, v39  }
0x21f: {  	v39 =	vld [tilespmem:s16+$0xFFFFFC20];
	_ =	sdelay $0x1  }
0x220: {  	v48 =	vadd.s32 v5, v37;
	v38 =	vshll.u32 v38, v4  }
0x221: {  	vm13 =	vlt.s32 v38, $0x0  }
0x222: {  	v38 =	vsel vm13, $0x3F8E38E4, v2  }
0x223: {  	v38 =	vmul.f32 v38, v39;
	_ =	sdelay $0x1  }
0x224: {  	[tilespmem:v48+s24+$0x0] =	vst.idx.msk $0xffff, v38  }
0x225: {  	v49 =	vbroadcast v36, $0x1;
	v50 =	vld [tilespmem:s16+$0xFFFFFC30];
	_ =	sdelay $0x1  }
0x226: {  	v52 =	vadd.s32 v6, v37;
	v51 =	vshll.u32 v49, v0  }
0x227: {  	vm14 =	vlt.s32 v51, $0x0  }
0x228: {  	v40 =	vsel vm14, $0x3F8E38E4, v2  }
0x229: {  	v39 =	vmul.f32 v50, v40;
	_ =	sdelay $0x1  }
0x22a: {  	[tilespmem:v52+s24+$0x0] =	vst.idx.msk $0xffff, v39  }
0x22b: {  	v39 =	vld [tilespmem:s16+$0xFFFFFC40];
	_ =	sdelay $0x1  }
0x22c: {  	v37 =	vadd.s32 v7, v37;
	v38 =	vshll.u32 v49, v4  }
0x22d: {  	vm15 =	vlt.s32 v38, $0x0  }
0x22e: {  	s12 =	sadd.s32 $0xFFFFFFF2, s15;
	v38 =	vsel vm15, $0x3F8E38E4, v2  }
0x22f: {  	v53 =	vmov s12;
	v38 =	vmul.f32 v39, v38  }
0x230: {  	v39 =	vshrl.u32 v53, $0x3  }
0x231: {  	v54 =	vshll.u32 v39, v3;
	[tilespmem:v37+s24+$0x0] =	vst.idx.msk $0xffff, v38  }
0x232: {  	v55 =	vbroadcast v36, $0x2;
	v37 =	vbroadcast v54, $0x0;
	v56 =	vld [tilespmem:s16+$0xFFFFFC50];
	_ =	sdelay $0x1  }
0x233: {  	v57 =	vshll.u32 v55, v0;
	v58 =	vadd.s32 v8, v37  }
0x234: {  	vm4 =	vlt.s32 v57, $0x0  }
0x235: {  	v40 =	vsel vm4, $0x3F8E38E4, v2  }
0x236: {  	v39 =	vmul.f32 v56, v40;
	_ =	sdelay $0x1  }
0x237: {  	[tilespmem:v58+s24+$0x0] =	vst.idx.msk $0xffff, v39  }
0x238: {  	v39 =	vld [tilespmem:s16+$0xFFFFFC60];
	_ =	sdelay $0x1  }
0x239: {  	v38 =	vshll.u32 v55, v4;
	v59 =	vadd.s32 v9, v37  }
0x23a: {  	vm5 =	vlt.s32 v38, $0x0  }
0x23b: {  	v38 =	vsel vm5, $0x3F8E38E4, v2  }
0x23c: {  	v38 =	vmul.f32 v39, v38;
	_ =	sdelay $0x1  }
0x23d: {  	[tilespmem:v59+s24+$0x0] =	vst.idx.msk $0xffff, v38  }
0x23e: {  	v60 =	vbroadcast v36, $0x3;
	v61 =	vld [tilespmem:s16+$0xFFFFFC70];
	_ =	sdelay $0x1  }
0x23f: {  	v62 =	vshll.u32 v60, v0;
	v63 =	vadd.s32 v10, v37  }
0x240: {  	vm6 =	vlt.s32 v62, $0x0  }
0x241: {  	v40 =	vsel vm6, $0x3F8E38E4, v2  }
0x242: {  	v39 =	vmul.f32 v61, v40;
	_ =	sdelay $0x1  }
0x243: {  	[tilespmem:v63+s24+$0x0] =	vst.idx.msk $0xffff, v39  }
0x244: {  	v39 =	vld [tilespmem:s16+$0xFFFFFC80];
	_ =	sdelay $0x1  }
0x245: {  	v37 =	vadd.s32 v11, v37;
	v38 =	vshll.u32 v60, v4  }
0x246: {  	vm7 =	vlt.s32 v38, $0x0  }
0x247: {  	s12 =	sadd.s32 $0xFFFFFFF3, s15;
	v38 =	vsel vm7, $0x3F8E38E4, v2  }
0x248: {  	v42 =	vmov s12;
	v38 =	vmul.f32 v39, v38  }
0x249: {  	v39 =	vshrl.u32 v42, $0x3  }
0x24a: {  	v43 =	vshll.u32 v39, v3;
	[tilespmem:v37+s24+$0x0] =	vst.idx.msk $0xffff, v38  }
0x24b: {  	v44 =	vbroadcast v36, $0x4;
	v37 =	vbroadcast v43, $0x0;
	v45 =	vld [tilespmem:s16+$0xFFFFFC90];
	_ =	sdelay $0x1  }
0x24c: {  	v46 =	vshll.u32 v44, v0;
	v47 =	vadd.s32 v12, v37  }
0x24d: {  	vm8 =	vlt.s32 v46, $0x0  }
0x24e: {  	v40 =	vsel vm8, $0x3F8E38E4, v2  }
0x24f: {  	v39 =	vmul.f32 v45, v40;
	_ =	sdelay $0x1  }
0x250: {  	[tilespmem:v47+s24+$0x0] =	vst.idx.msk $0xffff, v39  }
0x251: {  	v39 =	vld [tilespmem:s16+$0xFFFFFCA0];
	_ =	sdelay $0x1  }
0x252: {  	v38 =	vshll.u32 v44, v4;
	v48 =	vadd.s32 v13, v37  }
0x253: {  	vm9 =	vlt.s32 v38, $0x0  }
0x254: {  	v38 =	vsel vm9, $0x3F8E38E4, v2  }
0x255: {  	v38 =	vmul.f32 v39, v38;
	_ =	sdelay $0x1  }
0x256: {  	[tilespmem:v48+s24+$0x0] =	vst.idx.msk $0xffff, v38  }
0x257: {  	v49 =	vbroadcast v36, $0x5;
	v50 =	vld [tilespmem:s16+$0xFFFFFCB0];
	_ =	sdelay $0x1  }
0x258: {  	v51 =	vshll.u32 v49, v0;
	v52 =	vadd.s32 v14, v37  }
0x259: {  	vm10 =	vlt.s32 v51, $0x0  }
0x25a: {  	v40 =	vsel vm10, $0x3F8E38E4, v2  }
0x25b: {  	v39 =	vmul.f32 v50, v40;
	_ =	sdelay $0x1  }
0x25c: {  	[tilespmem:v52+s24+$0x0] =	vst.idx.msk $0xffff, v39  }
0x25d: {  	v39 =	vld [tilespmem:s16+$0xFFFFFCC0];
	_ =	sdelay $0x1  }
0x25e: {  	v37 =	vadd.s32 v15, v37;
	v38 =	vshll.u32 v49, v4  }
0x25f: {  	vm11 =	vlt.s32 v38, $0x0  }
0x260: {  	s12 =	sadd.s32 $0xFFFFFFF4, s15;
	v38 =	vsel vm11, $0x3F8E38E4, v2  }
0x261: {  	v53 =	vmov s12;
	v38 =	vmul.f32 v39, v38  }
0x262: {  	v39 =	vshrl.u32 v53, $0x3  }
0x263: {  	v54 =	vshll.u32 v39, v3;
	[tilespmem:v37+s24+$0x0] =	vst.idx.msk $0xffff, v38  }
0x264: {  	v55 =	vbroadcast v36, $0x6;
	v37 =	vbroadcast v54, $0x0;
	v56 =	vld [tilespmem:s16+$0xFFFFFCD0];
	_ =	sdelay $0x1  }
0x265: {  	v57 =	vshll.u32 v55, v0;
	v58 =	vadd.s32 v16, v37  }
0x266: {  	vm12 =	vlt.s32 v57, $0x0  }
0x267: {  	v40 =	vsel vm12, $0x3F8E38E4, v2  }
0x268: {  	v39 =	vmul.f32 v56, v40;
	_ =	sdelay $0x1  }
0x269: {  	[tilespmem:v58+s24+$0x0] =	vst.idx.msk $0xffff, v39  }
0x26a: {  	v39 =	vld [tilespmem:s16+$0xFFFFFCE0];
	_ =	sdelay $0x1  }
0x26b: {  	v38 =	vshll.u32 v55, v4;
	v59 =	vadd.s32 v17, v37  }
0x26c: {  	vm13 =	vlt.s32 v38, $0x0  }
0x26d: {  	v38 =	vsel vm13, $0x3F8E38E4, v2  }
0x26e: {  	v38 =	vmul.f32 v39, v38;
	_ =	sdelay $0x1  }
0x26f: {  	[tilespmem:v59+s24+$0x0] =	vst.idx.msk $0xffff, v38  }
0x270: {  	v60 =	vbroadcast v36, $0x7;
	v61 =	vld [tilespmem:s16+$0xFFFFFCF0];
	_ =	sdelay $0x1  }
0x271: {  	v62 =	vshll.u32 v60, v0;
	v63 =	vadd.s32 v18, v37  }
0x272: {  	vm14 =	vlt.s32 v62, $0x0  }
0x273: {  	v40 =	vsel vm14, $0x3F8E38E4, v2  }
0x274: {  	v39 =	vmul.f32 v61, v40;
	_ =	sdelay $0x1  }
0x275: {  	[tilespmem:v63+s24+$0x0] =	vst.idx.msk $0xffff, v39  }
0x276: {  	v39 =	vld [tilespmem:s16+$0xFFFFFD00];
	_ =	sdelay $0x1  }
0x277: {  	v37 =	vadd.s32 v19, v37;
	v38 =	vshll.u32 v60, v4  }
0x278: {  	vm15 =	vlt.s32 v38, $0x0  }
0x279: {  	s12 =	sadd.s32 $0xFFFFFFF5, s15;
	v38 =	vsel vm15, $0x3F8E38E4, v2  }
0x27a: {  	v42 =	vmov s12;
	v38 =	vmul.f32 v39, v38  }
0x27b: {  	v39 =	vshrl.u32 v42, $0x3  }
0x27c: {  	v43 =	vshll.u32 v39, v3;
	[tilespmem:v37+s24+$0x0] =	vst.idx.msk $0xffff, v38  }
0x27d: {  	v44 =	vbroadcast v36, $0x8;
	v37 =	vbroadcast v43, $0x0;
	v45 =	vld [tilespmem:s16+$0xFFFFFD10];
	_ =	sdelay $0x1  }
0x27e: {  	v46 =	vshll.u32 v44, v0;
	v47 =	vadd.s32 v20, v37  }
0x27f: {  	vm4 =	vlt.s32 v46, $0x0  }
0x280: {  	v40 =	vsel vm4, $0x3F8E38E4, v2  }
0x281: {  	v39 =	vmul.f32 v45, v40;
	_ =	sdelay $0x1  }
0x282: {  	[tilespmem:v47+s24+$0x0] =	vst.idx.msk $0xffff, v39  }
0x283: {  	v39 =	vld [tilespmem:s16+$0xFFFFFD20];
	_ =	sdelay $0x1  }
0x284: {  	v38 =	vshll.u32 v44, v4;
	v48 =	vadd.s32 v21, v37  }
0x285: {  	vm5 =	vlt.s32 v38, $0x0  }
0x286: {  	v38 =	vsel vm5, $0x3F8E38E4, v2  }
0x287: {  	v38 =	vmul.f32 v39, v38;
	_ =	sdelay $0x1  }
0x288: {  	[tilespmem:v48+s24+$0x0] =	vst.idx.msk $0xffff, v38  }
0x289: {  	v49 =	vbroadcast v36, $0x9;
	v50 =	vld [tilespmem:s16+$0xFFFFFD30];
	_ =	sdelay $0x1  }
0x28a: {  	v51 =	vshll.u32 v49, v0;
	v52 =	vadd.s32 v22, v37  }
0x28b: {  	vm6 =	vlt.s32 v51, $0x0  }
0x28c: {  	v40 =	vsel vm6, $0x3F8E38E4, v2  }
0x28d: {  	v39 =	vmul.f32 v50, v40;
	_ =	sdelay $0x1  }
0x28e: {  	[tilespmem:v52+s24+$0x0] =	vst.idx.msk $0xffff, v39  }
0x28f: {  	v39 =	vld [tilespmem:s16+$0xFFFFFD40];
	_ =	sdelay $0x1  }
0x290: {  	v37 =	vadd.s32 v23, v37;
	v38 =	vshll.u32 v49, v4  }
0x291: {  	vm7 =	vlt.s32 v38, $0x0  }
0x292: {  	s12 =	sadd.s32 $0xFFFFFFF6, s15;
	v38 =	vsel vm7, $0x3F8E38E4, v2  }
0x293: {  	v53 =	vmov s12;
	v38 =	vmul.f32 v39, v38  }
0x294: {  	v39 =	vshrl.u32 v53, $0x3  }
0x295: {  	v54 =	vshll.u32 v39, v3;
	[tilespmem:v37+s24+$0x0] =	vst.idx.msk $0xffff, v38  }
0x296: {  	v55 =	vbroadcast v36, $0xA;
	v37 =	vbroadcast v54, $0x0;
	v56 =	vld [tilespmem:s16+$0xFFFFFD50];
	_ =	sdelay $0x1  }
0x297: {  	v57 =	vshll.u32 v55, v0;
	v58 =	vadd.s32 v24, v37  }
0x298: {  	vm8 =	vlt.s32 v57, $0x0  }
0x299: {  	v40 =	vsel vm8, $0x3F8E38E4, v2  }
0x29a: {  	v39 =	vmul.f32 v56, v40;
	_ =	sdelay $0x1  }
0x29b: {  	[tilespmem:v58+s24+$0x0] =	vst.idx.msk $0xffff, v39  }
0x29c: {  	v39 =	vld [tilespmem:s16+$0xFFFFFD60];
	_ =	sdelay $0x1  }
0x29d: {  	v38 =	vshll.u32 v55, v4;
	v59 =	vadd.s32 v25, v37  }
0x29e: {  	vm9 =	vlt.s32 v38, $0x0  }
0x29f: {  	v38 =	vsel vm9, $0x3F8E38E4, v2  }
0x2a0: {  	v38 =	vmul.f32 v39, v38;
	_ =	sdelay $0x1  }
0x2a1: {  	[tilespmem:v59+s24+$0x0] =	vst.idx.msk $0xffff, v38  }
0x2a2: {  	v60 =	vbroadcast v36, $0xB;
	v61 =	vld [tilespmem:s16+$0xFFFFFD70];
	_ =	sdelay $0x1  }
0x2a3: {  	v62 =	vshll.u32 v60, v0;
	v63 =	vadd.s32 v26, v37  }
0x2a4: {  	vm10 =	vlt.s32 v62, $0x0  }
0x2a5: {  	v40 =	vsel vm10, $0x3F8E38E4, v2  }
0x2a6: {  	v39 =	vmul.f32 v61, v40;
	_ =	sdelay $0x1  }
0x2a7: {  	[tilespmem:v63+s24+$0x0] =	vst.idx.msk $0xffff, v39  }
0x2a8: {  	v39 =	vld [tilespmem:s16+$0xFFFFFD80];
	_ =	sdelay $0x1  }
0x2a9: {  	v37 =	vadd.s32 v27, v37;
	v38 =	vshll.u32 v60, v4  }
0x2aa: {  	vm11 =	vlt.s32 v38, $0x0  }
0x2ab: {  	s12 =	sadd.s32 $0xFFFFFFF7, s15;
	v38 =	vsel vm11, $0x3F8E38E4, v2  }
0x2ac: {  	v44 =	vmov s12;
	v38 =	vmul.f32 v39, v38  }
0x2ad: {  	v39 =	vshrl.u32 v44, $0x3  }
0x2ae: {  	v45 =	vshll.u32 v39, v3;
	[tilespmem:v37+s24+$0x0] =	vst.idx.msk $0xffff, v38  }
0x2af: {  	v46 =	vbroadcast v36, $0xC;
	v37 =	vbroadcast v45, $0x0;
	v47 =	vld [tilespmem:s16+$0xFFFFFD90];
	_ =	sdelay $0x1  }
0x2b0: {  	v48 =	vshll.u32 v46, v0;
	v49 =	vadd.s32 v28, v37  }
0x2b1: {  	vm12 =	vlt.s32 v48, $0x0  }
0x2b2: {  	v40 =	vsel vm12, $0x3F8E38E4, v2  }
0x2b3: {  	v39 =	vmul.f32 v47, v40;
	_ =	sdelay $0x1  }
0x2b4: {  	[tilespmem:v49+s24+$0x0] =	vst.idx.msk $0xffff, v39  }
0x2b5: {  	v39 =	vld [tilespmem:s16+$0xFFFFFDA0];
	_ =	sdelay $0x1  }
0x2b6: {  	v38 =	vshll.u32 v46, v4;
	v50 =	vadd.s32 v29, v37  }
0x2b7: {  	vm13 =	vlt.s32 v38, $0x0  }
0x2b8: {  	v38 =	vsel vm13, $0x3F8E38E4, v2  }
0x2b9: {  	v38 =	vmul.f32 v39, v38;
	_ =	sdelay $0x1  }
0x2ba: {  	[tilespmem:v50+s24+$0x0] =	vst.idx.msk $0xffff, v38  }
0x2bb: {  	v51 =	vbroadcast v36, $0xD;
	v52 =	vld [tilespmem:s16+$0xFFFFFDB0];
	_ =	sdelay $0x1  }
0x2bc: {  	v53 =	vshll.u32 v51, v0;
	v54 =	vadd.s32 v30, v37  }
0x2bd: {  	vm14 =	vlt.s32 v53, $0x0  }
0x2be: {  	v40 =	vsel vm14, $0x3F8E38E4, v2  }
0x2bf: {  	v39 =	vmul.f32 v52, v40;
	_ =	sdelay $0x1  }
0x2c0: {  	[tilespmem:v54+s24+$0x0] =	vst.idx.msk $0xffff, v39  }
0x2c1: {  	v39 =	vld [tilespmem:s16+$0xFFFFFDC0];
	_ =	sdelay $0x1  }
0x2c2: {  	v37 =	vadd.s32 v31, v37;
	v38 =	vshll.u32 v51, v4  }
0x2c3: {  	vm15 =	vlt.s32 v38, $0x0  }
0x2c4: {  	s12 =	sadd.s32 $0xFFFFFFF8, s15;
	v38 =	vsel vm15, $0x3F8E38E4, v2  }
0x2c5: {  	v55 =	vmov s12;
	v38 =	vmul.f32 v39, v38  }
0x2c6: {  	v39 =	vshrl.u32 v55, $0x3  }
0x2c7: {  	v56 =	vshll.u32 v39, v3;
	[tilespmem:v37+s24+$0x0] =	vst.idx.msk $0xffff, v38  }
0x2c8: {  	v57 =	vbroadcast v36, $0xE;
	v37 =	vbroadcast v56, $0x0;
	v58 =	vld [tilespmem:s16+$0xFFFFFDD0];
	_ =	sdelay $0x1  }
0x2c9: {  	v59 =	vshll.u32 v57, v0;
	v60 =	vadd.s32 v32, v37  }
0x2ca: {  	vm4 =	vlt.s32 v59, $0x0  }
0x2cb: {  	v40 =	vsel vm4, $0x3F8E38E4, v2  }
0x2cc: {  	v39 =	vmul.f32 v58, v40;
	_ =	sdelay $0x1  }
0x2cd: {  	[tilespmem:v60+s24+$0x0] =	vst.idx.msk $0xffff, v39  }
0x2ce: {  	v39 =	vld [tilespmem:s16+$0xFFFFFDE0];
	_ =	sdelay $0x1  }
0x2cf: {  	v38 =	vshll.u32 v57, v4;
	v61 =	vadd.s32 v33, v37  }
0x2d0: {  	vm5 =	vlt.s32 v38, $0x0  }
0x2d1: {  	v38 =	vsel vm5, $0x3F8E38E4, v2  }
0x2d2: {  	v38 =	vmul.f32 v39, v38;
	_ =	sdelay $0x1  }
0x2d3: {  	[tilespmem:v61+s24+$0x0] =	vst.idx.msk $0xffff, v38  }
0x2d4: {  	v36 =	vbroadcast v36, $0xF;
	v38 =	vld [tilespmem:s16+$0xFFFFFDF0];
	_ =	sdelay $0x1  }
0x2d5: {  	v62 =	vshll.u32 v36, v0;
	v63 =	vadd.s32 v34, v37  }
0x2d6: {  	vm6 =	vlt.s32 v62, $0x0  }
0x2d7: {  	v39 =	vsel vm6, $0x3F8E38E4, v2  }
0x2d8: {  	v38 =	vmul.f32 v38, v39;
	_ =	sdelay $0x1  }
0x2d9: {  	[tilespmem:v63+s24+$0x0] =	vst.idx.msk $0xffff, v38  }
0x2da: {  	v38 =	vld [tilespmem:s16+$0xFFFFFE00];
	_ =	sdelay $0x1  }
0x2db: {  	v36 =	vshll.u32 v36, v4;
	v37 =	vadd.s32 v35, v37  }
0x2dc: {  	vm7 =	vlt.s32 v36, $0x0  }
0x2dd: {  	v36 =	vsel vm7, $0x3F8E38E4, v2  }
0x2de: {  	s12 =	sadd.s32 $0x10, s0;
	v36 =	vmul.f32 v38, v36  }
0x2df: {  	s12 =	sand.u32 $0x70, s12  }
0x2e0: {  	s9 =	sor.u32 s12, s9;
	[tilespmem:v37+s24+$0x0] =	vst.idx.msk $0xffff, v36  }
0x2e1: {  	v36 =	vld [tilespmem:s9+$0x0]  }
0x2e2: {  	s12 =	sadd.s32 $0xFFFFFFF9, s15  }
0x2e3: {  	v43 =	vmov s12  }
0x2e4: {  	v37 =	vshrl.u32 v43, $0x3  }
0x2e5: {  	v37 =	vshll.u32 v37, v3  }
0x2e6: {  	v45 =	vld [tilespmem:s16+$0xFFFFFE10];
	v37 =	vbroadcast v37, $0x0;
	v44 =	vbroadcast v36, $0x0;
	_ =	sdelay $0x1  }
0x2e7: {  	v47 =	vadd.s32 v1, v37;
	v46 =	vshll.u32 v44, v0  }
0x2e8: {  	vm8 =	vlt.s32 v46, $0x0  }
0x2e9: {  	v40 =	vsel vm8, $0x3F8E38E4, v2  }
0x2ea: {  	v39 =	vmul.f32 v40, v45;
	_ =	sdelay $0x1  }
0x2eb: {  	[tilespmem:v47+s24+$0x0] =	vst.idx.msk $0xffff, v39  }
0x2ec: {  	v39 =	vld [tilespmem:s16+$0xFFFFFE20];
	_ =	sdelay $0x1  }
0x2ed: {  	v48 =	vadd.s32 v5, v37;
	v38 =	vshll.u32 v44, v4  }
0x2ee: {  	vm9 =	vlt.s32 v38, $0x0  }
0x2ef: {  	v38 =	vsel vm9, $0x3F8E38E4, v2  }
0x2f0: {  	v38 =	vmul.f32 v38, v39;
	_ =	sdelay $0x1  }
0x2f1: {  	[tilespmem:v48+s24+$0x0] =	vst.idx.msk $0xffff, v38  }
0x2f2: {  	v49 =	vbroadcast v36, $0x1;
	v50 =	vld [tilespmem:s16+$0xFFFFFE30];
	_ =	sdelay $0x1  }
0x2f3: {  	v52 =	vadd.s32 v6, v37;
	v51 =	vshll.u32 v49, v0  }
0x2f4: {  	vm10 =	vlt.s32 v51, $0x0  }
0x2f5: {  	v40 =	vsel vm10, $0x3F8E38E4, v2  }
0x2f6: {  	v39 =	vmul.f32 v50, v40;
	_ =	sdelay $0x1  }
0x2f7: {  	[tilespmem:v52+s24+$0x0] =	vst.idx.msk $0xffff, v39  }
0x2f8: {  	v39 =	vld [tilespmem:s16+$0xFFFFFE40];
	_ =	sdelay $0x1  }
0x2f9: {  	v37 =	vadd.s32 v7, v37;
	v38 =	vshll.u32 v49, v4  }
0x2fa: {  	vm11 =	vlt.s32 v38, $0x0  }
0x2fb: {  	s12 =	sadd.s32 $0xFFFFFFFA, s15;
	v38 =	vsel vm11, $0x3F8E38E4, v2  }
0x2fc: {  	v53 =	vmov s12;
	v38 =	vmul.f32 v39, v38  }
0x2fd: {  	v39 =	vshrl.u32 v53, $0x3  }
0x2fe: {  	v54 =	vshll.u32 v39, v3;
	[tilespmem:v37+s24+$0x0] =	vst.idx.msk $0xffff, v38  }
0x2ff: {  	v55 =	vbroadcast v36, $0x2;
	v37 =	vbroadcast v54, $0x0;
	v56 =	vld [tilespmem:s16+$0xFFFFFE50];
	_ =	sdelay $0x1  }
0x300: {  	v57 =	vshll.u32 v55, v0;
	v58 =	vadd.s32 v8, v37  }
0x301: {  	vm12 =	vlt.s32 v57, $0x0  }
0x302: {  	v40 =	vsel vm12, $0x3F8E38E4, v2  }
0x303: {  	v39 =	vmul.f32 v56, v40;
	_ =	sdelay $0x1  }
0x304: {  	[tilespmem:v58+s24+$0x0] =	vst.idx.msk $0xffff, v39  }
0x305: {  	v39 =	vld [tilespmem:s16+$0xFFFFFE60];
	_ =	sdelay $0x1  }
0x306: {  	v38 =	vshll.u32 v55, v4;
	v59 =	vadd.s32 v9, v37  }
0x307: {  	vm13 =	vlt.s32 v38, $0x0  }
0x308: {  	v38 =	vsel vm13, $0x3F8E38E4, v2  }
0x309: {  	v38 =	vmul.f32 v39, v38;
	_ =	sdelay $0x1  }
0x30a: {  	[tilespmem:v59+s24+$0x0] =	vst.idx.msk $0xffff, v38  }
0x30b: {  	v60 =	vbroadcast v36, $0x3;
	v61 =	vld [tilespmem:s16+$0xFFFFFE70];
	_ =	sdelay $0x1  }
0x30c: {  	v62 =	vshll.u32 v60, v0;
	v63 =	vadd.s32 v10, v37  }
0x30d: {  	vm14 =	vlt.s32 v62, $0x0  }
0x30e: {  	v40 =	vsel vm14, $0x3F8E38E4, v2  }
0x30f: {  	v39 =	vmul.f32 v61, v40;
	_ =	sdelay $0x1  }
0x310: {  	[tilespmem:v63+s24+$0x0] =	vst.idx.msk $0xffff, v39  }
0x311: {  	v39 =	vld [tilespmem:s16+$0xFFFFFE80];
	_ =	sdelay $0x1  }
0x312: {  	v37 =	vadd.s32 v11, v37;
	v38 =	vshll.u32 v60, v4  }
0x313: {  	vm15 =	vlt.s32 v38, $0x0  }
0x314: {  	s12 =	sadd.s32 $0xFFFFFFFB, s15;
	v38 =	vsel vm15, $0x3F8E38E4, v2  }
0x315: {  	v42 =	vmov s12;
	v38 =	vmul.f32 v39, v38  }
0x316: {  	v39 =	vshrl.u32 v42, $0x3  }
0x317: {  	v43 =	vshll.u32 v39, v3;
	[tilespmem:v37+s24+$0x0] =	vst.idx.msk $0xffff, v38  }
0x318: {  	v44 =	vbroadcast v36, $0x4;
	v37 =	vbroadcast v43, $0x0;
	v45 =	vld [tilespmem:s16+$0xFFFFFE90];
	_ =	sdelay $0x1  }
0x319: {  	v46 =	vshll.u32 v44, v0;
	v47 =	vadd.s32 v12, v37  }
0x31a: {  	vm4 =	vlt.s32 v46, $0x0  }
0x31b: {  	v40 =	vsel vm4, $0x3F8E38E4, v2  }
0x31c: {  	v39 =	vmul.f32 v45, v40;
	_ =	sdelay $0x1  }
0x31d: {  	[tilespmem:v47+s24+$0x0] =	vst.idx.msk $0xffff, v39  }
0x31e: {  	v39 =	vld [tilespmem:s16+$0xFFFFFEA0];
	_ =	sdelay $0x1  }
0x31f: {  	v38 =	vshll.u32 v44, v4;
	v48 =	vadd.s32 v13, v37  }
0x320: {  	vm5 =	vlt.s32 v38, $0x0  }
0x321: {  	v38 =	vsel vm5, $0x3F8E38E4, v2  }
0x322: {  	v38 =	vmul.f32 v39, v38;
	_ =	sdelay $0x1  }
0x323: {  	[tilespmem:v48+s24+$0x0] =	vst.idx.msk $0xffff, v38  }
0x324: {  	v49 =	vbroadcast v36, $0x5;
	v50 =	vld [tilespmem:s16+$0xFFFFFEB0];
	_ =	sdelay $0x1  }
0x325: {  	v51 =	vshll.u32 v49, v0;
	v52 =	vadd.s32 v14, v37  }
0x326: {  	vm6 =	vlt.s32 v51, $0x0  }
0x327: {  	v40 =	vsel vm6, $0x3F8E38E4, v2  }
0x328: {  	v39 =	vmul.f32 v50, v40;
	_ =	sdelay $0x1  }
0x329: {  	[tilespmem:v52+s24+$0x0] =	vst.idx.msk $0xffff, v39  }
0x32a: {  	v39 =	vld [tilespmem:s16+$0xFFFFFEC0];
	_ =	sdelay $0x1  }
0x32b: {  	v37 =	vadd.s32 v15, v37;
	v38 =	vshll.u32 v49, v4  }
0x32c: {  	vm7 =	vlt.s32 v38, $0x0  }
0x32d: {  	s12 =	sadd.s32 $0xFFFFFFFC, s15;
	v38 =	vsel vm7, $0x3F8E38E4, v2  }
0x32e: {  	v53 =	vmov s12;
	v38 =	vmul.f32 v39, v38  }
0x32f: {  	v39 =	vshrl.u32 v53, $0x3  }
0x330: {  	v54 =	vshll.u32 v39, v3;
	[tilespmem:v37+s24+$0x0] =	vst.idx.msk $0xffff, v38  }
0x331: {  	v55 =	vbroadcast v36, $0x6;
	v37 =	vbroadcast v54, $0x0;
	v56 =	vld [tilespmem:s16+$0xFFFFFED0];
	_ =	sdelay $0x1  }
0x332: {  	v57 =	vshll.u32 v55, v0;
	v58 =	vadd.s32 v16, v37  }
0x333: {  	vm8 =	vlt.s32 v57, $0x0  }
0x334: {  	v40 =	vsel vm8, $0x3F8E38E4, v2  }
0x335: {  	v39 =	vmul.f32 v56, v40;
	_ =	sdelay $0x1  }
0x336: {  	[tilespmem:v58+s24+$0x0] =	vst.idx.msk $0xffff, v39  }
0x337: {  	v39 =	vld [tilespmem:s16+$0xFFFFFEE0];
	_ =	sdelay $0x1  }
0x338: {  	v38 =	vshll.u32 v55, v4;
	v59 =	vadd.s32 v17, v37  }
0x339: {  	vm9 =	vlt.s32 v38, $0x0  }
0x33a: {  	v38 =	vsel vm9, $0x3F8E38E4, v2  }
0x33b: {  	v38 =	vmul.f32 v39, v38;
	_ =	sdelay $0x1  }
0x33c: {  	[tilespmem:v59+s24+$0x0] =	vst.idx.msk $0xffff, v38  }
0x33d: {  	v60 =	vbroadcast v36, $0x7;
	v61 =	vld [tilespmem:s16+$0xFFFFFEF0];
	_ =	sdelay $0x1  }
0x33e: {  	v62 =	vshll.u32 v60, v0;
	v63 =	vadd.s32 v18, v37  }
0x33f: {  	vm10 =	vlt.s32 v62, $0x0  }
0x340: {  	v40 =	vsel vm10, $0x3F8E38E4, v2  }
0x341: {  	v39 =	vmul.f32 v61, v40;
	_ =	sdelay $0x1  }
0x342: {  	[tilespmem:v63+s24+$0x0] =	vst.idx.msk $0xffff, v39  }
0x343: {  	v39 =	vld [tilespmem:s16+$0xFFFFFF00];
	_ =	sdelay $0x1  }
0x344: {  	v37 =	vadd.s32 v19, v37;
	v38 =	vshll.u32 v60, v4  }
0x345: {  	vm11 =	vlt.s32 v38, $0x0  }
0x346: {  	s12 =	sadd.s32 $0xFFFFFFFD, s15;
	v38 =	vsel vm11, $0x3F8E38E4, v2  }
0x347: {  	v42 =	vmov s12;
	v38 =	vmul.f32 v39, v38  }
0x348: {  	v39 =	vshrl.u32 v42, $0x3  }
0x349: {  	v43 =	vshll.u32 v39, v3;
	[tilespmem:v37+s24+$0x0] =	vst.idx.msk $0xffff, v38  }
0x34a: {  	v44 =	vbroadcast v36, $0x8;
	v37 =	vbroadcast v43, $0x0;
	v45 =	vld [tilespmem:s16+$0xFFFFFF10];
	_ =	sdelay $0x1  }
0x34b: {  	v46 =	vshll.u32 v44, v0;
	v47 =	vadd.s32 v20, v37  }
0x34c: {  	vm12 =	vlt.s32 v46, $0x0  }
0x34d: {  	v40 =	vsel vm12, $0x3F8E38E4, v2  }
0x34e: {  	v39 =	vmul.f32 v45, v40;
	_ =	sdelay $0x1  }
0x34f: {  	[tilespmem:v47+s24+$0x0] =	vst.idx.msk $0xffff, v39  }
0x350: {  	v39 =	vld [tilespmem:s16+$0xFFFFFF20];
	_ =	sdelay $0x1  }
0x351: {  	v38 =	vshll.u32 v44, v4;
	v48 =	vadd.s32 v21, v37  }
0x352: {  	vm13 =	vlt.s32 v38, $0x0  }
0x353: {  	v38 =	vsel vm13, $0x3F8E38E4, v2  }
0x354: {  	v38 =	vmul.f32 v39, v38;
	_ =	sdelay $0x1  }
0x355: {  	[tilespmem:v48+s24+$0x0] =	vst.idx.msk $0xffff, v38  }
0x356: {  	v49 =	vbroadcast v36, $0x9;
	v50 =	vld [tilespmem:s16+$0xFFFFFF30];
	_ =	sdelay $0x1  }
0x357: {  	v51 =	vshll.u32 v49, v0;
	v52 =	vadd.s32 v22, v37  }
0x358: {  	vm14 =	vlt.s32 v51, $0x0  }
0x359: {  	v40 =	vsel vm14, $0x3F8E38E4, v2  }
0x35a: {  	v39 =	vmul.f32 v50, v40;
	_ =	sdelay $0x1  }
0x35b: {  	[tilespmem:v52+s24+$0x0] =	vst.idx.msk $0xffff, v39  }
0x35c: {  	v39 =	vld [tilespmem:s16+$0xFFFFFF40];
	_ =	sdelay $0x1  }
0x35d: {  	v37 =	vadd.s32 v23, v37;
	v38 =	vshll.u32 v49, v4  }
0x35e: {  	vm15 =	vlt.s32 v38, $0x0  }
0x35f: {  	s12 =	sadd.s32 $0xFFFFFFFE, s15;
	v38 =	vsel vm15, $0x3F8E38E4, v2  }
0x360: {  	v53 =	vmov s12;
	v38 =	vmul.f32 v39, v38  }
0x361: {  	v39 =	vshrl.u32 v53, $0x3  }
0x362: {  	v54 =	vshll.u32 v39, v3;
	[tilespmem:v37+s24+$0x0] =	vst.idx.msk $0xffff, v38  }
0x363: {  	v55 =	vbroadcast v36, $0xA;
	v37 =	vbroadcast v54, $0x0;
	v56 =	vld [tilespmem:s16+$0xFFFFFF50];
	_ =	sdelay $0x1  }
0x364: {  	v57 =	vshll.u32 v55, v0;
	v58 =	vadd.s32 v24, v37  }
0x365: {  	vm4 =	vlt.s32 v57, $0x0  }
0x366: {  	v40 =	vsel vm4, $0x3F8E38E4, v2  }
0x367: {  	v39 =	vmul.f32 v56, v40;
	_ =	sdelay $0x1  }
0x368: {  	[tilespmem:v58+s24+$0x0] =	vst.idx.msk $0xffff, v39  }
0x369: {  	v39 =	vld [tilespmem:s16+$0xFFFFFF60];
	_ =	sdelay $0x1  }
0x36a: {  	v38 =	vshll.u32 v55, v4;
	v59 =	vadd.s32 v25, v37  }
0x36b: {  	vm5 =	vlt.s32 v38, $0x0  }
0x36c: {  	v38 =	vsel vm5, $0x3F8E38E4, v2  }
0x36d: {  	v38 =	vmul.f32 v39, v38;
	_ =	sdelay $0x1  }
0x36e: {  	[tilespmem:v59+s24+$0x0] =	vst.idx.msk $0xffff, v38  }
0x36f: {  	v60 =	vbroadcast v36, $0xB;
	v61 =	vld [tilespmem:s16+$0xFFFFFF70];
	_ =	sdelay $0x1  }
0x370: {  	v62 =	vshll.u32 v60, v0;
	v63 =	vadd.s32 v26, v37  }
0x371: {  	vm6 =	vlt.s32 v62, $0x0  }
0x372: {  	v40 =	vsel vm6, $0x3F8E38E4, v2  }
0x373: {  	v39 =	vmul.f32 v61, v40;
	_ =	sdelay $0x1  }
0x374: {  	[tilespmem:v63+s24+$0x0] =	vst.idx.msk $0xffff, v39  }
0x375: {  	v39 =	vld [tilespmem:s16+$0xFFFFFF80];
	_ =	sdelay $0x1  }
0x376: {  	v37 =	vadd.s32 v27, v37;
	v38 =	vshll.u32 v60, v4  }
0x377: {  	vm7 =	vlt.s32 v38, $0x0  }
0x378: {  	s12 =	sadd.s32 $0xFFFFFFFF, s15;
	v38 =	vsel vm7, $0x3F8E38E4, v2  }
0x379: {  	v44 =	vmov s12;
	v38 =	vmul.f32 v39, v38  }
0x37a: {  	v39 =	vshrl.u32 v44, $0x3  }
0x37b: {  	v45 =	vshll.u32 v39, v3;
	[tilespmem:v37+s24+$0x0] =	vst.idx.msk $0xffff, v38  }
0x37c: {  	v46 =	vbroadcast v36, $0xC;
	v37 =	vbroadcast v45, $0x0;
	v47 =	vld [tilespmem:s16+$0xFFFFFF90];
	_ =	sdelay $0x1  }
0x37d: {  	v48 =	vshll.u32 v46, v0;
	v49 =	vadd.s32 v28, v37  }
0x37e: {  	vm8 =	vlt.s32 v48, $0x0  }
0x37f: {  	v40 =	vsel vm8, $0x3F8E38E4, v2  }
0x380: {  	v39 =	vmul.f32 v47, v40;
	_ =	sdelay $0x1  }
0x381: {  	[tilespmem:v49+s24+$0x0] =	vst.idx.msk $0xffff, v39  }
0x382: {  	v39 =	vld [tilespmem:s16+$0xFFFFFFA0];
	_ =	sdelay $0x1  }
0x383: {  	v38 =	vshll.u32 v46, v4;
	v50 =	vadd.s32 v29, v37  }
0x384: {  	vm9 =	vlt.s32 v38, $0x0  }
0x385: {  	v38 =	vsel vm9, $0x3F8E38E4, v2  }
0x386: {  	v38 =	vmul.f32 v39, v38;
	_ =	sdelay $0x1  }
0x387: {  	[tilespmem:v50+s24+$0x0] =	vst.idx.msk $0xffff, v38  }
0x388: {  	v51 =	vbroadcast v36, $0xD;
	v52 =	vld [tilespmem:s16+$0xFFFFFFB0];
	_ =	sdelay $0x1  }
0x389: {  	v53 =	vshll.u32 v51, v0;
	v54 =	vadd.s32 v30, v37  }
0x38a: {  	vm10 =	vlt.s32 v53, $0x0  }
0x38b: {  	v40 =	vsel vm10, $0x3F8E38E4, v2  }
0x38c: {  	v39 =	vmul.f32 v52, v40;
	_ =	sdelay $0x1  }
0x38d: {  	[tilespmem:v54+s24+$0x0] =	vst.idx.msk $0xffff, v39  }
0x38e: {  	v39 =	vld [tilespmem:s16+$0xFFFFFFC0];
	_ =	sdelay $0x1  }
0x38f: {  	v37 =	vadd.s32 v31, v37;
	v38 =	vshll.u32 v51, v4  }
0x390: {  	vm11 =	vlt.s32 v38, $0x0  }
0x391: {  	v38 =	vsel vm11, $0x3F8E38E4, v2  }
0x392: {  	v55 =	vmov s15;
	v38 =	vmul.f32 v39, v38  }
0x393: {  	v39 =	vshrl.u32 v55, $0x3  }
0x394: {  	v56 =	vshll.u32 v39, v3;
	[tilespmem:v37+s24+$0x0] =	vst.idx.msk $0xffff, v38  }
0x395: {  	v57 =	vbroadcast v36, $0xE;
	v37 =	vbroadcast v56, $0x0;
	v58 =	vld [tilespmem:s16+$0xFFFFFFD0];
	_ =	sdelay $0x1  }
0x396: {  	v59 =	vshll.u32 v57, v0;
	v60 =	vadd.s32 v32, v37  }
0x397: {  	vm12 =	vlt.s32 v59, $0x0  }
0x398: {  	v40 =	vsel vm12, $0x3F8E38E4, v2  }
0x399: {  	v39 =	vmul.f32 v58, v40;
	_ =	sdelay $0x1  }
0x39a: {  	[tilespmem:v60+s24+$0x0] =	vst.idx.msk $0xffff, v39  }
0x39b: {  	v39 =	vld [tilespmem:s16+$0xFFFFFFE0];
	_ =	sdelay $0x1  }
0x39c: {  	v38 =	vshll.u32 v57, v4;
	v61 =	vadd.s32 v33, v37  }
0x39d: {  	vm13 =	vlt.s32 v38, $0x0  }
0x39e: {  	v38 =	vsel vm13, $0x3F8E38E4, v2  }
0x39f: {  	v38 =	vmul.f32 v39, v38;
	_ =	sdelay $0x1  }
0x3a0: {  	[tilespmem:v61+s24+$0x0] =	vst.idx.msk $0xffff, v38  }
0x3a1: {  	v36 =	vbroadcast v36, $0xF;
	v38 =	vld [tilespmem:s16+$0xFFFFFFF0];
	_ =	sdelay $0x1  }
0x3a2: {  	v62 =	vshll.u32 v36, v0;
	v63 =	vadd.s32 v34, v37  }
0x3a3: {  	vm14 =	vlt.s32 v62, $0x0  }
0x3a4: {  	v39 =	vsel vm14, $0x3F8E38E4, v2  }
0x3a5: {  	v38 =	vmul.f32 v38, v39;
	_ =	sdelay $0x1  }
0x3a6: {  	[tilespmem:v63+s24+$0x0] =	vst.idx.msk $0xffff, v38  }
0x3a7: {  	v38 =	vld [tilespmem:s16+$0x0]  }
0x3a8: {  	s1 =	sadd.s32 $0x2, s1  }
0x3a9: {  	p0 =	slt.u32 s1, $0xE;
	v36 =	vshll.u32 v36, v4;
	v37 =	vadd.s32 v35, v37  }
.Ltmp4:
0x3aa: {  	vm15 =	vlt.s32 v36, $0x0;
	(pc) =	sbr.rel @p0 .LBB2_7-.Ltmp4, $4  }
0x3ab: {  	v36 =	vsel vm15, $0x3F8E38E4, v2  }
0x3ac: {  	v36 =	vmul.f32 v38, v36  }
0x3ad: {  	s7 =	sadd.s32 $0x80, s7  }
0x3ae: {  	s0 =	sadd.s32 $0x20, s0;
	s15 =	sadd.s32 $0x10, s15;
	s16 =	sadd.s32 $0x400, s16;
	[tilespmem:v37+s24+$0x0] =	vst.idx.msk $0xffff, v36  }
0x3af: {  	s1 =	sadd.s32 s31, s11;
	s0 =	simm.s32 $0x7D00  }
0x3b0: {  	[hbm4b:s1+s3] =	stream.linear.scatter [tilespmem:s0], [sflag:$0x6], $0x80, $0x38;
	[tilespmem:$0x9F00] =	vst v63  }
0x3b1: {  	s9 =	simm.s32 $0x7D88;
	s7 =	sadd.s32 $0x10, s1  }
0x3b2: {  	[hbm4b:s7+s3] =	stream.linear.scatter [tilespmem:s9], [sflag:$0x6], $0x80, $0x38;
	[tilespmem:$0x9F00] =	vst v63  }
0x3b3: {  	s12 =	simm.s32 $0x7E10;
	s16 =	simm.s32 $0x7E98;
	s15 =	sadd.s32 $0x20, s1  }
0x3b4: {  	[hbm4b:s15+s3] =	stream.linear.scatter [tilespmem:s12], [sflag:$0x6], $0x80, $0x38;
	[tilespmem:$0x9F00] =	vst v63  }
0x3b5: {  	s31 =	sadd.s32 $0x30, s1;
	s0 =	simm.s32 $0x440;
	s7 =	simm.s32 $0x7F20  }
0x3b6: {  	[hbm4b:s31+s3] =	stream.linear.scatter [tilespmem:s16], [sflag:$0x6], $0x80, $0x38;
	[tilespmem:$0x9F00] =	vst v63  }
0x3b7: {  	s9 =	sadd.s32 $0x40, s1;
	s12 =	simm.s32 $0x7FA8;
	s15 =	sadd.s32 $0x50, s1  }
0x3b8: {  	[hbm4b:s9+s3] =	stream.linear.scatter [tilespmem:s7], [sflag:$0x6], $0x80, $0x38;
	[tilespmem:$0x9F00] =	vst v63  }
0x3b9: {  	s16 =	simm.s32 $0x8030;
	s31 =	sadd.s32 $0x60, s1;
	s7 =	simm.s32 $0x2200  }
0x3ba: {  	[hbm4b:s15+s3] =	stream.linear.scatter [tilespmem:s12], [sflag:$0x6], $0x80, $0x38;
	[tilespmem:$0x9F00] =	vst v63  }
0x3bb: {  	s9 =	simm.s32 $0x80B8;
	s15 =	sadd.s32 $0x70, s1;
	s1 =	sadd.s32 $0x1000, s1  }
0x3bc: {  	[hbm4b:s31+s3] =	stream.linear.scatter [tilespmem:s16], [sflag:$0x6], $0x80, $0x38;
	[tilespmem:$0x9F00] =	vst v63  }
.LBB2_9:
0x3bd: {  	[hbm4b:s15+s3] =	stream.linear.scatter [tilespmem:s9], [sflag:$0x6], $0x80, $0x38;
	[tilespmem:$0x9F00] =	vst v63  }
0x3be: {  	s9 =	smov.u32 s0;
	s0 =	smov.u32 s7  }
0x3bf: {  	s12 =	sadd.s32 $0x1100, s7;
	s0 =	sshra.s32 s0, $0x2;
	s15 =	sadd.s32 $0x7D00, s9  }
0x3c0: {  	[hbm4b:s1+s3] =	stream.linear.scatter [tilespmem:s15], [sflag:$0x6], $0x80, $0x38;
	[tilespmem:$0x9F00] =	vst v63  }
0x3c1: {  	p0 =	sne.s32 s7, $0x7700;
	s7 =	sadd.s32 $0x7D88, s9;
	s15 =	sadd.s32 $0x10, s1  }
0x3c2: {  	[hbm4b:s15+s3] =	stream.linear.scatter [tilespmem:s7], [sflag:$0x6], $0x80, $0x38;
	[tilespmem:$0x9F00] =	vst v63  }
0x3c3: {  	s7 =	sadd.s32 $0x7E10, s9;
	s15 =	sadd.s32 $0x20, s1  }
0x3c4: {  	[hbm4b:s15+s3] =	stream.linear.scatter [tilespmem:s7], [sflag:$0x6], $0x80, $0x38;
	[tilespmem:$0x9F00] =	vst v63  }
0x3c5: {  	s7 =	sadd.s32 $0x7E98, s9;
	s15 =	sadd.s32 $0x30, s1  }
0x3c6: {  	[hbm4b:s15+s3] =	stream.linear.scatter [tilespmem:s7], [sflag:$0x6], $0x80, $0x38;
	[tilespmem:$0x9F00] =	vst v63  }
0x3c7: {  	s7 =	sadd.s32 $0x7F20, s9;
	s15 =	sadd.s32 $0x40, s1  }
0x3c8: {  	[hbm4b:s15+s3] =	stream.linear.scatter [tilespmem:s7], [sflag:$0x6], $0x80, $0x38;
	[tilespmem:$0x9F00] =	vst v63  }
.Ltmp5:
0x3c9: {  	s7 =	sadd.s32 $0x7FA8, s9;
	s15 =	sadd.s32 $0x50, s1;
	(pc) =	sbr.rel @p0 .LBB2_9-.Ltmp5, $4  }
0x3ca: {  	[hbm4b:s15+s3] =	stream.linear.scatter [tilespmem:s7], [sflag:$0x6], $0x80, $0x38;
	[tilespmem:$0x9F00] =	vst v63  }
0x3cb: {  	s7 =	sadd.s32 $0x8030, s9;
	s15 =	sadd.s32 $0x60, s1;
	s9 =	sadd.s32 $0x80B8, s9  }
0x3cc: {  	[hbm4b:s15+s3] =	stream.linear.scatter [tilespmem:s7], [sflag:$0x6], $0x80, $0x38;
	[tilespmem:$0x9F00] =	vst v63  }
0x3cd: {  	s15 =	sadd.s32 $0x70, s1;
	s1 =	sadd.s32 $0x1000, s1;
	s7 =	smov.u32 s12  }
0x3ce: {  	[hbm4b:s15+s3] =	stream.linear.scatter [tilespmem:s9], [sflag:$0x6], $0x80, $0x38;
	[tilespmem:$0x9F00] =	vst v63  }
0x3cf: {  	s7 =	sadd.s32 $0x7D00, s0  }
0x3d0: {  	[hbm4b:s1+s3] =	stream.linear.scatter [tilespmem:s7], [sflag:$0x6], $0x80, $0x38;
	[tilespmem:$0x9F00] =	vst v63  }
0x3d1: {  	s16 =	sadd.s32 $0x7D88, s0;
	s31 =	sadd.s32 $0x10, s1  }
0x3d2: {  	[hbm4b:s31+s3] =	stream.linear.scatter [tilespmem:s16], [sflag:$0x6], $0x80, $0x38;
	[tilespmem:$0x9F00] =	vst v63  }
0x3d3: {  	s12 =	sadd.s32 $0x7E10, s0;
	s15 =	sadd.s32 $0x20, s1  }
0x3d4: {  	[hbm4b:s15+s3] =	stream.linear.scatter [tilespmem:s12], [sflag:$0x6], $0x80, $0x38;
	[tilespmem:$0x9F00] =	vst v63  }
0x3d5: {  	s16 =	sadd.s32 $0x7E98, s0;
	s31 =	sadd.s32 $0x30, s1  }
0x3d6: {  	[hbm4b:s31+s3] =	stream.linear.scatter [tilespmem:s16], [sflag:$0x6], $0x80, $0x38;
	[tilespmem:$0x9F00] =	vst v63  }
0x3d7: {  	s12 =	sadd.s32 $0x7F20, s0;
	s15 =	sadd.s32 $0x40, s1  }
0x3d8: {  	[hbm4b:s15+s3] =	stream.linear.scatter [tilespmem:s12], [sflag:$0x6], $0x80, $0x38;
	[tilespmem:$0x9F00] =	vst v63  }
0x3d9: {  	s16 =	sadd.s32 $0x7FA8, s0;
	s31 =	sadd.s32 $0x50, s1  }
0x3da: {  	[hbm4b:s31+s3] =	stream.linear.scatter [tilespmem:s16], [sflag:$0x6], $0x80, $0x38;
	[tilespmem:$0x9F00] =	vst v63  }
.Ltmp6:
0x3db: {  	_ = 	snop;
	(pc) =	sbr.rel @p1 .LBB2_12-.Ltmp6, $4  }
0x3dc: {  	s12 =	sadd.s32 $0x8030, s0;
	s15 =	sadd.s32 $0x60, s1  }
0x3dd: {  	[hbm4b:s15+s3] =	stream.linear.scatter [tilespmem:s12], [sflag:$0x6], $0x80, $0x38;
	[tilespmem:$0x9F00] =	vst v63  }
0x3de: {  	s16 =	sadd.s32 $0x80B8, s0;
	s31 =	sadd.s32 $0x70, s1  }
0x3df: {  	[hbm4b:s31+s3] =	stream.linear.scatter [tilespmem:s16], [sflag:$0x6], $0x80, $0x38;
	[tilespmem:$0x9F00] =	vst v63  }
0x3e0: {  	s0 =	sadd.s32 $0x3, s30  }
0x3e1: {  	s1 =	sshll.u32 s0, $0x7;
	s0 =	sadd.s32 s8, s0  }
.Ltmp7:
0x3e2: {  	s1 =	sand.u32 $0x3FFFFF80, s1;
	s0 =	sshll.u32 s0, $0x5;
	(pc) =	sbr.rel .LBB2_2-.Ltmp7, $4  }
0x3e3: {  	[tilespmem:s17], [sflag:$0x2] =	stream.indirect.gather [hbm4b:s5+s14], $0x40, s1, s14, $0xb8;
	[tilespmem:$0x9F00] =	vst v63  }
0x3e4: {  	s0 =	sand.u32 $0xFFFFFE0, s0  }
0x3e5: {  	s29 =	sadd.s32 $0x1, s29;
	s0 =	sadd.s32 s4, s0  }
0x3e6: {  	[tilespmem:s18], [sflag:$0x4] =	stream.linear.gather [hbm4b:s0+s3], $0x100, $0x38;
	[tilespmem:$0x9F00] =	vst v63  }
.LBB2_13:
0x3e7: {  	_ =	sfence.sel $0x180000  }
0x3e8: {  	[bflag:$0x0] =	sbarrier.arrive $0xFFFF  }
0x3e9: {  	_ =	strace $0x90000047  }
0x3ea: {  	s0 =	stileid.u32;
	[bflag:$0x2] =	sbarrier.arrive $0xFFFF  }
0x3eb: {  	p0 =	sne.s32 s0, $0x0;
	s0 =	rddreg [dreg:$0x2]  }
0x3ec: {  	s0 =	sadd.s32 @!p0 $0x100000, s0  }
0x3ed: {  	[sflag:s0] =	ssyncadd.tile.s32 @!p0 $0x1;
	_ =	shalt  }
.Lfunc_end2:
_tile_overlayer_lowered:
.L_overlay_start_2:
0x3ee: {  	(tag) =	ssettag $0x2  }
0x3ef: {  	s0 =	rddreg [dreg:$0x0];
	s2 =	stileid.u32  }
0x3f0: {  	s1 =	rddreg [dreg:$0x1];
	p0 =	sne.s32 s2, $0x0  }
0x3f1: {  	s3 =	rddreg [dreg:$0x2];
	[bflag:$0x3] =	sbarrier.arrive $0xFFFF;
	s2 =	simm.s32 @!p0 $0x1C07  }
0x3f2: {  	[timem:s3], [sflag:s2] =	dma.local @!p0 [hbm:s0], s1  }
0x3f3: {  	s0 =	simm.s32 @!p0 $0x7  }
0x3f4: {  	_ =	swait.ge @!p0 [sflag:s0], s1  }
0x3f5: {  	s1 =	ssub.s32 @!p0 $0x0, s1;
	[sflag:s0] =	ssyncset.done @!p0 $0x0  }
0x3f6: {  	[sflag:s0] =	ssyncadd.s32 @!p0 s1  }
0x3f7: {  	[bflag:$0x3] =	sbarrier.arrive $0xFFFF  }
0x3f8: {  	_ =	shalt  }

</sc_bundles>
